<compile_context>
chip_gen: v7x
topology: tpu7x:2x2x1
jax: 0.10.2.dev20260603
libtpu: 0.0.44.dev20260713+nightly
codegen_flags: <defaults>
</compile_context>

<pallas_src>
import functools

import jax
import jax.numpy as jnp
from jax import lax
from jax.experimental import pallas as pl
from jax.experimental.pallas import tpu as pltpu
from jax.experimental.pallas import tpu_sc as plsc

_IDX = 13
_LANE = 128
_GRP = 4
_NBUF = 4


@functools.lru_cache(maxsize=None)
def _make_sc_gather(V, D, B):
    info = plsc.get_sparse_core_info()
    NC, NS = info.num_cores, info.num_subcores
    NW = NC * NS
    b_per_w = B // NW
    n_chunks = b_per_w // 16

    mesh = plsc.VectorSubcoreMesh(core_axis_name="c", subcore_axis_name="s")

    @functools.partial(
        pl.kernel,
        mesh=mesh,
        compiler_params=pltpu.CompilerParams(needs_layout_passes=False),
        out_type=jax.ShapeDtypeStruct((D, B), jnp.float32),
        scratch_types=[
            pltpu.VMEM((b_per_w,), jnp.int32),
            pltpu.VMEM((_NBUF * _GRP, D, _LANE), jnp.float32),
            pltpu.VMEM((D, b_per_w), jnp.float32),
            pltpu.SemaphoreType.DMA,
        ],
    )
    def gather_k(tableT_hbm, idx_hbm, out_hbm, idx_v, slabs_v, rows_v, sem):
        wid = lax.axis_index("s") * NC + lax.axis_index("c")
        base = wid * b_per_w
        pltpu.sync_copy(idx_hbm.at[pl.ds(base, b_per_w)], idx_v)
        iota16 = lax.iota(jnp.int32, 16)

        def fire(g, chunk, lane0):
            slot = (g % _NBUF) * _GRP
            for i in range(_GRP):
                sid = chunk[lane0 + i]
                colbase = pl.multiple_of((sid // _LANE) * _LANE, _LANE)
                pltpu.async_copy(
                    tableT_hbm.at[:, pl.ds(colbase, _LANE)],
                    slabs_v.at[slot + i],
                    sem,
                )

        def process(g, chunk, lane0):
            slot = (g % _NBUF) * _GRP
            for _ in range(_GRP):
                pltpu.make_async_copy(
                    tableT_hbm.at[:, pl.ds(0, _LANE)],
                    slabs_v.at[0],
                    sem,
                ).wait()
            row0 = g * _GRP
            for i in range(_GRP):
                sid = chunk[lane0 + i]
                col = jnp.full((16,), sid % _LANE, jnp.int32)
                posv = jnp.full((16,), row0 + i, jnp.int32)
                slotv = jnp.full((16,), slot + i, jnp.int32)
                for h in range(D // 16):
                    vals = plsc.load_gather(
                        slabs_v, [slotv, iota16 + 16 * h, col]
                    )
                    plsc.store_scatter(
                        rows_v, [iota16 + 16 * h, posv], vals
                    )

        c0 = idx_v[pl.ds(0, 16)]
        fire(0, c0, 0)
        fire(1, c0, 4)
        fire(2, c0, 8)

        def body(c, carry):
            cur = idx_v[pl.ds(c * 16, 16)]
            nxt = idx_v[pl.ds((c + 1) * 16, 16)]
            for sub in range(4):
                g = c * 4 + sub
                fsub = sub + 3
                if fsub < 4:
                    fire(g + 3, cur, 4 * fsub)
                else:
                    fire(g + 3, nxt, 4 * (fsub - 4))
                process(g, cur, 4 * sub)
            return carry

        lax.fori_loop(0, n_chunks - 1, body, 0)
        clast = idx_v[pl.ds((n_chunks - 1) * 16, 16)]
        for sub in range(4):
            g = (n_chunks - 1) * 4 + sub
            if sub + 3 < 4:
                fire(g + 3, clast, 4 * (sub + 3))
            process(g, clast, 4 * sub)

        pltpu.sync_copy(rows_v, out_hbm.at[:, pl.ds(base, b_per_w)])

    return gather_k




def _mlp_body(xT_ref, eT_ref, w1dT_ref, w1eT_ref, b1_ref, w2T_ref, b2_ref, oT_ref):
    h = jnp.dot(w1dT_ref[...], xT_ref[...], preferred_element_type=jnp.float32)
    h = h + jnp.dot(w1eT_ref[...], eT_ref[...], preferred_element_type=jnp.float32)
    h = jnp.maximum(h + b1_ref[...], 0.0)
    o = jnp.dot(w2T_ref[...], h, preferred_element_type=jnp.float32) + b2_ref[...]
    oT_ref[...] = jnp.maximum(o, 0.0)


def _mlp(xT, embT, W1dT, W1eT, b1c, W2T, b2c, block_b=8192):
    F, B = xT.shape
    OUT, HID = W2T.shape
    D = embT.shape[0]
    grid = (B // block_b,)
    return pl.pallas_call(
        _mlp_body,
        grid=grid,
        in_specs=[
            pl.BlockSpec((F, block_b), lambda i: (0, i)),
            pl.BlockSpec((D, block_b), lambda i: (0, i)),
            pl.BlockSpec((HID, F), lambda i: (0, 0)),
            pl.BlockSpec((HID, D), lambda i: (0, 0)),
            pl.BlockSpec((HID, 1), lambda i: (0, 0)),
            pl.BlockSpec((OUT, HID), lambda i: (0, 0)),
            pl.BlockSpec((OUT, 1), lambda i: (0, 0)),
        ],
        out_specs=pl.BlockSpec((OUT, block_b), lambda i: (0, i)),
        out_shape=jax.ShapeDtypeStruct((OUT, B), jnp.float32),
    )(xT, embT, W1dT, W1eT, b1c, W2T, b2c)


def kernel(inputs, table, W1, b1, W2, b2):
    B, F = inputs.shape
    V, D = table.shape
    HID = W1.shape[1]
    tableT = table.T
    inputsT = inputs.T
    idx = inputsT[_IDX].astype(jnp.int32)
    embT = _make_sc_gather(V, D, B)(tableT, idx)
    W1T = W1.T
    W1dT = jnp.concatenate(
        [W1T[:, :_IDX], jnp.zeros((HID, 1), W1.dtype), W1T[:, _IDX : F - 1]],
        axis=1,
    )
    W1eT = W1T[:, F - 1 :]
    outT = _mlp(
        inputsT, embT, W1dT, W1eT, b1.reshape(-1, 1), W2.T, b2.reshape(-1, 1)
    )
    return outT.T

# --- scband reference (transcript-rebuilt; emitter-appended) ---
"""Pipeline reference for scband-feature-embedding-60447369724465 (READ-ONLY COPY).

The authoritative reference and input builder live on the scoring server;
editing this copy changes nothing except your own understanding.
"""

import jax, jax.numpy as jnp
import numpy as np

B = 16384
F = 26
IDX = 13
VOCAB = 1000000
EMB = 32
HID = 128
OUT = 64


def setup_inputs(seed: int = 0) -> dict:
    key = jax.random.key(seed)
    k1, k2, k3, k4, k5 = jax.random.split(key, 5)
    # dense feature columns ~ N(0,1); categorical column holds integer ids stored as float32
    inputs = jax.random.normal(k1, (B, F), dtype=jnp.float32)
    idx_col = jax.random.randint(k2, (B,), 0, VOCAB).astype(jnp.float32)
    inputs = inputs.at[:, IDX].set(idx_col)
    table = jax.random.normal(k3, (VOCAB, EMB), dtype=jnp.float32) * 0.02
    W1 = jax.random.normal(k4, (F - 1 + EMB, HID), dtype=jnp.float32) * 0.05
    b1 = jnp.zeros((HID,), dtype=jnp.float32)
    W2 = jax.random.normal(k5, (HID, OUT), dtype=jnp.float32) * 0.05
    b2 = jnp.zeros((OUT,), dtype=jnp.float32)
    return {"inputs": inputs, "table": table, "W1": W1, "b1": b1, "W2": W2, "b2": b2}


def reference(inputs, table, W1, b1, W2, b2):
    # Embedding(inputs[..., cat_emb_feature_idx])
    idx = jax.lax.stop_gradient(inputs[..., IDX]).astype(jnp.int32)
    x_emb = jnp.take(table, idx, axis=0)
    # concat remaining (dense) columns with embedding
    x_in = jnp.concatenate([inputs[..., :IDX], inputs[..., IDX + 1:], x_emb], axis=-1)
    h = jax.nn.relu(x_in @ W1 + b1)
    out = jax.nn.relu(h @ W2 + b2)
    return out

if __name__ == "__main__":
    import jax
    _d = setup_inputs()
    print(jax.jit(kernel)(*tuple(_d.values())))

</pallas_src>

<mosaic_0001>
#map = affine_map<(d0, d1) -> (0, 0)>
#map1 = affine_map<(d0, d1) -> (0)>
module attributes {stable_mosaic.version = 14 : i64} {
  func.func @gather_k(%arg0: i32, %arg1: i32, %arg2: memref<32x1000000xf32, #tpu.memory_space<hbm>>, %arg3: memref<16384xi32, #tpu.memory_space<hbm>>, %arg4: memref<32x16384xf32, #tpu.memory_space<hbm>>, %arg5: memref<512xi32, #tpu.memory_space<vmem>>, %arg6: memref<16x32x128xf32, #tpu.memory_space<vmem>>, %arg7: memref<32x512xf32, #tpu.memory_space<vmem>>, %arg8: memref<!tpu.dma_semaphore, #tpu.memory_space<semaphore_mem>>) attributes {dimension_semantics = [#tpu.dimension_semantics<core_parallel>, #tpu.dimension_semantics<subcore_parallel>], iteration_bounds = array<i64: 2, 16>, scalar_prefetch = 0 : i64, scratch_operands = 4 : i64, tpu.core_type = #tpu.core_type<sc_vector_subcore>, window_params = [{transform_indices = #map}, {transform_indices = #map1}, {transform_indices = #map}]} {
    %mul3A = arith.constant 2 : i32
    %mul3A_0 = arith.muli %arg1, %mul3A : i32
    %add3A = arith.addi %mul3A_0, %arg0 : i32
    %mul3A_1 = arith.constant 512 : i32
    %mul3A_2 = arith.muli %add3A, %mul3A_1 : i32
    "tpu.region"() ({
      %run_scoped3A = tpu.sem_alloc : memref<!tpu.dma_semaphore, #tpu.memory_space<semaphore_mem>>
      %dma_start3A_1498 = tpu.memref_slice %arg3[%mul3A_2] : memref<16384xi32, #tpu.memory_space<hbm>> -> memref<512xi32, #tpu.memory_space<hbm>>
      %dma_start3A_1499 = tpu.memref_slice %arg3[%mul3A_2] : memref<16384xi32, #tpu.memory_space<hbm>> -> memref<512xi32, #tpu.memory_space<hbm>>
      tpu.enqueue_dma source(%dma_start3A_1499 : memref<512xi32, #tpu.memory_space<hbm>>) target(%arg5 : memref<512xi32, #tpu.memory_space<vmem>>) target_semaphore(%run_scoped3A : memref<!tpu.dma_semaphore, #tpu.memory_space<semaphore_mem>>)
      %dma_wait3A_1500 = tpu.memref_slice %arg3[%mul3A_2] : memref<16384xi32, #tpu.memory_space<hbm>> -> memref<512xi32, #tpu.memory_space<hbm>>
      %dma_wait3A_1501 = tpu.memref_slice %arg3[%mul3A_2] : memref<16384xi32, #tpu.memory_space<hbm>> -> memref<512xi32, #tpu.memory_space<hbm>>
      tpu.wait_dma2 semaphore(%run_scoped3A : memref<!tpu.dma_semaphore, #tpu.memory_space<semaphore_mem>>) src(%dma_wait3A_1501 : memref<512xi32, #tpu.memory_space<hbm>>) dst(%arg5 : memref<512xi32, #tpu.memory_space<vmem>>)
      tpu.yield
    }) : () -> ()
    %iota3A = tpu.iota {dimensions = array<i32: 0>} : vector<16xi32>
    %get3A = arith.constant 0 : index
    %get3A_3 = tpu.vector_load %arg5[%get3A] {strides = array<i32>} : memref<512xi32, #tpu.memory_space<vmem>>, vector<16xi32>,
    %slice3A = vector.extract_strided_slice %get3A_3 {offsets = [0], sizes = [1], strides = [1]} : vector<16xi32> to vector<1xi32>
    %squeeze3A = vector.extract %slice3A[0] : i32 from vector<1xi32>
    %jit3A = arith.constant 128 : i32
    %div3A = arith.divsi %squeeze3A, %jit3A : i32
    %sign3A = arith.constant 0 : i32
    %sign3A_4 = arith.cmpi sgt, %squeeze3A, %sign3A : i32
    %sign3A_5 = arith.extui %sign3A_4 : i1 to i32
    %sign3A_6 = arith.constant 0 : i32
    %sign3A_7 = arith.cmpi slt, %squeeze3A, %sign3A_6 : i32
    %sign3A_8 = arith.extui %sign3A_7 : i1 to i32
    %sign3A_9 = arith.subi %sign3A_5, %sign3A_8 : i32
    %sign3A_10 = arith.constant 0 : i32
    %sign3A_11 = arith.cmpi sgt, %jit3A, %sign3A_10 : i32
    %sign3A_12 = arith.extui %sign3A_11 : i1 to i32
    %sign3A_13 = arith.constant 0 : i32
    %sign3A_14 = arith.cmpi slt, %jit3A, %sign3A_13 : i32
    %sign3A_15 = arith.extui %sign3A_14 : i1 to i32
    %sign3A_16 = arith.subi %sign3A_12, %sign3A_15 : i32
    %ne3A = arith.cmpi ne, %sign3A_9, %sign3A_16 : i32
    %rem3A = arith.remsi %squeeze3A, %jit3A : i32
    %ne3A_17 = arith.constant 0 : i32
    %ne3A_18 = arith.cmpi ne, %rem3A, %ne3A_17 : i32
    %and3A = arith.andi %ne3A, %ne3A_18 : i1
    %sub3A = arith.constant 1 : i32
    %sub3A_19 = arith.subi %div3A, %sub3A : i32
    %select_n3A = arith.select %and3A, %sub3A_19, %div3A : i32
    %mul3A_20 = arith.constant 128 : i32
    %mul3A_21 = arith.muli %select_n3A, %mul3A_20 : i32
    %multiple_of3A = tpu.assume_multiple %mul3A_21, 128 : i32
    %dma_start3A = arith.constant 0 : i32
    %dma_start3A_22 = arith.constant 0 : i32
    %dma_start3A_23 = arith.constant 0 : i32
    %dma_start3A_24 = tpu.memref_slice %arg6[%dma_start3A, %dma_start3A_22, %dma_start3A_23] : memref<16x32x128xf32, #tpu.memory_space<vmem>> -> memref<1x32x128xf32, #tpu.memory_space<vmem>>
    %dma_start3A_25 = tpu.memref_squeeze %dma_start3A_24 : memref<1x32x128xf32, #tpu.memory_space<vmem>> -> memref<32x128xf32, #tpu.memory_space<vmem>>
    %dma_start3A_26 = arith.constant 0 : i32
    %dma_start3A_27 = tpu.memref_slice %arg2[%dma_start3A_26, %multiple_of3A] : memref<32x1000000xf32, #tpu.memory_space<hbm>> -> memref<32x128xf32, #tpu.memory_space<hbm>>
    %dma_start3A_28 = arith.constant 0 : i32
    %dma_start3A_29 = arith.constant 0 : i32
    %dma_start3A_30 = tpu.memref_slice %arg6[%dma_start3A, %dma_start3A_28, %dma_start3A_29] : memref<16x32x128xf32, #tpu.memory_space<vmem>> -> memref<1x32x128xf32, #tpu.memory_space<vmem>>
    %dma_start3A_31 = tpu.memref_squeeze %dma_start3A_30 : memref<1x32x128xf32, #tpu.memory_space<vmem>> -> memref<32x128xf32, #tpu.memory_space<vmem>>
    %dma_start3A_32 = arith.constant 0 : i32
    %dma_start3A_33 = tpu.memref_slice %arg2[%dma_start3A_32, %multiple_of3A] : memref<32x1000000xf32, #tpu.memory_space<hbm>> -> memref<32x128xf32, #tpu.memory_space<hbm>>
    tpu.enqueue_dma source(%dma_start3A_33 : memref<32x128xf32, #tpu.memory_space<hbm>>) target(%dma_start3A_31 : memref<32x128xf32, #tpu.memory_space<vmem>>) target_semaphore(%arg8 : memref<!tpu.dma_semaphore, #tpu.memory_space<semaphore_mem>>)
    %slice3A_34 = vector.extract_strided_slice %get3A_3 {offsets = [1], sizes = [1], strides = [1]} : vector<16xi32> to vector<1xi32>
    %squeeze3A_35 = vector.extract %slice3A_34[0] : i32 from vector<1xi32>
    %jit3A_36 = arith.constant 128 : i32
    %div3A_37 = arith.divsi %squeeze3A_35, %jit3A_36 : i32
    %sign3A_38 = arith.constant 0 : i32
    %sign3A_39 = arith.cmpi sgt, %squeeze3A_35, %sign3A_38 : i32
    %sign3A_40 = arith.extui %sign3A_39 : i1 to i32
    %sign3A_41 = arith.constant 0 : i32
    %sign3A_42 = arith.cmpi slt, %squeeze3A_35, %sign3A_41 : i32
    %sign3A_43 = arith.extui %sign3A_42 : i1 to i32
    %sign3A_44 = arith.subi %sign3A_40, %sign3A_43 : i32
    %sign3A_45 = arith.constant 0 : i32
    %sign3A_46 = arith.cmpi sgt, %jit3A_36, %sign3A_45 : i32
    %sign3A_47 = arith.extui %sign3A_46 : i1 to i32
    %sign3A_48 = arith.constant 0 : i32
    %sign3A_49 = arith.cmpi slt, %jit3A_36, %sign3A_48 : i32
    %sign3A_50 = arith.extui %sign3A_49 : i1 to i32
    %sign3A_51 = arith.subi %sign3A_47, %sign3A_50 : i32
    %ne3A_52 = arith.cmpi ne, %sign3A_44, %sign3A_51 : i32
    %rem3A_53 = arith.remsi %squeeze3A_35, %jit3A_36 : i32
    %ne3A_54 = arith.constant 0 : i32
    %ne3A_55 = arith.cmpi ne, %rem3A_53, %ne3A_54 : i32
    %and3A_56 = arith.andi %ne3A_52, %ne3A_55 : i1
    %sub3A_57 = arith.constant 1 : i32
    %sub3A_58 = arith.subi %div3A_37, %sub3A_57 : i32
    %select_n3A_59 = arith.select %and3A_56, %sub3A_58, %div3A_37 : i32
    %mul3A_60 = arith.constant 128 : i32
    %mul3A_61 = arith.muli %select_n3A_59, %mul3A_60 : i32
    %multiple_of3A_62 = tpu.assume_multiple %mul3A_61, 128 : i32
    %dma_start3A_63 = arith.constant 1 : i32
    %dma_start3A_64 = arith.constant 0 : i32
    %dma_start3A_65 = arith.constant 0 : i32
    %dma_start3A_66 = tpu.memref_slice %arg6[%dma_start3A_63, %dma_start3A_64, %dma_start3A_65] : memref<16x32x128xf32, #tpu.memory_space<vmem>> -> memref<1x32x128xf32, #tpu.memory_space<vmem>>
    %dma_start3A_67 = tpu.memref_squeeze %dma_start3A_66 : memref<1x32x128xf32, #tpu.memory_space<vmem>> -> memref<32x128xf32, #tpu.memory_space<vmem>>
    %dma_start3A_68 = arith.constant 0 : i32
    %dma_start3A_69 = tpu.memref_slice %arg2[%dma_start3A_68, %multiple_of3A_62] : memref<32x1000000xf32, #tpu.memory_space<hbm>> -> memref<32x128xf32, #tpu.memory_space<hbm>>
    %dma_start3A_70 = arith.constant 0 : i32
    %dma_start3A_71 = arith.constant 0 : i32
    %dma_start3A_72 = tpu.memref_slice %arg6[%dma_start3A_63, %dma_start3A_70, %dma_start3A_71] : memref<16x32x128xf32, #tpu.memory_space<vmem>> -> memref<1x32x128xf32, #tpu.memory_space<vmem>>
    %dma_start3A_73 = tpu.memref_squeeze %dma_start3A_72 : memref<1x32x128xf32, #tpu.memory_space<vmem>> -> memref<32x128xf32, #tpu.memory_space<vmem>>
    %dma_start3A_74 = arith.constant 0 : i32
    %dma_start3A_75 = tpu.memref_slice %arg2[%dma_start3A_74, %multiple_of3A_62] : memref<32x1000000xf32, #tpu.memory_space<hbm>> -> memref<32x128xf32, #tpu.memory_space<hbm>>
    tpu.enqueue_dma source(%dma_start3A_75 : memref<32x128xf32, #tpu.memory_space<hbm>>) target(%dma_start3A_73 : memref<32x128xf32, #tpu.memory_space<vmem>>) target_semaphore(%arg8 : memref<!tpu.dma_semaphore, #tpu.memory_space<semaphore_mem>>)
    %slice3A_76 = vector.extract_strided_slice %get3A_3 {offsets = [2], sizes = [1], strides = [1]} : vector<16xi32> to vector<1xi32>
    %squeeze3A_77 = vector.extract %slice3A_76[0] : i32 from vector<1xi32>
    %jit3A_78 = arith.constant 128 : i32
    %div3A_79 = arith.divsi %squeeze3A_77, %jit3A_78 : i32
    %sign3A_80 = arith.constant 0 : i32
    %sign3A_81 = arith.cmpi sgt, %squeeze3A_77, %sign3A_80 : i32
    %sign3A_82 = arith.extui %sign3A_81 : i1 to i32
    %sign3A_83 = arith.constant 0 : i32
    %sign3A_84 = arith.cmpi slt, %squeeze3A_77, %sign3A_83 : i32
    %sign3A_85 = arith.extui %sign3A_84 : i1 to i32
    %sign3A_86 = arith.subi %sign3A_82, %sign3A_85 : i32
    %sign3A_87 = arith.constant 0 : i32
    %sign3A_88 = arith.cmpi sgt, %jit3A_78, %sign3A_87 : i32
    %sign3A_89 = arith.extui %sign3A_88 : i1 to i32
    %sign3A_90 = arith.constant 0 : i32
    %sign3A_91 = arith.cmpi slt, %jit3A_78, %sign3A_90 : i32
    %sign3A_92 = arith.extui %sign3A_91 : i1 to i32
    %sign3A_93 = arith.subi %sign3A_89, %sign3A_92 : i32
    %ne3A_94 = arith.cmpi ne, %sign3A_86, %sign3A_93 : i32
    %rem3A_95 = arith.remsi %squeeze3A_77, %jit3A_78 : i32
    %ne3A_96 = arith.constant 0 : i32
    %ne3A_97 = arith.cmpi ne, %rem3A_95, %ne3A_96 : i32
    %and3A_98 = arith.andi %ne3A_94, %ne3A_97 : i1
    %sub3A_99 = arith.constant 1 : i32
    %sub3A_100 = arith.subi %div3A_79, %sub3A_99 : i32
    %select_n3A_101 = arith.select %and3A_98, %sub3A_100, %div3A_79 : i32
    %mul3A_102 = arith.constant 128 : i32
    %mul3A_103 = arith.muli %select_n3A_101, %mul3A_102 : i32
    %multiple_of3A_104 = tpu.assume_multiple %mul3A_103, 128 : i32
    %dma_start3A_105 = arith.constant 2 : i32
    %dma_start3A_106 = arith.constant 0 : i32
    %dma_start3A_107 = arith.constant 0 : i32
    %dma_start3A_108 = tpu.memref_slice %arg6[%dma_start3A_105, %dma_start3A_106, %dma_start3A_107] : memref<16x32x128xf32, #tpu.memory_space<vmem>> -> memref<1x32x128xf32, #tpu.memory_space<vmem>>
    %dma_start3A_109 = tpu.memref_squeeze %dma_start3A_108 : memref<1x32x128xf32, #tpu.memory_space<vmem>> -> memref<32x128xf32, #tpu.memory_space<vmem>>
    %dma_start3A_110 = arith.constant 0 : i32
    %dma_start3A_111 = tpu.memref_slice %arg2[%dma_start3A_110, %multiple_of3A_104] : memref<32x1000000xf32, #tpu.memory_space<hbm>> -> memref<32x128xf32, #tpu.memory_space<hbm>>
    %dma_start3A_112 = arith.constant 0 : i32
    %dma_start3A_113 = arith.constant 0 : i32
    %dma_start3A_114 = tpu.memref_slice %arg6[%dma_start3A_105, %dma_start3A_112, %dma_start3A_113] : memref<16x32x128xf32, #tpu.memory_space<vmem>> -> memref<1x32x128xf32, #tpu.memory_space<vmem>>
    %dma_start3A_115 = tpu.memref_squeeze %dma_start3A_114 : memref<1x32x128xf32, #tpu.memory_space<vmem>> -> memref<32x128xf32, #tpu.memory_space<vmem>>
    %dma_start3A_116 = arith.constant 0 : i32
    %dma_start3A_117 = tpu.memref_slice %arg2[%dma_start3A_116, %multiple_of3A_104] : memref<32x1000000xf32, #tpu.memory_space<hbm>> -> memref<32x128xf32, #tpu.memory_space<hbm>>
    tpu.enqueue_dma source(%dma_start3A_117 : memref<32x128xf32, #tpu.memory_space<hbm>>) target(%dma_start3A_115 : memref<32x128xf32, #tpu.memory_space<vmem>>) target_semaphore(%arg8 : memref<!tpu.dma_semaphore, #tpu.memory_space<semaphore_mem>>)
    %slice3A_118 = vector.extract_strided_slice %get3A_3 {offsets = [3], sizes = [1], strides = [1]} : vector<16xi32> to vector<1xi32>
    %squeeze3A_119 = vector.extract %slice3A_118[0] : i32 from vector<1xi32>
    %jit3A_120 = arith.constant 128 : i32
    %div3A_121 = arith.divsi %squeeze3A_119, %jit3A_120 : i32
    %sign3A_122 = arith.constant 0 : i32
    %sign3A_123 = arith.cmpi sgt, %squeeze3A_119, %sign3A_122 : i32
    %sign3A_124 = arith.extui %sign3A_123 : i1 to i32
    %sign3A_125 = arith.constant 0 : i32
    %sign3A_126 = arith.cmpi slt, %squeeze3A_119, %sign3A_125 : i32
    %sign3A_127 = arith.extui %sign3A_126 : i1 to i32
    %sign3A_128 = arith.subi %sign3A_124, %sign3A_127 : i32
    %sign3A_129 = arith.constant 0 : i32
    %sign3A_130 = arith.cmpi sgt, %jit3A_120, %sign3A_129 : i32
    %sign3A_131 = arith.extui %sign3A_130 : i1 to i32
    %sign3A_132 = arith.constant 0 : i32
    %sign3A_133 = arith.cmpi slt, %jit3A_120, %sign3A_132 : i32
    %sign3A_134 = arith.extui %sign3A_133 : i1 to i32
    %sign3A_135 = arith.subi %sign3A_131, %sign3A_134 : i32
    %ne3A_136 = arith.cmpi ne, %sign3A_128, %sign3A_135 : i32
    %rem3A_137 = arith.remsi %squeeze3A_119, %jit3A_120 : i32
    %ne3A_138 = arith.constant 0 : i32
    %ne3A_139 = arith.cmpi ne, %rem3A_137, %ne3A_138 : i32
    %and3A_140 = arith.andi %ne3A_136, %ne3A_139 : i1
    %sub3A_141 = arith.constant 1 : i32
    %sub3A_142 = arith.subi %div3A_121, %sub3A_141 : i32
    %select_n3A_143 = arith.select %and3A_140, %sub3A_142, %div3A_121 : i32
    %mul3A_144 = arith.constant 128 : i32
    %mul3A_145 = arith.muli %select_n3A_143, %mul3A_144 : i32
    %multiple_of3A_146 = tpu.assume_multiple %mul3A_145, 128 : i32
    %dma_start3A_147 = arith.constant 3 : i32
    %dma_start3A_148 = arith.constant 0 : i32
    %dma_start3A_149 = arith.constant 0 : i32
    %dma_start3A_150 = tpu.memref_slice %arg6[%dma_start3A_147, %dma_start3A_148, %dma_start3A_149] : memref<16x32x128xf32, #tpu.memory_space<vmem>> -> memref<1x32x128xf32, #tpu.memory_space<vmem>>
    %dma_start3A_151 = tpu.memref_squeeze %dma_start3A_150 : memref<1x32x128xf32, #tpu.memory_space<vmem>> -> memref<32x128xf32, #tpu.memory_space<vmem>>
    %dma_start3A_152 = arith.constant 0 : i32
    %dma_start3A_153 = tpu.memref_slice %arg2[%dma_start3A_152, %multiple_of3A_146] : memref<32x1000000xf32, #tpu.memory_space<hbm>> -> memref<32x128xf32, #tpu.memory_space<hbm>>
    %dma_start3A_154 = arith.constant 0 : i32
    %dma_start3A_155 = arith.constant 0 : i32
    %dma_start3A_156 = tpu.memref_slice %arg6[%dma_start3A_147, %dma_start3A_154, %dma_start3A_155] : memref<16x32x128xf32, #tpu.memory_space<vmem>> -> memref<1x32x128xf32, #tpu.memory_space<vmem>>
    %dma_start3A_157 = tpu.memref_squeeze %dma_start3A_156 : memref<1x32x128xf32, #tpu.memory_space<vmem>> -> memref<32x128xf32, #tpu.memory_space<vmem>>
    %dma_start3A_158 = arith.constant 0 : i32
    %dma_start3A_159 = tpu.memref_slice %arg2[%dma_start3A_158, %multiple_of3A_146] : memref<32x1000000xf32, #tpu.memory_space<hbm>> -> memref<32x128xf32, #tpu.memory_space<hbm>>
    tpu.enqueue_dma source(%dma_start3A_159 : memref<32x128xf32, #tpu.memory_space<hbm>>) target(%dma_start3A_157 : memref<32x128xf32, #tpu.memory_space<vmem>>) target_semaphore(%arg8 : memref<!tpu.dma_semaphore, #tpu.memory_space<semaphore_mem>>)
    %slice3A_160 = vector.extract_strided_slice %get3A_3 {offsets = [4], sizes = [1], strides = [1]} : vector<16xi32> to vector<1xi32>
    %squeeze3A_161 = vector.extract %slice3A_160[0] : i32 from vector<1xi32>
    %jit3A_162 = arith.constant 128 : i32
    %div3A_163 = arith.divsi %squeeze3A_161, %jit3A_162 : i32
    %sign3A_164 = arith.constant 0 : i32
    %sign3A_165 = arith.cmpi sgt, %squeeze3A_161, %sign3A_164 : i32
    %sign3A_166 = arith.extui %sign3A_165 : i1 to i32
    %sign3A_167 = arith.constant 0 : i32
    %sign3A_168 = arith.cmpi slt, %squeeze3A_161, %sign3A_167 : i32
    %sign3A_169 = arith.extui %sign3A_168 : i1 to i32
    %sign3A_170 = arith.subi %sign3A_166, %sign3A_169 : i32
    %sign3A_171 = arith.constant 0 : i32
    %sign3A_172 = arith.cmpi sgt, %jit3A_162, %sign3A_171 : i32
    %sign3A_173 = arith.extui %sign3A_172 : i1 to i32
    %sign3A_174 = arith.constant 0 : i32
    %sign3A_175 = arith.cmpi slt, %jit3A_162, %sign3A_174 : i32
    %sign3A_176 = arith.extui %sign3A_175 : i1 to i32
    %sign3A_177 = arith.subi %sign3A_173, %sign3A_176 : i32
    %ne3A_178 = arith.cmpi ne, %sign3A_170, %sign3A_177 : i32
    %rem3A_179 = arith.remsi %squeeze3A_161, %jit3A_162 : i32
    %ne3A_180 = arith.constant 0 : i32
    %ne3A_181 = arith.cmpi ne, %rem3A_179, %ne3A_180 : i32
    %and3A_182 = arith.andi %ne3A_178, %ne3A_181 : i1
    %sub3A_183 = arith.constant 1 : i32
    %sub3A_184 = arith.subi %div3A_163, %sub3A_183 : i32
    %select_n3A_185 = arith.select %and3A_182, %sub3A_184, %div3A_163 : i32
    %mul3A_186 = arith.constant 128 : i32
    %mul3A_187 = arith.muli %select_n3A_185, %mul3A_186 : i32
    %multiple_of3A_188 = tpu.assume_multiple %mul3A_187, 128 : i32
    %dma_start3A_189 = arith.constant 4 : i32
    %dma_start3A_190 = arith.constant 0 : i32
    %dma_start3A_191 = arith.constant 0 : i32
    %dma_start3A_192 = tpu.memref_slice %arg6[%dma_start3A_189, %dma_start3A_190, %dma_start3A_191] : memref<16x32x128xf32, #tpu.memory_space<vmem>> -> memref<1x32x128xf32, #tpu.memory_space<vmem>>
    %dma_start3A_193 = tpu.memref_squeeze %dma_start3A_192 : memref<1x32x128xf32, #tpu.memory_space<vmem>> -> memref<32x128xf32, #tpu.memory_space<vmem>>
    %dma_start3A_194 = arith.constant 0 : i32
    %dma_start3A_195 = tpu.memref_slice %arg2[%dma_start3A_194, %multiple_of3A_188] : memref<32x1000000xf32, #tpu.memory_space<hbm>> -> memref<32x128xf32, #tpu.memory_space<hbm>>
    %dma_start3A_196 = arith.constant 0 : i32
    %dma_start3A_197 = arith.constant 0 : i32
    %dma_start3A_198 = tpu.memref_slice %arg6[%dma_start3A_189, %dma_start3A_196, %dma_start3A_197] : memref<16x32x128xf32, #tpu.memory_space<vmem>> -> memref<1x32x128xf32, #tpu.memory_space<vmem>>
    %dma_start3A_199 = tpu.memref_squeeze %dma_start3A_198 : memref<1x32x128xf32, #tpu.memory_space<vmem>> -> memref<32x128xf32, #tpu.memory_space<vmem>>
    %dma_start3A_200 = arith.constant 0 : i32
    %dma_start3A_201 = tpu.memref_slice %arg2[%dma_start3A_200, %multiple_of3A_188] : memref<32x1000000xf32, #tpu.memory_space<hbm>> -> memref<32x128xf32, #tpu.memory_space<hbm>>
    tpu.enqueue_dma source(%dma_start3A_201 : memref<32x128xf32, #tpu.memory_space<hbm>>) target(%dma_start3A_199 : memref<32x128xf32, #tpu.memory_space<vmem>>) target_semaphore(%arg8 : memref<!tpu.dma_semaphore, #tpu.memory_space<semaphore_mem>>)
    %slice3A_202 = vector.extract_strided_slice %get3A_3 {offsets = [5], sizes = [1], strides = [1]} : vector<16xi32> to vector<1xi32>
    %squeeze3A_203 = vector.extract %slice3A_202[0] : i32 from vector<1xi32>
    %jit3A_204 = arith.constant 128 : i32
    %div3A_205 = arith.divsi %squeeze3A_203, %jit3A_204 : i32
    %sign3A_206 = arith.constant 0 : i32
    %sign3A_207 = arith.cmpi sgt, %squeeze3A_203, %sign3A_206 : i32
    %sign3A_208 = arith.extui %sign3A_207 : i1 to i32
    %sign3A_209 = arith.constant 0 : i32
    %sign3A_210 = arith.cmpi slt, %squeeze3A_203, %sign3A_209 : i32
    %sign3A_211 = arith.extui %sign3A_210 : i1 to i32
    %sign3A_212 = arith.subi %sign3A_208, %sign3A_211 : i32
    %sign3A_213 = arith.constant 0 : i32
    %sign3A_214 = arith.cmpi sgt, %jit3A_204, %sign3A_213 : i32
    %sign3A_215 = arith.extui %sign3A_214 : i1 to i32
    %sign3A_216 = arith.constant 0 : i32
    %sign3A_217 = arith.cmpi slt, %jit3A_204, %sign3A_216 : i32
    %sign3A_218 = arith.extui %sign3A_217 : i1 to i32
    %sign3A_219 = arith.subi %sign3A_215, %sign3A_218 : i32
    %ne3A_220 = arith.cmpi ne, %sign3A_212, %sign3A_219 : i32
    %rem3A_221 = arith.remsi %squeeze3A_203, %jit3A_204 : i32
    %ne3A_222 = arith.constant 0 : i32
    %ne3A_223 = arith.cmpi ne, %rem3A_221, %ne3A_222 : i32
    %and3A_224 = arith.andi %ne3A_220, %ne3A_223 : i1
    %sub3A_225 = arith.constant 1 : i32
    %sub3A_226 = arith.subi %div3A_205, %sub3A_225 : i32
    %select_n3A_227 = arith.select %and3A_224, %sub3A_226, %div3A_205 : i32
    %mul3A_228 = arith.constant 128 : i32
    %mul3A_229 = arith.muli %select_n3A_227, %mul3A_228 : i32
    %multiple_of3A_230 = tpu.assume_multiple %mul3A_229, 128 : i32
    %dma_start3A_231 = arith.constant 5 : i32
    %dma_start3A_232 = arith.constant 0 : i32
    %dma_start3A_233 = arith.constant 0 : i32
    %dma_start3A_234 = tpu.memref_slice %arg6[%dma_start3A_231, %dma_start3A_232, %dma_start3A_233] : memref<16x32x128xf32, #tpu.memory_space<vmem>> -> memref<1x32x128xf32, #tpu.memory_space<vmem>>
    %dma_start3A_235 = tpu.memref_squeeze %dma_start3A_234 : memref<1x32x128xf32, #tpu.memory_space<vmem>> -> memref<32x128xf32, #tpu.memory_space<vmem>>
    %dma_start3A_236 = arith.constant 0 : i32
    %dma_start3A_237 = tpu.memref_slice %arg2[%dma_start3A_236, %multiple_of3A_230] : memref<32x1000000xf32, #tpu.memory_space<hbm>> -> memref<32x128xf32, #tpu.memory_space<hbm>>
    %dma_start3A_238 = arith.constant 0 : i32
    %dma_start3A_239 = arith.constant 0 : i32
    %dma_start3A_240 = tpu.memref_slice %arg6[%dma_start3A_231, %dma_start3A_238, %dma_start3A_239] : memref<16x32x128xf32, #tpu.memory_space<vmem>> -> memref<1x32x128xf32, #tpu.memory_space<vmem>>
    %dma_start3A_241 = tpu.memref_squeeze %dma_start3A_240 : memref<1x32x128xf32, #tpu.memory_space<vmem>> -> memref<32x128xf32, #tpu.memory_space<vmem>>
    %dma_start3A_242 = arith.constant 0 : i32
    %dma_start3A_243 = tpu.memref_slice %arg2[%dma_start3A_242, %multiple_of3A_230] : memref<32x1000000xf32, #tpu.memory_space<hbm>> -> memref<32x128xf32, #tpu.memory_space<hbm>>
    tpu.enqueue_dma source(%dma_start3A_243 : memref<32x128xf32, #tpu.memory_space<hbm>>) target(%dma_start3A_241 : memref<32x128xf32, #tpu.memory_space<vmem>>) target_semaphore(%arg8 : memref<!tpu.dma_semaphore, #tpu.memory_space<semaphore_mem>>)
    %slice3A_244 = vector.extract_strided_slice %get3A_3 {offsets = [6], sizes = [1], strides = [1]} : vector<16xi32> to vector<1xi32>
    %squeeze3A_245 = vector.extract %slice3A_244[0] : i32 from vector<1xi32>
    %jit3A_246 = arith.constant 128 : i32
    %div3A_247 = arith.divsi %squeeze3A_245, %jit3A_246 : i32
    %sign3A_248 = arith.constant 0 : i32
    %sign3A_249 = arith.cmpi sgt, %squeeze3A_245, %sign3A_248 : i32
    %sign3A_250 = arith.extui %sign3A_249 : i1 to i32
    %sign3A_251 = arith.constant 0 : i32
    %sign3A_252 = arith.cmpi slt, %squeeze3A_245, %sign3A_251 : i32
    %sign3A_253 = arith.extui %sign3A_252 : i1 to i32
    %sign3A_254 = arith.subi %sign3A_250, %sign3A_253 : i32
    %sign3A_255 = arith.constant 0 : i32
    %sign3A_256 = arith.cmpi sgt, %jit3A_246, %sign3A_255 : i32
    %sign3A_257 = arith.extui %sign3A_256 : i1 to i32
    %sign3A_258 = arith.constant 0 : i32
    %sign3A_259 = arith.cmpi slt, %jit3A_246, %sign3A_258 : i32
    %sign3A_260 = arith.extui %sign3A_259 : i1 to i32
    %sign3A_261 = arith.subi %sign3A_257, %sign3A_260 : i32
    %ne3A_262 = arith.cmpi ne, %sign3A_254, %sign3A_261 : i32
    %rem3A_263 = arith.remsi %squeeze3A_245, %jit3A_246 : i32
    %ne3A_264 = arith.constant 0 : i32
    %ne3A_265 = arith.cmpi ne, %rem3A_263, %ne3A_264 : i32
    %and3A_266 = arith.andi %ne3A_262, %ne3A_265 : i1
    %sub3A_267 = arith.constant 1 : i32
    %sub3A_268 = arith.subi %div3A_247, %sub3A_267 : i32
    %select_n3A_269 = arith.select %and3A_266, %sub3A_268, %div3A_247 : i32
    %mul3A_270 = arith.constant 128 : i32
    %mul3A_271 = arith.muli %select_n3A_269, %mul3A_270 : i32
    %multiple_of3A_272 = tpu.assume_multiple %mul3A_271, 128 : i32
    %dma_start3A_273 = arith.constant 6 : i32
    %dma_start3A_274 = arith.constant 0 : i32
    %dma_start3A_275 = arith.constant 0 : i32
    %dma_start3A_276 = tpu.memref_slice %arg6[%dma_start3A_273, %dma_start3A_274, %dma_start3A_275] : memref<16x32x128xf32, #tpu.memory_space<vmem>> -> memref<1x32x128xf32, #tpu.memory_space<vmem>>
    %dma_start3A_277 = tpu.memref_squeeze %dma_start3A_276 : memref<1x32x128xf32, #tpu.memory_space<vmem>> -> memref<32x128xf32, #tpu.memory_space<vmem>>
    %dma_start3A_278 = arith.constant 0 : i32
    %dma_start3A_279 = tpu.memref_slice %arg2[%dma_start3A_278, %multiple_of3A_272] : memref<32x1000000xf32, #tpu.memory_space<hbm>> -> memref<32x128xf32, #tpu.memory_space<hbm>>
    %dma_start3A_280 = arith.constant 0 : i32
    %dma_start3A_281 = arith.constant 0 : i32
    %dma_start3A_282 = tpu.memref_slice %arg6[%dma_start3A_273, %dma_start3A_280, %dma_start3A_281] : memref<16x32x128xf32, #tpu.memory_space<vmem>> -> memref<1x32x128xf32, #tpu.memory_space<vmem>>
    %dma_start3A_283 = tpu.memref_squeeze %dma_start3A_282 : memref<1x32x128xf32, #tpu.memory_space<vmem>> -> memref<32x128xf32, #tpu.memory_space<vmem>>
    %dma_start3A_284 = arith.constant 0 : i32
    %dma_start3A_285 = tpu.memref_slice %arg2[%dma_start3A_284, %multiple_of3A_272] : memref<32x1000000xf32, #tpu.memory_space<hbm>> -> memref<32x128xf32, #tpu.memory_space<hbm>>
    tpu.enqueue_dma source(%dma_start3A_285 : memref<32x128xf32, #tpu.memory_space<hbm>>) target(%dma_start3A_283 : memref<32x128xf32, #tpu.memory_space<vmem>>) target_semaphore(%arg8 : memref<!tpu.dma_semaphore, #tpu.memory_space<semaphore_mem>>)
    %slice3A_286 = vector.extract_strided_slice %get3A_3 {offsets = [7], sizes = [1], strides = [1]} : vector<16xi32> to vector<1xi32>
    %squeeze3A_287 = vector.extract %slice3A_286[0] : i32 from vector<1xi32>
    %jit3A_288 = arith.constant 128 : i32
    %div3A_289 = arith.divsi %squeeze3A_287, %jit3A_288 : i32
    %sign3A_290 = arith.constant 0 : i32
    %sign3A_291 = arith.cmpi sgt, %squeeze3A_287, %sign3A_290 : i32
    %sign3A_292 = arith.extui %sign3A_291 : i1 to i32
    %sign3A_293 = arith.constant 0 : i32
    %sign3A_294 = arith.cmpi slt, %squeeze3A_287, %sign3A_293 : i32
    %sign3A_295 = arith.extui %sign3A_294 : i1 to i32
    %sign3A_296 = arith.subi %sign3A_292, %sign3A_295 : i32
    %sign3A_297 = arith.constant 0 : i32
    %sign3A_298 = arith.cmpi sgt, %jit3A_288, %sign3A_297 : i32
    %sign3A_299 = arith.extui %sign3A_298 : i1 to i32
    %sign3A_300 = arith.constant 0 : i32
    %sign3A_301 = arith.cmpi slt, %jit3A_288, %sign3A_300 : i32
    %sign3A_302 = arith.extui %sign3A_301 : i1 to i32
    %sign3A_303 = arith.subi %sign3A_299, %sign3A_302 : i32
    %ne3A_304 = arith.cmpi ne, %sign3A_296, %sign3A_303 : i32
    %rem3A_305 = arith.remsi %squeeze3A_287, %jit3A_288 : i32
    %ne3A_306 = arith.constant 0 : i32
    %ne3A_307 = arith.cmpi ne, %rem3A_305, %ne3A_306 : i32
    %and3A_308 = arith.andi %ne3A_304, %ne3A_307 : i1
    %sub3A_309 = arith.constant 1 : i32
    %sub3A_310 = arith.subi %div3A_289, %sub3A_309 : i32
    %select_n3A_311 = arith.select %and3A_308, %sub3A_310, %div3A_289 : i32
    %mul3A_312 = arith.constant 128 : i32
    %mul3A_313 = arith.muli %select_n3A_311, %mul3A_312 : i32
    %multiple_of3A_314 = tpu.assume_multiple %mul3A_313, 128 : i32
    %dma_start3A_315 = arith.constant 7 : i32
    %dma_start3A_316 = arith.constant 0 : i32
    %dma_start3A_317 = arith.constant 0 : i32
    %dma_start3A_318 = tpu.memref_slice %arg6[%dma_start3A_315, %dma_start3A_316, %dma_start3A_317] : memref<16x32x128xf32, #tpu.memory_space<vmem>> -> memref<1x32x128xf32, #tpu.memory_space<vmem>>
    %dma_start3A_319 = tpu.memref_squeeze %dma_start3A_318 : memref<1x32x128xf32, #tpu.memory_space<vmem>> -> memref<32x128xf32, #tpu.memory_space<vmem>>
    %dma_start3A_320 = arith.constant 0 : i32
    %dma_start3A_321 = tpu.memref_slice %arg2[%dma_start3A_320, %multiple_of3A_314] : memref<32x1000000xf32, #tpu.memory_space<hbm>> -> memref<32x128xf32, #tpu.memory_space<hbm>>
    %dma_start3A_322 = arith.constant 0 : i32
    %dma_start3A_323 = arith.constant 0 : i32
    %dma_start3A_324 = tpu.memref_slice %arg6[%dma_start3A_315, %dma_start3A_322, %dma_start3A_323] : memref<16x32x128xf32, #tpu.memory_space<vmem>> -> memref<1x32x128xf32, #tpu.memory_space<vmem>>
    %dma_start3A_325 = tpu.memref_squeeze %dma_start3A_324 : memref<1x32x128xf32, #tpu.memory_space<vmem>> -> memref<32x128xf32, #tpu.memory_space<vmem>>
    %dma_start3A_326 = arith.constant 0 : i32
    %dma_start3A_327 = tpu.memref_slice %arg2[%dma_start3A_326, %multiple_of3A_314] : memref<32x1000000xf32, #tpu.memory_space<hbm>> -> memref<32x128xf32, #tpu.memory_space<hbm>>
    tpu.enqueue_dma source(%dma_start3A_327 : memref<32x128xf32, #tpu.memory_space<hbm>>) target(%dma_start3A_325 : memref<32x128xf32, #tpu.memory_space<vmem>>) target_semaphore(%arg8 : memref<!tpu.dma_semaphore, #tpu.memory_space<semaphore_mem>>)
    %slice3A_328 = vector.extract_strided_slice %get3A_3 {offsets = [8], sizes = [1], strides = [1]} : vector<16xi32> to vector<1xi32>
    %squeeze3A_329 = vector.extract %slice3A_328[0] : i32 from vector<1xi32>
    %jit3A_330 = arith.constant 128 : i32
    %div3A_331 = arith.divsi %squeeze3A_329, %jit3A_330 : i32
    %sign3A_332 = arith.constant 0 : i32
    %sign3A_333 = arith.cmpi sgt, %squeeze3A_329, %sign3A_332 : i32
    %sign3A_334 = arith.extui %sign3A_333 : i1 to i32
    %sign3A_335 = arith.constant 0 : i32
    %sign3A_336 = arith.cmpi slt, %squeeze3A_329, %sign3A_335 : i32
    %sign3A_337 = arith.extui %sign3A_336 : i1 to i32
    %sign3A_338 = arith.subi %sign3A_334, %sign3A_337 : i32
    %sign3A_339 = arith.constant 0 : i32
    %sign3A_340 = arith.cmpi sgt, %jit3A_330, %sign3A_339 : i32
    %sign3A_341 = arith.extui %sign3A_340 : i1 to i32
    %sign3A_342 = arith.constant 0 : i32
    %sign3A_343 = arith.cmpi slt, %jit3A_330, %sign3A_342 : i32
    %sign3A_344 = arith.extui %sign3A_343 : i1 to i32
    %sign3A_345 = arith.subi %sign3A_341, %sign3A_344 : i32
    %ne3A_346 = arith.cmpi ne, %sign3A_338, %sign3A_345 : i32
    %rem3A_347 = arith.remsi %squeeze3A_329, %jit3A_330 : i32
    %ne3A_348 = arith.constant 0 : i32
    %ne3A_349 = arith.cmpi ne, %rem3A_347, %ne3A_348 : i32
    %and3A_350 = arith.andi %ne3A_346, %ne3A_349 : i1
    %sub3A_351 = arith.constant 1 : i32
    %sub3A_352 = arith.subi %div3A_331, %sub3A_351 : i32
    %select_n3A_353 = arith.select %and3A_350, %sub3A_352, %div3A_331 : i32
    %mul3A_354 = arith.constant 128 : i32
    %mul3A_355 = arith.muli %select_n3A_353, %mul3A_354 : i32
    %multiple_of3A_356 = tpu.assume_multiple %mul3A_355, 128 : i32
    %dma_start3A_357 = arith.constant 8 : i32
    %dma_start3A_358 = arith.constant 0 : i32
    %dma_start3A_359 = arith.constant 0 : i32
    %dma_start3A_360 = tpu.memref_slice %arg6[%dma_start3A_357, %dma_start3A_358, %dma_start3A_359] : memref<16x32x128xf32, #tpu.memory_space<vmem>> -> memref<1x32x128xf32, #tpu.memory_space<vmem>>
    %dma_start3A_361 = tpu.memref_squeeze %dma_start3A_360 : memref<1x32x128xf32, #tpu.memory_space<vmem>> -> memref<32x128xf32, #tpu.memory_space<vmem>>
    %dma_start3A_362 = arith.constant 0 : i32
    %dma_start3A_363 = tpu.memref_slice %arg2[%dma_start3A_362, %multiple_of3A_356] : memref<32x1000000xf32, #tpu.memory_space<hbm>> -> memref<32x128xf32, #tpu.memory_space<hbm>>
    %dma_start3A_364 = arith.constant 0 : i32
    %dma_start3A_365 = arith.constant 0 : i32
    %dma_start3A_366 = tpu.memref_slice %arg6[%dma_start3A_357, %dma_start3A_364, %dma_start3A_365] : memref<16x32x128xf32, #tpu.memory_space<vmem>> -> memref<1x32x128xf32, #tpu.memory_space<vmem>>
    %dma_start3A_367 = tpu.memref_squeeze %dma_start3A_366 : memref<1x32x128xf32, #tpu.memory_space<vmem>> -> memref<32x128xf32, #tpu.memory_space<vmem>>
    %dma_start3A_368 = arith.constant 0 : i32
    %dma_start3A_369 = tpu.memref_slice %arg2[%dma_start3A_368, %multiple_of3A_356] : memref<32x1000000xf32, #tpu.memory_space<hbm>> -> memref<32x128xf32, #tpu.memory_space<hbm>>
    tpu.enqueue_dma source(%dma_start3A_369 : memref<32x128xf32, #tpu.memory_space<hbm>>) target(%dma_start3A_367 : memref<32x128xf32, #tpu.memory_space<vmem>>) target_semaphore(%arg8 : memref<!tpu.dma_semaphore, #tpu.memory_space<semaphore_mem>>)
    %slice3A_370 = vector.extract_strided_slice %get3A_3 {offsets = [9], sizes = [1], strides = [1]} : vector<16xi32> to vector<1xi32>
    %squeeze3A_371 = vector.extract %slice3A_370[0] : i32 from vector<1xi32>
    %jit3A_372 = arith.constant 128 : i32
    %div3A_373 = arith.divsi %squeeze3A_371, %jit3A_372 : i32
    %sign3A_374 = arith.constant 0 : i32
    %sign3A_375 = arith.cmpi sgt, %squeeze3A_371, %sign3A_374 : i32
    %sign3A_376 = arith.extui %sign3A_375 : i1 to i32
    %sign3A_377 = arith.constant 0 : i32
    %sign3A_378 = arith.cmpi slt, %squeeze3A_371, %sign3A_377 : i32
    %sign3A_379 = arith.extui %sign3A_378 : i1 to i32
    %sign3A_380 = arith.subi %sign3A_376, %sign3A_379 : i32
    %sign3A_381 = arith.constant 0 : i32
    %sign3A_382 = arith.cmpi sgt, %jit3A_372, %sign3A_381 : i32
    %sign3A_383 = arith.extui %sign3A_382 : i1 to i32
    %sign3A_384 = arith.constant 0 : i32
    %sign3A_385 = arith.cmpi slt, %jit3A_372, %sign3A_384 : i32
    %sign3A_386 = arith.extui %sign3A_385 : i1 to i32
    %sign3A_387 = arith.subi %sign3A_383, %sign3A_386 : i32
    %ne3A_388 = arith.cmpi ne, %sign3A_380, %sign3A_387 : i32
    %rem3A_389 = arith.remsi %squeeze3A_371, %jit3A_372 : i32
    %ne3A_390 = arith.constant 0 : i32
    %ne3A_391 = arith.cmpi ne, %rem3A_389, %ne3A_390 : i32
    %and3A_392 = arith.andi %ne3A_388, %ne3A_391 : i1
    %sub3A_393 = arith.constant 1 : i32
    %sub3A_394 = arith.subi %div3A_373, %sub3A_393 : i32
    %select_n3A_395 = arith.select %and3A_392, %sub3A_394, %div3A_373 : i32
    %mul3A_396 = arith.constant 128 : i32
    %mul3A_397 = arith.muli %select_n3A_395, %mul3A_396 : i32
    %multiple_of3A_398 = tpu.assume_multiple %mul3A_397, 128 : i32
    %dma_start3A_399 = arith.constant 9 : i32
    %dma_start3A_400 = arith.constant 0 : i32
    %dma_start3A_401 = arith.constant 0 : i32
    %dma_start3A_402 = tpu.memref_slice %arg6[%dma_start3A_399, %dma_start3A_400, %dma_start3A_401] : memref<16x32x128xf32, #tpu.memory_space<vmem>> -> memref<1x32x128xf32, #tpu.memory_space<vmem>>
    %dma_start3A_403 = tpu.memref_squeeze %dma_start3A_402 : memref<1x32x128xf32, #tpu.memory_space<vmem>> -> memref<32x128xf32, #tpu.memory_space<vmem>>
    %dma_start3A_404 = arith.constant 0 : i32
    %dma_start3A_405 = tpu.memref_slice %arg2[%dma_start3A_404, %multiple_of3A_398] : memref<32x1000000xf32, #tpu.memory_space<hbm>> -> memref<32x128xf32, #tpu.memory_space<hbm>>
    %dma_start3A_406 = arith.constant 0 : i32
    %dma_start3A_407 = arith.constant 0 : i32
    %dma_start3A_408 = tpu.memref_slice %arg6[%dma_start3A_399, %dma_start3A_406, %dma_start3A_407] : memref<16x32x128xf32, #tpu.memory_space<vmem>> -> memref<1x32x128xf32, #tpu.memory_space<vmem>>
    %dma_start3A_409 = tpu.memref_squeeze %dma_start3A_408 : memref<1x32x128xf32, #tpu.memory_space<vmem>> -> memref<32x128xf32, #tpu.memory_space<vmem>>
    %dma_start3A_410 = arith.constant 0 : i32
    %dma_start3A_411 = tpu.memref_slice %arg2[%dma_start3A_410, %multiple_of3A_398] : memref<32x1000000xf32, #tpu.memory_space<hbm>> -> memref<32x128xf32, #tpu.memory_space<hbm>>
    tpu.enqueue_dma source(%dma_start3A_411 : memref<32x128xf32, #tpu.memory_space<hbm>>) target(%dma_start3A_409 : memref<32x128xf32, #tpu.memory_space<vmem>>) target_semaphore(%arg8 : memref<!tpu.dma_semaphore, #tpu.memory_space<semaphore_mem>>)
    %slice3A_412 = vector.extract_strided_slice %get3A_3 {offsets = [10], sizes = [1], strides = [1]} : vector<16xi32> to vector<1xi32>
    %squeeze3A_413 = vector.extract %slice3A_412[0] : i32 from vector<1xi32>
    %jit3A_414 = arith.constant 128 : i32
    %div3A_415 = arith.divsi %squeeze3A_413, %jit3A_414 : i32
    %sign3A_416 = arith.constant 0 : i32
    %sign3A_417 = arith.cmpi sgt, %squeeze3A_413, %sign3A_416 : i32
    %sign3A_418 = arith.extui %sign3A_417 : i1 to i32
    %sign3A_419 = arith.constant 0 : i32
    %sign3A_420 = arith.cmpi slt, %squeeze3A_413, %sign3A_419 : i32
    %sign3A_421 = arith.extui %sign3A_420 : i1 to i32
    %sign3A_422 = arith.subi %sign3A_418, %sign3A_421 : i32
    %sign3A_423 = arith.constant 0 : i32
    %sign3A_424 = arith.cmpi sgt, %jit3A_414, %sign3A_423 : i32
    %sign3A_425 = arith.extui %sign3A_424 : i1 to i32
    %sign3A_426 = arith.constant 0 : i32
    %sign3A_427 = arith.cmpi slt, %jit3A_414, %sign3A_426 : i32
    %sign3A_428 = arith.extui %sign3A_427 : i1 to i32
    %sign3A_429 = arith.subi %sign3A_425, %sign3A_428 : i32
    %ne3A_430 = arith.cmpi ne, %sign3A_422, %sign3A_429 : i32
    %rem3A_431 = arith.remsi %squeeze3A_413, %jit3A_414 : i32
    %ne3A_432 = arith.constant 0 : i32
    %ne3A_433 = arith.cmpi ne, %rem3A_431, %ne3A_432 : i32
    %and3A_434 = arith.andi %ne3A_430, %ne3A_433 : i1
    %sub3A_435 = arith.constant 1 : i32
    %sub3A_436 = arith.subi %div3A_415, %sub3A_435 : i32
    %select_n3A_437 = arith.select %and3A_434, %sub3A_436, %div3A_415 : i32
    %mul3A_438 = arith.constant 128 : i32
    %mul3A_439 = arith.muli %select_n3A_437, %mul3A_438 : i32
    %multiple_of3A_440 = tpu.assume_multiple %mul3A_439, 128 : i32
    %dma_start3A_441 = arith.constant 10 : i32
    %dma_start3A_442 = arith.constant 0 : i32
    %dma_start3A_443 = arith.constant 0 : i32
    %dma_start3A_444 = tpu.memref_slice %arg6[%dma_start3A_441, %dma_start3A_442, %dma_start3A_443] : memref<16x32x128xf32, #tpu.memory_space<vmem>> -> memref<1x32x128xf32, #tpu.memory_space<vmem>>
    %dma_start3A_445 = tpu.memref_squeeze %dma_start3A_444 : memref<1x32x128xf32, #tpu.memory_space<vmem>> -> memref<32x128xf32, #tpu.memory_space<vmem>>
    %dma_start3A_446 = arith.constant 0 : i32
    %dma_start3A_447 = tpu.memref_slice %arg2[%dma_start3A_446, %multiple_of3A_440] : memref<32x1000000xf32, #tpu.memory_space<hbm>> -> memref<32x128xf32, #tpu.memory_space<hbm>>
    %dma_start3A_448 = arith.constant 0 : i32
    %dma_start3A_449 = arith.constant 0 : i32
    %dma_start3A_450 = tpu.memref_slice %arg6[%dma_start3A_441, %dma_start3A_448, %dma_start3A_449] : memref<16x32x128xf32, #tpu.memory_space<vmem>> -> memref<1x32x128xf32, #tpu.memory_space<vmem>>
    %dma_start3A_451 = tpu.memref_squeeze %dma_start3A_450 : memref<1x32x128xf32, #tpu.memory_space<vmem>> -> memref<32x128xf32, #tpu.memory_space<vmem>>
    %dma_start3A_452 = arith.constant 0 : i32
    %dma_start3A_453 = tpu.memref_slice %arg2[%dma_start3A_452, %multiple_of3A_440] : memref<32x1000000xf32, #tpu.memory_space<hbm>> -> memref<32x128xf32, #tpu.memory_space<hbm>>
    tpu.enqueue_dma source(%dma_start3A_453 : memref<32x128xf32, #tpu.memory_space<hbm>>) target(%dma_start3A_451 : memref<32x128xf32, #tpu.memory_space<vmem>>) target_semaphore(%arg8 : memref<!tpu.dma_semaphore, #tpu.memory_space<semaphore_mem>>)
    %slice3A_454 = vector.extract_strided_slice %get3A_3 {offsets = [11], sizes = [1], strides = [1]} : vector<16xi32> to vector<1xi32>
    %squeeze3A_455 = vector.extract %slice3A_454[0] : i32 from vector<1xi32>
    %jit3A_456 = arith.constant 128 : i32
    %div3A_457 = arith.divsi %squeeze3A_455, %jit3A_456 : i32
    %sign3A_458 = arith.constant 0 : i32
    %sign3A_459 = arith.cmpi sgt, %squeeze3A_455, %sign3A_458 : i32
    %sign3A_460 = arith.extui %sign3A_459 : i1 to i32
    %sign3A_461 = arith.constant 0 : i32
    %sign3A_462 = arith.cmpi slt, %squeeze3A_455, %sign3A_461 : i32
    %sign3A_463 = arith.extui %sign3A_462 : i1 to i32
    %sign3A_464 = arith.subi %sign3A_460, %sign3A_463 : i32
    %sign3A_465 = arith.constant 0 : i32
    %sign3A_466 = arith.cmpi sgt, %jit3A_456, %sign3A_465 : i32
    %sign3A_467 = arith.extui %sign3A_466 : i1 to i32
    %sign3A_468 = arith.constant 0 : i32
    %sign3A_469 = arith.cmpi slt, %jit3A_456, %sign3A_468 : i32
    %sign3A_470 = arith.extui %sign3A_469 : i1 to i32
    %sign3A_471 = arith.subi %sign3A_467, %sign3A_470 : i32
    %ne3A_472 = arith.cmpi ne, %sign3A_464, %sign3A_471 : i32
    %rem3A_473 = arith.remsi %squeeze3A_455, %jit3A_456 : i32
    %ne3A_474 = arith.constant 0 : i32
    %ne3A_475 = arith.cmpi ne, %rem3A_473, %ne3A_474 : i32
    %and3A_476 = arith.andi %ne3A_472, %ne3A_475 : i1
    %sub3A_477 = arith.constant 1 : i32
    %sub3A_478 = arith.subi %div3A_457, %sub3A_477 : i32
    %select_n3A_479 = arith.select %and3A_476, %sub3A_478, %div3A_457 : i32
    %mul3A_480 = arith.constant 128 : i32
    %mul3A_481 = arith.muli %select_n3A_479, %mul3A_480 : i32
    %multiple_of3A_482 = tpu.assume_multiple %mul3A_481, 128 : i32
    %dma_start3A_483 = arith.constant 11 : i32
    %dma_start3A_484 = arith.constant 0 : i32
    %dma_start3A_485 = arith.constant 0 : i32
    %dma_start3A_486 = tpu.memref_slice %arg6[%dma_start3A_483, %dma_start3A_484, %dma_start3A_485] : memref<16x32x128xf32, #tpu.memory_space<vmem>> -> memref<1x32x128xf32, #tpu.memory_space<vmem>>
    %dma_start3A_487 = tpu.memref_squeeze %dma_start3A_486 : memref<1x32x128xf32, #tpu.memory_space<vmem>> -> memref<32x128xf32, #tpu.memory_space<vmem>>
    %dma_start3A_488 = arith.constant 0 : i32
    %dma_start3A_489 = tpu.memref_slice %arg2[%dma_start3A_488, %multiple_of3A_482] : memref<32x1000000xf32, #tpu.memory_space<hbm>> -> memref<32x128xf32, #tpu.memory_space<hbm>>
    %dma_start3A_490 = arith.constant 0 : i32
    %dma_start3A_491 = arith.constant 0 : i32
    %dma_start3A_492 = tpu.memref_slice %arg6[%dma_start3A_483, %dma_start3A_490, %dma_start3A_491] : memref<16x32x128xf32, #tpu.memory_space<vmem>> -> memref<1x32x128xf32, #tpu.memory_space<vmem>>
    %dma_start3A_493 = tpu.memref_squeeze %dma_start3A_492 : memref<1x32x128xf32, #tpu.memory_space<vmem>> -> memref<32x128xf32, #tpu.memory_space<vmem>>
    %dma_start3A_494 = arith.constant 0 : i32
    %dma_start3A_495 = tpu.memref_slice %arg2[%dma_start3A_494, %multiple_of3A_482] : memref<32x1000000xf32, #tpu.memory_space<hbm>> -> memref<32x128xf32, #tpu.memory_space<hbm>>
    tpu.enqueue_dma source(%dma_start3A_495 : memref<32x128xf32, #tpu.memory_space<hbm>>) target(%dma_start3A_493 : memref<32x128xf32, #tpu.memory_space<vmem>>) target_semaphore(%arg8 : memref<!tpu.dma_semaphore, #tpu.memory_space<semaphore_mem>>)
    %scan3A = arith.constant 0 : i32
    %scan3A_496 = arith.constant 0 : i32
    %scan3A_497 = arith.constant 31 : i32
    %scan3A_498 = arith.addi %scan3A_496, %scan3A_497 : i32
    %scan3A_499 = arith.constant 1 : i32
    scf.for %scan3A_1498 = %scan3A_496 to %scan3A_498 step %scan3A_499  : i32 {
      %mul3A_1499 = arith.constant 16 : i32
      %mul3A_1500 = arith.muli %scan3A_1498, %mul3A_1499 : i32
      %get3A_1501 = arith.index_cast %mul3A_1500 : i32 to index
      %get3A_1502 = tpu.vector_load %arg5[%get3A_1501] {strides = array<i32>} : memref<512xi32, #tpu.memory_space<vmem>>, vector<16xi32>,
      %add3A_1503 = arith.constant 1 : i32
      %add3A_1504 = arith.addi %scan3A_1498, %add3A_1503 : i32
      %mul3A_1505 = arith.constant 16 : i32
      %mul3A_1506 = arith.muli %add3A_1504, %mul3A_1505 : i32
      %get3A_1507 = arith.index_cast %mul3A_1506 : i32 to index
      %get3A_1508 = tpu.vector_load %arg5[%get3A_1507] {strides = array<i32>} : memref<512xi32, #tpu.memory_space<vmem>>, vector<16xi32>,
      %mul3A_1509 = arith.constant 4 : i32
      %mul3A_1510 = arith.muli %scan3A_1498, %mul3A_1509 : i32
      %add3A_1511 = arith.constant 0 : i32
      %add3A_1512 = arith.addi %mul3A_1510, %add3A_1511 : i32
      %add3A_1513 = arith.constant 3 : i32
      %add3A_1514 = arith.addi %add3A_1512, %add3A_1513 : i32
      %jit3A_1515 = arith.constant 4 : i32
      %eq3A_1516 = arith.constant 0 : i32
      %eq3A_1517 = arith.cmpi eq, %jit3A_1515, %eq3A_1516 : i32
      %jit3A_1518 = arith.constant 1 : i32
      %select_n3A_1519 = arith.select %eq3A_1517, %jit3A_1518, %jit3A_1515 : i32
      %rem3A_1520 = arith.remsi %add3A_1514, %select_n3A_1519 : i32
      %ne3A_1521 = arith.constant 0 : i32
      %ne3A_1522 = arith.cmpi ne, %rem3A_1520, %ne3A_1521 : i32
      %lt3A_1523 = arith.constant 0 : i32
      %lt3A_1524 = arith.cmpi slt, %rem3A_1520, %lt3A_1523 : i32
      %lt3A_1525 = arith.constant 0 : i32
      %lt3A_1526 = arith.cmpi slt, %select_n3A_1519, %lt3A_1525 : i32
      %ne3A_1527 = arith.xori %lt3A_1524, %lt3A_1526 : i1
      %and3A_1528 = arith.andi %ne3A_1527, %ne3A_1522 : i1
      %add3A_1529 = arith.addi %rem3A_1520, %select_n3A_1519 : i32
      %select_n3A_1530 = arith.select %and3A_1528, %add3A_1529, %rem3A_1520 : i32
      %mul3A_1531 = arith.constant 4 : i32
      %mul3A_1532 = arith.muli %select_n3A_1530, %mul3A_1531 : i32
      %slice3A_1533 = vector.extract_strided_slice %get3A_1502 {offsets = [12], sizes = [1], strides = [1]} : vector<16xi32> to vector<1xi32>
      %squeeze3A_1534 = vector.extract %slice3A_1533[0] : i32 from vector<1xi32>
      %jit3A_1535 = arith.constant 128 : i32
      %div3A_1536 = arith.divsi %squeeze3A_1534, %jit3A_1535 : i32
      %sign3A_1537 = arith.constant 0 : i32
      %sign3A_1538 = arith.cmpi sgt, %squeeze3A_1534, %sign3A_1537 : i32
      %sign3A_1539 = arith.extui %sign3A_1538 : i1 to i32
      %sign3A_1540 = arith.constant 0 : i32
      %sign3A_1541 = arith.cmpi slt, %squeeze3A_1534, %sign3A_1540 : i32
      %sign3A_1542 = arith.extui %sign3A_1541 : i1 to i32
      %sign3A_1543 = arith.subi %sign3A_1539, %sign3A_1542 : i32
      %sign3A_1544 = arith.constant 0 : i32
      %sign3A_1545 = arith.cmpi sgt, %jit3A_1535, %sign3A_1544 : i32
      %sign3A_1546 = arith.extui %sign3A_1545 : i1 to i32
      %sign3A_1547 = arith.constant 0 : i32
      %sign3A_1548 = arith.cmpi slt, %jit3A_1535, %sign3A_1547 : i32
      %sign3A_1549 = arith.extui %sign3A_1548 : i1 to i32
      %sign3A_1550 = arith.subi %sign3A_1546, %sign3A_1549 : i32
      %ne3A_1551 = arith.cmpi ne, %sign3A_1543, %sign3A_1550 : i32
      %rem3A_1552 = arith.remsi %squeeze3A_1534, %jit3A_1535 : i32
      %ne3A_1553 = arith.constant 0 : i32
      %ne3A_1554 = arith.cmpi ne, %rem3A_1552, %ne3A_1553 : i32
      %and3A_1555 = arith.andi %ne3A_1551, %ne3A_1554 : i1
      %sub3A_1556 = arith.constant 1 : i32
      %sub3A_1557 = arith.subi %div3A_1536, %sub3A_1556 : i32
      %select_n3A_1558 = arith.select %and3A_1555, %sub3A_1557, %div3A_1536 : i32
      %mul3A_1559 = arith.constant 128 : i32
      %mul3A_1560 = arith.muli %select_n3A_1558, %mul3A_1559 : i32
      %multiple_of3A_1561 = tpu.assume_multiple %mul3A_1560, 128 : i32
      %add3A_1562 = arith.constant 0 : i32
      %add3A_1563 = arith.addi %mul3A_1532, %add3A_1562 : i32
      %dma_start3A_1564 = arith.constant 0 : i32
      %dma_start3A_1565 = arith.constant 0 : i32
      %dma_start3A_1566 = tpu.memref_slice %arg6[%add3A_1563, %dma_start3A_1564, %dma_start3A_1565] : memref<16x32x128xf32, #tpu.memory_space<vmem>> -> memref<1x32x128xf32, #tpu.memory_space<vmem>>
      %dma_start3A_1567 = tpu.memref_squeeze %dma_start3A_1566 : memref<1x32x128xf32, #tpu.memory_space<vmem>> -> memref<32x128xf32, #tpu.memory_space<vmem>>
      %dma_start3A_1568 = arith.constant 0 : i32
      %dma_start3A_1569 = tpu.memref_slice %arg2[%dma_start3A_1568, %multiple_of3A_1561] : memref<32x1000000xf32, #tpu.memory_space<hbm>> -> memref<32x128xf32, #tpu.memory_space<hbm>>
      %dma_start3A_1570 = arith.constant 0 : i32
      %dma_start3A_1571 = arith.constant 0 : i32
      %dma_start3A_1572 = tpu.memref_slice %arg6[%add3A_1563, %dma_start3A_1570, %dma_start3A_1571] : memref<16x32x128xf32, #tpu.memory_space<vmem>> -> memref<1x32x128xf32, #tpu.memory_space<vmem>>
      %dma_start3A_1573 = tpu.memref_squeeze %dma_start3A_1572 : memref<1x32x128xf32, #tpu.memory_space<vmem>> -> memref<32x128xf32, #tpu.memory_space<vmem>>
      %dma_start3A_1574 = arith.constant 0 : i32
      %dma_start3A_1575 = tpu.memref_slice %arg2[%dma_start3A_1574, %multiple_of3A_1561] : memref<32x1000000xf32, #tpu.memory_space<hbm>> -> memref<32x128xf32, #tpu.memory_space<hbm>>
      tpu.enqueue_dma source(%dma_start3A_1575 : memref<32x128xf32, #tpu.memory_space<hbm>>) target(%dma_start3A_1573 : memref<32x128xf32, #tpu.memory_space<vmem>>) target_semaphore(%arg8 : memref<!tpu.dma_semaphore, #tpu.memory_space<semaphore_mem>>)
      %slice3A_1576 = vector.extract_strided_slice %get3A_1502 {offsets = [13], sizes = [1], strides = [1]} : vector<16xi32> to vector<1xi32>
      %squeeze3A_1577 = vector.extract %slice3A_1576[0] : i32 from vector<1xi32>
      %jit3A_1578 = arith.constant 128 : i32
      %div3A_1579 = arith.divsi %squeeze3A_1577, %jit3A_1578 : i32
      %sign3A_1580 = arith.constant 0 : i32
      %sign3A_1581 = arith.cmpi sgt, %squeeze3A_1577, %sign3A_1580 : i32
      %sign3A_1582 = arith.extui %sign3A_1581 : i1 to i32
      %sign3A_1583 = arith.constant 0 : i32
      %sign3A_1584 = arith.cmpi slt, %squeeze3A_1577, %sign3A_1583 : i32
      %sign3A_1585 = arith.extui %sign3A_1584 : i1 to i32
      %sign3A_1586 = arith.subi %sign3A_1582, %sign3A_1585 : i32
      %sign3A_1587 = arith.constant 0 : i32
      %sign3A_1588 = arith.cmpi sgt, %jit3A_1578, %sign3A_1587 : i32
      %sign3A_1589 = arith.extui %sign3A_1588 : i1 to i32
      %sign3A_1590 = arith.constant 0 : i32
      %sign3A_1591 = arith.cmpi slt, %jit3A_1578, %sign3A_1590 : i32
      %sign3A_1592 = arith.extui %sign3A_1591 : i1 to i32
      %sign3A_1593 = arith.subi %sign3A_1589, %sign3A_1592 : i32
      %ne3A_1594 = arith.cmpi ne, %sign3A_1586, %sign3A_1593 : i32
      %rem3A_1595 = arith.remsi %squeeze3A_1577, %jit3A_1578 : i32
      %ne3A_1596 = arith.constant 0 : i32
      %ne3A_1597 = arith.cmpi ne, %rem3A_1595, %ne3A_1596 : i32
      %and3A_1598 = arith.andi %ne3A_1594, %ne3A_1597 : i1
      %sub3A_1599 = arith.constant 1 : i32
      %sub3A_1600 = arith.subi %div3A_1579, %sub3A_1599 : i32
      %select_n3A_1601 = arith.select %and3A_1598, %sub3A_1600, %div3A_1579 : i32
      %mul3A_1602 = arith.constant 128 : i32
      %mul3A_1603 = arith.muli %select_n3A_1601, %mul3A_1602 : i32
      %multiple_of3A_1604 = tpu.assume_multiple %mul3A_1603, 128 : i32
      %add3A_1605 = arith.constant 1 : i32
      %add3A_1606 = arith.addi %mul3A_1532, %add3A_1605 : i32
      %dma_start3A_1607 = arith.constant 0 : i32
      %dma_start3A_1608 = arith.constant 0 : i32
      %dma_start3A_1609 = tpu.memref_slice %arg6[%add3A_1606, %dma_start3A_1607, %dma_start3A_1608] : memref<16x32x128xf32, #tpu.memory_space<vmem>> -> memref<1x32x128xf32, #tpu.memory_space<vmem>>
      %dma_start3A_1610 = tpu.memref_squeeze %dma_start3A_1609 : memref<1x32x128xf32, #tpu.memory_space<vmem>> -> memref<32x128xf32, #tpu.memory_space<vmem>>
      %dma_start3A_1611 = arith.constant 0 : i32
      %dma_start3A_1612 = tpu.memref_slice %arg2[%dma_start3A_1611, %multiple_of3A_1604] : memref<32x1000000xf32, #tpu.memory_space<hbm>> -> memref<32x128xf32, #tpu.memory_space<hbm>>
      %dma_start3A_1613 = arith.constant 0 : i32
      %dma_start3A_1614 = arith.constant 0 : i32
      %dma_start3A_1615 = tpu.memref_slice %arg6[%add3A_1606, %dma_start3A_1613, %dma_start3A_1614] : memref<16x32x128xf32, #tpu.memory_space<vmem>> -> memref<1x32x128xf32, #tpu.memory_space<vmem>>
      %dma_start3A_1616 = tpu.memref_squeeze %dma_start3A_1615 : memref<1x32x128xf32, #tpu.memory_space<vmem>> -> memref<32x128xf32, #tpu.memory_space<vmem>>
      %dma_start3A_1617 = arith.constant 0 : i32
      %dma_start3A_1618 = tpu.memref_slice %arg2[%dma_start3A_1617, %multiple_of3A_1604] : memref<32x1000000xf32, #tpu.memory_space<hbm>> -> memref<32x128xf32, #tpu.memory_space<hbm>>
      tpu.enqueue_dma source(%dma_start3A_1618 : memref<32x128xf32, #tpu.memory_space<hbm>>) target(%dma_start3A_1616 : memref<32x128xf32, #tpu.memory_space<vmem>>) target_semaphore(%arg8 : memref<!tpu.dma_semaphore, #tpu.memory_space<semaphore_mem>>)
      %slice3A_1619 = vector.extract_strided_slice %get3A_1502 {offsets = [14], sizes = [1], strides = [1]} : vector<16xi32> to vector<1xi32>
      %squeeze3A_1620 = vector.extract %slice3A_1619[0] : i32 from vector<1xi32>
      %jit3A_1621 = arith.constant 128 : i32
      %div3A_1622 = arith.divsi %squeeze3A_1620, %jit3A_1621 : i32
      %sign3A_1623 = arith.constant 0 : i32
      %sign3A_1624 = arith.cmpi sgt, %squeeze3A_1620, %sign3A_1623 : i32
      %sign3A_1625 = arith.extui %sign3A_1624 : i1 to i32
      %sign3A_1626 = arith.constant 0 : i32
      %sign3A_1627 = arith.cmpi slt, %squeeze3A_1620, %sign3A_1626 : i32
      %sign3A_1628 = arith.extui %sign3A_1627 : i1 to i32
      %sign3A_1629 = arith.subi %sign3A_1625, %sign3A_1628 : i32
      %sign3A_1630 = arith.constant 0 : i32
      %sign3A_1631 = arith.cmpi sgt, %jit3A_1621, %sign3A_1630 : i32
      %sign3A_1632 = arith.extui %sign3A_1631 : i1 to i32
      %sign3A_1633 = arith.constant 0 : i32
      %sign3A_1634 = arith.cmpi slt, %jit3A_1621, %sign3A_1633 : i32
      %sign3A_1635 = arith.extui %sign3A_1634 : i1 to i32
      %sign3A_1636 = arith.subi %sign3A_1632, %sign3A_1635 : i32
      %ne3A_1637 = arith.cmpi ne, %sign3A_1629, %sign3A_1636 : i32
      %rem3A_1638 = arith.remsi %squeeze3A_1620, %jit3A_1621 : i32
      %ne3A_1639 = arith.constant 0 : i32
      %ne3A_1640 = arith.cmpi ne, %rem3A_1638, %ne3A_1639 : i32
      %and3A_1641 = arith.andi %ne3A_1637, %ne3A_1640 : i1
      %sub3A_1642 = arith.constant 1 : i32
      %sub3A_1643 = arith.subi %div3A_1622, %sub3A_1642 : i32
      %select_n3A_1644 = arith.select %and3A_1641, %sub3A_1643, %div3A_1622 : i32
      %mul3A_1645 = arith.constant 128 : i32
      %mul3A_1646 = arith.muli %select_n3A_1644, %mul3A_1645 : i32
      %multiple_of3A_1647 = tpu.assume_multiple %mul3A_1646, 128 : i32
      %add3A_1648 = arith.constant 2 : i32
      %add3A_1649 = arith.addi %mul3A_1532, %add3A_1648 : i32
      %dma_start3A_1650 = arith.constant 0 : i32
      %dma_start3A_1651 = arith.constant 0 : i32
      %dma_start3A_1652 = tpu.memref_slice %arg6[%add3A_1649, %dma_start3A_1650, %dma_start3A_1651] : memref<16x32x128xf32, #tpu.memory_space<vmem>> -> memref<1x32x128xf32, #tpu.memory_space<vmem>>
      %dma_start3A_1653 = tpu.memref_squeeze %dma_start3A_1652 : memref<1x32x128xf32, #tpu.memory_space<vmem>> -> memref<32x128xf32, #tpu.memory_space<vmem>>
      %dma_start3A_1654 = arith.constant 0 : i32
      %dma_start3A_1655 = tpu.memref_slice %arg2[%dma_start3A_1654, %multiple_of3A_1647] : memref<32x1000000xf32, #tpu.memory_space<hbm>> -> memref<32x128xf32, #tpu.memory_space<hbm>>
      %dma_start3A_1656 = arith.constant 0 : i32
      %dma_start3A_1657 = arith.constant 0 : i32
      %dma_start3A_1658 = tpu.memref_slice %arg6[%add3A_1649, %dma_start3A_1656, %dma_start3A_1657] : memref<16x32x128xf32, #tpu.memory_space<vmem>> -> memref<1x32x128xf32, #tpu.memory_space<vmem>>
      %dma_start3A_1659 = tpu.memref_squeeze %dma_start3A_1658 : memref<1x32x128xf32, #tpu.memory_space<vmem>> -> memref<32x128xf32, #tpu.memory_space<vmem>>
      %dma_start3A_1660 = arith.constant 0 : i32
      %dma_start3A_1661 = tpu.memref_slice %arg2[%dma_start3A_1660, %multiple_of3A_1647] : memref<32x1000000xf32, #tpu.memory_space<hbm>> -> memref<32x128xf32, #tpu.memory_space<hbm>>
      tpu.enqueue_dma source(%dma_start3A_1661 : memref<32x128xf32, #tpu.memory_space<hbm>>) target(%dma_start3A_1659 : memref<32x128xf32, #tpu.memory_space<vmem>>) target_semaphore(%arg8 : memref<!tpu.dma_semaphore, #tpu.memory_space<semaphore_mem>>)
      %slice3A_1662 = vector.extract_strided_slice %get3A_1502 {offsets = [15], sizes = [1], strides = [1]} : vector<16xi32> to vector<1xi32>
      %squeeze3A_1663 = vector.extract %slice3A_1662[0] : i32 from vector<1xi32>
      %jit3A_1664 = arith.constant 128 : i32
      %div3A_1665 = arith.divsi %squeeze3A_1663, %jit3A_1664 : i32
      %sign3A_1666 = arith.constant 0 : i32
      %sign3A_1667 = arith.cmpi sgt, %squeeze3A_1663, %sign3A_1666 : i32
      %sign3A_1668 = arith.extui %sign3A_1667 : i1 to i32
      %sign3A_1669 = arith.constant 0 : i32
      %sign3A_1670 = arith.cmpi slt, %squeeze3A_1663, %sign3A_1669 : i32
      %sign3A_1671 = arith.extui %sign3A_1670 : i1 to i32
      %sign3A_1672 = arith.subi %sign3A_1668, %sign3A_1671 : i32
      %sign3A_1673 = arith.constant 0 : i32
      %sign3A_1674 = arith.cmpi sgt, %jit3A_1664, %sign3A_1673 : i32
      %sign3A_1675 = arith.extui %sign3A_1674 : i1 to i32
      %sign3A_1676 = arith.constant 0 : i32
      %sign3A_1677 = arith.cmpi slt, %jit3A_1664, %sign3A_1676 : i32
      %sign3A_1678 = arith.extui %sign3A_1677 : i1 to i32
      %sign3A_1679 = arith.subi %sign3A_1675, %sign3A_1678 : i32
      %ne3A_1680 = arith.cmpi ne, %sign3A_1672, %sign3A_1679 : i32
      %rem3A_1681 = arith.remsi %squeeze3A_1663, %jit3A_1664 : i32
      %ne3A_1682 = arith.constant 0 : i32
      %ne3A_1683 = arith.cmpi ne, %rem3A_1681, %ne3A_1682 : i32
      %and3A_1684 = arith.andi %ne3A_1680, %ne3A_1683 : i1
      %sub3A_1685 = arith.constant 1 : i32
      %sub3A_1686 = arith.subi %div3A_1665, %sub3A_1685 : i32
      %select_n3A_1687 = arith.select %and3A_1684, %sub3A_1686, %div3A_1665 : i32
      %mul3A_1688 = arith.constant 128 : i32
      %mul3A_1689 = arith.muli %select_n3A_1687, %mul3A_1688 : i32
      %multiple_of3A_1690 = tpu.assume_multiple %mul3A_1689, 128 : i32
      %add3A_1691 = arith.constant 3 : i32
      %add3A_1692 = arith.addi %mul3A_1532, %add3A_1691 : i32
      %dma_start3A_1693 = arith.constant 0 : i32
      %dma_start3A_1694 = arith.constant 0 : i32
      %dma_start3A_1695 = tpu.memref_slice %arg6[%add3A_1692, %dma_start3A_1693, %dma_start3A_1694] : memref<16x32x128xf32, #tpu.memory_space<vmem>> -> memref<1x32x128xf32, #tpu.memory_space<vmem>>
      %dma_start3A_1696 = tpu.memref_squeeze %dma_start3A_1695 : memref<1x32x128xf32, #tpu.memory_space<vmem>> -> memref<32x128xf32, #tpu.memory_space<vmem>>
      %dma_start3A_1697 = arith.constant 0 : i32
      %dma_start3A_1698 = tpu.memref_slice %arg2[%dma_start3A_1697, %multiple_of3A_1690] : memref<32x1000000xf32, #tpu.memory_space<hbm>> -> memref<32x128xf32, #tpu.memory_space<hbm>>
      %dma_start3A_1699 = arith.constant 0 : i32
      %dma_start3A_1700 = arith.constant 0 : i32
      %dma_start3A_1701 = tpu.memref_slice %arg6[%add3A_1692, %dma_start3A_1699, %dma_start3A_1700] : memref<16x32x128xf32, #tpu.memory_space<vmem>> -> memref<1x32x128xf32, #tpu.memory_space<vmem>>
      %dma_start3A_1702 = tpu.memref_squeeze %dma_start3A_1701 : memref<1x32x128xf32, #tpu.memory_space<vmem>> -> memref<32x128xf32, #tpu.memory_space<vmem>>
      %dma_start3A_1703 = arith.constant 0 : i32
      %dma_start3A_1704 = tpu.memref_slice %arg2[%dma_start3A_1703, %multiple_of3A_1690] : memref<32x1000000xf32, #tpu.memory_space<hbm>> -> memref<32x128xf32, #tpu.memory_space<hbm>>
      tpu.enqueue_dma source(%dma_start3A_1704 : memref<32x128xf32, #tpu.memory_space<hbm>>) target(%dma_start3A_1702 : memref<32x128xf32, #tpu.memory_space<vmem>>) target_semaphore(%arg8 : memref<!tpu.dma_semaphore, #tpu.memory_space<semaphore_mem>>)
      %jit3A_1705 = arith.constant 4 : i32
      %eq3A_1706 = arith.constant 0 : i32
      %eq3A_1707 = arith.cmpi eq, %jit3A_1705, %eq3A_1706 : i32
      %jit3A_1708 = arith.constant 1 : i32
      %select_n3A_1709 = arith.select %eq3A_1707, %jit3A_1708, %jit3A_1705 : i32
      %rem3A_1710 = arith.remsi %add3A_1512, %select_n3A_1709 : i32
      %ne3A_1711 = arith.constant 0 : i32
      %ne3A_1712 = arith.cmpi ne, %rem3A_1710, %ne3A_1711 : i32
      %lt3A_1713 = arith.constant 0 : i32
      %lt3A_1714 = arith.cmpi slt, %rem3A_1710, %lt3A_1713 : i32
      %lt3A_1715 = arith.constant 0 : i32
      %lt3A_1716 = arith.cmpi slt, %select_n3A_1709, %lt3A_1715 : i32
      %ne3A_1717 = arith.xori %lt3A_1714, %lt3A_1716 : i1
      %and3A_1718 = arith.andi %ne3A_1717, %ne3A_1712 : i1
      %add3A_1719 = arith.addi %rem3A_1710, %select_n3A_1709 : i32
      %select_n3A_1720 = arith.select %and3A_1718, %add3A_1719, %rem3A_1710 : i32
      %mul3A_1721 = arith.constant 4 : i32
      %mul3A_1722 = arith.muli %select_n3A_1720, %mul3A_1721 : i32
      %dma_wait3A_1723 = arith.constant 0 : i32
      %dma_wait3A_1724 = arith.constant 0 : i32
      %dma_wait3A_1725 = arith.constant 0 : i32
      %dma_wait3A_1726 = tpu.memref_slice %arg6[%dma_wait3A_1723, %dma_wait3A_1724, %dma_wait3A_1725] : memref<16x32x128xf32, #tpu.memory_space<vmem>> -> memref<1x32x128xf32, #tpu.memory_space<vmem>>
      %dma_wait3A_1727 = tpu.memref_squeeze %dma_wait3A_1726 : memref<1x32x128xf32, #tpu.memory_space<vmem>> -> memref<32x128xf32, #tpu.memory_space<vmem>>
      %dma_wait3A_1728 = arith.constant 0 : i32
      %dma_wait3A_1729 = arith.constant 0 : i32
      %dma_wait3A_1730 = tpu.memref_slice %arg2[%dma_wait3A_1728, %dma_wait3A_1729] : memref<32x1000000xf32, #tpu.memory_space<hbm>> -> memref<32x128xf32, #tpu.memory_space<hbm>>
      %dma_wait3A_1731 = arith.constant 0 : i32
      %dma_wait3A_1732 = arith.constant 0 : i32
      %dma_wait3A_1733 = tpu.memref_slice %arg6[%dma_wait3A_1723, %dma_wait3A_1731, %dma_wait3A_1732] : memref<16x32x128xf32, #tpu.memory_space<vmem>> -> memref<1x32x128xf32, #tpu.memory_space<vmem>>
      %dma_wait3A_1734 = tpu.memref_squeeze %dma_wait3A_1733 : memref<1x32x128xf32, #tpu.memory_space<vmem>> -> memref<32x128xf32, #tpu.memory_space<vmem>>
      %dma_wait3A_1735 = arith.constant 0 : i32
      %dma_wait3A_1736 = arith.constant 0 : i32
      %dma_wait3A_1737 = tpu.memref_slice %arg2[%dma_wait3A_1735, %dma_wait3A_1736] : memref<32x1000000xf32, #tpu.memory_space<hbm>> -> memref<32x128xf32, #tpu.memory_space<hbm>>
      tpu.wait_dma2 semaphore(%arg8 : memref<!tpu.dma_semaphore, #tpu.memory_space<semaphore_mem>>) src(%dma_wait3A_1737 : memref<32x128xf32, #tpu.memory_space<hbm>>) dst(%dma_wait3A_1734 : memref<32x128xf32, #tpu.memory_space<vmem>>)
      %dma_wait3A_1738 = arith.constant 0 : i32
      %dma_wait3A_1739 = arith.constant 0 : i32
      %dma_wait3A_1740 = arith.constant 0 : i32
      %dma_wait3A_1741 = tpu.memref_slice %arg6[%dma_wait3A_1738, %dma_wait3A_1739, %dma_wait3A_1740] : memref<16x32x128xf32, #tpu.memory_space<vmem>> -> memref<1x32x128xf32, #tpu.memory_space<vmem>>
      %dma_wait3A_1742 = tpu.memref_squeeze %dma_wait3A_1741 : memref<1x32x128xf32, #tpu.memory_space<vmem>> -> memref<32x128xf32, #tpu.memory_space<vmem>>
      %dma_wait3A_1743 = arith.constant 0 : i32
      %dma_wait3A_1744 = arith.constant 0 : i32
      %dma_wait3A_1745 = tpu.memref_slice %arg2[%dma_wait3A_1743, %dma_wait3A_1744] : memref<32x1000000xf32, #tpu.memory_space<hbm>> -> memref<32x128xf32, #tpu.memory_space<hbm>>
      %dma_wait3A_1746 = arith.constant 0 : i32
      %dma_wait3A_1747 = arith.constant 0 : i32
      %dma_wait3A_1748 = tpu.memref_slice %arg6[%dma_wait3A_1738, %dma_wait3A_1746, %dma_wait3A_1747] : memref<16x32x128xf32, #tpu.memory_space<vmem>> -> memref<1x32x128xf32, #tpu.memory_space<vmem>>
      %dma_wait3A_1749 = tpu.memref_squeeze %dma_wait3A_1748 : memref<1x32x128xf32, #tpu.memory_space<vmem>> -> memref<32x128xf32, #tpu.memory_space<vmem>>
      %dma_wait3A_1750 = arith.constant 0 : i32
      %dma_wait3A_1751 = arith.constant 0 : i32
      %dma_wait3A_1752 = tpu.memref_slice %arg2[%dma_wait3A_1750, %dma_wait3A_1751] : memref<32x1000000xf32, #tpu.memory_space<hbm>> -> memref<32x128xf32, #tpu.memory_space<hbm>>
      tpu.wait_dma2 semaphore(%arg8 : memref<!tpu.dma_semaphore, #tpu.memory_space<semaphore_mem>>) src(%dma_wait3A_1752 : memref<32x128xf32, #tpu.memory_space<hbm>>) dst(%dma_wait3A_1749 : memref<32x128xf32, #tpu.memory_space<vmem>>)
      %dma_wait3A_1753 = arith.constant 0 : i32
      %dma_wait3A_1754 = arith.constant 0 : i32
      %dma_wait3A_1755 = arith.constant 0 : i32
      %dma_wait3A_1756 = tpu.memref_slice %arg6[%dma_wait3A_1753, %dma_wait3A_1754, %dma_wait3A_1755] : memref<16x32x128xf32, #tpu.memory_space<vmem>> -> memref<1x32x128xf32, #tpu.memory_space<vmem>>
      %dma_wait3A_1757 = tpu.memref_squeeze %dma_wait3A_1756 : memref<1x32x128xf32, #tpu.memory_space<vmem>> -> memref<32x128xf32, #tpu.memory_space<vmem>>
      %dma_wait3A_1758 = arith.constant 0 : i32
      %dma_wait3A_1759 = arith.constant 0 : i32
      %dma_wait3A_1760 = tpu.memref_slice %arg2[%dma_wait3A_1758, %dma_wait3A_1759] : memref<32x1000000xf32, #tpu.memory_space<hbm>> -> memref<32x128xf32, #tpu.memory_space<hbm>>
      %dma_wait3A_1761 = arith.constant 0 : i32
      %dma_wait3A_1762 = arith.constant 0 : i32
      %dma_wait3A_1763 = tpu.memref_slice %arg6[%dma_wait3A_1753, %dma_wait3A_1761, %dma_wait3A_1762] : memref<16x32x128xf32, #tpu.memory_space<vmem>> -> memref<1x32x128xf32, #tpu.memory_space<vmem>>
      %dma_wait3A_1764 = tpu.memref_squeeze %dma_wait3A_1763 : memref<1x32x128xf32, #tpu.memory_space<vmem>> -> memref<32x128xf32, #tpu.memory_space<vmem>>
      %dma_wait3A_1765 = arith.constant 0 : i32
      %dma_wait3A_1766 = arith.constant 0 : i32
      %dma_wait3A_1767 = tpu.memref_slice %arg2[%dma_wait3A_1765, %dma_wait3A_1766] : memref<32x1000000xf32, #tpu.memory_space<hbm>> -> memref<32x128xf32, #tpu.memory_space<hbm>>
      tpu.wait_dma2 semaphore(%arg8 : memref<!tpu.dma_semaphore, #tpu.memory_space<semaphore_mem>>) src(%dma_wait3A_1767 : memref<32x128xf32, #tpu.memory_space<hbm>>) dst(%dma_wait3A_1764 : memref<32x128xf32, #tpu.memory_space<vmem>>)
      %dma_wait3A_1768 = arith.constant 0 : i32
      %dma_wait3A_1769 = arith.constant 0 : i32
      %dma_wait3A_1770 = arith.constant 0 : i32
      %dma_wait3A_1771 = tpu.memref_slice %arg6[%dma_wait3A_1768, %dma_wait3A_1769, %dma_wait3A_1770] : memref<16x32x128xf32, #tpu.memory_space<vmem>> -> memref<1x32x128xf32, #tpu.memory_space<vmem>>
      %dma_wait3A_1772 = tpu.memref_squeeze %dma_wait3A_1771 : memref<1x32x128xf32, #tpu.memory_space<vmem>> -> memref<32x128xf32, #tpu.memory_space<vmem>>
      %dma_wait3A_1773 = arith.constant 0 : i32
      %dma_wait3A_1774 = arith.constant 0 : i32
      %dma_wait3A_1775 = tpu.memref_slice %arg2[%dma_wait3A_1773, %dma_wait3A_1774] : memref<32x1000000xf32, #tpu.memory_space<hbm>> -> memref<32x128xf32, #tpu.memory_space<hbm>>
      %dma_wait3A_1776 = arith.constant 0 : i32
      %dma_wait3A_1777 = arith.constant 0 : i32
      %dma_wait3A_1778 = tpu.memref_slice %arg6[%dma_wait3A_1768, %dma_wait3A_1776, %dma_wait3A_1777] : memref<16x32x128xf32, #tpu.memory_space<vmem>> -> memref<1x32x128xf32, #tpu.memory_space<vmem>>
      %dma_wait3A_1779 = tpu.memref_squeeze %dma_wait3A_1778 : memref<1x32x128xf32, #tpu.memory_space<vmem>> -> memref<32x128xf32, #tpu.memory_space<vmem>>
      %dma_wait3A_1780 = arith.constant 0 : i32
      %dma_wait3A_1781 = arith.constant 0 : i32
      %dma_wait3A_1782 = tpu.memref_slice %arg2[%dma_wait3A_1780, %dma_wait3A_1781] : memref<32x1000000xf32, #tpu.memory_space<hbm>> -> memref<32x128xf32, #tpu.memory_space<hbm>>
      tpu.wait_dma2 semaphore(%arg8 : memref<!tpu.dma_semaphore, #tpu.memory_space<semaphore_mem>>) src(%dma_wait3A_1782 : memref<32x128xf32, #tpu.memory_space<hbm>>) dst(%dma_wait3A_1779 : memref<32x128xf32, #tpu.memory_space<vmem>>)
      %mul3A_1783 = arith.constant 4 : i32
      %mul3A_1784 = arith.muli %add3A_1512, %mul3A_1783 : i32
      %slice3A_1785 = vector.extract_strided_slice %get3A_1502 {offsets = [0], sizes = [1], strides = [1]} : vector<16xi32> to vector<1xi32>
      %squeeze3A_1786 = vector.extract %slice3A_1785[0] : i32 from vector<1xi32>
      %jit3A_1787 = arith.constant 128 : i32
      %eq3A_1788 = arith.constant 0 : i32
      %eq3A_1789 = arith.cmpi eq, %jit3A_1787, %eq3A_1788 : i32
      %jit3A_1790 = arith.constant 1 : i32
      %select_n3A_1791 = arith.select %eq3A_1789, %jit3A_1790, %jit3A_1787 : i32
      %rem3A_1792 = arith.remsi %squeeze3A_1786, %select_n3A_1791 : i32
      %ne3A_1793 = arith.constant 0 : i32
      %ne3A_1794 = arith.cmpi ne, %rem3A_1792, %ne3A_1793 : i32
      %lt3A_1795 = arith.constant 0 : i32
      %lt3A_1796 = arith.cmpi slt, %rem3A_1792, %lt3A_1795 : i32
      %lt3A_1797 = arith.constant 0 : i32
      %lt3A_1798 = arith.cmpi slt, %select_n3A_1791, %lt3A_1797 : i32
      %ne3A_1799 = arith.xori %lt3A_1796, %lt3A_1798 : i1
      %and3A_1800 = arith.andi %ne3A_1799, %ne3A_1794 : i1
      %add3A_1801 = arith.addi %rem3A_1792, %select_n3A_1791 : i32
      %select_n3A_1802 = arith.select %and3A_1800, %add3A_1801, %rem3A_1792 : i32
      %broadcast_in_dim3A_1803 = vector.broadcast %select_n3A_1802 : i32 to vector<16xi32>
      %add3A_1804 = arith.constant 0 : i32
      %add3A_1805 = arith.addi %mul3A_1784, %add3A_1804 : i32
      %broadcast_in_dim3A_1806 = vector.broadcast %add3A_1805 : i32 to vector<16xi32>
      %add3A_1807 = arith.constant 0 : i32
      %add3A_1808 = arith.addi %mul3A_1722, %add3A_1807 : i32
      %broadcast_in_dim3A_1809 = vector.broadcast %add3A_1808 : i32 to vector<16xi32>
      %add3A_1810 = arith.constant 0 : i32
      %add3A_1811 = vector.broadcast %add3A_1810 : i32 to vector<16xi32>
      %add3A_1812 = arith.addi %iota3A, %add3A_1811 : vector<16xi32>
      %gather3A_1813 = tpu.vector_load_idx %arg6[%broadcast_in_dim3A_1809, %add3A_1812, %broadcast_in_dim3A_1803] : memref<16x32x128xf32, #tpu.memory_space<vmem>>[vector<16xi32>, vector<16xi32>, vector<16xi32>], vector<16xf32>,
      %add3A_1814 = arith.constant 0 : i32
      %add3A_1815 = vector.broadcast %add3A_1814 : i32 to vector<16xi32>
      %add3A_1816 = arith.addi %iota3A, %add3A_1815 : vector<16xi32>
      tpu.vector_store_idx %arg7[%add3A_1816, %broadcast_in_dim3A_1806], %gather3A_1813 : memref<32x512xf32, #tpu.memory_space<vmem>>[vector<16xi32>, vector<16xi32>], vector<16xf32>,
      %add3A_1817 = arith.constant 16 : i32
      %add3A_1818 = vector.broadcast %add3A_1817 : i32 to vector<16xi32>
      %add3A_1819 = arith.addi %iota3A, %add3A_1818 : vector<16xi32>
      %gather3A_1820 = tpu.vector_load_idx %arg6[%broadcast_in_dim3A_1809, %add3A_1819, %broadcast_in_dim3A_1803] : memref<16x32x128xf32, #tpu.memory_space<vmem>>[vector<16xi32>, vector<16xi32>, vector<16xi32>], vector<16xf32>,
      %add3A_1821 = arith.constant 16 : i32
      %add3A_1822 = vector.broadcast %add3A_1821 : i32 to vector<16xi32>
      %add3A_1823 = arith.addi %iota3A, %add3A_1822 : vector<16xi32>
      tpu.vector_store_idx %arg7[%add3A_1823, %broadcast_in_dim3A_1806], %gather3A_1820 : memref<32x512xf32, #tpu.memory_space<vmem>>[vector<16xi32>, vector<16xi32>], vector<16xf32>,
      %slice3A_1824 = vector.extract_strided_slice %get3A_1502 {offsets = [1], sizes = [1], strides = [1]} : vector<16xi32> to vector<1xi32>
      %squeeze3A_1825 = vector.extract %slice3A_1824[0] : i32 from vector<1xi32>
      %jit3A_1826 = arith.constant 128 : i32
      %eq3A_1827 = arith.constant 0 : i32
      %eq3A_1828 = arith.cmpi eq, %jit3A_1826, %eq3A_1827 : i32
      %jit3A_1829 = arith.constant 1 : i32
      %select_n3A_1830 = arith.select %eq3A_1828, %jit3A_1829, %jit3A_1826 : i32
      %rem3A_1831 = arith.remsi %squeeze3A_1825, %select_n3A_1830 : i32
      %ne3A_1832 = arith.constant 0 : i32
      %ne3A_1833 = arith.cmpi ne, %rem3A_1831, %ne3A_1832 : i32
      %lt3A_1834 = arith.constant 0 : i32
      %lt3A_1835 = arith.cmpi slt, %rem3A_1831, %lt3A_1834 : i32
      %lt3A_1836 = arith.constant 0 : i32
      %lt3A_1837 = arith.cmpi slt, %select_n3A_1830, %lt3A_1836 : i32
      %ne3A_1838 = arith.xori %lt3A_1835, %lt3A_1837 : i1
      %and3A_1839 = arith.andi %ne3A_1838, %ne3A_1833 : i1
      %add3A_1840 = arith.addi %rem3A_1831, %select_n3A_1830 : i32
      %select_n3A_1841 = arith.select %and3A_1839, %add3A_1840, %rem3A_1831 : i32
      %broadcast_in_dim3A_1842 = vector.broadcast %select_n3A_1841 : i32 to vector<16xi32>
      %add3A_1843 = arith.constant 1 : i32
      %add3A_1844 = arith.addi %mul3A_1784, %add3A_1843 : i32
      %broadcast_in_dim3A_1845 = vector.broadcast %add3A_1844 : i32 to vector<16xi32>
      %add3A_1846 = arith.constant 1 : i32
      %add3A_1847 = arith.addi %mul3A_1722, %add3A_1846 : i32
      %broadcast_in_dim3A_1848 = vector.broadcast %add3A_1847 : i32 to vector<16xi32>
      %add3A_1849 = arith.constant 0 : i32
      %add3A_1850 = vector.broadcast %add3A_1849 : i32 to vector<16xi32>
      %add3A_1851 = arith.addi %iota3A, %add3A_1850 : vector<16xi32>
      %gather3A_1852 = tpu.vector_load_idx %arg6[%broadcast_in_dim3A_1848, %add3A_1851, %broadcast_in_dim3A_1842] : memref<16x32x128xf32, #tpu.memory_space<vmem>>[vector<16xi32>, vector<16xi32>, vector<16xi32>], vector<16xf32>,
      %add3A_1853 = arith.constant 0 : i32
      %add3A_1854 = vector.broadcast %add3A_1853 : i32 to vector<16xi32>
      %add3A_1855 = arith.addi %iota3A, %add3A_1854 : vector<16xi32>
      tpu.vector_store_idx %arg7[%add3A_1855, %broadcast_in_dim3A_1845], %gather3A_1852 : memref<32x512xf32, #tpu.memory_space<vmem>>[vector<16xi32>, vector<16xi32>], vector<16xf32>,
      %add3A_1856 = arith.constant 16 : i32
      %add3A_1857 = vector.broadcast %add3A_1856 : i32 to vector<16xi32>
      %add3A_1858 = arith.addi %iota3A, %add3A_1857 : vector<16xi32>
      %gather3A_1859 = tpu.vector_load_idx %arg6[%broadcast_in_dim3A_1848, %add3A_1858, %broadcast_in_dim3A_1842] : memref<16x32x128xf32, #tpu.memory_space<vmem>>[vector<16xi32>, vector<16xi32>, vector<16xi32>], vector<16xf32>,
      %add3A_1860 = arith.constant 16 : i32
      %add3A_1861 = vector.broadcast %add3A_1860 : i32 to vector<16xi32>
      %add3A_1862 = arith.addi %iota3A, %add3A_1861 : vector<16xi32>
      tpu.vector_store_idx %arg7[%add3A_1862, %broadcast_in_dim3A_1845], %gather3A_1859 : memref<32x512xf32, #tpu.memory_space<vmem>>[vector<16xi32>, vector<16xi32>], vector<16xf32>,
      %slice3A_1863 = vector.extract_strided_slice %get3A_1502 {offsets = [2], sizes = [1], strides = [1]} : vector<16xi32> to vector<1xi32>
      %squeeze3A_1864 = vector.extract %slice3A_1863[0] : i32 from vector<1xi32>
      %jit3A_1865 = arith.constant 128 : i32
      %eq3A_1866 = arith.constant 0 : i32
      %eq3A_1867 = arith.cmpi eq, %jit3A_1865, %eq3A_1866 : i32
      %jit3A_1868 = arith.constant 1 : i32
      %select_n3A_1869 = arith.select %eq3A_1867, %jit3A_1868, %jit3A_1865 : i32
      %rem3A_1870 = arith.remsi %squeeze3A_1864, %select_n3A_1869 : i32
      %ne3A_1871 = arith.constant 0 : i32
      %ne3A_1872 = arith.cmpi ne, %rem3A_1870, %ne3A_1871 : i32
      %lt3A_1873 = arith.constant 0 : i32
      %lt3A_1874 = arith.cmpi slt, %rem3A_1870, %lt3A_1873 : i32
      %lt3A_1875 = arith.constant 0 : i32
      %lt3A_1876 = arith.cmpi slt, %select_n3A_1869, %lt3A_1875 : i32
      %ne3A_1877 = arith.xori %lt3A_1874, %lt3A_1876 : i1
      %and3A_1878 = arith.andi %ne3A_1877, %ne3A_1872 : i1
      %add3A_1879 = arith.addi %rem3A_1870, %select_n3A_1869 : i32
      %select_n3A_1880 = arith.select %and3A_1878, %add3A_1879, %rem3A_1870 : i32
      %broadcast_in_dim3A_1881 = vector.broadcast %select_n3A_1880 : i32 to vector<16xi32>
      %add3A_1882 = arith.constant 2 : i32
      %add3A_1883 = arith.addi %mul3A_1784, %add3A_1882 : i32
      %broadcast_in_dim3A_1884 = vector.broadcast %add3A_1883 : i32 to vector<16xi32>
      %add3A_1885 = arith.constant 2 : i32
      %add3A_1886 = arith.addi %mul3A_1722, %add3A_1885 : i32
      %broadcast_in_dim3A_1887 = vector.broadcast %add3A_1886 : i32 to vector<16xi32>
      %add3A_1888 = arith.constant 0 : i32
      %add3A_1889 = vector.broadcast %add3A_1888 : i32 to vector<16xi32>
      %add3A_1890 = arith.addi %iota3A, %add3A_1889 : vector<16xi32>
      %gather3A_1891 = tpu.vector_load_idx %arg6[%broadcast_in_dim3A_1887, %add3A_1890, %broadcast_in_dim3A_1881] : memref<16x32x128xf32, #tpu.memory_space<vmem>>[vector<16xi32>, vector<16xi32>, vector<16xi32>], vector<16xf32>,
      %add3A_1892 = arith.constant 0 : i32
      %add3A_1893 = vector.broadcast %add3A_1892 : i32 to vector<16xi32>
      %add3A_1894 = arith.addi %iota3A, %add3A_1893 : vector<16xi32>
      tpu.vector_store_idx %arg7[%add3A_1894, %broadcast_in_dim3A_1884], %gather3A_1891 : memref<32x512xf32, #tpu.memory_space<vmem>>[vector<16xi32>, vector<16xi32>], vector<16xf32>,
      %add3A_1895 = arith.constant 16 : i32
      %add3A_1896 = vector.broadcast %add3A_1895 : i32 to vector<16xi32>
      %add3A_1897 = arith.addi %iota3A, %add3A_1896 : vector<16xi32>
      %gather3A_1898 = tpu.vector_load_idx %arg6[%broadcast_in_dim3A_1887, %add3A_1897, %broadcast_in_dim3A_1881] : memref<16x32x128xf32, #tpu.memory_space<vmem>>[vector<16xi32>, vector<16xi32>, vector<16xi32>], vector<16xf32>,
      %add3A_1899 = arith.constant 16 : i32
      %add3A_1900 = vector.broadcast %add3A_1899 : i32 to vector<16xi32>
      %add3A_1901 = arith.addi %iota3A, %add3A_1900 : vector<16xi32>
      tpu.vector_store_idx %arg7[%add3A_1901, %broadcast_in_dim3A_1884], %gather3A_1898 : memref<32x512xf32, #tpu.memory_space<vmem>>[vector<16xi32>, vector<16xi32>], vector<16xf32>,
      %slice3A_1902 = vector.extract_strided_slice %get3A_1502 {offsets = [3], sizes = [1], strides = [1]} : vector<16xi32> to vector<1xi32>
      %squeeze3A_1903 = vector.extract %slice3A_1902[0] : i32 from vector<1xi32>
      %jit3A_1904 = arith.constant 128 : i32
      %eq3A_1905 = arith.constant 0 : i32
      %eq3A_1906 = arith.cmpi eq, %jit3A_1904, %eq3A_1905 : i32
      %jit3A_1907 = arith.constant 1 : i32
      %select_n3A_1908 = arith.select %eq3A_1906, %jit3A_1907, %jit3A_1904 : i32
      %rem3A_1909 = arith.remsi %squeeze3A_1903, %select_n3A_1908 : i32
      %ne3A_1910 = arith.constant 0 : i32
      %ne3A_1911 = arith.cmpi ne, %rem3A_1909, %ne3A_1910 : i32
      %lt3A_1912 = arith.constant 0 : i32
      %lt3A_1913 = arith.cmpi slt, %rem3A_1909, %lt3A_1912 : i32
      %lt3A_1914 = arith.constant 0 : i32
      %lt3A_1915 = arith.cmpi slt, %select_n3A_1908, %lt3A_1914 : i32
      %ne3A_1916 = arith.xori %lt3A_1913, %lt3A_1915 : i1
      %and3A_1917 = arith.andi %ne3A_1916, %ne3A_1911 : i1
      %add3A_1918 = arith.addi %rem3A_1909, %select_n3A_1908 : i32
      %select_n3A_1919 = arith.select %and3A_1917, %add3A_1918, %rem3A_1909 : i32
      %broadcast_in_dim3A_1920 = vector.broadcast %select_n3A_1919 : i32 to vector<16xi32>
      %add3A_1921 = arith.constant 3 : i32
      %add3A_1922 = arith.addi %mul3A_1784, %add3A_1921 : i32
      %broadcast_in_dim3A_1923 = vector.broadcast %add3A_1922 : i32 to vector<16xi32>
      %add3A_1924 = arith.constant 3 : i32
      %add3A_1925 = arith.addi %mul3A_1722, %add3A_1924 : i32
      %broadcast_in_dim3A_1926 = vector.broadcast %add3A_1925 : i32 to vector<16xi32>
      %add3A_1927 = arith.constant 0 : i32
      %add3A_1928 = vector.broadcast %add3A_1927 : i32 to vector<16xi32>
      %add3A_1929 = arith.addi %iota3A, %add3A_1928 : vector<16xi32>
      %gather3A_1930 = tpu.vector_load_idx %arg6[%broadcast_in_dim3A_1926, %add3A_1929, %broadcast_in_dim3A_1920] : memref<16x32x128xf32, #tpu.memory_space<vmem>>[vector<16xi32>, vector<16xi32>, vector<16xi32>], vector<16xf32>,
      %add3A_1931 = arith.constant 0 : i32
      %add3A_1932 = vector.broadcast %add3A_1931 : i32 to vector<16xi32>
      %add3A_1933 = arith.addi %iota3A, %add3A_1932 : vector<16xi32>
      tpu.vector_store_idx %arg7[%add3A_1933, %broadcast_in_dim3A_1923], %gather3A_1930 : memref<32x512xf32, #tpu.memory_space<vmem>>[vector<16xi32>, vector<16xi32>], vector<16xf32>,
      %add3A_1934 = arith.constant 16 : i32
      %add3A_1935 = vector.broadcast %add3A_1934 : i32 to vector<16xi32>
      %add3A_1936 = arith.addi %iota3A, %add3A_1935 : vector<16xi32>
      %gather3A_1937 = tpu.vector_load_idx %arg6[%broadcast_in_dim3A_1926, %add3A_1936, %broadcast_in_dim3A_1920] : memref<16x32x128xf32, #tpu.memory_space<vmem>>[vector<16xi32>, vector<16xi32>, vector<16xi32>], vector<16xf32>,
      %add3A_1938 = arith.constant 16 : i32
      %add3A_1939 = vector.broadcast %add3A_1938 : i32 to vector<16xi32>
      %add3A_1940 = arith.addi %iota3A, %add3A_1939 : vector<16xi32>
      tpu.vector_store_idx %arg7[%add3A_1940, %broadcast_in_dim3A_1923], %gather3A_1937 : memref<32x512xf32, #tpu.memory_space<vmem>>[vector<16xi32>, vector<16xi32>], vector<16xf32>,
      %mul3A_1941 = arith.constant 4 : i32
      %mul3A_1942 = arith.muli %scan3A_1498, %mul3A_1941 : i32
      %add3A_1943 = arith.constant 1 : i32
      %add3A_1944 = arith.addi %mul3A_1942, %add3A_1943 : i32
      %add3A_1945 = arith.constant 3 : i32
      %add3A_1946 = arith.addi %add3A_1944, %add3A_1945 : i32
      %jit3A_1947 = arith.constant 4 : i32
      %eq3A_1948 = arith.constant 0 : i32
      %eq3A_1949 = arith.cmpi eq, %jit3A_1947, %eq3A_1948 : i32
      %jit3A_1950 = arith.constant 1 : i32
      %select_n3A_1951 = arith.select %eq3A_1949, %jit3A_1950, %jit3A_1947 : i32
      %rem3A_1952 = arith.remsi %add3A_1946, %select_n3A_1951 : i32
      %ne3A_1953 = arith.constant 0 : i32
      %ne3A_1954 = arith.cmpi ne, %rem3A_1952, %ne3A_1953 : i32
      %lt3A_1955 = arith.constant 0 : i32
      %lt3A_1956 = arith.cmpi slt, %rem3A_1952, %lt3A_1955 : i32
      %lt3A_1957 = arith.constant 0 : i32
      %lt3A_1958 = arith.cmpi slt, %select_n3A_1951, %lt3A_1957 : i32
      %ne3A_1959 = arith.xori %lt3A_1956, %lt3A_1958 : i1
      %and3A_1960 = arith.andi %ne3A_1959, %ne3A_1954 : i1
      %add3A_1961 = arith.addi %rem3A_1952, %select_n3A_1951 : i32
      %select_n3A_1962 = arith.select %and3A_1960, %add3A_1961, %rem3A_1952 : i32
      %mul3A_1963 = arith.constant 4 : i32
      %mul3A_1964 = arith.muli %select_n3A_1962, %mul3A_1963 : i32
      %slice3A_1965 = vector.extract_strided_slice %get3A_1508 {offsets = [0], sizes = [1], strides = [1]} : vector<16xi32> to vector<1xi32>
      %squeeze3A_1966 = vector.extract %slice3A_1965[0] : i32 from vector<1xi32>
      %jit3A_1967 = arith.constant 128 : i32
      %div3A_1968 = arith.divsi %squeeze3A_1966, %jit3A_1967 : i32
      %sign3A_1969 = arith.constant 0 : i32
      %sign3A_1970 = arith.cmpi sgt, %squeeze3A_1966, %sign3A_1969 : i32
      %sign3A_1971 = arith.extui %sign3A_1970 : i1 to i32
      %sign3A_1972 = arith.constant 0 : i32
      %sign3A_1973 = arith.cmpi slt, %squeeze3A_1966, %sign3A_1972 : i32
      %sign3A_1974 = arith.extui %sign3A_1973 : i1 to i32
      %sign3A_1975 = arith.subi %sign3A_1971, %sign3A_1974 : i32
      %sign3A_1976 = arith.constant 0 : i32
      %sign3A_1977 = arith.cmpi sgt, %jit3A_1967, %sign3A_1976 : i32
      %sign3A_1978 = arith.extui %sign3A_1977 : i1 to i32
      %sign3A_1979 = arith.constant 0 : i32
      %sign3A_1980 = arith.cmpi slt, %jit3A_1967, %sign3A_1979 : i32
      %sign3A_1981 = arith.extui %sign3A_1980 : i1 to i32
      %sign3A_1982 = arith.subi %sign3A_1978, %sign3A_1981 : i32
      %ne3A_1983 = arith.cmpi ne, %sign3A_1975, %sign3A_1982 : i32
      %rem3A_1984 = arith.remsi %squeeze3A_1966, %jit3A_1967 : i32
      %ne3A_1985 = arith.constant 0 : i32
      %ne3A_1986 = arith.cmpi ne, %rem3A_1984, %ne3A_1985 : i32
      %and3A_1987 = arith.andi %ne3A_1983, %ne3A_1986 : i1
      %sub3A_1988 = arith.constant 1 : i32
      %sub3A_1989 = arith.subi %div3A_1968, %sub3A_1988 : i32
      %select_n3A_1990 = arith.select %and3A_1987, %sub3A_1989, %div3A_1968 : i32
      %mul3A_1991 = arith.constant 128 : i32
      %mul3A_1992 = arith.muli %select_n3A_1990, %mul3A_1991 : i32
      %multiple_of3A_1993 = tpu.assume_multiple %mul3A_1992, 128 : i32
      %add3A_1994 = arith.constant 0 : i32
      %add3A_1995 = arith.addi %mul3A_1964, %add3A_1994 : i32
      %dma_start3A_1996 = arith.constant 0 : i32
      %dma_start3A_1997 = arith.constant 0 : i32
      %dma_start3A_1998 = tpu.memref_slice %arg6[%add3A_1995, %dma_start3A_1996, %dma_start3A_1997] : memref<16x32x128xf32, #tpu.memory_space<vmem>> -> memref<1x32x128xf32, #tpu.memory_space<vmem>>
      %dma_start3A_1999 = tpu.memref_squeeze %dma_start3A_1998 : memref<1x32x128xf32, #tpu.memory_space<vmem>> -> memref<32x128xf32, #tpu.memory_space<vmem>>
      %dma_start3A_2000 = arith.constant 0 : i32
      %dma_start3A_2001 = tpu.memref_slice %arg2[%dma_start3A_2000, %multiple_of3A_1993] : memref<32x1000000xf32, #tpu.memory_space<hbm>> -> memref<32x128xf32, #tpu.memory_space<hbm>>
      %dma_start3A_2002 = arith.constant 0 : i32
      %dma_start3A_2003 = arith.constant 0 : i32
      %dma_start3A_2004 = tpu.memref_slice %arg6[%add3A_1995, %dma_start3A_2002, %dma_start3A_2003] : memref<16x32x128xf32, #tpu.memory_space<vmem>> -> memref<1x32x128xf32, #tpu.memory_space<vmem>>
      %dma_start3A_2005 = tpu.memref_squeeze %dma_start3A_2004 : memref<1x32x128xf32, #tpu.memory_space<vmem>> -> memref<32x128xf32, #tpu.memory_space<vmem>>
      %dma_start3A_2006 = arith.constant 0 : i32
      %dma_start3A_2007 = tpu.memref_slice %arg2[%dma_start3A_2006, %multiple_of3A_1993] : memref<32x1000000xf32, #tpu.memory_space<hbm>> -> memref<32x128xf32, #tpu.memory_space<hbm>>
      tpu.enqueue_dma source(%dma_start3A_2007 : memref<32x128xf32, #tpu.memory_space<hbm>>) target(%dma_start3A_2005 : memref<32x128xf32, #tpu.memory_space<vmem>>) target_semaphore(%arg8 : memref<!tpu.dma_semaphore, #tpu.memory_space<semaphore_mem>>)
      %slice3A_2008 = vector.extract_strided_slice %get3A_1508 {offsets = [1], sizes = [1], strides = [1]} : vector<16xi32> to vector<1xi32>
      %squeeze3A_2009 = vector.extract %slice3A_2008[0] : i32 from vector<1xi32>
      %jit3A_2010 = arith.constant 128 : i32
      %div3A_2011 = arith.divsi %squeeze3A_2009, %jit3A_2010 : i32
      %sign3A_2012 = arith.constant 0 : i32
      %sign3A_2013 = arith.cmpi sgt, %squeeze3A_2009, %sign3A_2012 : i32
      %sign3A_2014 = arith.extui %sign3A_2013 : i1 to i32
      %sign3A_2015 = arith.constant 0 : i32
      %sign3A_2016 = arith.cmpi slt, %squeeze3A_2009, %sign3A_2015 : i32
      %sign3A_2017 = arith.extui %sign3A_2016 : i1 to i32
      %sign3A_2018 = arith.subi %sign3A_2014, %sign3A_2017 : i32
      %sign3A_2019 = arith.constant 0 : i32
      %sign3A_2020 = arith.cmpi sgt, %jit3A_2010, %sign3A_2019 : i32
      %sign3A_2021 = arith.extui %sign3A_2020 : i1 to i32
      %sign3A_2022 = arith.constant 0 : i32
      %sign3A_2023 = arith.cmpi slt, %jit3A_2010, %sign3A_2022 : i32
      %sign3A_2024 = arith.extui %sign3A_2023 : i1 to i32
      %sign3A_2025 = arith.subi %sign3A_2021, %sign3A_2024 : i32
      %ne3A_2026 = arith.cmpi ne, %sign3A_2018, %sign3A_2025 : i32
      %rem3A_2027 = arith.remsi %squeeze3A_2009, %jit3A_2010 : i32
      %ne3A_2028 = arith.constant 0 : i32
      %ne3A_2029 = arith.cmpi ne, %rem3A_2027, %ne3A_2028 : i32
      %and3A_2030 = arith.andi %ne3A_2026, %ne3A_2029 : i1
      %sub3A_2031 = arith.constant 1 : i32
      %sub3A_2032 = arith.subi %div3A_2011, %sub3A_2031 : i32
      %select_n3A_2033 = arith.select %and3A_2030, %sub3A_2032, %div3A_2011 : i32
      %mul3A_2034 = arith.constant 128 : i32
      %mul3A_2035 = arith.muli %select_n3A_2033, %mul3A_2034 : i32
      %multiple_of3A_2036 = tpu.assume_multiple %mul3A_2035, 128 : i32
      %add3A_2037 = arith.constant 1 : i32
      %add3A_2038 = arith.addi %mul3A_1964, %add3A_2037 : i32
      %dma_start3A_2039 = arith.constant 0 : i32
      %dma_start3A_2040 = arith.constant 0 : i32
      %dma_start3A_2041 = tpu.memref_slice %arg6[%add3A_2038, %dma_start3A_2039, %dma_start3A_2040] : memref<16x32x128xf32, #tpu.memory_space<vmem>> -> memref<1x32x128xf32, #tpu.memory_space<vmem>>
      %dma_start3A_2042 = tpu.memref_squeeze %dma_start3A_2041 : memref<1x32x128xf32, #tpu.memory_space<vmem>> -> memref<32x128xf32, #tpu.memory_space<vmem>>
      %dma_start3A_2043 = arith.constant 0 : i32
      %dma_start3A_2044 = tpu.memref_slice %arg2[%dma_start3A_2043, %multiple_of3A_2036] : memref<32x1000000xf32, #tpu.memory_space<hbm>> -> memref<32x128xf32, #tpu.memory_space<hbm>>
      %dma_start3A_2045 = arith.constant 0 : i32
      %dma_start3A_2046 = arith.constant 0 : i32
      %dma_start3A_2047 = tpu.memref_slice %arg6[%add3A_2038, %dma_start3A_2045, %dma_start3A_2046] : memref<16x32x128xf32, #tpu.memory_space<vmem>> -> memref<1x32x128xf32, #tpu.memory_space<vmem>>
      %dma_start3A_2048 = tpu.memref_squeeze %dma_start3A_2047 : memref<1x32x128xf32, #tpu.memory_space<vmem>> -> memref<32x128xf32, #tpu.memory_space<vmem>>
      %dma_start3A_2049 = arith.constant 0 : i32
      %dma_start3A_2050 = tpu.memref_slice %arg2[%dma_start3A_2049, %multiple_of3A_2036] : memref<32x1000000xf32, #tpu.memory_space<hbm>> -> memref<32x128xf32, #tpu.memory_space<hbm>>
      tpu.enqueue_dma source(%dma_start3A_2050 : memref<32x128xf32, #tpu.memory_space<hbm>>) target(%dma_start3A_2048 : memref<32x128xf32, #tpu.memory_space<vmem>>) target_semaphore(%arg8 : memref<!tpu.dma_semaphore, #tpu.memory_space<semaphore_mem>>)
      %slice3A_2051 = vector.extract_strided_slice %get3A_1508 {offsets = [2], sizes = [1], strides = [1]} : vector<16xi32> to vector<1xi32>
      %squeeze3A_2052 = vector.extract %slice3A_2051[0] : i32 from vector<1xi32>
      %jit3A_2053 = arith.constant 128 : i32
      %div3A_2054 = arith.divsi %squeeze3A_2052, %jit3A_2053 : i32
      %sign3A_2055 = arith.constant 0 : i32
      %sign3A_2056 = arith.cmpi sgt, %squeeze3A_2052, %sign3A_2055 : i32
      %sign3A_2057 = arith.extui %sign3A_2056 : i1 to i32
      %sign3A_2058 = arith.constant 0 : i32
      %sign3A_2059 = arith.cmpi slt, %squeeze3A_2052, %sign3A_2058 : i32
      %sign3A_2060 = arith.extui %sign3A_2059 : i1 to i32
      %sign3A_2061 = arith.subi %sign3A_2057, %sign3A_2060 : i32
      %sign3A_2062 = arith.constant 0 : i32
      %sign3A_2063 = arith.cmpi sgt, %jit3A_2053, %sign3A_2062 : i32
      %sign3A_2064 = arith.extui %sign3A_2063 : i1 to i32
      %sign3A_2065 = arith.constant 0 : i32
      %sign3A_2066 = arith.cmpi slt, %jit3A_2053, %sign3A_2065 : i32
      %sign3A_2067 = arith.extui %sign3A_2066 : i1 to i32
      %sign3A_2068 = arith.subi %sign3A_2064, %sign3A_2067 : i32
      %ne3A_2069 = arith.cmpi ne, %sign3A_2061, %sign3A_2068 : i32
      %rem3A_2070 = arith.remsi %squeeze3A_2052, %jit3A_2053 : i32
      %ne3A_2071 = arith.constant 0 : i32
      %ne3A_2072 = arith.cmpi ne, %rem3A_2070, %ne3A_2071 : i32
      %and3A_2073 = arith.andi %ne3A_2069, %ne3A_2072 : i1
      %sub3A_2074 = arith.constant 1 : i32
      %sub3A_2075 = arith.subi %div3A_2054, %sub3A_2074 : i32
      %select_n3A_2076 = arith.select %and3A_2073, %sub3A_2075, %div3A_2054 : i32
      %mul3A_2077 = arith.constant 128 : i32
      %mul3A_2078 = arith.muli %select_n3A_2076, %mul3A_2077 : i32
      %multiple_of3A_2079 = tpu.assume_multiple %mul3A_2078, 128 : i32
      %add3A_2080 = arith.constant 2 : i32
      %add3A_2081 = arith.addi %mul3A_1964, %add3A_2080 : i32
      %dma_start3A_2082 = arith.constant 0 : i32
      %dma_start3A_2083 = arith.constant 0 : i32
      %dma_start3A_2084 = tpu.memref_slice %arg6[%add3A_2081, %dma_start3A_2082, %dma_start3A_2083] : memref<16x32x128xf32, #tpu.memory_space<vmem>> -> memref<1x32x128xf32, #tpu.memory_space<vmem>>
      %dma_start3A_2085 = tpu.memref_squeeze %dma_start3A_2084 : memref<1x32x128xf32, #tpu.memory_space<vmem>> -> memref<32x128xf32, #tpu.memory_space<vmem>>
      %dma_start3A_2086 = arith.constant 0 : i32
      %dma_start3A_2087 = tpu.memref_slice %arg2[%dma_start3A_2086, %multiple_of3A_2079] : memref<32x1000000xf32, #tpu.memory_space<hbm>> -> memref<32x128xf32, #tpu.memory_space<hbm>>
      %dma_start3A_2088 = arith.constant 0 : i32
      %dma_start3A_2089 = arith.constant 0 : i32
      %dma_start3A_2090 = tpu.memref_slice %arg6[%add3A_2081, %dma_start3A_2088, %dma_start3A_2089] : memref<16x32x128xf32, #tpu.memory_space<vmem>> -> memref<1x32x128xf32, #tpu.memory_space<vmem>>
      %dma_start3A_2091 = tpu.memref_squeeze %dma_start3A_2090 : memref<1x32x128xf32, #tpu.memory_space<vmem>> -> memref<32x128xf32, #tpu.memory_space<vmem>>
      %dma_start3A_2092 = arith.constant 0 : i32
      %dma_start3A_2093 = tpu.memref_slice %arg2[%dma_start3A_2092, %multiple_of3A_2079] : memref<32x1000000xf32, #tpu.memory_space<hbm>> -> memref<32x128xf32, #tpu.memory_space<hbm>>
      tpu.enqueue_dma source(%dma_start3A_2093 : memref<32x128xf32, #tpu.memory_space<hbm>>) target(%dma_start3A_2091 : memref<32x128xf32, #tpu.memory_space<vmem>>) target_semaphore(%arg8 : memref<!tpu.dma_semaphore, #tpu.memory_space<semaphore_mem>>)
      %slice3A_2094 = vector.extract_strided_slice %get3A_1508 {offsets = [3], sizes = [1], strides = [1]} : vector<16xi32> to vector<1xi32>
      %squeeze3A_2095 = vector.extract %slice3A_2094[0] : i32 from vector<1xi32>
      %jit3A_2096 = arith.constant 128 : i32
      %div3A_2097 = arith.divsi %squeeze3A_2095, %jit3A_2096 : i32
      %sign3A_2098 = arith.constant 0 : i32
      %sign3A_2099 = arith.cmpi sgt, %squeeze3A_2095, %sign3A_2098 : i32
      %sign3A_2100 = arith.extui %sign3A_2099 : i1 to i32
      %sign3A_2101 = arith.constant 0 : i32
      %sign3A_2102 = arith.cmpi slt, %squeeze3A_2095, %sign3A_2101 : i32
      %sign3A_2103 = arith.extui %sign3A_2102 : i1 to i32
      %sign3A_2104 = arith.subi %sign3A_2100, %sign3A_2103 : i32
      %sign3A_2105 = arith.constant 0 : i32
      %sign3A_2106 = arith.cmpi sgt, %jit3A_2096, %sign3A_2105 : i32
      %sign3A_2107 = arith.extui %sign3A_2106 : i1 to i32
      %sign3A_2108 = arith.constant 0 : i32
      %sign3A_2109 = arith.cmpi slt, %jit3A_2096, %sign3A_2108 : i32
      %sign3A_2110 = arith.extui %sign3A_2109 : i1 to i32
      %sign3A_2111 = arith.subi %sign3A_2107, %sign3A_2110 : i32
      %ne3A_2112 = arith.cmpi ne, %sign3A_2104, %sign3A_2111 : i32
      %rem3A_2113 = arith.remsi %squeeze3A_2095, %jit3A_2096 : i32
      %ne3A_2114 = arith.constant 0 : i32
      %ne3A_2115 = arith.cmpi ne, %rem3A_2113, %ne3A_2114 : i32
      %and3A_2116 = arith.andi %ne3A_2112, %ne3A_2115 : i1
      %sub3A_2117 = arith.constant 1 : i32
      %sub3A_2118 = arith.subi %div3A_2097, %sub3A_2117 : i32
      %select_n3A_2119 = arith.select %and3A_2116, %sub3A_2118, %div3A_2097 : i32
      %mul3A_2120 = arith.constant 128 : i32
      %mul3A_2121 = arith.muli %select_n3A_2119, %mul3A_2120 : i32
      %multiple_of3A_2122 = tpu.assume_multiple %mul3A_2121, 128 : i32
      %add3A_2123 = arith.constant 3 : i32
      %add3A_2124 = arith.addi %mul3A_1964, %add3A_2123 : i32
      %dma_start3A_2125 = arith.constant 0 : i32
      %dma_start3A_2126 = arith.constant 0 : i32
      %dma_start3A_2127 = tpu.memref_slice %arg6[%add3A_2124, %dma_start3A_2125, %dma_start3A_2126] : memref<16x32x128xf32, #tpu.memory_space<vmem>> -> memref<1x32x128xf32, #tpu.memory_space<vmem>>
      %dma_start3A_2128 = tpu.memref_squeeze %dma_start3A_2127 : memref<1x32x128xf32, #tpu.memory_space<vmem>> -> memref<32x128xf32, #tpu.memory_space<vmem>>
      %dma_start3A_2129 = arith.constant 0 : i32
      %dma_start3A_2130 = tpu.memref_slice %arg2[%dma_start3A_2129, %multiple_of3A_2122] : memref<32x1000000xf32, #tpu.memory_space<hbm>> -> memref<32x128xf32, #tpu.memory_space<hbm>>
      %dma_start3A_2131 = arith.constant 0 : i32
      %dma_start3A_2132 = arith.constant 0 : i32
      %dma_start3A_2133 = tpu.memref_slice %arg6[%add3A_2124, %dma_start3A_2131, %dma_start3A_2132] : memref<16x32x128xf32, #tpu.memory_space<vmem>> -> memref<1x32x128xf32, #tpu.memory_space<vmem>>
      %dma_start3A_2134 = tpu.memref_squeeze %dma_start3A_2133 : memref<1x32x128xf32, #tpu.memory_space<vmem>> -> memref<32x128xf32, #tpu.memory_space<vmem>>
      %dma_start3A_2135 = arith.constant 0 : i32
      %dma_start3A_2136 = tpu.memref_slice %arg2[%dma_start3A_2135, %multiple_of3A_2122] : memref<32x1000000xf32, #tpu.memory_space<hbm>> -> memref<32x128xf32, #tpu.memory_space<hbm>>
      tpu.enqueue_dma source(%dma_start3A_2136 : memref<32x128xf32, #tpu.memory_space<hbm>>) target(%dma_start3A_2134 : memref<32x128xf32, #tpu.memory_space<vmem>>) target_semaphore(%arg8 : memref<!tpu.dma_semaphore, #tpu.memory_space<semaphore_mem>>)
      %jit3A_2137 = arith.constant 4 : i32
      %eq3A_2138 = arith.constant 0 : i32
      %eq3A_2139 = arith.cmpi eq, %jit3A_2137, %eq3A_2138 : i32
      %jit3A_2140 = arith.constant 1 : i32
      %select_n3A_2141 = arith.select %eq3A_2139, %jit3A_2140, %jit3A_2137 : i32
      %rem3A_2142 = arith.remsi %add3A_1944, %select_n3A_2141 : i32
      %ne3A_2143 = arith.constant 0 : i32
      %ne3A_2144 = arith.cmpi ne, %rem3A_2142, %ne3A_2143 : i32
      %lt3A_2145 = arith.constant 0 : i32
      %lt3A_2146 = arith.cmpi slt, %rem3A_2142, %lt3A_2145 : i32
      %lt3A_2147 = arith.constant 0 : i32
      %lt3A_2148 = arith.cmpi slt, %select_n3A_2141, %lt3A_2147 : i32
      %ne3A_2149 = arith.xori %lt3A_2146, %lt3A_2148 : i1
      %and3A_2150 = arith.andi %ne3A_2149, %ne3A_2144 : i1
      %add3A_2151 = arith.addi %rem3A_2142, %select_n3A_2141 : i32
      %select_n3A_2152 = arith.select %and3A_2150, %add3A_2151, %rem3A_2142 : i32
      %mul3A_2153 = arith.constant 4 : i32
      %mul3A_2154 = arith.muli %select_n3A_2152, %mul3A_2153 : i32
      %dma_wait3A_2155 = arith.constant 0 : i32
      %dma_wait3A_2156 = arith.constant 0 : i32
      %dma_wait3A_2157 = arith.constant 0 : i32
      %dma_wait3A_2158 = tpu.memref_slice %arg6[%dma_wait3A_2155, %dma_wait3A_2156, %dma_wait3A_2157] : memref<16x32x128xf32, #tpu.memory_space<vmem>> -> memref<1x32x128xf32, #tpu.memory_space<vmem>>
      %dma_wait3A_2159 = tpu.memref_squeeze %dma_wait3A_2158 : memref<1x32x128xf32, #tpu.memory_space<vmem>> -> memref<32x128xf32, #tpu.memory_space<vmem>>
      %dma_wait3A_2160 = arith.constant 0 : i32
      %dma_wait3A_2161 = arith.constant 0 : i32
      %dma_wait3A_2162 = tpu.memref_slice %arg2[%dma_wait3A_2160, %dma_wait3A_2161] : memref<32x1000000xf32, #tpu.memory_space<hbm>> -> memref<32x128xf32, #tpu.memory_space<hbm>>
      %dma_wait3A_2163 = arith.constant 0 : i32
      %dma_wait3A_2164 = arith.constant 0 : i32
      %dma_wait3A_2165 = tpu.memref_slice %arg6[%dma_wait3A_2155, %dma_wait3A_2163, %dma_wait3A_2164] : memref<16x32x128xf32, #tpu.memory_space<vmem>> -> memref<1x32x128xf32, #tpu.memory_space<vmem>>
      %dma_wait3A_2166 = tpu.memref_squeeze %dma_wait3A_2165 : memref<1x32x128xf32, #tpu.memory_space<vmem>> -> memref<32x128xf32, #tpu.memory_space<vmem>>
      %dma_wait3A_2167 = arith.constant 0 : i32
      %dma_wait3A_2168 = arith.constant 0 : i32
      %dma_wait3A_2169 = tpu.memref_slice %arg2[%dma_wait3A_2167, %dma_wait3A_2168] : memref<32x1000000xf32, #tpu.memory_space<hbm>> -> memref<32x128xf32, #tpu.memory_space<hbm>>
      tpu.wait_dma2 semaphore(%arg8 : memref<!tpu.dma_semaphore, #tpu.memory_space<semaphore_mem>>) src(%dma_wait3A_2169 : memref<32x128xf32, #tpu.memory_space<hbm>>) dst(%dma_wait3A_2166 : memref<32x128xf32, #tpu.memory_space<vmem>>)
      %dma_wait3A_2170 = arith.constant 0 : i32
      %dma_wait3A_2171 = arith.constant 0 : i32
      %dma_wait3A_2172 = arith.constant 0 : i32
      %dma_wait3A_2173 = tpu.memref_slice %arg6[%dma_wait3A_2170, %dma_wait3A_2171, %dma_wait3A_2172] : memref<16x32x128xf32, #tpu.memory_space<vmem>> -> memref<1x32x128xf32, #tpu.memory_space<vmem>>
      %dma_wait3A_2174 = tpu.memref_squeeze %dma_wait3A_2173 : memref<1x32x128xf32, #tpu.memory_space<vmem>> -> memref<32x128xf32, #tpu.memory_space<vmem>>
      %dma_wait3A_2175 = arith.constant 0 : i32
      %dma_wait3A_2176 = arith.constant 0 : i32
      %dma_wait3A_2177 = tpu.memref_slice %arg2[%dma_wait3A_2175, %dma_wait3A_2176] : memref<32x1000000xf32, #tpu.memory_space<hbm>> -> memref<32x128xf32, #tpu.memory_space<hbm>>
      %dma_wait3A_2178 = arith.constant 0 : i32
      %dma_wait3A_2179 = arith.constant 0 : i32
      %dma_wait3A_2180 = tpu.memref_slice %arg6[%dma_wait3A_2170, %dma_wait3A_2178, %dma_wait3A_2179] : memref<16x32x128xf32, #tpu.memory_space<vmem>> -> memref<1x32x128xf32, #tpu.memory_space<vmem>>
      %dma_wait3A_2181 = tpu.memref_squeeze %dma_wait3A_2180 : memref<1x32x128xf32, #tpu.memory_space<vmem>> -> memref<32x128xf32, #tpu.memory_space<vmem>>
      %dma_wait3A_2182 = arith.constant 0 : i32
      %dma_wait3A_2183 = arith.constant 0 : i32
      %dma_wait3A_2184 = tpu.memref_slice %arg2[%dma_wait3A_2182, %dma_wait3A_2183] : memref<32x1000000xf32, #tpu.memory_space<hbm>> -> memref<32x128xf32, #tpu.memory_space<hbm>>
      tpu.wait_dma2 semaphore(%arg8 : memref<!tpu.dma_semaphore, #tpu.memory_space<semaphore_mem>>) src(%dma_wait3A_2184 : memref<32x128xf32, #tpu.memory_space<hbm>>) dst(%dma_wait3A_2181 : memref<32x128xf32, #tpu.memory_space<vmem>>)
      %dma_wait3A_2185 = arith.constant 0 : i32
      %dma_wait3A_2186 = arith.constant 0 : i32
      %dma_wait3A_2187 = arith.constant 0 : i32
      %dma_wait3A_2188 = tpu.memref_slice %arg6[%dma_wait3A_2185, %dma_wait3A_2186, %dma_wait3A_2187] : memref<16x32x128xf32, #tpu.memory_space<vmem>> -> memref<1x32x128xf32, #tpu.memory_space<vmem>>
      %dma_wait3A_2189 = tpu.memref_squeeze %dma_wait3A_2188 : memref<1x32x128xf32, #tpu.memory_space<vmem>> -> memref<32x128xf32, #tpu.memory_space<vmem>>
      %dma_wait3A_2190 = arith.constant 0 : i32
      %dma_wait3A_2191 = arith.constant 0 : i32
      %dma_wait3A_2192 = tpu.memref_slice %arg2[%dma_wait3A_2190, %dma_wait3A_2191] : memref<32x1000000xf32, #tpu.memory_space<hbm>> -> memref<32x128xf32, #tpu.memory_space<hbm>>
      %dma_wait3A_2193 = arith.constant 0 : i32
      %dma_wait3A_2194 = arith.constant 0 : i32
      %dma_wait3A_2195 = tpu.memref_slice %arg6[%dma_wait3A_2185, %dma_wait3A_2193, %dma_wait3A_2194] : memref<16x32x128xf32, #tpu.memory_space<vmem>> -> memref<1x32x128xf32, #tpu.memory_space<vmem>>
      %dma_wait3A_2196 = tpu.memref_squeeze %dma_wait3A_2195 : memref<1x32x128xf32, #tpu.memory_space<vmem>> -> memref<32x128xf32, #tpu.memory_space<vmem>>
      %dma_wait3A_2197 = arith.constant 0 : i32
      %dma_wait3A_2198 = arith.constant 0 : i32
      %dma_wait3A_2199 = tpu.memref_slice %arg2[%dma_wait3A_2197, %dma_wait3A_2198] : memref<32x1000000xf32, #tpu.memory_space<hbm>> -> memref<32x128xf32, #tpu.memory_space<hbm>>
      tpu.wait_dma2 semaphore(%arg8 : memref<!tpu.dma_semaphore, #tpu.memory_space<semaphore_mem>>) src(%dma_wait3A_2199 : memref<32x128xf32, #tpu.memory_space<hbm>>) dst(%dma_wait3A_2196 : memref<32x128xf32, #tpu.memory_space<vmem>>)
      %dma_wait3A_2200 = arith.constant 0 : i32
      %dma_wait3A_2201 = arith.constant 0 : i32
      %dma_wait3A_2202 = arith.constant 0 : i32
      %dma_wait3A_2203 = tpu.memref_slice %arg6[%dma_wait3A_2200, %dma_wait3A_2201, %dma_wait3A_2202] : memref<16x32x128xf32, #tpu.memory_space<vmem>> -> memref<1x32x128xf32, #tpu.memory_space<vmem>>
      %dma_wait3A_2204 = tpu.memref_squeeze %dma_wait3A_2203 : memref<1x32x128xf32, #tpu.memory_space<vmem>> -> memref<32x128xf32, #tpu.memory_space<vmem>>
      %dma_wait3A_2205 = arith.constant 0 : i32
      %dma_wait3A_2206 = arith.constant 0 : i32
      %dma_wait3A_2207 = tpu.memref_slice %arg2[%dma_wait3A_2205, %dma_wait3A_2206] : memref<32x1000000xf32, #tpu.memory_space<hbm>> -> memref<32x128xf32, #tpu.memory_space<hbm>>
      %dma_wait3A_2208 = arith.constant 0 : i32
      %dma_wait3A_2209 = arith.constant 0 : i32
      %dma_wait3A_2210 = tpu.memref_slice %arg6[%dma_wait3A_2200, %dma_wait3A_2208, %dma_wait3A_2209] : memref<16x32x128xf32, #tpu.memory_space<vmem>> -> memref<1x32x128xf32, #tpu.memory_space<vmem>>
      %dma_wait3A_2211 = tpu.memref_squeeze %dma_wait3A_2210 : memref<1x32x128xf32, #tpu.memory_space<vmem>> -> memref<32x128xf32, #tpu.memory_space<vmem>>
      %dma_wait3A_2212 = arith.constant 0 : i32
      %dma_wait3A_2213 = arith.constant 0 : i32
      %dma_wait3A_2214 = tpu.memref_slice %arg2[%dma_wait3A_2212, %dma_wait3A_2213] : memref<32x1000000xf32, #tpu.memory_space<hbm>> -> memref<32x128xf32, #tpu.memory_space<hbm>>
      tpu.wait_dma2 semaphore(%arg8 : memref<!tpu.dma_semaphore, #tpu.memory_space<semaphore_mem>>) src(%dma_wait3A_2214 : memref<32x128xf32, #tpu.memory_space<hbm>>) dst(%dma_wait3A_2211 : memref<32x128xf32, #tpu.memory_space<vmem>>)
      %mul3A_2215 = arith.constant 4 : i32
      %mul3A_2216 = arith.muli %add3A_1944, %mul3A_2215 : i32
      %slice3A_2217 = vector.extract_strided_slice %get3A_1502 {offsets = [4], sizes = [1], strides = [1]} : vector<16xi32> to vector<1xi32>
      %squeeze3A_2218 = vector.extract %slice3A_2217[0] : i32 from vector<1xi32>
      %jit3A_2219 = arith.constant 128 : i32
      %eq3A_2220 = arith.constant 0 : i32
      %eq3A_2221 = arith.cmpi eq, %jit3A_2219, %eq3A_2220 : i32
      %jit3A_2222 = arith.constant 1 : i32
      %select_n3A_2223 = arith.select %eq3A_2221, %jit3A_2222, %jit3A_2219 : i32
      %rem3A_2224 = arith.remsi %squeeze3A_2218, %select_n3A_2223 : i32
      %ne3A_2225 = arith.constant 0 : i32
      %ne3A_2226 = arith.cmpi ne, %rem3A_2224, %ne3A_2225 : i32
      %lt3A_2227 = arith.constant 0 : i32
      %lt3A_2228 = arith.cmpi slt, %rem3A_2224, %lt3A_2227 : i32
      %lt3A_2229 = arith.constant 0 : i32
      %lt3A_2230 = arith.cmpi slt, %select_n3A_2223, %lt3A_2229 : i32
      %ne3A_2231 = arith.xori %lt3A_2228, %lt3A_2230 : i1
      %and3A_2232 = arith.andi %ne3A_2231, %ne3A_2226 : i1
      %add3A_2233 = arith.addi %rem3A_2224, %select_n3A_2223 : i32
      %select_n3A_2234 = arith.select %and3A_2232, %add3A_2233, %rem3A_2224 : i32
      %broadcast_in_dim3A_2235 = vector.broadcast %select_n3A_2234 : i32 to vector<16xi32>
      %add3A_2236 = arith.constant 0 : i32
      %add3A_2237 = arith.addi %mul3A_2216, %add3A_2236 : i32
      %broadcast_in_dim3A_2238 = vector.broadcast %add3A_2237 : i32 to vector<16xi32>
      %add3A_2239 = arith.constant 0 : i32
      %add3A_2240 = arith.addi %mul3A_2154, %add3A_2239 : i32
      %broadcast_in_dim3A_2241 = vector.broadcast %add3A_2240 : i32 to vector<16xi32>
      %add3A_2242 = arith.constant 0 : i32
      %add3A_2243 = vector.broadcast %add3A_2242 : i32 to vector<16xi32>
      %add3A_2244 = arith.addi %iota3A, %add3A_2243 : vector<16xi32>
      %gather3A_2245 = tpu.vector_load_idx %arg6[%broadcast_in_dim3A_2241, %add3A_2244, %broadcast_in_dim3A_2235] : memref<16x32x128xf32, #tpu.memory_space<vmem>>[vector<16xi32>, vector<16xi32>, vector<16xi32>], vector<16xf32>,
      %add3A_2246 = arith.constant 0 : i32
      %add3A_2247 = vector.broadcast %add3A_2246 : i32 to vector<16xi32>
      %add3A_2248 = arith.addi %iota3A, %add3A_2247 : vector<16xi32>
      tpu.vector_store_idx %arg7[%add3A_2248, %broadcast_in_dim3A_2238], %gather3A_2245 : memref<32x512xf32, #tpu.memory_space<vmem>>[vector<16xi32>, vector<16xi32>], vector<16xf32>,
      %add3A_2249 = arith.constant 16 : i32
      %add3A_2250 = vector.broadcast %add3A_2249 : i32 to vector<16xi32>
      %add3A_2251 = arith.addi %iota3A, %add3A_2250 : vector<16xi32>
      %gather3A_2252 = tpu.vector_load_idx %arg6[%broadcast_in_dim3A_2241, %add3A_2251, %broadcast_in_dim3A_2235] : memref<16x32x128xf32, #tpu.memory_space<vmem>>[vector<16xi32>, vector<16xi32>, vector<16xi32>], vector<16xf32>,
      %add3A_2253 = arith.constant 16 : i32
      %add3A_2254 = vector.broadcast %add3A_2253 : i32 to vector<16xi32>
      %add3A_2255 = arith.addi %iota3A, %add3A_2254 : vector<16xi32>
      tpu.vector_store_idx %arg7[%add3A_2255, %broadcast_in_dim3A_2238], %gather3A_2252 : memref<32x512xf32, #tpu.memory_space<vmem>>[vector<16xi32>, vector<16xi32>], vector<16xf32>,
      %slice3A_2256 = vector.extract_strided_slice %get3A_1502 {offsets = [5], sizes = [1], strides = [1]} : vector<16xi32> to vector<1xi32>
      %squeeze3A_2257 = vector.extract %slice3A_2256[0] : i32 from vector<1xi32>
      %jit3A_2258 = arith.constant 128 : i32
      %eq3A_2259 = arith.constant 0 : i32
      %eq3A_2260 = arith.cmpi eq, %jit3A_2258, %eq3A_2259 : i32
      %jit3A_2261 = arith.constant 1 : i32
      %select_n3A_2262 = arith.select %eq3A_2260, %jit3A_2261, %jit3A_2258 : i32
      %rem3A_2263 = arith.remsi %squeeze3A_2257, %select_n3A_2262 : i32
      %ne3A_2264 = arith.constant 0 : i32
      %ne3A_2265 = arith.cmpi ne, %rem3A_2263, %ne3A_2264 : i32
      %lt3A_2266 = arith.constant 0 : i32
      %lt3A_2267 = arith.cmpi slt, %rem3A_2263, %lt3A_2266 : i32
      %lt3A_2268 = arith.constant 0 : i32
      %lt3A_2269 = arith.cmpi slt, %select_n3A_2262, %lt3A_2268 : i32
      %ne3A_2270 = arith.xori %lt3A_2267, %lt3A_2269 : i1
      %and3A_2271 = arith.andi %ne3A_2270, %ne3A_2265 : i1
      %add3A_2272 = arith.addi %rem3A_2263, %select_n3A_2262 : i32
      %select_n3A_2273 = arith.select %and3A_2271, %add3A_2272, %rem3A_2263 : i32
      %broadcast_in_dim3A_2274 = vector.broadcast %select_n3A_2273 : i32 to vector<16xi32>
      %add3A_2275 = arith.constant 1 : i32
      %add3A_2276 = arith.addi %mul3A_2216, %add3A_2275 : i32
      %broadcast_in_dim3A_2277 = vector.broadcast %add3A_2276 : i32 to vector<16xi32>
      %add3A_2278 = arith.constant 1 : i32
      %add3A_2279 = arith.addi %mul3A_2154, %add3A_2278 : i32
      %broadcast_in_dim3A_2280 = vector.broadcast %add3A_2279 : i32 to vector<16xi32>
      %add3A_2281 = arith.constant 0 : i32
      %add3A_2282 = vector.broadcast %add3A_2281 : i32 to vector<16xi32>
      %add3A_2283 = arith.addi %iota3A, %add3A_2282 : vector<16xi32>
      %gather3A_2284 = tpu.vector_load_idx %arg6[%broadcast_in_dim3A_2280, %add3A_2283, %broadcast_in_dim3A_2274] : memref<16x32x128xf32, #tpu.memory_space<vmem>>[vector<16xi32>, vector<16xi32>, vector<16xi32>], vector<16xf32>,
      %add3A_2285 = arith.constant 0 : i32
      %add3A_2286 = vector.broadcast %add3A_2285 : i32 to vector<16xi32>
      %add3A_2287 = arith.addi %iota3A, %add3A_2286 : vector<16xi32>
      tpu.vector_store_idx %arg7[%add3A_2287, %broadcast_in_dim3A_2277], %gather3A_2284 : memref<32x512xf32, #tpu.memory_space<vmem>>[vector<16xi32>, vector<16xi32>], vector<16xf32>,
      %add3A_2288 = arith.constant 16 : i32
      %add3A_2289 = vector.broadcast %add3A_2288 : i32 to vector<16xi32>
      %add3A_2290 = arith.addi %iota3A, %add3A_2289 : vector<16xi32>
      %gather3A_2291 = tpu.vector_load_idx %arg6[%broadcast_in_dim3A_2280, %add3A_2290, %broadcast_in_dim3A_2274] : memref<16x32x128xf32, #tpu.memory_space<vmem>>[vector<16xi32>, vector<16xi32>, vector<16xi32>], vector<16xf32>,
      %add3A_2292 = arith.constant 16 : i32
      %add3A_2293 = vector.broadcast %add3A_2292 : i32 to vector<16xi32>
      %add3A_2294 = arith.addi %iota3A, %add3A_2293 : vector<16xi32>
      tpu.vector_store_idx %arg7[%add3A_2294, %broadcast_in_dim3A_2277], %gather3A_2291 : memref<32x512xf32, #tpu.memory_space<vmem>>[vector<16xi32>, vector<16xi32>], vector<16xf32>,
      %slice3A_2295 = vector.extract_strided_slice %get3A_1502 {offsets = [6], sizes = [1], strides = [1]} : vector<16xi32> to vector<1xi32>
      %squeeze3A_2296 = vector.extract %slice3A_2295[0] : i32 from vector<1xi32>
      %jit3A_2297 = arith.constant 128 : i32
      %eq3A_2298 = arith.constant 0 : i32
      %eq3A_2299 = arith.cmpi eq, %jit3A_2297, %eq3A_2298 : i32
      %jit3A_2300 = arith.constant 1 : i32
      %select_n3A_2301 = arith.select %eq3A_2299, %jit3A_2300, %jit3A_2297 : i32
      %rem3A_2302 = arith.remsi %squeeze3A_2296, %select_n3A_2301 : i32
      %ne3A_2303 = arith.constant 0 : i32
      %ne3A_2304 = arith.cmpi ne, %rem3A_2302, %ne3A_2303 : i32
      %lt3A_2305 = arith.constant 0 : i32
      %lt3A_2306 = arith.cmpi slt, %rem3A_2302, %lt3A_2305 : i32
      %lt3A_2307 = arith.constant 0 : i32
      %lt3A_2308 = arith.cmpi slt, %select_n3A_2301, %lt3A_2307 : i32
      %ne3A_2309 = arith.xori %lt3A_2306, %lt3A_2308 : i1
      %and3A_2310 = arith.andi %ne3A_2309, %ne3A_2304 : i1
      %add3A_2311 = arith.addi %rem3A_2302, %select_n3A_2301 : i32
      %select_n3A_2312 = arith.select %and3A_2310, %add3A_2311, %rem3A_2302 : i32
      %broadcast_in_dim3A_2313 = vector.broadcast %select_n3A_2312 : i32 to vector<16xi32>
      %add3A_2314 = arith.constant 2 : i32
      %add3A_2315 = arith.addi %mul3A_2216, %add3A_2314 : i32
      %broadcast_in_dim3A_2316 = vector.broadcast %add3A_2315 : i32 to vector<16xi32>
      %add3A_2317 = arith.constant 2 : i32
      %add3A_2318 = arith.addi %mul3A_2154, %add3A_2317 : i32
      %broadcast_in_dim3A_2319 = vector.broadcast %add3A_2318 : i32 to vector<16xi32>
      %add3A_2320 = arith.constant 0 : i32
      %add3A_2321 = vector.broadcast %add3A_2320 : i32 to vector<16xi32>
      %add3A_2322 = arith.addi %iota3A, %add3A_2321 : vector<16xi32>
      %gather3A_2323 = tpu.vector_load_idx %arg6[%broadcast_in_dim3A_2319, %add3A_2322, %broadcast_in_dim3A_2313] : memref<16x32x128xf32, #tpu.memory_space<vmem>>[vector<16xi32>, vector<16xi32>, vector<16xi32>], vector<16xf32>,
      %add3A_2324 = arith.constant 0 : i32
      %add3A_2325 = vector.broadcast %add3A_2324 : i32 to vector<16xi32>
      %add3A_2326 = arith.addi %iota3A, %add3A_2325 : vector<16xi32>
      tpu.vector_store_idx %arg7[%add3A_2326, %broadcast_in_dim3A_2316], %gather3A_2323 : memref<32x512xf32, #tpu.memory_space<vmem>>[vector<16xi32>, vector<16xi32>], vector<16xf32>,
      %add3A_2327 = arith.constant 16 : i32
      %add3A_2328 = vector.broadcast %add3A_2327 : i32 to vector<16xi32>
      %add3A_2329 = arith.addi %iota3A, %add3A_2328 : vector<16xi32>
      %gather3A_2330 = tpu.vector_load_idx %arg6[%broadcast_in_dim3A_2319, %add3A_2329, %broadcast_in_dim3A_2313] : memref<16x32x128xf32, #tpu.memory_space<vmem>>[vector<16xi32>, vector<16xi32>, vector<16xi32>], vector<16xf32>,
      %add3A_2331 = arith.constant 16 : i32
      %add3A_2332 = vector.broadcast %add3A_2331 : i32 to vector<16xi32>
      %add3A_2333 = arith.addi %iota3A, %add3A_2332 : vector<16xi32>
      tpu.vector_store_idx %arg7[%add3A_2333, %broadcast_in_dim3A_2316], %gather3A_2330 : memref<32x512xf32, #tpu.memory_space<vmem>>[vector<16xi32>, vector<16xi32>], vector<16xf32>,
      %slice3A_2334 = vector.extract_strided_slice %get3A_1502 {offsets = [7], sizes = [1], strides = [1]} : vector<16xi32> to vector<1xi32>
      %squeeze3A_2335 = vector.extract %slice3A_2334[0] : i32 from vector<1xi32>
      %jit3A_2336 = arith.constant 128 : i32
      %eq3A_2337 = arith.constant 0 : i32
      %eq3A_2338 = arith.cmpi eq, %jit3A_2336, %eq3A_2337 : i32
      %jit3A_2339 = arith.constant 1 : i32
      %select_n3A_2340 = arith.select %eq3A_2338, %jit3A_2339, %jit3A_2336 : i32
      %rem3A_2341 = arith.remsi %squeeze3A_2335, %select_n3A_2340 : i32
      %ne3A_2342 = arith.constant 0 : i32
      %ne3A_2343 = arith.cmpi ne, %rem3A_2341, %ne3A_2342 : i32
      %lt3A_2344 = arith.constant 0 : i32
      %lt3A_2345 = arith.cmpi slt, %rem3A_2341, %lt3A_2344 : i32
      %lt3A_2346 = arith.constant 0 : i32
      %lt3A_2347 = arith.cmpi slt, %select_n3A_2340, %lt3A_2346 : i32
      %ne3A_2348 = arith.xori %lt3A_2345, %lt3A_2347 : i1
      %and3A_2349 = arith.andi %ne3A_2348, %ne3A_2343 : i1
      %add3A_2350 = arith.addi %rem3A_2341, %select_n3A_2340 : i32
      %select_n3A_2351 = arith.select %and3A_2349, %add3A_2350, %rem3A_2341 : i32
      %broadcast_in_dim3A_2352 = vector.broadcast %select_n3A_2351 : i32 to vector<16xi32>
      %add3A_2353 = arith.constant 3 : i32
      %add3A_2354 = arith.addi %mul3A_2216, %add3A_2353 : i32
      %broadcast_in_dim3A_2355 = vector.broadcast %add3A_2354 : i32 to vector<16xi32>
      %add3A_2356 = arith.constant 3 : i32
      %add3A_2357 = arith.addi %mul3A_2154, %add3A_2356 : i32
      %broadcast_in_dim3A_2358 = vector.broadcast %add3A_2357 : i32 to vector<16xi32>
      %add3A_2359 = arith.constant 0 : i32
      %add3A_2360 = vector.broadcast %add3A_2359 : i32 to vector<16xi32>
      %add3A_2361 = arith.addi %iota3A, %add3A_2360 : vector<16xi32>
      %gather3A_2362 = tpu.vector_load_idx %arg6[%broadcast_in_dim3A_2358, %add3A_2361, %broadcast_in_dim3A_2352] : memref<16x32x128xf32, #tpu.memory_space<vmem>>[vector<16xi32>, vector<16xi32>, vector<16xi32>], vector<16xf32>,
      %add3A_2363 = arith.constant 0 : i32
      %add3A_2364 = vector.broadcast %add3A_2363 : i32 to vector<16xi32>
      %add3A_2365 = arith.addi %iota3A, %add3A_2364 : vector<16xi32>
      tpu.vector_store_idx %arg7[%add3A_2365, %broadcast_in_dim3A_2355], %gather3A_2362 : memref<32x512xf32, #tpu.memory_space<vmem>>[vector<16xi32>, vector<16xi32>], vector<16xf32>,
      %add3A_2366 = arith.constant 16 : i32
      %add3A_2367 = vector.broadcast %add3A_2366 : i32 to vector<16xi32>
      %add3A_2368 = arith.addi %iota3A, %add3A_2367 : vector<16xi32>
      %gather3A_2369 = tpu.vector_load_idx %arg6[%broadcast_in_dim3A_2358, %add3A_2368, %broadcast_in_dim3A_2352] : memref<16x32x128xf32, #tpu.memory_space<vmem>>[vector<16xi32>, vector<16xi32>, vector<16xi32>], vector<16xf32>,
      %add3A_2370 = arith.constant 16 : i32
      %add3A_2371 = vector.broadcast %add3A_2370 : i32 to vector<16xi32>
      %add3A_2372 = arith.addi %iota3A, %add3A_2371 : vector<16xi32>
      tpu.vector_store_idx %arg7[%add3A_2372, %broadcast_in_dim3A_2355], %gather3A_2369 : memref<32x512xf32, #tpu.memory_space<vmem>>[vector<16xi32>, vector<16xi32>], vector<16xf32>,
      %mul3A_2373 = arith.constant 4 : i32
      %mul3A_2374 = arith.muli %scan3A_1498, %mul3A_2373 : i32
      %add3A_2375 = arith.constant 2 : i32
      %add3A_2376 = arith.addi %mul3A_2374, %add3A_2375 : i32
      %add3A_2377 = arith.constant 3 : i32
      %add3A_2378 = arith.addi %add3A_2376, %add3A_2377 : i32
      %jit3A_2379 = arith.constant 4 : i32
      %eq3A_2380 = arith.constant 0 : i32
      %eq3A_2381 = arith.cmpi eq, %jit3A_2379, %eq3A_2380 : i32
      %jit3A_2382 = arith.constant 1 : i32
      %select_n3A_2383 = arith.select %eq3A_2381, %jit3A_2382, %jit3A_2379 : i32
      %rem3A_2384 = arith.remsi %add3A_2378, %select_n3A_2383 : i32
      %ne3A_2385 = arith.constant 0 : i32
      %ne3A_2386 = arith.cmpi ne, %rem3A_2384, %ne3A_2385 : i32
      %lt3A_2387 = arith.constant 0 : i32
      %lt3A_2388 = arith.cmpi slt, %rem3A_2384, %lt3A_2387 : i32
      %lt3A_2389 = arith.constant 0 : i32
      %lt3A_2390 = arith.cmpi slt, %select_n3A_2383, %lt3A_2389 : i32
      %ne3A_2391 = arith.xori %lt3A_2388, %lt3A_2390 : i1
      %and3A_2392 = arith.andi %ne3A_2391, %ne3A_2386 : i1
      %add3A_2393 = arith.addi %rem3A_2384, %select_n3A_2383 : i32
      %select_n3A_2394 = arith.select %and3A_2392, %add3A_2393, %rem3A_2384 : i32
      %mul3A_2395 = arith.constant 4 : i32
      %mul3A_2396 = arith.muli %select_n3A_2394, %mul3A_2395 : i32
      %slice3A_2397 = vector.extract_strided_slice %get3A_1508 {offsets = [4], sizes = [1], strides = [1]} : vector<16xi32> to vector<1xi32>
      %squeeze3A_2398 = vector.extract %slice3A_2397[0] : i32 from vector<1xi32>
      %jit3A_2399 = arith.constant 128 : i32
      %div3A_2400 = arith.divsi %squeeze3A_2398, %jit3A_2399 : i32
      %sign3A_2401 = arith.constant 0 : i32
      %sign3A_2402 = arith.cmpi sgt, %squeeze3A_2398, %sign3A_2401 : i32
      %sign3A_2403 = arith.extui %sign3A_2402 : i1 to i32
      %sign3A_2404 = arith.constant 0 : i32
      %sign3A_2405 = arith.cmpi slt, %squeeze3A_2398, %sign3A_2404 : i32
      %sign3A_2406 = arith.extui %sign3A_2405 : i1 to i32
      %sign3A_2407 = arith.subi %sign3A_2403, %sign3A_2406 : i32
      %sign3A_2408 = arith.constant 0 : i32
      %sign3A_2409 = arith.cmpi sgt, %jit3A_2399, %sign3A_2408 : i32
      %sign3A_2410 = arith.extui %sign3A_2409 : i1 to i32
      %sign3A_2411 = arith.constant 0 : i32
      %sign3A_2412 = arith.cmpi slt, %jit3A_2399, %sign3A_2411 : i32
      %sign3A_2413 = arith.extui %sign3A_2412 : i1 to i32
      %sign3A_2414 = arith.subi %sign3A_2410, %sign3A_2413 : i32
      %ne3A_2415 = arith.cmpi ne, %sign3A_2407, %sign3A_2414 : i32
      %rem3A_2416 = arith.remsi %squeeze3A_2398, %jit3A_2399 : i32
      %ne3A_2417 = arith.constant 0 : i32
      %ne3A_2418 = arith.cmpi ne, %rem3A_2416, %ne3A_2417 : i32
      %and3A_2419 = arith.andi %ne3A_2415, %ne3A_2418 : i1
      %sub3A_2420 = arith.constant 1 : i32
      %sub3A_2421 = arith.subi %div3A_2400, %sub3A_2420 : i32
      %select_n3A_2422 = arith.select %and3A_2419, %sub3A_2421, %div3A_2400 : i32
      %mul3A_2423 = arith.constant 128 : i32
      %mul3A_2424 = arith.muli %select_n3A_2422, %mul3A_2423 : i32
      %multiple_of3A_2425 = tpu.assume_multiple %mul3A_2424, 128 : i32
      %add3A_2426 = arith.constant 0 : i32
      %add3A_2427 = arith.addi %mul3A_2396, %add3A_2426 : i32
      %dma_start3A_2428 = arith.constant 0 : i32
      %dma_start3A_2429 = arith.constant 0 : i32
      %dma_start3A_2430 = tpu.memref_slice %arg6[%add3A_2427, %dma_start3A_2428, %dma_start3A_2429] : memref<16x32x128xf32, #tpu.memory_space<vmem>> -> memref<1x32x128xf32, #tpu.memory_space<vmem>>
      %dma_start3A_2431 = tpu.memref_squeeze %dma_start3A_2430 : memref<1x32x128xf32, #tpu.memory_space<vmem>> -> memref<32x128xf32, #tpu.memory_space<vmem>>
      %dma_start3A_2432 = arith.constant 0 : i32
      %dma_start3A_2433 = tpu.memref_slice %arg2[%dma_start3A_2432, %multiple_of3A_2425] : memref<32x1000000xf32, #tpu.memory_space<hbm>> -> memref<32x128xf32, #tpu.memory_space<hbm>>
      %dma_start3A_2434 = arith.constant 0 : i32
      %dma_start3A_2435 = arith.constant 0 : i32
      %dma_start3A_2436 = tpu.memref_slice %arg6[%add3A_2427, %dma_start3A_2434, %dma_start3A_2435] : memref<16x32x128xf32, #tpu.memory_space<vmem>> -> memref<1x32x128xf32, #tpu.memory_space<vmem>>
      %dma_start3A_2437 = tpu.memref_squeeze %dma_start3A_2436 : memref<1x32x128xf32, #tpu.memory_space<vmem>> -> memref<32x128xf32, #tpu.memory_space<vmem>>
      %dma_start3A_2438 = arith.constant 0 : i32
      %dma_start3A_2439 = tpu.memref_slice %arg2[%dma_start3A_2438, %multiple_of3A_2425] : memref<32x1000000xf32, #tpu.memory_space<hbm>> -> memref<32x128xf32, #tpu.memory_space<hbm>>
      tpu.enqueue_dma source(%dma_start3A_2439 : memref<32x128xf32, #tpu.memory_space<hbm>>) target(%dma_start3A_2437 : memref<32x128xf32, #tpu.memory_space<vmem>>) target_semaphore(%arg8 : memref<!tpu.dma_semaphore, #tpu.memory_space<semaphore_mem>>)
      %slice3A_2440 = vector.extract_strided_slice %get3A_1508 {offsets = [5], sizes = [1], strides = [1]} : vector<16xi32> to vector<1xi32>
      %squeeze3A_2441 = vector.extract %slice3A_2440[0] : i32 from vector<1xi32>
      %jit3A_2442 = arith.constant 128 : i32
      %div3A_2443 = arith.divsi %squeeze3A_2441, %jit3A_2442 : i32
      %sign3A_2444 = arith.constant 0 : i32
      %sign3A_2445 = arith.cmpi sgt, %squeeze3A_2441, %sign3A_2444 : i32
      %sign3A_2446 = arith.extui %sign3A_2445 : i1 to i32
      %sign3A_2447 = arith.constant 0 : i32
      %sign3A_2448 = arith.cmpi slt, %squeeze3A_2441, %sign3A_2447 : i32
      %sign3A_2449 = arith.extui %sign3A_2448 : i1 to i32
      %sign3A_2450 = arith.subi %sign3A_2446, %sign3A_2449 : i32
      %sign3A_2451 = arith.constant 0 : i32
      %sign3A_2452 = arith.cmpi sgt, %jit3A_2442, %sign3A_2451 : i32
      %sign3A_2453 = arith.extui %sign3A_2452 : i1 to i32
      %sign3A_2454 = arith.constant 0 : i32
      %sign3A_2455 = arith.cmpi slt, %jit3A_2442, %sign3A_2454 : i32
      %sign3A_2456 = arith.extui %sign3A_2455 : i1 to i32
      %sign3A_2457 = arith.subi %sign3A_2453, %sign3A_2456 : i32
      %ne3A_2458 = arith.cmpi ne, %sign3A_2450, %sign3A_2457 : i32
      %rem3A_2459 = arith.remsi %squeeze3A_2441, %jit3A_2442 : i32
      %ne3A_2460 = arith.constant 0 : i32
      %ne3A_2461 = arith.cmpi ne, %rem3A_2459, %ne3A_2460 : i32
      %and3A_2462 = arith.andi %ne3A_2458, %ne3A_2461 : i1
      %sub3A_2463 = arith.constant 1 : i32
      %sub3A_2464 = arith.subi %div3A_2443, %sub3A_2463 : i32
      %select_n3A_2465 = arith.select %and3A_2462, %sub3A_2464, %div3A_2443 : i32
      %mul3A_2466 = arith.constant 128 : i32
      %mul3A_2467 = arith.muli %select_n3A_2465, %mul3A_2466 : i32
      %multiple_of3A_2468 = tpu.assume_multiple %mul3A_2467, 128 : i32
      %add3A_2469 = arith.constant 1 : i32
      %add3A_2470 = arith.addi %mul3A_2396, %add3A_2469 : i32
      %dma_start3A_2471 = arith.constant 0 : i32
      %dma_start3A_2472 = arith.constant 0 : i32
      %dma_start3A_2473 = tpu.memref_slice %arg6[%add3A_2470, %dma_start3A_2471, %dma_start3A_2472] : memref<16x32x128xf32, #tpu.memory_space<vmem>> -> memref<1x32x128xf32, #tpu.memory_space<vmem>>
      %dma_start3A_2474 = tpu.memref_squeeze %dma_start3A_2473 : memref<1x32x128xf32, #tpu.memory_space<vmem>> -> memref<32x128xf32, #tpu.memory_space<vmem>>
      %dma_start3A_2475 = arith.constant 0 : i32
      %dma_start3A_2476 = tpu.memref_slice %arg2[%dma_start3A_2475, %multiple_of3A_2468] : memref<32x1000000xf32, #tpu.memory_space<hbm>> -> memref<32x128xf32, #tpu.memory_space<hbm>>
      %dma_start3A_2477 = arith.constant 0 : i32
      %dma_start3A_2478 = arith.constant 0 : i32
      %dma_start3A_2479 = tpu.memref_slice %arg6[%add3A_2470, %dma_start3A_2477, %dma_start3A_2478] : memref<16x32x128xf32, #tpu.memory_space<vmem>> -> memref<1x32x128xf32, #tpu.memory_space<vmem>>
      %dma_start3A_2480 = tpu.memref_squeeze %dma_start3A_2479 : memref<1x32x128xf32, #tpu.memory_space<vmem>> -> memref<32x128xf32, #tpu.memory_space<vmem>>
      %dma_start3A_2481 = arith.constant 0 : i32
      %dma_start3A_2482 = tpu.memref_slice %arg2[%dma_start3A_2481, %multiple_of3A_2468] : memref<32x1000000xf32, #tpu.memory_space<hbm>> -> memref<32x128xf32, #tpu.memory_space<hbm>>
      tpu.enqueue_dma source(%dma_start3A_2482 : memref<32x128xf32, #tpu.memory_space<hbm>>) target(%dma_start3A_2480 : memref<32x128xf32, #tpu.memory_space<vmem>>) target_semaphore(%arg8 : memref<!tpu.dma_semaphore, #tpu.memory_space<semaphore_mem>>)
      %slice3A_2483 = vector.extract_strided_slice %get3A_1508 {offsets = [6], sizes = [1], strides = [1]} : vector<16xi32> to vector<1xi32>
      %squeeze3A_2484 = vector.extract %slice3A_2483[0] : i32 from vector<1xi32>
      %jit3A_2485 = arith.constant 128 : i32
      %div3A_2486 = arith.divsi %squeeze3A_2484, %jit3A_2485 : i32
      %sign3A_2487 = arith.constant 0 : i32
      %sign3A_2488 = arith.cmpi sgt, %squeeze3A_2484, %sign3A_2487 : i32
      %sign3A_2489 = arith.extui %sign3A_2488 : i1 to i32
      %sign3A_2490 = arith.constant 0 : i32
      %sign3A_2491 = arith.cmpi slt, %squeeze3A_2484, %sign3A_2490 : i32
      %sign3A_2492 = arith.extui %sign3A_2491 : i1 to i32
      %sign3A_2493 = arith.subi %sign3A_2489, %sign3A_2492 : i32
      %sign3A_2494 = arith.constant 0 : i32
      %sign3A_2495 = arith.cmpi sgt, %jit3A_2485, %sign3A_2494 : i32
      %sign3A_2496 = arith.extui %sign3A_2495 : i1 to i32
      %sign3A_2497 = arith.constant 0 : i32
      %sign3A_2498 = arith.cmpi slt, %jit3A_2485, %sign3A_2497 : i32
      %sign3A_2499 = arith.extui %sign3A_2498 : i1 to i32
      %sign3A_2500 = arith.subi %sign3A_2496, %sign3A_2499 : i32
      %ne3A_2501 = arith.cmpi ne, %sign3A_2493, %sign3A_2500 : i32
      %rem3A_2502 = arith.remsi %squeeze3A_2484, %jit3A_2485 : i32
      %ne3A_2503 = arith.constant 0 : i32
      %ne3A_2504 = arith.cmpi ne, %rem3A_2502, %ne3A_2503 : i32
      %and3A_2505 = arith.andi %ne3A_2501, %ne3A_2504 : i1
      %sub3A_2506 = arith.constant 1 : i32
      %sub3A_2507 = arith.subi %div3A_2486, %sub3A_2506 : i32
      %select_n3A_2508 = arith.select %and3A_2505, %sub3A_2507, %div3A_2486 : i32
      %mul3A_2509 = arith.constant 128 : i32
      %mul3A_2510 = arith.muli %select_n3A_2508, %mul3A_2509 : i32
      %multiple_of3A_2511 = tpu.assume_multiple %mul3A_2510, 128 : i32
      %add3A_2512 = arith.constant 2 : i32
      %add3A_2513 = arith.addi %mul3A_2396, %add3A_2512 : i32
      %dma_start3A_2514 = arith.constant 0 : i32
      %dma_start3A_2515 = arith.constant 0 : i32
      %dma_start3A_2516 = tpu.memref_slice %arg6[%add3A_2513, %dma_start3A_2514, %dma_start3A_2515] : memref<16x32x128xf32, #tpu.memory_space<vmem>> -> memref<1x32x128xf32, #tpu.memory_space<vmem>>
      %dma_start3A_2517 = tpu.memref_squeeze %dma_start3A_2516 : memref<1x32x128xf32, #tpu.memory_space<vmem>> -> memref<32x128xf32, #tpu.memory_space<vmem>>
      %dma_start3A_2518 = arith.constant 0 : i32
      %dma_start3A_2519 = tpu.memref_slice %arg2[%dma_start3A_2518, %multiple_of3A_2511] : memref<32x1000000xf32, #tpu.memory_space<hbm>> -> memref<32x128xf32, #tpu.memory_space<hbm>>
      %dma_start3A_2520 = arith.constant 0 : i32
      %dma_start3A_2521 = arith.constant 0 : i32
      %dma_start3A_2522 = tpu.memref_slice %arg6[%add3A_2513, %dma_start3A_2520, %dma_start3A_2521] : memref<16x32x128xf32, #tpu.memory_space<vmem>> -> memref<1x32x128xf32, #tpu.memory_space<vmem>>
      %dma_start3A_2523 = tpu.memref_squeeze %dma_start3A_2522 : memref<1x32x128xf32, #tpu.memory_space<vmem>> -> memref<32x128xf32, #tpu.memory_space<vmem>>
      %dma_start3A_2524 = arith.constant 0 : i32
      %dma_start3A_2525 = tpu.memref_slice %arg2[%dma_start3A_2524, %multiple_of3A_2511] : memref<32x1000000xf32, #tpu.memory_space<hbm>> -> memref<32x128xf32, #tpu.memory_space<hbm>>
      tpu.enqueue_dma source(%dma_start3A_2525 : memref<32x128xf32, #tpu.memory_space<hbm>>) target(%dma_start3A_2523 : memref<32x128xf32, #tpu.memory_space<vmem>>) target_semaphore(%arg8 : memref<!tpu.dma_semaphore, #tpu.memory_space<semaphore_mem>>)
      %slice3A_2526 = vector.extract_strided_slice %get3A_1508 {offsets = [7], sizes = [1], strides = [1]} : vector<16xi32> to vector<1xi32>
      %squeeze3A_2527 = vector.extract %slice3A_2526[0] : i32 from vector<1xi32>
      %jit3A_2528 = arith.constant 128 : i32
      %div3A_2529 = arith.divsi %squeeze3A_2527, %jit3A_2528 : i32
      %sign3A_2530 = arith.constant 0 : i32
      %sign3A_2531 = arith.cmpi sgt, %squeeze3A_2527, %sign3A_2530 : i32
      %sign3A_2532 = arith.extui %sign3A_2531 : i1 to i32
      %sign3A_2533 = arith.constant 0 : i32
      %sign3A_2534 = arith.cmpi slt, %squeeze3A_2527, %sign3A_2533 : i32
      %sign3A_2535 = arith.extui %sign3A_2534 : i1 to i32
      %sign3A_2536 = arith.subi %sign3A_2532, %sign3A_2535 : i32
      %sign3A_2537 = arith.constant 0 : i32
      %sign3A_2538 = arith.cmpi sgt, %jit3A_2528, %sign3A_2537 : i32
      %sign3A_2539 = arith.extui %sign3A_2538 : i1 to i32
      %sign3A_2540 = arith.constant 0 : i32
      %sign3A_2541 = arith.cmpi slt, %jit3A_2528, %sign3A_2540 : i32
      %sign3A_2542 = arith.extui %sign3A_2541 : i1 to i32
      %sign3A_2543 = arith.subi %sign3A_2539, %sign3A_2542 : i32
      %ne3A_2544 = arith.cmpi ne, %sign3A_2536, %sign3A_2543 : i32
      %rem3A_2545 = arith.remsi %squeeze3A_2527, %jit3A_2528 : i32
      %ne3A_2546 = arith.constant 0 : i32
      %ne3A_2547 = arith.cmpi ne, %rem3A_2545, %ne3A_2546 : i32
      %and3A_2548 = arith.andi %ne3A_2544, %ne3A_2547 : i1
      %sub3A_2549 = arith.constant 1 : i32
      %sub3A_2550 = arith.subi %div3A_2529, %sub3A_2549 : i32
      %select_n3A_2551 = arith.select %and3A_2548, %sub3A_2550, %div3A_2529 : i32
      %mul3A_2552 = arith.constant 128 : i32
      %mul3A_2553 = arith.muli %select_n3A_2551, %mul3A_2552 : i32
      %multiple_of3A_2554 = tpu.assume_multiple %mul3A_2553, 128 : i32
      %add3A_2555 = arith.constant 3 : i32
      %add3A_2556 = arith.addi %mul3A_2396, %add3A_2555 : i32
      %dma_start3A_2557 = arith.constant 0 : i32
      %dma_start3A_2558 = arith.constant 0 : i32
      %dma_start3A_2559 = tpu.memref_slice %arg6[%add3A_2556, %dma_start3A_2557, %dma_start3A_2558] : memref<16x32x128xf32, #tpu.memory_space<vmem>> -> memref<1x32x128xf32, #tpu.memory_space<vmem>>
      %dma_start3A_2560 = tpu.memref_squeeze %dma_start3A_2559 : memref<1x32x128xf32, #tpu.memory_space<vmem>> -> memref<32x128xf32, #tpu.memory_space<vmem>>
      %dma_start3A_2561 = arith.constant 0 : i32
      %dma_start3A_2562 = tpu.memref_slice %arg2[%dma_start3A_2561, %multiple_of3A_2554] : memref<32x1000000xf32, #tpu.memory_space<hbm>> -> memref<32x128xf32, #tpu.memory_space<hbm>>
      %dma_start3A_2563 = arith.constant 0 : i32
      %dma_start3A_2564 = arith.constant 0 : i32
      %dma_start3A_2565 = tpu.memref_slice %arg6[%add3A_2556, %dma_start3A_2563, %dma_start3A_2564] : memref<16x32x128xf32, #tpu.memory_space<vmem>> -> memref<1x32x128xf32, #tpu.memory_space<vmem>>
      %dma_start3A_2566 = tpu.memref_squeeze %dma_start3A_2565 : memref<1x32x128xf32, #tpu.memory_space<vmem>> -> memref<32x128xf32, #tpu.memory_space<vmem>>
      %dma_start3A_2567 = arith.constant 0 : i32
      %dma_start3A_2568 = tpu.memref_slice %arg2[%dma_start3A_2567, %multiple_of3A_2554] : memref<32x1000000xf32, #tpu.memory_space<hbm>> -> memref<32x128xf32, #tpu.memory_space<hbm>>
      tpu.enqueue_dma source(%dma_start3A_2568 : memref<32x128xf32, #tpu.memory_space<hbm>>) target(%dma_start3A_2566 : memref<32x128xf32, #tpu.memory_space<vmem>>) target_semaphore(%arg8 : memref<!tpu.dma_semaphore, #tpu.memory_space<semaphore_mem>>)
      %jit3A_2569 = arith.constant 4 : i32
      %eq3A_2570 = arith.constant 0 : i32
      %eq3A_2571 = arith.cmpi eq, %jit3A_2569, %eq3A_2570 : i32
      %jit3A_2572 = arith.constant 1 : i32
      %select_n3A_2573 = arith.select %eq3A_2571, %jit3A_2572, %jit3A_2569 : i32
      %rem3A_2574 = arith.remsi %add3A_2376, %select_n3A_2573 : i32
      %ne3A_2575 = arith.constant 0 : i32
      %ne3A_2576 = arith.cmpi ne, %rem3A_2574, %ne3A_2575 : i32
      %lt3A_2577 = arith.constant 0 : i32
      %lt3A_2578 = arith.cmpi slt, %rem3A_2574, %lt3A_2577 : i32
      %lt3A_2579 = arith.constant 0 : i32
      %lt3A_2580 = arith.cmpi slt, %select_n3A_2573, %lt3A_2579 : i32
      %ne3A_2581 = arith.xori %lt3A_2578, %lt3A_2580 : i1
      %and3A_2582 = arith.andi %ne3A_2581, %ne3A_2576 : i1
      %add3A_2583 = arith.addi %rem3A_2574, %select_n3A_2573 : i32
      %select_n3A_2584 = arith.select %and3A_2582, %add3A_2583, %rem3A_2574 : i32
      %mul3A_2585 = arith.constant 4 : i32
      %mul3A_2586 = arith.muli %select_n3A_2584, %mul3A_2585 : i32
      %dma_wait3A_2587 = arith.constant 0 : i32
      %dma_wait3A_2588 = arith.constant 0 : i32
      %dma_wait3A_2589 = arith.constant 0 : i32
      %dma_wait3A_2590 = tpu.memref_slice %arg6[%dma_wait3A_2587, %dma_wait3A_2588, %dma_wait3A_2589] : memref<16x32x128xf32, #tpu.memory_space<vmem>> -> memref<1x32x128xf32, #tpu.memory_space<vmem>>
      %dma_wait3A_2591 = tpu.memref_squeeze %dma_wait3A_2590 : memref<1x32x128xf32, #tpu.memory_space<vmem>> -> memref<32x128xf32, #tpu.memory_space<vmem>>
      %dma_wait3A_2592 = arith.constant 0 : i32
      %dma_wait3A_2593 = arith.constant 0 : i32
      %dma_wait3A_2594 = tpu.memref_slice %arg2[%dma_wait3A_2592, %dma_wait3A_2593] : memref<32x1000000xf32, #tpu.memory_space<hbm>> -> memref<32x128xf32, #tpu.memory_space<hbm>>
      %dma_wait3A_2595 = arith.constant 0 : i32
      %dma_wait3A_2596 = arith.constant 0 : i32
      %dma_wait3A_2597 = tpu.memref_slice %arg6[%dma_wait3A_2587, %dma_wait3A_2595, %dma_wait3A_2596] : memref<16x32x128xf32, #tpu.memory_space<vmem>> -> memref<1x32x128xf32, #tpu.memory_space<vmem>>
      %dma_wait3A_2598 = tpu.memref_squeeze %dma_wait3A_2597 : memref<1x32x128xf32, #tpu.memory_space<vmem>> -> memref<32x128xf32, #tpu.memory_space<vmem>>
      %dma_wait3A_2599 = arith.constant 0 : i32
      %dma_wait3A_2600 = arith.constant 0 : i32
      %dma_wait3A_2601 = tpu.memref_slice %arg2[%dma_wait3A_2599, %dma_wait3A_2600] : memref<32x1000000xf32, #tpu.memory_space<hbm>> -> memref<32x128xf32, #tpu.memory_space<hbm>>
      tpu.wait_dma2 semaphore(%arg8 : memref<!tpu.dma_semaphore, #tpu.memory_space<semaphore_mem>>) src(%dma_wait3A_2601 : memref<32x128xf32, #tpu.memory_space<hbm>>) dst(%dma_wait3A_2598 : memref<32x128xf32, #tpu.memory_space<vmem>>)
      %dma_wait3A_2602 = arith.constant 0 : i32
      %dma_wait3A_2603 = arith.constant 0 : i32
      %dma_wait3A_2604 = arith.constant 0 : i32
      %dma_wait3A_2605 = tpu.memref_slice %arg6[%dma_wait3A_2602, %dma_wait3A_2603, %dma_wait3A_2604] : memref<16x32x128xf32, #tpu.memory_space<vmem>> -> memref<1x32x128xf32, #tpu.memory_space<vmem>>
      %dma_wait3A_2606 = tpu.memref_squeeze %dma_wait3A_2605 : memref<1x32x128xf32, #tpu.memory_space<vmem>> -> memref<32x128xf32, #tpu.memory_space<vmem>>
      %dma_wait3A_2607 = arith.constant 0 : i32
      %dma_wait3A_2608 = arith.constant 0 : i32
      %dma_wait3A_2609 = tpu.memref_slice %arg2[%dma_wait3A_2607, %dma_wait3A_2608] : memref<32x1000000xf32, #tpu.memory_space<hbm>> -> memref<32x128xf32, #tpu.memory_space<hbm>>
      %dma_wait3A_2610 = arith.constant 0 : i32
      %dma_wait3A_2611 = arith.constant 0 : i32
      %dma_wait3A_2612 = tpu.memref_slice %arg6[%dma_wait3A_2602, %dma_wait3A_2610, %dma_wait3A_2611] : memref<16x32x128xf32, #tpu.memory_space<vmem>> -> memref<1x32x128xf32, #tpu.memory_space<vmem>>
      %dma_wait3A_2613 = tpu.memref_squeeze %dma_wait3A_2612 : memref<1x32x128xf32, #tpu.memory_space<vmem>> -> memref<32x128xf32, #tpu.memory_space<vmem>>
      %dma_wait3A_2614 = arith.constant 0 : i32
      %dma_wait3A_2615 = arith.constant 0 : i32
      %dma_wait3A_2616 = tpu.memref_slice %arg2[%dma_wait3A_2614, %dma_wait3A_2615] : memref<32x1000000xf32, #tpu.memory_space<hbm>> -> memref<32x128xf32, #tpu.memory_space<hbm>>
      tpu.wait_dma2 semaphore(%arg8 : memref<!tpu.dma_semaphore, #tpu.memory_space<semaphore_mem>>) src(%dma_wait3A_2616 : memref<32x128xf32, #tpu.memory_space<hbm>>) dst(%dma_wait3A_2613 : memref<32x128xf32, #tpu.memory_space<vmem>>)
      %dma_wait3A_2617 = arith.constant 0 : i32
      %dma_wait3A_2618 = arith.constant 0 : i32
      %dma_wait3A_2619 = arith.constant 0 : i32
      %dma_wait3A_2620 = tpu.memref_slice %arg6[%dma_wait3A_2617, %dma_wait3A_2618, %dma_wait3A_2619] : memref<16x32x128xf32, #tpu.memory_space<vmem>> -> memref<1x32x128xf32, #tpu.memory_space<vmem>>
      %dma_wait3A_2621 = tpu.memref_squeeze %dma_wait3A_2620 : memref<1x32x128xf32, #tpu.memory_space<vmem>> -> memref<32x128xf32, #tpu.memory_space<vmem>>
      %dma_wait3A_2622 = arith.constant 0 : i32
      %dma_wait3A_2623 = arith.constant 0 : i32
      %dma_wait3A_2624 = tpu.memref_slice %arg2[%dma_wait3A_2622, %dma_wait3A_2623] : memref<32x1000000xf32, #tpu.memory_space<hbm>> -> memref<32x128xf32, #tpu.memory_space<hbm>>
      %dma_wait3A_2625 = arith.constant 0 : i32
      %dma_wait3A_2626 = arith.constant 0 : i32
      %dma_wait3A_2627 = tpu.memref_slice %arg6[%dma_wait3A_2617, %dma_wait3A_2625, %dma_wait3A_2626] : memref<16x32x128xf32, #tpu.memory_space<vmem>> -> memref<1x32x128xf32, #tpu.memory_space<vmem>>
      %dma_wait3A_2628 = tpu.memref_squeeze %dma_wait3A_2627 : memref<1x32x128xf32, #tpu.memory_space<vmem>> -> memref<32x128xf32, #tpu.memory_space<vmem>>
      %dma_wait3A_2629 = arith.constant 0 : i32
      %dma_wait3A_2630 = arith.constant 0 : i32
      %dma_wait3A_2631 = tpu.memref_slice %arg2[%dma_wait3A_2629, %dma_wait3A_2630] : memref<32x1000000xf32, #tpu.memory_space<hbm>> -> memref<32x128xf32, #tpu.memory_space<hbm>>
      tpu.wait_dma2 semaphore(%arg8 : memref<!tpu.dma_semaphore, #tpu.memory_space<semaphore_mem>>) src(%dma_wait3A_2631 : memref<32x128xf32, #tpu.memory_space<hbm>>) dst(%dma_wait3A_2628 : memref<32x128xf32, #tpu.memory_space<vmem>>)
      %dma_wait3A_2632 = arith.constant 0 : i32
      %dma_wait3A_2633 = arith.constant 0 : i32
      %dma_wait3A_2634 = arith.constant 0 : i32
      %dma_wait3A_2635 = tpu.memref_slice %arg6[%dma_wait3A_2632, %dma_wait3A_2633, %dma_wait3A_2634] : memref<16x32x128xf32, #tpu.memory_space<vmem>> -> memref<1x32x128xf32, #tpu.memory_space<vmem>>
      %dma_wait3A_2636 = tpu.memref_squeeze %dma_wait3A_2635 : memref<1x32x128xf32, #tpu.memory_space<vmem>> -> memref<32x128xf32, #tpu.memory_space<vmem>>
      %dma_wait3A_2637 = arith.constant 0 : i32
      %dma_wait3A_2638 = arith.constant 0 : i32
      %dma_wait3A_2639 = tpu.memref_slice %arg2[%dma_wait3A_2637, %dma_wait3A_2638] : memref<32x1000000xf32, #tpu.memory_space<hbm>> -> memref<32x128xf32, #tpu.memory_space<hbm>>
      %dma_wait3A_2640 = arith.constant 0 : i32
      %dma_wait3A_2641 = arith.constant 0 : i32
      %dma_wait3A_2642 = tpu.memref_slice %arg6[%dma_wait3A_2632, %dma_wait3A_2640, %dma_wait3A_2641] : memref<16x32x128xf32, #tpu.memory_space<vmem>> -> memref<1x32x128xf32, #tpu.memory_space<vmem>>
      %dma_wait3A_2643 = tpu.memref_squeeze %dma_wait3A_2642 : memref<1x32x128xf32, #tpu.memory_space<vmem>> -> memref<32x128xf32, #tpu.memory_space<vmem>>
      %dma_wait3A_2644 = arith.constant 0 : i32
      %dma_wait3A_2645 = arith.constant 0 : i32
      %dma_wait3A_2646 = tpu.memref_slice %arg2[%dma_wait3A_2644, %dma_wait3A_2645] : memref<32x1000000xf32, #tpu.memory_space<hbm>> -> memref<32x128xf32, #tpu.memory_space<hbm>>
      tpu.wait_dma2 semaphore(%arg8 : memref<!tpu.dma_semaphore, #tpu.memory_space<semaphore_mem>>) src(%dma_wait3A_2646 : memref<32x128xf32, #tpu.memory_space<hbm>>) dst(%dma_wait3A_2643 : memref<32x128xf32, #tpu.memory_space<vmem>>)
      %mul3A_2647 = arith.constant 4 : i32
      %mul3A_2648 = arith.muli %add3A_2376, %mul3A_2647 : i32
      %slice3A_2649 = vector.extract_strided_slice %get3A_1502 {offsets = [8], sizes = [1], strides = [1]} : vector<16xi32> to vector<1xi32>
      %squeeze3A_2650 = vector.extract %slice3A_2649[0] : i32 from vector<1xi32>
      %jit3A_2651 = arith.constant 128 : i32
      %eq3A_2652 = arith.constant 0 : i32
      %eq3A_2653 = arith.cmpi eq, %jit3A_2651, %eq3A_2652 : i32
      %jit3A_2654 = arith.constant 1 : i32
      %select_n3A_2655 = arith.select %eq3A_2653, %jit3A_2654, %jit3A_2651 : i32
      %rem3A_2656 = arith.remsi %squeeze3A_2650, %select_n3A_2655 : i32
      %ne3A_2657 = arith.constant 0 : i32
      %ne3A_2658 = arith.cmpi ne, %rem3A_2656, %ne3A_2657 : i32
      %lt3A_2659 = arith.constant 0 : i32
      %lt3A_2660 = arith.cmpi slt, %rem3A_2656, %lt3A_2659 : i32
      %lt3A_2661 = arith.constant 0 : i32
      %lt3A_2662 = arith.cmpi slt, %select_n3A_2655, %lt3A_2661 : i32
      %ne3A_2663 = arith.xori %lt3A_2660, %lt3A_2662 : i1
      %and3A_2664 = arith.andi %ne3A_2663, %ne3A_2658 : i1
      %add3A_2665 = arith.addi %rem3A_2656, %select_n3A_2655 : i32
      %select_n3A_2666 = arith.select %and3A_2664, %add3A_2665, %rem3A_2656 : i32
      %broadcast_in_dim3A_2667 = vector.broadcast %select_n3A_2666 : i32 to vector<16xi32>
      %add3A_2668 = arith.constant 0 : i32
      %add3A_2669 = arith.addi %mul3A_2648, %add3A_2668 : i32
      %broadcast_in_dim3A_2670 = vector.broadcast %add3A_2669 : i32 to vector<16xi32>
      %add3A_2671 = arith.constant 0 : i32
      %add3A_2672 = arith.addi %mul3A_2586, %add3A_2671 : i32
      %broadcast_in_dim3A_2673 = vector.broadcast %add3A_2672 : i32 to vector<16xi32>
      %add3A_2674 = arith.constant 0 : i32
      %add3A_2675 = vector.broadcast %add3A_2674 : i32 to vector<16xi32>
      %add3A_2676 = arith.addi %iota3A, %add3A_2675 : vector<16xi32>
      %gather3A_2677 = tpu.vector_load_idx %arg6[%broadcast_in_dim3A_2673, %add3A_2676, %broadcast_in_dim3A_2667] : memref<16x32x128xf32, #tpu.memory_space<vmem>>[vector<16xi32>, vector<16xi32>, vector<16xi32>], vector<16xf32>,
      %add3A_2678 = arith.constant 0 : i32
      %add3A_2679 = vector.broadcast %add3A_2678 : i32 to vector<16xi32>
      %add3A_2680 = arith.addi %iota3A, %add3A_2679 : vector<16xi32>
      tpu.vector_store_idx %arg7[%add3A_2680, %broadcast_in_dim3A_2670], %gather3A_2677 : memref<32x512xf32, #tpu.memory_space<vmem>>[vector<16xi32>, vector<16xi32>], vector<16xf32>,
      %add3A_2681 = arith.constant 16 : i32
      %add3A_2682 = vector.broadcast %add3A_2681 : i32 to vector<16xi32>
      %add3A_2683 = arith.addi %iota3A, %add3A_2682 : vector<16xi32>
      %gather3A_2684 = tpu.vector_load_idx %arg6[%broadcast_in_dim3A_2673, %add3A_2683, %broadcast_in_dim3A_2667] : memref<16x32x128xf32, #tpu.memory_space<vmem>>[vector<16xi32>, vector<16xi32>, vector<16xi32>], vector<16xf32>,
      %add3A_2685 = arith.constant 16 : i32
      %add3A_2686 = vector.broadcast %add3A_2685 : i32 to vector<16xi32>
      %add3A_2687 = arith.addi %iota3A, %add3A_2686 : vector<16xi32>
      tpu.vector_store_idx %arg7[%add3A_2687, %broadcast_in_dim3A_2670], %gather3A_2684 : memref<32x512xf32, #tpu.memory_space<vmem>>[vector<16xi32>, vector<16xi32>], vector<16xf32>,
      %slice3A_2688 = vector.extract_strided_slice %get3A_1502 {offsets = [9], sizes = [1], strides = [1]} : vector<16xi32> to vector<1xi32>
      %squeeze3A_2689 = vector.extract %slice3A_2688[0] : i32 from vector<1xi32>
      %jit3A_2690 = arith.constant 128 : i32
      %eq3A_2691 = arith.constant 0 : i32
      %eq3A_2692 = arith.cmpi eq, %jit3A_2690, %eq3A_2691 : i32
      %jit3A_2693 = arith.constant 1 : i32
      %select_n3A_2694 = arith.select %eq3A_2692, %jit3A_2693, %jit3A_2690 : i32
      %rem3A_2695 = arith.remsi %squeeze3A_2689, %select_n3A_2694 : i32
      %ne3A_2696 = arith.constant 0 : i32
      %ne3A_2697 = arith.cmpi ne, %rem3A_2695, %ne3A_2696 : i32
      %lt3A_2698 = arith.constant 0 : i32
      %lt3A_2699 = arith.cmpi slt, %rem3A_2695, %lt3A_2698 : i32
      %lt3A_2700 = arith.constant 0 : i32
      %lt3A_2701 = arith.cmpi slt, %select_n3A_2694, %lt3A_2700 : i32
      %ne3A_2702 = arith.xori %lt3A_2699, %lt3A_2701 : i1
      %and3A_2703 = arith.andi %ne3A_2702, %ne3A_2697 : i1
      %add3A_2704 = arith.addi %rem3A_2695, %select_n3A_2694 : i32
      %select_n3A_2705 = arith.select %and3A_2703, %add3A_2704, %rem3A_2695 : i32
      %broadcast_in_dim3A_2706 = vector.broadcast %select_n3A_2705 : i32 to vector<16xi32>
      %add3A_2707 = arith.constant 1 : i32
      %add3A_2708 = arith.addi %mul3A_2648, %add3A_2707 : i32
      %broadcast_in_dim3A_2709 = vector.broadcast %add3A_2708 : i32 to vector<16xi32>
      %add3A_2710 = arith.constant 1 : i32
      %add3A_2711 = arith.addi %mul3A_2586, %add3A_2710 : i32
      %broadcast_in_dim3A_2712 = vector.broadcast %add3A_2711 : i32 to vector<16xi32>
      %add3A_2713 = arith.constant 0 : i32
      %add3A_2714 = vector.broadcast %add3A_2713 : i32 to vector<16xi32>
      %add3A_2715 = arith.addi %iota3A, %add3A_2714 : vector<16xi32>
      %gather3A_2716 = tpu.vector_load_idx %arg6[%broadcast_in_dim3A_2712, %add3A_2715, %broadcast_in_dim3A_2706] : memref<16x32x128xf32, #tpu.memory_space<vmem>>[vector<16xi32>, vector<16xi32>, vector<16xi32>], vector<16xf32>,
      %add3A_2717 = arith.constant 0 : i32
      %add3A_2718 = vector.broadcast %add3A_2717 : i32 to vector<16xi32>
      %add3A_2719 = arith.addi %iota3A, %add3A_2718 : vector<16xi32>
      tpu.vector_store_idx %arg7[%add3A_2719, %broadcast_in_dim3A_2709], %gather3A_2716 : memref<32x512xf32, #tpu.memory_space<vmem>>[vector<16xi32>, vector<16xi32>], vector<16xf32>,
      %add3A_2720 = arith.constant 16 : i32
      %add3A_2721 = vector.broadcast %add3A_2720 : i32 to vector<16xi32>
      %add3A_2722 = arith.addi %iota3A, %add3A_2721 : vector<16xi32>
      %gather3A_2723 = tpu.vector_load_idx %arg6[%broadcast_in_dim3A_2712, %add3A_2722, %broadcast_in_dim3A_2706] : memref<16x32x128xf32, #tpu.memory_space<vmem>>[vector<16xi32>, vector<16xi32>, vector<16xi32>], vector<16xf32>,
      %add3A_2724 = arith.constant 16 : i32
      %add3A_2725 = vector.broadcast %add3A_2724 : i32 to vector<16xi32>
      %add3A_2726 = arith.addi %iota3A, %add3A_2725 : vector<16xi32>
      tpu.vector_store_idx %arg7[%add3A_2726, %broadcast_in_dim3A_2709], %gather3A_2723 : memref<32x512xf32, #tpu.memory_space<vmem>>[vector<16xi32>, vector<16xi32>], vector<16xf32>,
      %slice3A_2727 = vector.extract_strided_slice %get3A_1502 {offsets = [10], sizes = [1], strides = [1]} : vector<16xi32> to vector<1xi32>
      %squeeze3A_2728 = vector.extract %slice3A_2727[0] : i32 from vector<1xi32>
      %jit3A_2729 = arith.constant 128 : i32
      %eq3A_2730 = arith.constant 0 : i32
      %eq3A_2731 = arith.cmpi eq, %jit3A_2729, %eq3A_2730 : i32
      %jit3A_2732 = arith.constant 1 : i32
      %select_n3A_2733 = arith.select %eq3A_2731, %jit3A_2732, %jit3A_2729 : i32
      %rem3A_2734 = arith.remsi %squeeze3A_2728, %select_n3A_2733 : i32
      %ne3A_2735 = arith.constant 0 : i32
      %ne3A_2736 = arith.cmpi ne, %rem3A_2734, %ne3A_2735 : i32
      %lt3A_2737 = arith.constant 0 : i32
      %lt3A_2738 = arith.cmpi slt, %rem3A_2734, %lt3A_2737 : i32
      %lt3A_2739 = arith.constant 0 : i32
      %lt3A_2740 = arith.cmpi slt, %select_n3A_2733, %lt3A_2739 : i32
      %ne3A_2741 = arith.xori %lt3A_2738, %lt3A_2740 : i1
      %and3A_2742 = arith.andi %ne3A_2741, %ne3A_2736 : i1
      %add3A_2743 = arith.addi %rem3A_2734, %select_n3A_2733 : i32
      %select_n3A_2744 = arith.select %and3A_2742, %add3A_2743, %rem3A_2734 : i32
      %broadcast_in_dim3A_2745 = vector.broadcast %select_n3A_2744 : i32 to vector<16xi32>
      %add3A_2746 = arith.constant 2 : i32
      %add3A_2747 = arith.addi %mul3A_2648, %add3A_2746 : i32
      %broadcast_in_dim3A_2748 = vector.broadcast %add3A_2747 : i32 to vector<16xi32>
      %add3A_2749 = arith.constant 2 : i32
      %add3A_2750 = arith.addi %mul3A_2586, %add3A_2749 : i32
      %broadcast_in_dim3A_2751 = vector.broadcast %add3A_2750 : i32 to vector<16xi32>
      %add3A_2752 = arith.constant 0 : i32
      %add3A_2753 = vector.broadcast %add3A_2752 : i32 to vector<16xi32>
      %add3A_2754 = arith.addi %iota3A, %add3A_2753 : vector<16xi32>
      %gather3A_2755 = tpu.vector_load_idx %arg6[%broadcast_in_dim3A_2751, %add3A_2754, %broadcast_in_dim3A_2745] : memref<16x32x128xf32, #tpu.memory_space<vmem>>[vector<16xi32>, vector<16xi32>, vector<16xi32>], vector<16xf32>,
      %add3A_2756 = arith.constant 0 : i32
      %add3A_2757 = vector.broadcast %add3A_2756 : i32 to vector<16xi32>
      %add3A_2758 = arith.addi %iota3A, %add3A_2757 : vector<16xi32>
      tpu.vector_store_idx %arg7[%add3A_2758, %broadcast_in_dim3A_2748], %gather3A_2755 : memref<32x512xf32, #tpu.memory_space<vmem>>[vector<16xi32>, vector<16xi32>], vector<16xf32>,
      %add3A_2759 = arith.constant 16 : i32
      %add3A_2760 = vector.broadcast %add3A_2759 : i32 to vector<16xi32>
      %add3A_2761 = arith.addi %iota3A, %add3A_2760 : vector<16xi32>
      %gather3A_2762 = tpu.vector_load_idx %arg6[%broadcast_in_dim3A_2751, %add3A_2761, %broadcast_in_dim3A_2745] : memref<16x32x128xf32, #tpu.memory_space<vmem>>[vector<16xi32>, vector<16xi32>, vector<16xi32>], vector<16xf32>,
      %add3A_2763 = arith.constant 16 : i32
      %add3A_2764 = vector.broadcast %add3A_2763 : i32 to vector<16xi32>
      %add3A_2765 = arith.addi %iota3A, %add3A_2764 : vector<16xi32>
      tpu.vector_store_idx %arg7[%add3A_2765, %broadcast_in_dim3A_2748], %gather3A_2762 : memref<32x512xf32, #tpu.memory_space<vmem>>[vector<16xi32>, vector<16xi32>], vector<16xf32>,
      %slice3A_2766 = vector.extract_strided_slice %get3A_1502 {offsets = [11], sizes = [1], strides = [1]} : vector<16xi32> to vector<1xi32>
      %squeeze3A_2767 = vector.extract %slice3A_2766[0] : i32 from vector<1xi32>
      %jit3A_2768 = arith.constant 128 : i32
      %eq3A_2769 = arith.constant 0 : i32
      %eq3A_2770 = arith.cmpi eq, %jit3A_2768, %eq3A_2769 : i32
      %jit3A_2771 = arith.constant 1 : i32
      %select_n3A_2772 = arith.select %eq3A_2770, %jit3A_2771, %jit3A_2768 : i32
      %rem3A_2773 = arith.remsi %squeeze3A_2767, %select_n3A_2772 : i32
      %ne3A_2774 = arith.constant 0 : i32
      %ne3A_2775 = arith.cmpi ne, %rem3A_2773, %ne3A_2774 : i32
      %lt3A_2776 = arith.constant 0 : i32
      %lt3A_2777 = arith.cmpi slt, %rem3A_2773, %lt3A_2776 : i32
      %lt3A_2778 = arith.constant 0 : i32
      %lt3A_2779 = arith.cmpi slt, %select_n3A_2772, %lt3A_2778 : i32
      %ne3A_2780 = arith.xori %lt3A_2777, %lt3A_2779 : i1
      %and3A_2781 = arith.andi %ne3A_2780, %ne3A_2775 : i1
      %add3A_2782 = arith.addi %rem3A_2773, %select_n3A_2772 : i32
      %select_n3A_2783 = arith.select %and3A_2781, %add3A_2782, %rem3A_2773 : i32
      %broadcast_in_dim3A_2784 = vector.broadcast %select_n3A_2783 : i32 to vector<16xi32>
      %add3A_2785 = arith.constant 3 : i32
      %add3A_2786 = arith.addi %mul3A_2648, %add3A_2785 : i32
      %broadcast_in_dim3A_2787 = vector.broadcast %add3A_2786 : i32 to vector<16xi32>
      %add3A_2788 = arith.constant 3 : i32
      %add3A_2789 = arith.addi %mul3A_2586, %add3A_2788 : i32
      %broadcast_in_dim3A_2790 = vector.broadcast %add3A_2789 : i32 to vector<16xi32>
      %add3A_2791 = arith.constant 0 : i32
      %add3A_2792 = vector.broadcast %add3A_2791 : i32 to vector<16xi32>
      %add3A_2793 = arith.addi %iota3A, %add3A_2792 : vector<16xi32>
      %gather3A_2794 = tpu.vector_load_idx %arg6[%broadcast_in_dim3A_2790, %add3A_2793, %broadcast_in_dim3A_2784] : memref<16x32x128xf32, #tpu.memory_space<vmem>>[vector<16xi32>, vector<16xi32>, vector<16xi32>], vector<16xf32>,
      %add3A_2795 = arith.constant 0 : i32
      %add3A_2796 = vector.broadcast %add3A_2795 : i32 to vector<16xi32>
      %add3A_2797 = arith.addi %iota3A, %add3A_2796 : vector<16xi32>
      tpu.vector_store_idx %arg7[%add3A_2797, %broadcast_in_dim3A_2787], %gather3A_2794 : memref<32x512xf32, #tpu.memory_space<vmem>>[vector<16xi32>, vector<16xi32>], vector<16xf32>,
      %add3A_2798 = arith.constant 16 : i32
      %add3A_2799 = vector.broadcast %add3A_2798 : i32 to vector<16xi32>
      %add3A_2800 = arith.addi %iota3A, %add3A_2799 : vector<16xi32>
      %gather3A_2801 = tpu.vector_load_idx %arg6[%broadcast_in_dim3A_2790, %add3A_2800, %broadcast_in_dim3A_2784] : memref<16x32x128xf32, #tpu.memory_space<vmem>>[vector<16xi32>, vector<16xi32>, vector<16xi32>], vector<16xf32>,
      %add3A_2802 = arith.constant 16 : i32
      %add3A_2803 = vector.broadcast %add3A_2802 : i32 to vector<16xi32>
      %add3A_2804 = arith.addi %iota3A, %add3A_2803 : vector<16xi32>
      tpu.vector_store_idx %arg7[%add3A_2804, %broadcast_in_dim3A_2787], %gather3A_2801 : memref<32x512xf32, #tpu.memory_space<vmem>>[vector<16xi32>, vector<16xi32>], vector<16xf32>,
      %mul3A_2805 = arith.constant 4 : i32
      %mul3A_2806 = arith.muli %scan3A_1498, %mul3A_2805 : i32
      %add3A_2807 = arith.constant 3 : i32
      %add3A_2808 = arith.addi %mul3A_2806, %add3A_2807 : i32
      %add3A_2809 = arith.constant 3 : i32
      %add3A_2810 = arith.addi %add3A_2808, %add3A_2809 : i32
      %jit3A_2811 = arith.constant 4 : i32
      %eq3A_2812 = arith.constant 0 : i32
      %eq3A_2813 = arith.cmpi eq, %jit3A_2811, %eq3A_2812 : i32
      %jit3A_2814 = arith.constant 1 : i32
      %select_n3A_2815 = arith.select %eq3A_2813, %jit3A_2814, %jit3A_2811 : i32
      %rem3A_2816 = arith.remsi %add3A_2810, %select_n3A_2815 : i32
      %ne3A_2817 = arith.constant 0 : i32
      %ne3A_2818 = arith.cmpi ne, %rem3A_2816, %ne3A_2817 : i32
      %lt3A_2819 = arith.constant 0 : i32
      %lt3A_2820 = arith.cmpi slt, %rem3A_2816, %lt3A_2819 : i32
      %lt3A_2821 = arith.constant 0 : i32
      %lt3A_2822 = arith.cmpi slt, %select_n3A_2815, %lt3A_2821 : i32
      %ne3A_2823 = arith.xori %lt3A_2820, %lt3A_2822 : i1
      %and3A_2824 = arith.andi %ne3A_2823, %ne3A_2818 : i1
      %add3A_2825 = arith.addi %rem3A_2816, %select_n3A_2815 : i32
      %select_n3A_2826 = arith.select %and3A_2824, %add3A_2825, %rem3A_2816 : i32
      %mul3A_2827 = arith.constant 4 : i32
      %mul3A_2828 = arith.muli %select_n3A_2826, %mul3A_2827 : i32
      %slice3A_2829 = vector.extract_strided_slice %get3A_1508 {offsets = [8], sizes = [1], strides = [1]} : vector<16xi32> to vector<1xi32>
      %squeeze3A_2830 = vector.extract %slice3A_2829[0] : i32 from vector<1xi32>
      %jit3A_2831 = arith.constant 128 : i32
      %div3A_2832 = arith.divsi %squeeze3A_2830, %jit3A_2831 : i32
      %sign3A_2833 = arith.constant 0 : i32
      %sign3A_2834 = arith.cmpi sgt, %squeeze3A_2830, %sign3A_2833 : i32
      %sign3A_2835 = arith.extui %sign3A_2834 : i1 to i32
      %sign3A_2836 = arith.constant 0 : i32
      %sign3A_2837 = arith.cmpi slt, %squeeze3A_2830, %sign3A_2836 : i32
      %sign3A_2838 = arith.extui %sign3A_2837 : i1 to i32
      %sign3A_2839 = arith.subi %sign3A_2835, %sign3A_2838 : i32
      %sign3A_2840 = arith.constant 0 : i32
      %sign3A_2841 = arith.cmpi sgt, %jit3A_2831, %sign3A_2840 : i32
      %sign3A_2842 = arith.extui %sign3A_2841 : i1 to i32
      %sign3A_2843 = arith.constant 0 : i32
      %sign3A_2844 = arith.cmpi slt, %jit3A_2831, %sign3A_2843 : i32
      %sign3A_2845 = arith.extui %sign3A_2844 : i1 to i32
      %sign3A_2846 = arith.subi %sign3A_2842, %sign3A_2845 : i32
      %ne3A_2847 = arith.cmpi ne, %sign3A_2839, %sign3A_2846 : i32
      %rem3A_2848 = arith.remsi %squeeze3A_2830, %jit3A_2831 : i32
      %ne3A_2849 = arith.constant 0 : i32
      %ne3A_2850 = arith.cmpi ne, %rem3A_2848, %ne3A_2849 : i32
      %and3A_2851 = arith.andi %ne3A_2847, %ne3A_2850 : i1
      %sub3A_2852 = arith.constant 1 : i32
      %sub3A_2853 = arith.subi %div3A_2832, %sub3A_2852 : i32
      %select_n3A_2854 = arith.select %and3A_2851, %sub3A_2853, %div3A_2832 : i32
      %mul3A_2855 = arith.constant 128 : i32
      %mul3A_2856 = arith.muli %select_n3A_2854, %mul3A_2855 : i32
      %multiple_of3A_2857 = tpu.assume_multiple %mul3A_2856, 128 : i32
      %add3A_2858 = arith.constant 0 : i32
      %add3A_2859 = arith.addi %mul3A_2828, %add3A_2858 : i32
      %dma_start3A_2860 = arith.constant 0 : i32
      %dma_start3A_2861 = arith.constant 0 : i32
      %dma_start3A_2862 = tpu.memref_slice %arg6[%add3A_2859, %dma_start3A_2860, %dma_start3A_2861] : memref<16x32x128xf32, #tpu.memory_space<vmem>> -> memref<1x32x128xf32, #tpu.memory_space<vmem>>
      %dma_start3A_2863 = tpu.memref_squeeze %dma_start3A_2862 : memref<1x32x128xf32, #tpu.memory_space<vmem>> -> memref<32x128xf32, #tpu.memory_space<vmem>>
      %dma_start3A_2864 = arith.constant 0 : i32
      %dma_start3A_2865 = tpu.memref_slice %arg2[%dma_start3A_2864, %multiple_of3A_2857] : memref<32x1000000xf32, #tpu.memory_space<hbm>> -> memref<32x128xf32, #tpu.memory_space<hbm>>
      %dma_start3A_2866 = arith.constant 0 : i32
      %dma_start3A_2867 = arith.constant 0 : i32
      %dma_start3A_2868 = tpu.memref_slice %arg6[%add3A_2859, %dma_start3A_2866, %dma_start3A_2867] : memref<16x32x128xf32, #tpu.memory_space<vmem>> -> memref<1x32x128xf32, #tpu.memory_space<vmem>>
      %dma_start3A_2869 = tpu.memref_squeeze %dma_start3A_2868 : memref<1x32x128xf32, #tpu.memory_space<vmem>> -> memref<32x128xf32, #tpu.memory_space<vmem>>
      %dma_start3A_2870 = arith.constant 0 : i32
      %dma_start3A_2871 = tpu.memref_slice %arg2[%dma_start3A_2870, %multiple_of3A_2857] : memref<32x1000000xf32, #tpu.memory_space<hbm>> -> memref<32x128xf32, #tpu.memory_space<hbm>>
      tpu.enqueue_dma source(%dma_start3A_2871 : memref<32x128xf32, #tpu.memory_space<hbm>>) target(%dma_start3A_2869 : memref<32x128xf32, #tpu.memory_space<vmem>>) target_semaphore(%arg8 : memref<!tpu.dma_semaphore, #tpu.memory_space<semaphore_mem>>)
      %slice3A_2872 = vector.extract_strided_slice %get3A_1508 {offsets = [9], sizes = [1], strides = [1]} : vector<16xi32> to vector<1xi32>
      %squeeze3A_2873 = vector.extract %slice3A_2872[0] : i32 from vector<1xi32>
      %jit3A_2874 = arith.constant 128 : i32
      %div3A_2875 = arith.divsi %squeeze3A_2873, %jit3A_2874 : i32
      %sign3A_2876 = arith.constant 0 : i32
      %sign3A_2877 = arith.cmpi sgt, %squeeze3A_2873, %sign3A_2876 : i32
      %sign3A_2878 = arith.extui %sign3A_2877 : i1 to i32
      %sign3A_2879 = arith.constant 0 : i32
      %sign3A_2880 = arith.cmpi slt, %squeeze3A_2873, %sign3A_2879 : i32
      %sign3A_2881 = arith.extui %sign3A_2880 : i1 to i32
      %sign3A_2882 = arith.subi %sign3A_2878, %sign3A_2881 : i32
      %sign3A_2883 = arith.constant 0 : i32
      %sign3A_2884 = arith.cmpi sgt, %jit3A_2874, %sign3A_2883 : i32
      %sign3A_2885 = arith.extui %sign3A_2884 : i1 to i32
      %sign3A_2886 = arith.constant 0 : i32
      %sign3A_2887 = arith.cmpi slt, %jit3A_2874, %sign3A_2886 : i32
      %sign3A_2888 = arith.extui %sign3A_2887 : i1 to i32
      %sign3A_2889 = arith.subi %sign3A_2885, %sign3A_2888 : i32
      %ne3A_2890 = arith.cmpi ne, %sign3A_2882, %sign3A_2889 : i32
      %rem3A_2891 = arith.remsi %squeeze3A_2873, %jit3A_2874 : i32
      %ne3A_2892 = arith.constant 0 : i32
      %ne3A_2893 = arith.cmpi ne, %rem3A_2891, %ne3A_2892 : i32
      %and3A_2894 = arith.andi %ne3A_2890, %ne3A_2893 : i1
      %sub3A_2895 = arith.constant 1 : i32
      %sub3A_2896 = arith.subi %div3A_2875, %sub3A_2895 : i32
      %select_n3A_2897 = arith.select %and3A_2894, %sub3A_2896, %div3A_2875 : i32
      %mul3A_2898 = arith.constant 128 : i32
      %mul3A_2899 = arith.muli %select_n3A_2897, %mul3A_2898 : i32
      %multiple_of3A_2900 = tpu.assume_multiple %mul3A_2899, 128 : i32
      %add3A_2901 = arith.constant 1 : i32
      %add3A_2902 = arith.addi %mul3A_2828, %add3A_2901 : i32
      %dma_start3A_2903 = arith.constant 0 : i32
      %dma_start3A_2904 = arith.constant 0 : i32
      %dma_start3A_2905 = tpu.memref_slice %arg6[%add3A_2902, %dma_start3A_2903, %dma_start3A_2904] : memref<16x32x128xf32, #tpu.memory_space<vmem>> -> memref<1x32x128xf32, #tpu.memory_space<vmem>>
      %dma_start3A_2906 = tpu.memref_squeeze %dma_start3A_2905 : memref<1x32x128xf32, #tpu.memory_space<vmem>> -> memref<32x128xf32, #tpu.memory_space<vmem>>
      %dma_start3A_2907 = arith.constant 0 : i32
      %dma_start3A_2908 = tpu.memref_slice %arg2[%dma_start3A_2907, %multiple_of3A_2900] : memref<32x1000000xf32, #tpu.memory_space<hbm>> -> memref<32x128xf32, #tpu.memory_space<hbm>>
      %dma_start3A_2909 = arith.constant 0 : i32
      %dma_start3A_2910 = arith.constant 0 : i32
      %dma_start3A_2911 = tpu.memref_slice %arg6[%add3A_2902, %dma_start3A_2909, %dma_start3A_2910] : memref<16x32x128xf32, #tpu.memory_space<vmem>> -> memref<1x32x128xf32, #tpu.memory_space<vmem>>
      %dma_start3A_2912 = tpu.memref_squeeze %dma_start3A_2911 : memref<1x32x128xf32, #tpu.memory_space<vmem>> -> memref<32x128xf32, #tpu.memory_space<vmem>>
      %dma_start3A_2913 = arith.constant 0 : i32
      %dma_start3A_2914 = tpu.memref_slice %arg2[%dma_start3A_2913, %multiple_of3A_2900] : memref<32x1000000xf32, #tpu.memory_space<hbm>> -> memref<32x128xf32, #tpu.memory_space<hbm>>
      tpu.enqueue_dma source(%dma_start3A_2914 : memref<32x128xf32, #tpu.memory_space<hbm>>) target(%dma_start3A_2912 : memref<32x128xf32, #tpu.memory_space<vmem>>) target_semaphore(%arg8 : memref<!tpu.dma_semaphore, #tpu.memory_space<semaphore_mem>>)
      %slice3A_2915 = vector.extract_strided_slice %get3A_1508 {offsets = [10], sizes = [1], strides = [1]} : vector<16xi32> to vector<1xi32>
      %squeeze3A_2916 = vector.extract %slice3A_2915[0] : i32 from vector<1xi32>
      %jit3A_2917 = arith.constant 128 : i32
      %div3A_2918 = arith.divsi %squeeze3A_2916, %jit3A_2917 : i32
      %sign3A_2919 = arith.constant 0 : i32
      %sign3A_2920 = arith.cmpi sgt, %squeeze3A_2916, %sign3A_2919 : i32
      %sign3A_2921 = arith.extui %sign3A_2920 : i1 to i32
      %sign3A_2922 = arith.constant 0 : i32
      %sign3A_2923 = arith.cmpi slt, %squeeze3A_2916, %sign3A_2922 : i32
      %sign3A_2924 = arith.extui %sign3A_2923 : i1 to i32
      %sign3A_2925 = arith.subi %sign3A_2921, %sign3A_2924 : i32
      %sign3A_2926 = arith.constant 0 : i32
      %sign3A_2927 = arith.cmpi sgt, %jit3A_2917, %sign3A_2926 : i32
      %sign3A_2928 = arith.extui %sign3A_2927 : i1 to i32
      %sign3A_2929 = arith.constant 0 : i32
      %sign3A_2930 = arith.cmpi slt, %jit3A_2917, %sign3A_2929 : i32
      %sign3A_2931 = arith.extui %sign3A_2930 : i1 to i32
      %sign3A_2932 = arith.subi %sign3A_2928, %sign3A_2931 : i32
      %ne3A_2933 = arith.cmpi ne, %sign3A_2925, %sign3A_2932 : i32
      %rem3A_2934 = arith.remsi %squeeze3A_2916, %jit3A_2917 : i32
      %ne3A_2935 = arith.constant 0 : i32
      %ne3A_2936 = arith.cmpi ne, %rem3A_2934, %ne3A_2935 : i32
      %and3A_2937 = arith.andi %ne3A_2933, %ne3A_2936 : i1
      %sub3A_2938 = arith.constant 1 : i32
      %sub3A_2939 = arith.subi %div3A_2918, %sub3A_2938 : i32
      %select_n3A_2940 = arith.select %and3A_2937, %sub3A_2939, %div3A_2918 : i32
      %mul3A_2941 = arith.constant 128 : i32
      %mul3A_2942 = arith.muli %select_n3A_2940, %mul3A_2941 : i32
      %multiple_of3A_2943 = tpu.assume_multiple %mul3A_2942, 128 : i32
      %add3A_2944 = arith.constant 2 : i32
      %add3A_2945 = arith.addi %mul3A_2828, %add3A_2944 : i32
      %dma_start3A_2946 = arith.constant 0 : i32
      %dma_start3A_2947 = arith.constant 0 : i32
      %dma_start3A_2948 = tpu.memref_slice %arg6[%add3A_2945, %dma_start3A_2946, %dma_start3A_2947] : memref<16x32x128xf32, #tpu.memory_space<vmem>> -> memref<1x32x128xf32, #tpu.memory_space<vmem>>
      %dma_start3A_2949 = tpu.memref_squeeze %dma_start3A_2948 : memref<1x32x128xf32, #tpu.memory_space<vmem>> -> memref<32x128xf32, #tpu.memory_space<vmem>>
      %dma_start3A_2950 = arith.constant 0 : i32
      %dma_start3A_2951 = tpu.memref_slice %arg2[%dma_start3A_2950, %multiple_of3A_2943] : memref<32x1000000xf32, #tpu.memory_space<hbm>> -> memref<32x128xf32, #tpu.memory_space<hbm>>
      %dma_start3A_2952 = arith.constant 0 : i32
      %dma_start3A_2953 = arith.constant 0 : i32
      %dma_start3A_2954 = tpu.memref_slice %arg6[%add3A_2945, %dma_start3A_2952, %dma_start3A_2953] : memref<16x32x128xf32, #tpu.memory_space<vmem>> -> memref<1x32x128xf32, #tpu.memory_space<vmem>>
      %dma_start3A_2955 = tpu.memref_squeeze %dma_start3A_2954 : memref<1x32x128xf32, #tpu.memory_space<vmem>> -> memref<32x128xf32, #tpu.memory_space<vmem>>
      %dma_start3A_2956 = arith.constant 0 : i32
      %dma_start3A_2957 = tpu.memref_slice %arg2[%dma_start3A_2956, %multiple_of3A_2943] : memref<32x1000000xf32, #tpu.memory_space<hbm>> -> memref<32x128xf32, #tpu.memory_space<hbm>>
      tpu.enqueue_dma source(%dma_start3A_2957 : memref<32x128xf32, #tpu.memory_space<hbm>>) target(%dma_start3A_2955 : memref<32x128xf32, #tpu.memory_space<vmem>>) target_semaphore(%arg8 : memref<!tpu.dma_semaphore, #tpu.memory_space<semaphore_mem>>)
      %slice3A_2958 = vector.extract_strided_slice %get3A_1508 {offsets = [11], sizes = [1], strides = [1]} : vector<16xi32> to vector<1xi32>
      %squeeze3A_2959 = vector.extract %slice3A_2958[0] : i32 from vector<1xi32>
      %jit3A_2960 = arith.constant 128 : i32
      %div3A_2961 = arith.divsi %squeeze3A_2959, %jit3A_2960 : i32
      %sign3A_2962 = arith.constant 0 : i32
      %sign3A_2963 = arith.cmpi sgt, %squeeze3A_2959, %sign3A_2962 : i32
      %sign3A_2964 = arith.extui %sign3A_2963 : i1 to i32
      %sign3A_2965 = arith.constant 0 : i32
      %sign3A_2966 = arith.cmpi slt, %squeeze3A_2959, %sign3A_2965 : i32
      %sign3A_2967 = arith.extui %sign3A_2966 : i1 to i32
      %sign3A_2968 = arith.subi %sign3A_2964, %sign3A_2967 : i32
      %sign3A_2969 = arith.constant 0 : i32
      %sign3A_2970 = arith.cmpi sgt, %jit3A_2960, %sign3A_2969 : i32
      %sign3A_2971 = arith.extui %sign3A_2970 : i1 to i32
      %sign3A_2972 = arith.constant 0 : i32
      %sign3A_2973 = arith.cmpi slt, %jit3A_2960, %sign3A_2972 : i32
      %sign3A_2974 = arith.extui %sign3A_2973 : i1 to i32
      %sign3A_2975 = arith.subi %sign3A_2971, %sign3A_2974 : i32
      %ne3A_2976 = arith.cmpi ne, %sign3A_2968, %sign3A_2975 : i32
      %rem3A_2977 = arith.remsi %squeeze3A_2959, %jit3A_2960 : i32
      %ne3A_2978 = arith.constant 0 : i32
      %ne3A_2979 = arith.cmpi ne, %rem3A_2977, %ne3A_2978 : i32
      %and3A_2980 = arith.andi %ne3A_2976, %ne3A_2979 : i1
      %sub3A_2981 = arith.constant 1 : i32
      %sub3A_2982 = arith.subi %div3A_2961, %sub3A_2981 : i32
      %select_n3A_2983 = arith.select %and3A_2980, %sub3A_2982, %div3A_2961 : i32
      %mul3A_2984 = arith.constant 128 : i32
      %mul3A_2985 = arith.muli %select_n3A_2983, %mul3A_2984 : i32
      %multiple_of3A_2986 = tpu.assume_multiple %mul3A_2985, 128 : i32
      %add3A_2987 = arith.constant 3 : i32
      %add3A_2988 = arith.addi %mul3A_2828, %add3A_2987 : i32
      %dma_start3A_2989 = arith.constant 0 : i32
      %dma_start3A_2990 = arith.constant 0 : i32
      %dma_start3A_2991 = tpu.memref_slice %arg6[%add3A_2988, %dma_start3A_2989, %dma_start3A_2990] : memref<16x32x128xf32, #tpu.memory_space<vmem>> -> memref<1x32x128xf32, #tpu.memory_space<vmem>>
      %dma_start3A_2992 = tpu.memref_squeeze %dma_start3A_2991 : memref<1x32x128xf32, #tpu.memory_space<vmem>> -> memref<32x128xf32, #tpu.memory_space<vmem>>
      %dma_start3A_2993 = arith.constant 0 : i32
      %dma_start3A_2994 = tpu.memref_slice %arg2[%dma_start3A_2993, %multiple_of3A_2986] : memref<32x1000000xf32, #tpu.memory_space<hbm>> -> memref<32x128xf32, #tpu.memory_space<hbm>>
      %dma_start3A_2995 = arith.constant 0 : i32
      %dma_start3A_2996 = arith.constant 0 : i32
      %dma_start3A_2997 = tpu.memref_slice %arg6[%add3A_2988, %dma_start3A_2995, %dma_start3A_2996] : memref<16x32x128xf32, #tpu.memory_space<vmem>> -> memref<1x32x128xf32, #tpu.memory_space<vmem>>
      %dma_start3A_2998 = tpu.memref_squeeze %dma_start3A_2997 : memref<1x32x128xf32, #tpu.memory_space<vmem>> -> memref<32x128xf32, #tpu.memory_space<vmem>>
      %dma_start3A_2999 = arith.constant 0 : i32
      %dma_start3A_3000 = tpu.memref_slice %arg2[%dma_start3A_2999, %multiple_of3A_2986] : memref<32x1000000xf32, #tpu.memory_space<hbm>> -> memref<32x128xf32, #tpu.memory_space<hbm>>
      tpu.enqueue_dma source(%dma_start3A_3000 : memref<32x128xf32, #tpu.memory_space<hbm>>) target(%dma_start3A_2998 : memref<32x128xf32, #tpu.memory_space<vmem>>) target_semaphore(%arg8 : memref<!tpu.dma_semaphore, #tpu.memory_space<semaphore_mem>>)
      %jit3A_3001 = arith.constant 4 : i32
      %eq3A_3002 = arith.constant 0 : i32
      %eq3A_3003 = arith.cmpi eq, %jit3A_3001, %eq3A_3002 : i32
      %jit3A_3004 = arith.constant 1 : i32
      %select_n3A_3005 = arith.select %eq3A_3003, %jit3A_3004, %jit3A_3001 : i32
      %rem3A_3006 = arith.remsi %add3A_2808, %select_n3A_3005 : i32
      %ne3A_3007 = arith.constant 0 : i32
      %ne3A_3008 = arith.cmpi ne, %rem3A_3006, %ne3A_3007 : i32
      %lt3A_3009 = arith.constant 0 : i32
      %lt3A_3010 = arith.cmpi slt, %rem3A_3006, %lt3A_3009 : i32
      %lt3A_3011 = arith.constant 0 : i32
      %lt3A_3012 = arith.cmpi slt, %select_n3A_3005, %lt3A_3011 : i32
      %ne3A_3013 = arith.xori %lt3A_3010, %lt3A_3012 : i1
      %and3A_3014 = arith.andi %ne3A_3013, %ne3A_3008 : i1
      %add3A_3015 = arith.addi %rem3A_3006, %select_n3A_3005 : i32
      %select_n3A_3016 = arith.select %and3A_3014, %add3A_3015, %rem3A_3006 : i32
      %mul3A_3017 = arith.constant 4 : i32
      %mul3A_3018 = arith.muli %select_n3A_3016, %mul3A_3017 : i32
      %dma_wait3A_3019 = arith.constant 0 : i32
      %dma_wait3A_3020 = arith.constant 0 : i32
      %dma_wait3A_3021 = arith.constant 0 : i32
      %dma_wait3A_3022 = tpu.memref_slice %arg6[%dma_wait3A_3019, %dma_wait3A_3020, %dma_wait3A_3021] : memref<16x32x128xf32, #tpu.memory_space<vmem>> -> memref<1x32x128xf32, #tpu.memory_space<vmem>>
      %dma_wait3A_3023 = tpu.memref_squeeze %dma_wait3A_3022 : memref<1x32x128xf32, #tpu.memory_space<vmem>> -> memref<32x128xf32, #tpu.memory_space<vmem>>
      %dma_wait3A_3024 = arith.constant 0 : i32
      %dma_wait3A_3025 = arith.constant 0 : i32
      %dma_wait3A_3026 = tpu.memref_slice %arg2[%dma_wait3A_3024, %dma_wait3A_3025] : memref<32x1000000xf32, #tpu.memory_space<hbm>> -> memref<32x128xf32, #tpu.memory_space<hbm>>
      %dma_wait3A_3027 = arith.constant 0 : i32
      %dma_wait3A_3028 = arith.constant 0 : i32
      %dma_wait3A_3029 = tpu.memref_slice %arg6[%dma_wait3A_3019, %dma_wait3A_3027, %dma_wait3A_3028] : memref<16x32x128xf32, #tpu.memory_space<vmem>> -> memref<1x32x128xf32, #tpu.memory_space<vmem>>
      %dma_wait3A_3030 = tpu.memref_squeeze %dma_wait3A_3029 : memref<1x32x128xf32, #tpu.memory_space<vmem>> -> memref<32x128xf32, #tpu.memory_space<vmem>>
      %dma_wait3A_3031 = arith.constant 0 : i32
      %dma_wait3A_3032 = arith.constant 0 : i32
      %dma_wait3A_3033 = tpu.memref_slice %arg2[%dma_wait3A_3031, %dma_wait3A_3032] : memref<32x1000000xf32, #tpu.memory_space<hbm>> -> memref<32x128xf32, #tpu.memory_space<hbm>>
      tpu.wait_dma2 semaphore(%arg8 : memref<!tpu.dma_semaphore, #tpu.memory_space<semaphore_mem>>) src(%dma_wait3A_3033 : memref<32x128xf32, #tpu.memory_space<hbm>>) dst(%dma_wait3A_3030 : memref<32x128xf32, #tpu.memory_space<vmem>>)
      %dma_wait3A_3034 = arith.constant 0 : i32
      %dma_wait3A_3035 = arith.constant 0 : i32
      %dma_wait3A_3036 = arith.constant 0 : i32
      %dma_wait3A_3037 = tpu.memref_slice %arg6[%dma_wait3A_3034, %dma_wait3A_3035, %dma_wait3A_3036] : memref<16x32x128xf32, #tpu.memory_space<vmem>> -> memref<1x32x128xf32, #tpu.memory_space<vmem>>
      %dma_wait3A_3038 = tpu.memref_squeeze %dma_wait3A_3037 : memref<1x32x128xf32, #tpu.memory_space<vmem>> -> memref<32x128xf32, #tpu.memory_space<vmem>>
      %dma_wait3A_3039 = arith.constant 0 : i32
      %dma_wait3A_3040 = arith.constant 0 : i32
      %dma_wait3A_3041 = tpu.memref_slice %arg2[%dma_wait3A_3039, %dma_wait3A_3040] : memref<32x1000000xf32, #tpu.memory_space<hbm>> -> memref<32x128xf32, #tpu.memory_space<hbm>>
      %dma_wait3A_3042 = arith.constant 0 : i32
      %dma_wait3A_3043 = arith.constant 0 : i32
      %dma_wait3A_3044 = tpu.memref_slice %arg6[%dma_wait3A_3034, %dma_wait3A_3042, %dma_wait3A_3043] : memref<16x32x128xf32, #tpu.memory_space<vmem>> -> memref<1x32x128xf32, #tpu.memory_space<vmem>>
      %dma_wait3A_3045 = tpu.memref_squeeze %dma_wait3A_3044 : memref<1x32x128xf32, #tpu.memory_space<vmem>> -> memref<32x128xf32, #tpu.memory_space<vmem>>
      %dma_wait3A_3046 = arith.constant 0 : i32
      %dma_wait3A_3047 = arith.constant 0 : i32
      %dma_wait3A_3048 = tpu.memref_slice %arg2[%dma_wait3A_3046, %dma_wait3A_3047] : memref<32x1000000xf32, #tpu.memory_space<hbm>> -> memref<32x128xf32, #tpu.memory_space<hbm>>
      tpu.wait_dma2 semaphore(%arg8 : memref<!tpu.dma_semaphore, #tpu.memory_space<semaphore_mem>>) src(%dma_wait3A_3048 : memref<32x128xf32, #tpu.memory_space<hbm>>) dst(%dma_wait3A_3045 : memref<32x128xf32, #tpu.memory_space<vmem>>)
      %dma_wait3A_3049 = arith.constant 0 : i32
      %dma_wait3A_3050 = arith.constant 0 : i32
      %dma_wait3A_3051 = arith.constant 0 : i32
      %dma_wait3A_3052 = tpu.memref_slice %arg6[%dma_wait3A_3049, %dma_wait3A_3050, %dma_wait3A_3051] : memref<16x32x128xf32, #tpu.memory_space<vmem>> -> memref<1x32x128xf32, #tpu.memory_space<vmem>>
      %dma_wait3A_3053 = tpu.memref_squeeze %dma_wait3A_3052 : memref<1x32x128xf32, #tpu.memory_space<vmem>> -> memref<32x128xf32, #tpu.memory_space<vmem>>
      %dma_wait3A_3054 = arith.constant 0 : i32
      %dma_wait3A_3055 = arith.constant 0 : i32
      %dma_wait3A_3056 = tpu.memref_slice %arg2[%dma_wait3A_3054, %dma_wait3A_3055] : memref<32x1000000xf32, #tpu.memory_space<hbm>> -> memref<32x128xf32, #tpu.memory_space<hbm>>
      %dma_wait3A_3057 = arith.constant 0 : i32
      %dma_wait3A_3058 = arith.constant 0 : i32
      %dma_wait3A_3059 = tpu.memref_slice %arg6[%dma_wait3A_3049, %dma_wait3A_3057, %dma_wait3A_3058] : memref<16x32x128xf32, #tpu.memory_space<vmem>> -> memref<1x32x128xf32, #tpu.memory_space<vmem>>
      %dma_wait3A_3060 = tpu.memref_squeeze %dma_wait3A_3059 : memref<1x32x128xf32, #tpu.memory_space<vmem>> -> memref<32x128xf32, #tpu.memory_space<vmem>>
      %dma_wait3A_3061 = arith.constant 0 : i32
      %dma_wait3A_3062 = arith.constant 0 : i32
      %dma_wait3A_3063 = tpu.memref_slice %arg2[%dma_wait3A_3061, %dma_wait3A_3062] : memref<32x1000000xf32, #tpu.memory_space<hbm>> -> memref<32x128xf32, #tpu.memory_space<hbm>>
      tpu.wait_dma2 semaphore(%arg8 : memref<!tpu.dma_semaphore, #tpu.memory_space<semaphore_mem>>) src(%dma_wait3A_3063 : memref<32x128xf32, #tpu.memory_space<hbm>>) dst(%dma_wait3A_3060 : memref<32x128xf32, #tpu.memory_space<vmem>>)
      %dma_wait3A_3064 = arith.constant 0 : i32
      %dma_wait3A_3065 = arith.constant 0 : i32
      %dma_wait3A_3066 = arith.constant 0 : i32
      %dma_wait3A_3067 = tpu.memref_slice %arg6[%dma_wait3A_3064, %dma_wait3A_3065, %dma_wait3A_3066] : memref<16x32x128xf32, #tpu.memory_space<vmem>> -> memref<1x32x128xf32, #tpu.memory_space<vmem>>
      %dma_wait3A_3068 = tpu.memref_squeeze %dma_wait3A_3067 : memref<1x32x128xf32, #tpu.memory_space<vmem>> -> memref<32x128xf32, #tpu.memory_space<vmem>>
      %dma_wait3A_3069 = arith.constant 0 : i32
      %dma_wait3A_3070 = arith.constant 0 : i32
      %dma_wait3A_3071 = tpu.memref_slice %arg2[%dma_wait3A_3069, %dma_wait3A_3070] : memref<32x1000000xf32, #tpu.memory_space<hbm>> -> memref<32x128xf32, #tpu.memory_space<hbm>>
      %dma_wait3A_3072 = arith.constant 0 : i32
      %dma_wait3A_3073 = arith.constant 0 : i32
      %dma_wait3A_3074 = tpu.memref_slice %arg6[%dma_wait3A_3064, %dma_wait3A_3072, %dma_wait3A_3073] : memref<16x32x128xf32, #tpu.memory_space<vmem>> -> memref<1x32x128xf32, #tpu.memory_space<vmem>>
      %dma_wait3A_3075 = tpu.memref_squeeze %dma_wait3A_3074 : memref<1x32x128xf32, #tpu.memory_space<vmem>> -> memref<32x128xf32, #tpu.memory_space<vmem>>
      %dma_wait3A_3076 = arith.constant 0 : i32
      %dma_wait3A_3077 = arith.constant 0 : i32
      %dma_wait3A_3078 = tpu.memref_slice %arg2[%dma_wait3A_3076, %dma_wait3A_3077] : memref<32x1000000xf32, #tpu.memory_space<hbm>> -> memref<32x128xf32, #tpu.memory_space<hbm>>
      tpu.wait_dma2 semaphore(%arg8 : memref<!tpu.dma_semaphore, #tpu.memory_space<semaphore_mem>>) src(%dma_wait3A_3078 : memref<32x128xf32, #tpu.memory_space<hbm>>) dst(%dma_wait3A_3075 : memref<32x128xf32, #tpu.memory_space<vmem>>)
      %mul3A_3079 = arith.constant 4 : i32
      %mul3A_3080 = arith.muli %add3A_2808, %mul3A_3079 : i32
      %slice3A_3081 = vector.extract_strided_slice %get3A_1502 {offsets = [12], sizes = [1], strides = [1]} : vector<16xi32> to vector<1xi32>
      %squeeze3A_3082 = vector.extract %slice3A_3081[0] : i32 from vector<1xi32>
      %jit3A_3083 = arith.constant 128 : i32
      %eq3A_3084 = arith.constant 0 : i32
      %eq3A_3085 = arith.cmpi eq, %jit3A_3083, %eq3A_3084 : i32
      %jit3A_3086 = arith.constant 1 : i32
      %select_n3A_3087 = arith.select %eq3A_3085, %jit3A_3086, %jit3A_3083 : i32
      %rem3A_3088 = arith.remsi %squeeze3A_3082, %select_n3A_3087 : i32
      %ne3A_3089 = arith.constant 0 : i32
      %ne3A_3090 = arith.cmpi ne, %rem3A_3088, %ne3A_3089 : i32
      %lt3A_3091 = arith.constant 0 : i32
      %lt3A_3092 = arith.cmpi slt, %rem3A_3088, %lt3A_3091 : i32
      %lt3A_3093 = arith.constant 0 : i32
      %lt3A_3094 = arith.cmpi slt, %select_n3A_3087, %lt3A_3093 : i32
      %ne3A_3095 = arith.xori %lt3A_3092, %lt3A_3094 : i1
      %and3A_3096 = arith.andi %ne3A_3095, %ne3A_3090 : i1
      %add3A_3097 = arith.addi %rem3A_3088, %select_n3A_3087 : i32
      %select_n3A_3098 = arith.select %and3A_3096, %add3A_3097, %rem3A_3088 : i32
      %broadcast_in_dim3A_3099 = vector.broadcast %select_n3A_3098 : i32 to vector<16xi32>
      %add3A_3100 = arith.constant 0 : i32
      %add3A_3101 = arith.addi %mul3A_3080, %add3A_3100 : i32
      %broadcast_in_dim3A_3102 = vector.broadcast %add3A_3101 : i32 to vector<16xi32>
      %add3A_3103 = arith.constant 0 : i32
      %add3A_3104 = arith.addi %mul3A_3018, %add3A_3103 : i32
      %broadcast_in_dim3A_3105 = vector.broadcast %add3A_3104 : i32 to vector<16xi32>
      %add3A_3106 = arith.constant 0 : i32
      %add3A_3107 = vector.broadcast %add3A_3106 : i32 to vector<16xi32>
      %add3A_3108 = arith.addi %iota3A, %add3A_3107 : vector<16xi32>
      %gather3A_3109 = tpu.vector_load_idx %arg6[%broadcast_in_dim3A_3105, %add3A_3108, %broadcast_in_dim3A_3099] : memref<16x32x128xf32, #tpu.memory_space<vmem>>[vector<16xi32>, vector<16xi32>, vector<16xi32>], vector<16xf32>,
      %add3A_3110 = arith.constant 0 : i32
      %add3A_3111 = vector.broadcast %add3A_3110 : i32 to vector<16xi32>
      %add3A_3112 = arith.addi %iota3A, %add3A_3111 : vector<16xi32>
      tpu.vector_store_idx %arg7[%add3A_3112, %broadcast_in_dim3A_3102], %gather3A_3109 : memref<32x512xf32, #tpu.memory_space<vmem>>[vector<16xi32>, vector<16xi32>], vector<16xf32>,
      %add3A_3113 = arith.constant 16 : i32
      %add3A_3114 = vector.broadcast %add3A_3113 : i32 to vector<16xi32>
      %add3A_3115 = arith.addi %iota3A, %add3A_3114 : vector<16xi32>
      %gather3A_3116 = tpu.vector_load_idx %arg6[%broadcast_in_dim3A_3105, %add3A_3115, %broadcast_in_dim3A_3099] : memref<16x32x128xf32, #tpu.memory_space<vmem>>[vector<16xi32>, vector<16xi32>, vector<16xi32>], vector<16xf32>,
      %add3A_3117 = arith.constant 16 : i32
      %add3A_3118 = vector.broadcast %add3A_3117 : i32 to vector<16xi32>
      %add3A_3119 = arith.addi %iota3A, %add3A_3118 : vector<16xi32>
      tpu.vector_store_idx %arg7[%add3A_3119, %broadcast_in_dim3A_3102], %gather3A_3116 : memref<32x512xf32, #tpu.memory_space<vmem>>[vector<16xi32>, vector<16xi32>], vector<16xf32>,
      %slice3A_3120 = vector.extract_strided_slice %get3A_1502 {offsets = [13], sizes = [1], strides = [1]} : vector<16xi32> to vector<1xi32>
      %squeeze3A_3121 = vector.extract %slice3A_3120[0] : i32 from vector<1xi32>
      %jit3A_3122 = arith.constant 128 : i32
      %eq3A_3123 = arith.constant 0 : i32
      %eq3A_3124 = arith.cmpi eq, %jit3A_3122, %eq3A_3123 : i32
      %jit3A_3125 = arith.constant 1 : i32
      %select_n3A_3126 = arith.select %eq3A_3124, %jit3A_3125, %jit3A_3122 : i32
      %rem3A_3127 = arith.remsi %squeeze3A_3121, %select_n3A_3126 : i32
      %ne3A_3128 = arith.constant 0 : i32
      %ne3A_3129 = arith.cmpi ne, %rem3A_3127, %ne3A_3128 : i32
      %lt3A_3130 = arith.constant 0 : i32
      %lt3A_3131 = arith.cmpi slt, %rem3A_3127, %lt3A_3130 : i32
      %lt3A_3132 = arith.constant 0 : i32
      %lt3A_3133 = arith.cmpi slt, %select_n3A_3126, %lt3A_3132 : i32
      %ne3A_3134 = arith.xori %lt3A_3131, %lt3A_3133 : i1
      %and3A_3135 = arith.andi %ne3A_3134, %ne3A_3129 : i1
      %add3A_3136 = arith.addi %rem3A_3127, %select_n3A_3126 : i32
      %select_n3A_3137 = arith.select %and3A_3135, %add3A_3136, %rem3A_3127 : i32
      %broadcast_in_dim3A_3138 = vector.broadcast %select_n3A_3137 : i32 to vector<16xi32>
      %add3A_3139 = arith.constant 1 : i32
      %add3A_3140 = arith.addi %mul3A_3080, %add3A_3139 : i32
      %broadcast_in_dim3A_3141 = vector.broadcast %add3A_3140 : i32 to vector<16xi32>
      %add3A_3142 = arith.constant 1 : i32
      %add3A_3143 = arith.addi %mul3A_3018, %add3A_3142 : i32
      %broadcast_in_dim3A_3144 = vector.broadcast %add3A_3143 : i32 to vector<16xi32>
      %add3A_3145 = arith.constant 0 : i32
      %add3A_3146 = vector.broadcast %add3A_3145 : i32 to vector<16xi32>
      %add3A_3147 = arith.addi %iota3A, %add3A_3146 : vector<16xi32>
      %gather3A_3148 = tpu.vector_load_idx %arg6[%broadcast_in_dim3A_3144, %add3A_3147, %broadcast_in_dim3A_3138] : memref<16x32x128xf32, #tpu.memory_space<vmem>>[vector<16xi32>, vector<16xi32>, vector<16xi32>], vector<16xf32>,
      %add3A_3149 = arith.constant 0 : i32
      %add3A_3150 = vector.broadcast %add3A_3149 : i32 to vector<16xi32>
      %add3A_3151 = arith.addi %iota3A, %add3A_3150 : vector<16xi32>
      tpu.vector_store_idx %arg7[%add3A_3151, %broadcast_in_dim3A_3141], %gather3A_3148 : memref<32x512xf32, #tpu.memory_space<vmem>>[vector<16xi32>, vector<16xi32>], vector<16xf32>,
      %add3A_3152 = arith.constant 16 : i32
      %add3A_3153 = vector.broadcast %add3A_3152 : i32 to vector<16xi32>
      %add3A_3154 = arith.addi %iota3A, %add3A_3153 : vector<16xi32>
      %gather3A_3155 = tpu.vector_load_idx %arg6[%broadcast_in_dim3A_3144, %add3A_3154, %broadcast_in_dim3A_3138] : memref<16x32x128xf32, #tpu.memory_space<vmem>>[vector<16xi32>, vector<16xi32>, vector<16xi32>], vector<16xf32>,
      %add3A_3156 = arith.constant 16 : i32
      %add3A_3157 = vector.broadcast %add3A_3156 : i32 to vector<16xi32>
      %add3A_3158 = arith.addi %iota3A, %add3A_3157 : vector<16xi32>
      tpu.vector_store_idx %arg7[%add3A_3158, %broadcast_in_dim3A_3141], %gather3A_3155 : memref<32x512xf32, #tpu.memory_space<vmem>>[vector<16xi32>, vector<16xi32>], vector<16xf32>,
      %slice3A_3159 = vector.extract_strided_slice %get3A_1502 {offsets = [14], sizes = [1], strides = [1]} : vector<16xi32> to vector<1xi32>
      %squeeze3A_3160 = vector.extract %slice3A_3159[0] : i32 from vector<1xi32>
      %jit3A_3161 = arith.constant 128 : i32
      %eq3A_3162 = arith.constant 0 : i32
      %eq3A_3163 = arith.cmpi eq, %jit3A_3161, %eq3A_3162 : i32
      %jit3A_3164 = arith.constant 1 : i32
      %select_n3A_3165 = arith.select %eq3A_3163, %jit3A_3164, %jit3A_3161 : i32
      %rem3A_3166 = arith.remsi %squeeze3A_3160, %select_n3A_3165 : i32
      %ne3A_3167 = arith.constant 0 : i32
      %ne3A_3168 = arith.cmpi ne, %rem3A_3166, %ne3A_3167 : i32
      %lt3A_3169 = arith.constant 0 : i32
      %lt3A_3170 = arith.cmpi slt, %rem3A_3166, %lt3A_3169 : i32
      %lt3A_3171 = arith.constant 0 : i32
      %lt3A_3172 = arith.cmpi slt, %select_n3A_3165, %lt3A_3171 : i32
      %ne3A_3173 = arith.xori %lt3A_3170, %lt3A_3172 : i1
      %and3A_3174 = arith.andi %ne3A_3173, %ne3A_3168 : i1
      %add3A_3175 = arith.addi %rem3A_3166, %select_n3A_3165 : i32
      %select_n3A_3176 = arith.select %and3A_3174, %add3A_3175, %rem3A_3166 : i32
      %broadcast_in_dim3A_3177 = vector.broadcast %select_n3A_3176 : i32 to vector<16xi32>
      %add3A_3178 = arith.constant 2 : i32
      %add3A_3179 = arith.addi %mul3A_3080, %add3A_3178 : i32
      %broadcast_in_dim3A_3180 = vector.broadcast %add3A_3179 : i32 to vector<16xi32>
      %add3A_3181 = arith.constant 2 : i32
      %add3A_3182 = arith.addi %mul3A_3018, %add3A_3181 : i32
      %broadcast_in_dim3A_3183 = vector.broadcast %add3A_3182 : i32 to vector<16xi32>
      %add3A_3184 = arith.constant 0 : i32
      %add3A_3185 = vector.broadcast %add3A_3184 : i32 to vector<16xi32>
      %add3A_3186 = arith.addi %iota3A, %add3A_3185 : vector<16xi32>
      %gather3A_3187 = tpu.vector_load_idx %arg6[%broadcast_in_dim3A_3183, %add3A_3186, %broadcast_in_dim3A_3177] : memref<16x32x128xf32, #tpu.memory_space<vmem>>[vector<16xi32>, vector<16xi32>, vector<16xi32>], vector<16xf32>,
      %add3A_3188 = arith.constant 0 : i32
      %add3A_3189 = vector.broadcast %add3A_3188 : i32 to vector<16xi32>
      %add3A_3190 = arith.addi %iota3A, %add3A_3189 : vector<16xi32>
      tpu.vector_store_idx %arg7[%add3A_3190, %broadcast_in_dim3A_3180], %gather3A_3187 : memref<32x512xf32, #tpu.memory_space<vmem>>[vector<16xi32>, vector<16xi32>], vector<16xf32>,
      %add3A_3191 = arith.constant 16 : i32
      %add3A_3192 = vector.broadcast %add3A_3191 : i32 to vector<16xi32>
      %add3A_3193 = arith.addi %iota3A, %add3A_3192 : vector<16xi32>
      %gather3A_3194 = tpu.vector_load_idx %arg6[%broadcast_in_dim3A_3183, %add3A_3193, %broadcast_in_dim3A_3177] : memref<16x32x128xf32, #tpu.memory_space<vmem>>[vector<16xi32>, vector<16xi32>, vector<16xi32>], vector<16xf32>,
      %add3A_3195 = arith.constant 16 : i32
      %add3A_3196 = vector.broadcast %add3A_3195 : i32 to vector<16xi32>
      %add3A_3197 = arith.addi %iota3A, %add3A_3196 : vector<16xi32>
      tpu.vector_store_idx %arg7[%add3A_3197, %broadcast_in_dim3A_3180], %gather3A_3194 : memref<32x512xf32, #tpu.memory_space<vmem>>[vector<16xi32>, vector<16xi32>], vector<16xf32>,
      %slice3A_3198 = vector.extract_strided_slice %get3A_1502 {offsets = [15], sizes = [1], strides = [1]} : vector<16xi32> to vector<1xi32>
      %squeeze3A_3199 = vector.extract %slice3A_3198[0] : i32 from vector<1xi32>
      %jit3A_3200 = arith.constant 128 : i32
      %eq3A_3201 = arith.constant 0 : i32
      %eq3A_3202 = arith.cmpi eq, %jit3A_3200, %eq3A_3201 : i32
      %jit3A_3203 = arith.constant 1 : i32
      %select_n3A_3204 = arith.select %eq3A_3202, %jit3A_3203, %jit3A_3200 : i32
      %rem3A_3205 = arith.remsi %squeeze3A_3199, %select_n3A_3204 : i32
      %ne3A_3206 = arith.constant 0 : i32
      %ne3A_3207 = arith.cmpi ne, %rem3A_3205, %ne3A_3206 : i32
      %lt3A_3208 = arith.constant 0 : i32
      %lt3A_3209 = arith.cmpi slt, %rem3A_3205, %lt3A_3208 : i32
      %lt3A_3210 = arith.constant 0 : i32
      %lt3A_3211 = arith.cmpi slt, %select_n3A_3204, %lt3A_3210 : i32
      %ne3A_3212 = arith.xori %lt3A_3209, %lt3A_3211 : i1
      %and3A_3213 = arith.andi %ne3A_3212, %ne3A_3207 : i1
      %add3A_3214 = arith.addi %rem3A_3205, %select_n3A_3204 : i32
      %select_n3A_3215 = arith.select %and3A_3213, %add3A_3214, %rem3A_3205 : i32
      %broadcast_in_dim3A_3216 = vector.broadcast %select_n3A_3215 : i32 to vector<16xi32>
      %add3A_3217 = arith.constant 3 : i32
      %add3A_3218 = arith.addi %mul3A_3080, %add3A_3217 : i32
      %broadcast_in_dim3A_3219 = vector.broadcast %add3A_3218 : i32 to vector<16xi32>
      %add3A_3220 = arith.constant 3 : i32
      %add3A_3221 = arith.addi %mul3A_3018, %add3A_3220 : i32
      %broadcast_in_dim3A_3222 = vector.broadcast %add3A_3221 : i32 to vector<16xi32>
      %add3A_3223 = arith.constant 0 : i32
      %add3A_3224 = vector.broadcast %add3A_3223 : i32 to vector<16xi32>
      %add3A_3225 = arith.addi %iota3A, %add3A_3224 : vector<16xi32>
      %gather3A_3226 = tpu.vector_load_idx %arg6[%broadcast_in_dim3A_3222, %add3A_3225, %broadcast_in_dim3A_3216] : memref<16x32x128xf32, #tpu.memory_space<vmem>>[vector<16xi32>, vector<16xi32>, vector<16xi32>], vector<16xf32>,
      %add3A_3227 = arith.constant 0 : i32
      %add3A_3228 = vector.broadcast %add3A_3227 : i32 to vector<16xi32>
      %add3A_3229 = arith.addi %iota3A, %add3A_3228 : vector<16xi32>
      tpu.vector_store_idx %arg7[%add3A_3229, %broadcast_in_dim3A_3219], %gather3A_3226 : memref<32x512xf32, #tpu.memory_space<vmem>>[vector<16xi32>, vector<16xi32>], vector<16xf32>,
      %add3A_3230 = arith.constant 16 : i32
      %add3A_3231 = vector.broadcast %add3A_3230 : i32 to vector<16xi32>
      %add3A_3232 = arith.addi %iota3A, %add3A_3231 : vector<16xi32>
      %gather3A_3233 = tpu.vector_load_idx %arg6[%broadcast_in_dim3A_3222, %add3A_3232, %broadcast_in_dim3A_3216] : memref<16x32x128xf32, #tpu.memory_space<vmem>>[vector<16xi32>, vector<16xi32>, vector<16xi32>], vector<16xf32>,
      %add3A_3234 = arith.constant 16 : i32
      %add3A_3235 = vector.broadcast %add3A_3234 : i32 to vector<16xi32>
      %add3A_3236 = arith.addi %iota3A, %add3A_3235 : vector<16xi32>
      tpu.vector_store_idx %arg7[%add3A_3236, %broadcast_in_dim3A_3219], %gather3A_3233 : memref<32x512xf32, #tpu.memory_space<vmem>>[vector<16xi32>, vector<16xi32>], vector<16xf32>,
    }
    %scan3A_500 = arith.constant 31 : i32
    %get3A_501 = arith.constant 496 : index
    %get3A_502 = tpu.vector_load %arg5[%get3A_501] {strides = array<i32>} : memref<512xi32, #tpu.memory_space<vmem>>, vector<16xi32>,
    %slice3A_503 = vector.extract_strided_slice %get3A_502 {offsets = [12], sizes = [1], strides = [1]} : vector<16xi32> to vector<1xi32>
    %squeeze3A_504 = vector.extract %slice3A_503[0] : i32 from vector<1xi32>
    %jit3A_505 = arith.constant 128 : i32
    %div3A_506 = arith.divsi %squeeze3A_504, %jit3A_505 : i32
    %sign3A_507 = arith.constant 0 : i32
    %sign3A_508 = arith.cmpi sgt, %squeeze3A_504, %sign3A_507 : i32
    %sign3A_509 = arith.extui %sign3A_508 : i1 to i32
    %sign3A_510 = arith.constant 0 : i32
    %sign3A_511 = arith.cmpi slt, %squeeze3A_504, %sign3A_510 : i32
    %sign3A_512 = arith.extui %sign3A_511 : i1 to i32
    %sign3A_513 = arith.subi %sign3A_509, %sign3A_512 : i32
    %sign3A_514 = arith.constant 0 : i32
    %sign3A_515 = arith.cmpi sgt, %jit3A_505, %sign3A_514 : i32
    %sign3A_516 = arith.extui %sign3A_515 : i1 to i32
    %sign3A_517 = arith.constant 0 : i32
    %sign3A_518 = arith.cmpi slt, %jit3A_505, %sign3A_517 : i32
    %sign3A_519 = arith.extui %sign3A_518 : i1 to i32
    %sign3A_520 = arith.subi %sign3A_516, %sign3A_519 : i32
    %ne3A_521 = arith.cmpi ne, %sign3A_513, %sign3A_520 : i32
    %rem3A_522 = arith.remsi %squeeze3A_504, %jit3A_505 : i32
    %ne3A_523 = arith.constant 0 : i32
    %ne3A_524 = arith.cmpi ne, %rem3A_522, %ne3A_523 : i32
    %and3A_525 = arith.andi %ne3A_521, %ne3A_524 : i1
    %sub3A_526 = arith.constant 1 : i32
    %sub3A_527 = arith.subi %div3A_506, %sub3A_526 : i32
    %select_n3A_528 = arith.select %and3A_525, %sub3A_527, %div3A_506 : i32
    %mul3A_529 = arith.constant 128 : i32
    %mul3A_530 = arith.muli %select_n3A_528, %mul3A_529 : i32
    %multiple_of3A_531 = tpu.assume_multiple %mul3A_530, 128 : i32
    %dma_start3A_532 = arith.constant 12 : i32
    %dma_start3A_533 = arith.constant 0 : i32
    %dma_start3A_534 = arith.constant 0 : i32
    %dma_start3A_535 = tpu.memref_slice %arg6[%dma_start3A_532, %dma_start3A_533, %dma_start3A_534] : memref<16x32x128xf32, #tpu.memory_space<vmem>> -> memref<1x32x128xf32, #tpu.memory_space<vmem>>
    %dma_start3A_536 = tpu.memref_squeeze %dma_start3A_535 : memref<1x32x128xf32, #tpu.memory_space<vmem>> -> memref<32x128xf32, #tpu.memory_space<vmem>>
    %dma_start3A_537 = arith.constant 0 : i32
    %dma_start3A_538 = tpu.memref_slice %arg2[%dma_start3A_537, %multiple_of3A_531] : memref<32x1000000xf32, #tpu.memory_space<hbm>> -> memref<32x128xf32, #tpu.memory_space<hbm>>
    %dma_start3A_539 = arith.constant 0 : i32
    %dma_start3A_540 = arith.constant 0 : i32
    %dma_start3A_541 = tpu.memref_slice %arg6[%dma_start3A_532, %dma_start3A_539, %dma_start3A_540] : memref<16x32x128xf32, #tpu.memory_space<vmem>> -> memref<1x32x128xf32, #tpu.memory_space<vmem>>
    %dma_start3A_542 = tpu.memref_squeeze %dma_start3A_541 : memref<1x32x128xf32, #tpu.memory_space<vmem>> -> memref<32x128xf32, #tpu.memory_space<vmem>>
    %dma_start3A_543 = arith.constant 0 : i32
    %dma_start3A_544 = tpu.memref_slice %arg2[%dma_start3A_543, %multiple_of3A_531] : memref<32x1000000xf32, #tpu.memory_space<hbm>> -> memref<32x128xf32, #tpu.memory_space<hbm>>
    tpu.enqueue_dma source(%dma_start3A_544 : memref<32x128xf32, #tpu.memory_space<hbm>>) target(%dma_start3A_542 : memref<32x128xf32, #tpu.memory_space<vmem>>) target_semaphore(%arg8 : memref<!tpu.dma_semaphore, #tpu.memory_space<semaphore_mem>>)
    %slice3A_545 = vector.extract_strided_slice %get3A_502 {offsets = [13], sizes = [1], strides = [1]} : vector<16xi32> to vector<1xi32>
    %squeeze3A_546 = vector.extract %slice3A_545[0] : i32 from vector<1xi32>
    %jit3A_547 = arith.constant 128 : i32
    %div3A_548 = arith.divsi %squeeze3A_546, %jit3A_547 : i32
    %sign3A_549 = arith.constant 0 : i32
    %sign3A_550 = arith.cmpi sgt, %squeeze3A_546, %sign3A_549 : i32
    %sign3A_551 = arith.extui %sign3A_550 : i1 to i32
    %sign3A_552 = arith.constant 0 : i32
    %sign3A_553 = arith.cmpi slt, %squeeze3A_546, %sign3A_552 : i32
    %sign3A_554 = arith.extui %sign3A_553 : i1 to i32
    %sign3A_555 = arith.subi %sign3A_551, %sign3A_554 : i32
    %sign3A_556 = arith.constant 0 : i32
    %sign3A_557 = arith.cmpi sgt, %jit3A_547, %sign3A_556 : i32
    %sign3A_558 = arith.extui %sign3A_557 : i1 to i32
    %sign3A_559 = arith.constant 0 : i32
    %sign3A_560 = arith.cmpi slt, %jit3A_547, %sign3A_559 : i32
    %sign3A_561 = arith.extui %sign3A_560 : i1 to i32
    %sign3A_562 = arith.subi %sign3A_558, %sign3A_561 : i32
    %ne3A_563 = arith.cmpi ne, %sign3A_555, %sign3A_562 : i32
    %rem3A_564 = arith.remsi %squeeze3A_546, %jit3A_547 : i32
    %ne3A_565 = arith.constant 0 : i32
    %ne3A_566 = arith.cmpi ne, %rem3A_564, %ne3A_565 : i32
    %and3A_567 = arith.andi %ne3A_563, %ne3A_566 : i1
    %sub3A_568 = arith.constant 1 : i32
    %sub3A_569 = arith.subi %div3A_548, %sub3A_568 : i32
    %select_n3A_570 = arith.select %and3A_567, %sub3A_569, %div3A_548 : i32
    %mul3A_571 = arith.constant 128 : i32
    %mul3A_572 = arith.muli %select_n3A_570, %mul3A_571 : i32
    %multiple_of3A_573 = tpu.assume_multiple %mul3A_572, 128 : i32
    %dma_start3A_574 = arith.constant 13 : i32
    %dma_start3A_575 = arith.constant 0 : i32
    %dma_start3A_576 = arith.constant 0 : i32
    %dma_start3A_577 = tpu.memref_slice %arg6[%dma_start3A_574, %dma_start3A_575, %dma_start3A_576] : memref<16x32x128xf32, #tpu.memory_space<vmem>> -> memref<1x32x128xf32, #tpu.memory_space<vmem>>
    %dma_start3A_578 = tpu.memref_squeeze %dma_start3A_577 : memref<1x32x128xf32, #tpu.memory_space<vmem>> -> memref<32x128xf32, #tpu.memory_space<vmem>>
    %dma_start3A_579 = arith.constant 0 : i32
    %dma_start3A_580 = tpu.memref_slice %arg2[%dma_start3A_579, %multiple_of3A_573] : memref<32x1000000xf32, #tpu.memory_space<hbm>> -> memref<32x128xf32, #tpu.memory_space<hbm>>
    %dma_start3A_581 = arith.constant 0 : i32
    %dma_start3A_582 = arith.constant 0 : i32
    %dma_start3A_583 = tpu.memref_slice %arg6[%dma_start3A_574, %dma_start3A_581, %dma_start3A_582] : memref<16x32x128xf32, #tpu.memory_space<vmem>> -> memref<1x32x128xf32, #tpu.memory_space<vmem>>
    %dma_start3A_584 = tpu.memref_squeeze %dma_start3A_583 : memref<1x32x128xf32, #tpu.memory_space<vmem>> -> memref<32x128xf32, #tpu.memory_space<vmem>>
    %dma_start3A_585 = arith.constant 0 : i32
    %dma_start3A_586 = tpu.memref_slice %arg2[%dma_start3A_585, %multiple_of3A_573] : memref<32x1000000xf32, #tpu.memory_space<hbm>> -> memref<32x128xf32, #tpu.memory_space<hbm>>
    tpu.enqueue_dma source(%dma_start3A_586 : memref<32x128xf32, #tpu.memory_space<hbm>>) target(%dma_start3A_584 : memref<32x128xf32, #tpu.memory_space<vmem>>) target_semaphore(%arg8 : memref<!tpu.dma_semaphore, #tpu.memory_space<semaphore_mem>>)
    %slice3A_587 = vector.extract_strided_slice %get3A_502 {offsets = [14], sizes = [1], strides = [1]} : vector<16xi32> to vector<1xi32>
    %squeeze3A_588 = vector.extract %slice3A_587[0] : i32 from vector<1xi32>
    %jit3A_589 = arith.constant 128 : i32
    %div3A_590 = arith.divsi %squeeze3A_588, %jit3A_589 : i32
    %sign3A_591 = arith.constant 0 : i32
    %sign3A_592 = arith.cmpi sgt, %squeeze3A_588, %sign3A_591 : i32
    %sign3A_593 = arith.extui %sign3A_592 : i1 to i32
    %sign3A_594 = arith.constant 0 : i32
    %sign3A_595 = arith.cmpi slt, %squeeze3A_588, %sign3A_594 : i32
    %sign3A_596 = arith.extui %sign3A_595 : i1 to i32
    %sign3A_597 = arith.subi %sign3A_593, %sign3A_596 : i32
    %sign3A_598 = arith.constant 0 : i32
    %sign3A_599 = arith.cmpi sgt, %jit3A_589, %sign3A_598 : i32
    %sign3A_600 = arith.extui %sign3A_599 : i1 to i32
    %sign3A_601 = arith.constant 0 : i32
    %sign3A_602 = arith.cmpi slt, %jit3A_589, %sign3A_601 : i32
    %sign3A_603 = arith.extui %sign3A_602 : i1 to i32
    %sign3A_604 = arith.subi %sign3A_600, %sign3A_603 : i32
    %ne3A_605 = arith.cmpi ne, %sign3A_597, %sign3A_604 : i32
    %rem3A_606 = arith.remsi %squeeze3A_588, %jit3A_589 : i32
    %ne3A_607 = arith.constant 0 : i32
    %ne3A_608 = arith.cmpi ne, %rem3A_606, %ne3A_607 : i32
    %and3A_609 = arith.andi %ne3A_605, %ne3A_608 : i1
    %sub3A_610 = arith.constant 1 : i32
    %sub3A_611 = arith.subi %div3A_590, %sub3A_610 : i32
    %select_n3A_612 = arith.select %and3A_609, %sub3A_611, %div3A_590 : i32
    %mul3A_613 = arith.constant 128 : i32
    %mul3A_614 = arith.muli %select_n3A_612, %mul3A_613 : i32
    %multiple_of3A_615 = tpu.assume_multiple %mul3A_614, 128 : i32
    %dma_start3A_616 = arith.constant 14 : i32
    %dma_start3A_617 = arith.constant 0 : i32
    %dma_start3A_618 = arith.constant 0 : i32
    %dma_start3A_619 = tpu.memref_slice %arg6[%dma_start3A_616, %dma_start3A_617, %dma_start3A_618] : memref<16x32x128xf32, #tpu.memory_space<vmem>> -> memref<1x32x128xf32, #tpu.memory_space<vmem>>
    %dma_start3A_620 = tpu.memref_squeeze %dma_start3A_619 : memref<1x32x128xf32, #tpu.memory_space<vmem>> -> memref<32x128xf32, #tpu.memory_space<vmem>>
    %dma_start3A_621 = arith.constant 0 : i32
    %dma_start3A_622 = tpu.memref_slice %arg2[%dma_start3A_621, %multiple_of3A_615] : memref<32x1000000xf32, #tpu.memory_space<hbm>> -> memref<32x128xf32, #tpu.memory_space<hbm>>
    %dma_start3A_623 = arith.constant 0 : i32
    %dma_start3A_624 = arith.constant 0 : i32
    %dma_start3A_625 = tpu.memref_slice %arg6[%dma_start3A_616, %dma_start3A_623, %dma_start3A_624] : memref<16x32x128xf32, #tpu.memory_space<vmem>> -> memref<1x32x128xf32, #tpu.memory_space<vmem>>
    %dma_start3A_626 = tpu.memref_squeeze %dma_start3A_625 : memref<1x32x128xf32, #tpu.memory_space<vmem>> -> memref<32x128xf32, #tpu.memory_space<vmem>>
    %dma_start3A_627 = arith.constant 0 : i32
    %dma_start3A_628 = tpu.memref_slice %arg2[%dma_start3A_627, %multiple_of3A_615] : memref<32x1000000xf32, #tpu.memory_space<hbm>> -> memref<32x128xf32, #tpu.memory_space<hbm>>
    tpu.enqueue_dma source(%dma_start3A_628 : memref<32x128xf32, #tpu.memory_space<hbm>>) target(%dma_start3A_626 : memref<32x128xf32, #tpu.memory_space<vmem>>) target_semaphore(%arg8 : memref<!tpu.dma_semaphore, #tpu.memory_space<semaphore_mem>>)
    %slice3A_629 = vector.extract_strided_slice %get3A_502 {offsets = [15], sizes = [1], strides = [1]} : vector<16xi32> to vector<1xi32>
    %squeeze3A_630 = vector.extract %slice3A_629[0] : i32 from vector<1xi32>
    %jit3A_631 = arith.constant 128 : i32
    %div3A_632 = arith.divsi %squeeze3A_630, %jit3A_631 : i32
    %sign3A_633 = arith.constant 0 : i32
    %sign3A_634 = arith.cmpi sgt, %squeeze3A_630, %sign3A_633 : i32
    %sign3A_635 = arith.extui %sign3A_634 : i1 to i32
    %sign3A_636 = arith.constant 0 : i32
    %sign3A_637 = arith.cmpi slt, %squeeze3A_630, %sign3A_636 : i32
    %sign3A_638 = arith.extui %sign3A_637 : i1 to i32
    %sign3A_639 = arith.subi %sign3A_635, %sign3A_638 : i32
    %sign3A_640 = arith.constant 0 : i32
    %sign3A_641 = arith.cmpi sgt, %jit3A_631, %sign3A_640 : i32
    %sign3A_642 = arith.extui %sign3A_641 : i1 to i32
    %sign3A_643 = arith.constant 0 : i32
    %sign3A_644 = arith.cmpi slt, %jit3A_631, %sign3A_643 : i32
    %sign3A_645 = arith.extui %sign3A_644 : i1 to i32
    %sign3A_646 = arith.subi %sign3A_642, %sign3A_645 : i32
    %ne3A_647 = arith.cmpi ne, %sign3A_639, %sign3A_646 : i32
    %rem3A_648 = arith.remsi %squeeze3A_630, %jit3A_631 : i32
    %ne3A_649 = arith.constant 0 : i32
    %ne3A_650 = arith.cmpi ne, %rem3A_648, %ne3A_649 : i32
    %and3A_651 = arith.andi %ne3A_647, %ne3A_650 : i1
    %sub3A_652 = arith.constant 1 : i32
    %sub3A_653 = arith.subi %div3A_632, %sub3A_652 : i32
    %select_n3A_654 = arith.select %and3A_651, %sub3A_653, %div3A_632 : i32
    %mul3A_655 = arith.constant 128 : i32
    %mul3A_656 = arith.muli %select_n3A_654, %mul3A_655 : i32
    %multiple_of3A_657 = tpu.assume_multiple %mul3A_656, 128 : i32
    %dma_start3A_658 = arith.constant 15 : i32
    %dma_start3A_659 = arith.constant 0 : i32
    %dma_start3A_660 = arith.constant 0 : i32
    %dma_start3A_661 = tpu.memref_slice %arg6[%dma_start3A_658, %dma_start3A_659, %dma_start3A_660] : memref<16x32x128xf32, #tpu.memory_space<vmem>> -> memref<1x32x128xf32, #tpu.memory_space<vmem>>
    %dma_start3A_662 = tpu.memref_squeeze %dma_start3A_661 : memref<1x32x128xf32, #tpu.memory_space<vmem>> -> memref<32x128xf32, #tpu.memory_space<vmem>>
    %dma_start3A_663 = arith.constant 0 : i32
    %dma_start3A_664 = tpu.memref_slice %arg2[%dma_start3A_663, %multiple_of3A_657] : memref<32x1000000xf32, #tpu.memory_space<hbm>> -> memref<32x128xf32, #tpu.memory_space<hbm>>
    %dma_start3A_665 = arith.constant 0 : i32
    %dma_start3A_666 = arith.constant 0 : i32
    %dma_start3A_667 = tpu.memref_slice %arg6[%dma_start3A_658, %dma_start3A_665, %dma_start3A_666] : memref<16x32x128xf32, #tpu.memory_space<vmem>> -> memref<1x32x128xf32, #tpu.memory_space<vmem>>
    %dma_start3A_668 = tpu.memref_squeeze %dma_start3A_667 : memref<1x32x128xf32, #tpu.memory_space<vmem>> -> memref<32x128xf32, #tpu.memory_space<vmem>>
    %dma_start3A_669 = arith.constant 0 : i32
    %dma_start3A_670 = tpu.memref_slice %arg2[%dma_start3A_669, %multiple_of3A_657] : memref<32x1000000xf32, #tpu.memory_space<hbm>> -> memref<32x128xf32, #tpu.memory_space<hbm>>
    tpu.enqueue_dma source(%dma_start3A_670 : memref<32x128xf32, #tpu.memory_space<hbm>>) target(%dma_start3A_668 : memref<32x128xf32, #tpu.memory_space<vmem>>) target_semaphore(%arg8 : memref<!tpu.dma_semaphore, #tpu.memory_space<semaphore_mem>>)
    %dma_wait3A = arith.constant 0 : i32
    %dma_wait3A_671 = arith.constant 0 : i32
    %dma_wait3A_672 = arith.constant 0 : i32
    %dma_wait3A_673 = tpu.memref_slice %arg6[%dma_wait3A, %dma_wait3A_671, %dma_wait3A_672] : memref<16x32x128xf32, #tpu.memory_space<vmem>> -> memref<1x32x128xf32, #tpu.memory_space<vmem>>
    %dma_wait3A_674 = tpu.memref_squeeze %dma_wait3A_673 : memref<1x32x128xf32, #tpu.memory_space<vmem>> -> memref<32x128xf32, #tpu.memory_space<vmem>>
    %dma_wait3A_675 = arith.constant 0 : i32
    %dma_wait3A_676 = arith.constant 0 : i32
    %dma_wait3A_677 = tpu.memref_slice %arg2[%dma_wait3A_675, %dma_wait3A_676] : memref<32x1000000xf32, #tpu.memory_space<hbm>> -> memref<32x128xf32, #tpu.memory_space<hbm>>
    %dma_wait3A_678 = arith.constant 0 : i32
    %dma_wait3A_679 = arith.constant 0 : i32
    %dma_wait3A_680 = tpu.memref_slice %arg6[%dma_wait3A, %dma_wait3A_678, %dma_wait3A_679] : memref<16x32x128xf32, #tpu.memory_space<vmem>> -> memref<1x32x128xf32, #tpu.memory_space<vmem>>
    %dma_wait3A_681 = tpu.memref_squeeze %dma_wait3A_680 : memref<1x32x128xf32, #tpu.memory_space<vmem>> -> memref<32x128xf32, #tpu.memory_space<vmem>>
    %dma_wait3A_682 = arith.constant 0 : i32
    %dma_wait3A_683 = arith.constant 0 : i32
    %dma_wait3A_684 = tpu.memref_slice %arg2[%dma_wait3A_682, %dma_wait3A_683] : memref<32x1000000xf32, #tpu.memory_space<hbm>> -> memref<32x128xf32, #tpu.memory_space<hbm>>
    tpu.wait_dma2 semaphore(%arg8 : memref<!tpu.dma_semaphore, #tpu.memory_space<semaphore_mem>>) src(%dma_wait3A_684 : memref<32x128xf32, #tpu.memory_space<hbm>>) dst(%dma_wait3A_681 : memref<32x128xf32, #tpu.memory_space<vmem>>)
    %dma_wait3A_685 = arith.constant 0 : i32
    %dma_wait3A_686 = arith.constant 0 : i32
    %dma_wait3A_687 = arith.constant 0 : i32
    %dma_wait3A_688 = tpu.memref_slice %arg6[%dma_wait3A_685, %dma_wait3A_686, %dma_wait3A_687] : memref<16x32x128xf32, #tpu.memory_space<vmem>> -> memref<1x32x128xf32, #tpu.memory_space<vmem>>
    %dma_wait3A_689 = tpu.memref_squeeze %dma_wait3A_688 : memref<1x32x128xf32, #tpu.memory_space<vmem>> -> memref<32x128xf32, #tpu.memory_space<vmem>>
    %dma_wait3A_690 = arith.constant 0 : i32
    %dma_wait3A_691 = arith.constant 0 : i32
    %dma_wait3A_692 = tpu.memref_slice %arg2[%dma_wait3A_690, %dma_wait3A_691] : memref<32x1000000xf32, #tpu.memory_space<hbm>> -> memref<32x128xf32, #tpu.memory_space<hbm>>
    %dma_wait3A_693 = arith.constant 0 : i32
    %dma_wait3A_694 = arith.constant 0 : i32
    %dma_wait3A_695 = tpu.memref_slice %arg6[%dma_wait3A_685, %dma_wait3A_693, %dma_wait3A_694] : memref<16x32x128xf32, #tpu.memory_space<vmem>> -> memref<1x32x128xf32, #tpu.memory_space<vmem>>
    %dma_wait3A_696 = tpu.memref_squeeze %dma_wait3A_695 : memref<1x32x128xf32, #tpu.memory_space<vmem>> -> memref<32x128xf32, #tpu.memory_space<vmem>>
    %dma_wait3A_697 = arith.constant 0 : i32
    %dma_wait3A_698 = arith.constant 0 : i32
    %dma_wait3A_699 = tpu.memref_slice %arg2[%dma_wait3A_697, %dma_wait3A_698] : memref<32x1000000xf32, #tpu.memory_space<hbm>> -> memref<32x128xf32, #tpu.memory_space<hbm>>
    tpu.wait_dma2 semaphore(%arg8 : memref<!tpu.dma_semaphore, #tpu.memory_space<semaphore_mem>>) src(%dma_wait3A_699 : memref<32x128xf32, #tpu.memory_space<hbm>>) dst(%dma_wait3A_696 : memref<32x128xf32, #tpu.memory_space<vmem>>)
    %dma_wait3A_700 = arith.constant 0 : i32
    %dma_wait3A_701 = arith.constant 0 : i32
    %dma_wait3A_702 = arith.constant 0 : i32
    %dma_wait3A_703 = tpu.memref_slice %arg6[%dma_wait3A_700, %dma_wait3A_701, %dma_wait3A_702] : memref<16x32x128xf32, #tpu.memory_space<vmem>> -> memref<1x32x128xf32, #tpu.memory_space<vmem>>
    %dma_wait3A_704 = tpu.memref_squeeze %dma_wait3A_703 : memref<1x32x128xf32, #tpu.memory_space<vmem>> -> memref<32x128xf32, #tpu.memory_space<vmem>>
    %dma_wait3A_705 = arith.constant 0 : i32
    %dma_wait3A_706 = arith.constant 0 : i32
    %dma_wait3A_707 = tpu.memref_slice %arg2[%dma_wait3A_705, %dma_wait3A_706] : memref<32x1000000xf32, #tpu.memory_space<hbm>> -> memref<32x128xf32, #tpu.memory_space<hbm>>
    %dma_wait3A_708 = arith.constant 0 : i32
    %dma_wait3A_709 = arith.constant 0 : i32
    %dma_wait3A_710 = tpu.memref_slice %arg6[%dma_wait3A_700, %dma_wait3A_708, %dma_wait3A_709] : memref<16x32x128xf32, #tpu.memory_space<vmem>> -> memref<1x32x128xf32, #tpu.memory_space<vmem>>
    %dma_wait3A_711 = tpu.memref_squeeze %dma_wait3A_710 : memref<1x32x128xf32, #tpu.memory_space<vmem>> -> memref<32x128xf32, #tpu.memory_space<vmem>>
    %dma_wait3A_712 = arith.constant 0 : i32
    %dma_wait3A_713 = arith.constant 0 : i32
    %dma_wait3A_714 = tpu.memref_slice %arg2[%dma_wait3A_712, %dma_wait3A_713] : memref<32x1000000xf32, #tpu.memory_space<hbm>> -> memref<32x128xf32, #tpu.memory_space<hbm>>
    tpu.wait_dma2 semaphore(%arg8 : memref<!tpu.dma_semaphore, #tpu.memory_space<semaphore_mem>>) src(%dma_wait3A_714 : memref<32x128xf32, #tpu.memory_space<hbm>>) dst(%dma_wait3A_711 : memref<32x128xf32, #tpu.memory_space<vmem>>)
    %dma_wait3A_715 = arith.constant 0 : i32
    %dma_wait3A_716 = arith.constant 0 : i32
    %dma_wait3A_717 = arith.constant 0 : i32
    %dma_wait3A_718 = tpu.memref_slice %arg6[%dma_wait3A_715, %dma_wait3A_716, %dma_wait3A_717] : memref<16x32x128xf32, #tpu.memory_space<vmem>> -> memref<1x32x128xf32, #tpu.memory_space<vmem>>
    %dma_wait3A_719 = tpu.memref_squeeze %dma_wait3A_718 : memref<1x32x128xf32, #tpu.memory_space<vmem>> -> memref<32x128xf32, #tpu.memory_space<vmem>>
    %dma_wait3A_720 = arith.constant 0 : i32
    %dma_wait3A_721 = arith.constant 0 : i32
    %dma_wait3A_722 = tpu.memref_slice %arg2[%dma_wait3A_720, %dma_wait3A_721] : memref<32x1000000xf32, #tpu.memory_space<hbm>> -> memref<32x128xf32, #tpu.memory_space<hbm>>
    %dma_wait3A_723 = arith.constant 0 : i32
    %dma_wait3A_724 = arith.constant 0 : i32
    %dma_wait3A_725 = tpu.memref_slice %arg6[%dma_wait3A_715, %dma_wait3A_723, %dma_wait3A_724] : memref<16x32x128xf32, #tpu.memory_space<vmem>> -> memref<1x32x128xf32, #tpu.memory_space<vmem>>
    %dma_wait3A_726 = tpu.memref_squeeze %dma_wait3A_725 : memref<1x32x128xf32, #tpu.memory_space<vmem>> -> memref<32x128xf32, #tpu.memory_space<vmem>>
    %dma_wait3A_727 = arith.constant 0 : i32
    %dma_wait3A_728 = arith.constant 0 : i32
    %dma_wait3A_729 = tpu.memref_slice %arg2[%dma_wait3A_727, %dma_wait3A_728] : memref<32x1000000xf32, #tpu.memory_space<hbm>> -> memref<32x128xf32, #tpu.memory_space<hbm>>
    tpu.wait_dma2 semaphore(%arg8 : memref<!tpu.dma_semaphore, #tpu.memory_space<semaphore_mem>>) src(%dma_wait3A_729 : memref<32x128xf32, #tpu.memory_space<hbm>>) dst(%dma_wait3A_726 : memref<32x128xf32, #tpu.memory_space<vmem>>)
    %slice3A_730 = vector.extract_strided_slice %get3A_502 {offsets = [0], sizes = [1], strides = [1]} : vector<16xi32> to vector<1xi32>
    %squeeze3A_731 = vector.extract %slice3A_730[0] : i32 from vector<1xi32>
    %jit3A_732 = arith.constant 128 : i32
    %eq3A = arith.constant 0 : i32
    %eq3A_733 = arith.cmpi eq, %jit3A_732, %eq3A : i32
    %jit3A_734 = arith.constant 1 : i32
    %select_n3A_735 = arith.select %eq3A_733, %jit3A_734, %jit3A_732 : i32
    %rem3A_736 = arith.remsi %squeeze3A_731, %select_n3A_735 : i32
    %ne3A_737 = arith.constant 0 : i32
    %ne3A_738 = arith.cmpi ne, %rem3A_736, %ne3A_737 : i32
    %lt3A = arith.constant 0 : i32
    %lt3A_739 = arith.cmpi slt, %rem3A_736, %lt3A : i32
    %lt3A_740 = arith.constant 0 : i32
    %lt3A_741 = arith.cmpi slt, %select_n3A_735, %lt3A_740 : i32
    %ne3A_742 = arith.xori %lt3A_739, %lt3A_741 : i1
    %and3A_743 = arith.andi %ne3A_742, %ne3A_738 : i1
    %add3A_744 = arith.addi %rem3A_736, %select_n3A_735 : i32
    %select_n3A_745 = arith.select %and3A_743, %add3A_744, %rem3A_736 : i32
    %broadcast_in_dim3A = vector.broadcast %select_n3A_745 : i32 to vector<16xi32>
    %broadcast_in_dim3A_746 = arith.constant 496 : i32
    %broadcast_in_dim3A_747 = vector.broadcast %broadcast_in_dim3A_746 : i32 to vector<16xi32>
    %broadcast_in_dim3A_748 = arith.constant 0 : i32
    %broadcast_in_dim3A_749 = vector.broadcast %broadcast_in_dim3A_748 : i32 to vector<16xi32>
    %add3A_750 = arith.constant 0 : i32
    %add3A_751 = vector.broadcast %add3A_750 : i32 to vector<16xi32>
    %add3A_752 = arith.addi %iota3A, %add3A_751 : vector<16xi32>
    %gather3A = tpu.vector_load_idx %arg6[%broadcast_in_dim3A_749, %add3A_752, %broadcast_in_dim3A] : memref<16x32x128xf32, #tpu.memory_space<vmem>>[vector<16xi32>, vector<16xi32>, vector<16xi32>], vector<16xf32>,
    %add3A_753 = arith.constant 0 : i32
    %add3A_754 = vector.broadcast %add3A_753 : i32 to vector<16xi32>
    %add3A_755 = arith.addi %iota3A, %add3A_754 : vector<16xi32>
    tpu.vector_store_idx %arg7[%add3A_755, %broadcast_in_dim3A_747], %gather3A : memref<32x512xf32, #tpu.memory_space<vmem>>[vector<16xi32>, vector<16xi32>], vector<16xf32>,
    %add3A_756 = arith.constant 16 : i32
    %add3A_757 = vector.broadcast %add3A_756 : i32 to vector<16xi32>
    %add3A_758 = arith.addi %iota3A, %add3A_757 : vector<16xi32>
    %gather3A_759 = tpu.vector_load_idx %arg6[%broadcast_in_dim3A_749, %add3A_758, %broadcast_in_dim3A] : memref<16x32x128xf32, #tpu.memory_space<vmem>>[vector<16xi32>, vector<16xi32>, vector<16xi32>], vector<16xf32>,
    %add3A_760 = arith.constant 16 : i32
    %add3A_761 = vector.broadcast %add3A_760 : i32 to vector<16xi32>
    %add3A_762 = arith.addi %iota3A, %add3A_761 : vector<16xi32>
    tpu.vector_store_idx %arg7[%add3A_762, %broadcast_in_dim3A_747], %gather3A_759 : memref<32x512xf32, #tpu.memory_space<vmem>>[vector<16xi32>, vector<16xi32>], vector<16xf32>,
    %slice3A_763 = vector.extract_strided_slice %get3A_502 {offsets = [1], sizes = [1], strides = [1]} : vector<16xi32> to vector<1xi32>
    %squeeze3A_764 = vector.extract %slice3A_763[0] : i32 from vector<1xi32>
    %jit3A_765 = arith.constant 128 : i32
    %eq3A_766 = arith.constant 0 : i32
    %eq3A_767 = arith.cmpi eq, %jit3A_765, %eq3A_766 : i32
    %jit3A_768 = arith.constant 1 : i32
    %select_n3A_769 = arith.select %eq3A_767, %jit3A_768, %jit3A_765 : i32
    %rem3A_770 = arith.remsi %squeeze3A_764, %select_n3A_769 : i32
    %ne3A_771 = arith.constant 0 : i32
    %ne3A_772 = arith.cmpi ne, %rem3A_770, %ne3A_771 : i32
    %lt3A_773 = arith.constant 0 : i32
    %lt3A_774 = arith.cmpi slt, %rem3A_770, %lt3A_773 : i32
    %lt3A_775 = arith.constant 0 : i32
    %lt3A_776 = arith.cmpi slt, %select_n3A_769, %lt3A_775 : i32
    %ne3A_777 = arith.xori %lt3A_774, %lt3A_776 : i1
    %and3A_778 = arith.andi %ne3A_777, %ne3A_772 : i1
    %add3A_779 = arith.addi %rem3A_770, %select_n3A_769 : i32
    %select_n3A_780 = arith.select %and3A_778, %add3A_779, %rem3A_770 : i32
    %broadcast_in_dim3A_781 = vector.broadcast %select_n3A_780 : i32 to vector<16xi32>
    %broadcast_in_dim3A_782 = arith.constant 497 : i32
    %broadcast_in_dim3A_783 = vector.broadcast %broadcast_in_dim3A_782 : i32 to vector<16xi32>
    %broadcast_in_dim3A_784 = arith.constant 1 : i32
    %broadcast_in_dim3A_785 = vector.broadcast %broadcast_in_dim3A_784 : i32 to vector<16xi32>
    %add3A_786 = arith.constant 0 : i32
    %add3A_787 = vector.broadcast %add3A_786 : i32 to vector<16xi32>
    %add3A_788 = arith.addi %iota3A, %add3A_787 : vector<16xi32>
    %gather3A_789 = tpu.vector_load_idx %arg6[%broadcast_in_dim3A_785, %add3A_788, %broadcast_in_dim3A_781] : memref<16x32x128xf32, #tpu.memory_space<vmem>>[vector<16xi32>, vector<16xi32>, vector<16xi32>], vector<16xf32>,
    %add3A_790 = arith.constant 0 : i32
    %add3A_791 = vector.broadcast %add3A_790 : i32 to vector<16xi32>
    %add3A_792 = arith.addi %iota3A, %add3A_791 : vector<16xi32>
    tpu.vector_store_idx %arg7[%add3A_792, %broadcast_in_dim3A_783], %gather3A_789 : memref<32x512xf32, #tpu.memory_space<vmem>>[vector<16xi32>, vector<16xi32>], vector<16xf32>,
    %add3A_793 = arith.constant 16 : i32
    %add3A_794 = vector.broadcast %add3A_793 : i32 to vector<16xi32>
    %add3A_795 = arith.addi %iota3A, %add3A_794 : vector<16xi32>
    %gather3A_796 = tpu.vector_load_idx %arg6[%broadcast_in_dim3A_785, %add3A_795, %broadcast_in_dim3A_781] : memref<16x32x128xf32, #tpu.memory_space<vmem>>[vector<16xi32>, vector<16xi32>, vector<16xi32>], vector<16xf32>,
    %add3A_797 = arith.constant 16 : i32
    %add3A_798 = vector.broadcast %add3A_797 : i32 to vector<16xi32>
    %add3A_799 = arith.addi %iota3A, %add3A_798 : vector<16xi32>
    tpu.vector_store_idx %arg7[%add3A_799, %broadcast_in_dim3A_783], %gather3A_796 : memref<32x512xf32, #tpu.memory_space<vmem>>[vector<16xi32>, vector<16xi32>], vector<16xf32>,
    %slice3A_800 = vector.extract_strided_slice %get3A_502 {offsets = [2], sizes = [1], strides = [1]} : vector<16xi32> to vector<1xi32>
    %squeeze3A_801 = vector.extract %slice3A_800[0] : i32 from vector<1xi32>
    %jit3A_802 = arith.constant 128 : i32
    %eq3A_803 = arith.constant 0 : i32
    %eq3A_804 = arith.cmpi eq, %jit3A_802, %eq3A_803 : i32
    %jit3A_805 = arith.constant 1 : i32
    %select_n3A_806 = arith.select %eq3A_804, %jit3A_805, %jit3A_802 : i32
    %rem3A_807 = arith.remsi %squeeze3A_801, %select_n3A_806 : i32
    %ne3A_808 = arith.constant 0 : i32
    %ne3A_809 = arith.cmpi ne, %rem3A_807, %ne3A_808 : i32
    %lt3A_810 = arith.constant 0 : i32
    %lt3A_811 = arith.cmpi slt, %rem3A_807, %lt3A_810 : i32
    %lt3A_812 = arith.constant 0 : i32
    %lt3A_813 = arith.cmpi slt, %select_n3A_806, %lt3A_812 : i32
    %ne3A_814 = arith.xori %lt3A_811, %lt3A_813 : i1
    %and3A_815 = arith.andi %ne3A_814, %ne3A_809 : i1
    %add3A_816 = arith.addi %rem3A_807, %select_n3A_806 : i32
    %select_n3A_817 = arith.select %and3A_815, %add3A_816, %rem3A_807 : i32
    %broadcast_in_dim3A_818 = vector.broadcast %select_n3A_817 : i32 to vector<16xi32>
    %broadcast_in_dim3A_819 = arith.constant 498 : i32
    %broadcast_in_dim3A_820 = vector.broadcast %broadcast_in_dim3A_819 : i32 to vector<16xi32>
    %broadcast_in_dim3A_821 = arith.constant 2 : i32
    %broadcast_in_dim3A_822 = vector.broadcast %broadcast_in_dim3A_821 : i32 to vector<16xi32>
    %add3A_823 = arith.constant 0 : i32
    %add3A_824 = vector.broadcast %add3A_823 : i32 to vector<16xi32>
    %add3A_825 = arith.addi %iota3A, %add3A_824 : vector<16xi32>
    %gather3A_826 = tpu.vector_load_idx %arg6[%broadcast_in_dim3A_822, %add3A_825, %broadcast_in_dim3A_818] : memref<16x32x128xf32, #tpu.memory_space<vmem>>[vector<16xi32>, vector<16xi32>, vector<16xi32>], vector<16xf32>,
    %add3A_827 = arith.constant 0 : i32
    %add3A_828 = vector.broadcast %add3A_827 : i32 to vector<16xi32>
    %add3A_829 = arith.addi %iota3A, %add3A_828 : vector<16xi32>
    tpu.vector_store_idx %arg7[%add3A_829, %broadcast_in_dim3A_820], %gather3A_826 : memref<32x512xf32, #tpu.memory_space<vmem>>[vector<16xi32>, vector<16xi32>], vector<16xf32>,
    %add3A_830 = arith.constant 16 : i32
    %add3A_831 = vector.broadcast %add3A_830 : i32 to vector<16xi32>
    %add3A_832 = arith.addi %iota3A, %add3A_831 : vector<16xi32>
    %gather3A_833 = tpu.vector_load_idx %arg6[%broadcast_in_dim3A_822, %add3A_832, %broadcast_in_dim3A_818] : memref<16x32x128xf32, #tpu.memory_space<vmem>>[vector<16xi32>, vector<16xi32>, vector<16xi32>], vector<16xf32>,
    %add3A_834 = arith.constant 16 : i32
    %add3A_835 = vector.broadcast %add3A_834 : i32 to vector<16xi32>
    %add3A_836 = arith.addi %iota3A, %add3A_835 : vector<16xi32>
    tpu.vector_store_idx %arg7[%add3A_836, %broadcast_in_dim3A_820], %gather3A_833 : memref<32x512xf32, #tpu.memory_space<vmem>>[vector<16xi32>, vector<16xi32>], vector<16xf32>,
    %slice3A_837 = vector.extract_strided_slice %get3A_502 {offsets = [3], sizes = [1], strides = [1]} : vector<16xi32> to vector<1xi32>
    %squeeze3A_838 = vector.extract %slice3A_837[0] : i32 from vector<1xi32>
    %jit3A_839 = arith.constant 128 : i32
    %eq3A_840 = arith.constant 0 : i32
    %eq3A_841 = arith.cmpi eq, %jit3A_839, %eq3A_840 : i32
    %jit3A_842 = arith.constant 1 : i32
    %select_n3A_843 = arith.select %eq3A_841, %jit3A_842, %jit3A_839 : i32
    %rem3A_844 = arith.remsi %squeeze3A_838, %select_n3A_843 : i32
    %ne3A_845 = arith.constant 0 : i32
    %ne3A_846 = arith.cmpi ne, %rem3A_844, %ne3A_845 : i32
    %lt3A_847 = arith.constant 0 : i32
    %lt3A_848 = arith.cmpi slt, %rem3A_844, %lt3A_847 : i32
    %lt3A_849 = arith.constant 0 : i32
    %lt3A_850 = arith.cmpi slt, %select_n3A_843, %lt3A_849 : i32
    %ne3A_851 = arith.xori %lt3A_848, %lt3A_850 : i1
    %and3A_852 = arith.andi %ne3A_851, %ne3A_846 : i1
    %add3A_853 = arith.addi %rem3A_844, %select_n3A_843 : i32
    %select_n3A_854 = arith.select %and3A_852, %add3A_853, %rem3A_844 : i32
    %broadcast_in_dim3A_855 = vector.broadcast %select_n3A_854 : i32 to vector<16xi32>
    %broadcast_in_dim3A_856 = arith.constant 499 : i32
    %broadcast_in_dim3A_857 = vector.broadcast %broadcast_in_dim3A_856 : i32 to vector<16xi32>
    %broadcast_in_dim3A_858 = arith.constant 3 : i32
    %broadcast_in_dim3A_859 = vector.broadcast %broadcast_in_dim3A_858 : i32 to vector<16xi32>
    %add3A_860 = arith.constant 0 : i32
    %add3A_861 = vector.broadcast %add3A_860 : i32 to vector<16xi32>
    %add3A_862 = arith.addi %iota3A, %add3A_861 : vector<16xi32>
    %gather3A_863 = tpu.vector_load_idx %arg6[%broadcast_in_dim3A_859, %add3A_862, %broadcast_in_dim3A_855] : memref<16x32x128xf32, #tpu.memory_space<vmem>>[vector<16xi32>, vector<16xi32>, vector<16xi32>], vector<16xf32>,
    %add3A_864 = arith.constant 0 : i32
    %add3A_865 = vector.broadcast %add3A_864 : i32 to vector<16xi32>
    %add3A_866 = arith.addi %iota3A, %add3A_865 : vector<16xi32>
    tpu.vector_store_idx %arg7[%add3A_866, %broadcast_in_dim3A_857], %gather3A_863 : memref<32x512xf32, #tpu.memory_space<vmem>>[vector<16xi32>, vector<16xi32>], vector<16xf32>,
    %add3A_867 = arith.constant 16 : i32
    %add3A_868 = vector.broadcast %add3A_867 : i32 to vector<16xi32>
    %add3A_869 = arith.addi %iota3A, %add3A_868 : vector<16xi32>
    %gather3A_870 = tpu.vector_load_idx %arg6[%broadcast_in_dim3A_859, %add3A_869, %broadcast_in_dim3A_855] : memref<16x32x128xf32, #tpu.memory_space<vmem>>[vector<16xi32>, vector<16xi32>, vector<16xi32>], vector<16xf32>,
    %add3A_871 = arith.constant 16 : i32
    %add3A_872 = vector.broadcast %add3A_871 : i32 to vector<16xi32>
    %add3A_873 = arith.addi %iota3A, %add3A_872 : vector<16xi32>
    tpu.vector_store_idx %arg7[%add3A_873, %broadcast_in_dim3A_857], %gather3A_870 : memref<32x512xf32, #tpu.memory_space<vmem>>[vector<16xi32>, vector<16xi32>], vector<16xf32>,
    %dma_wait3A_874 = arith.constant 0 : i32
    %dma_wait3A_875 = arith.constant 0 : i32
    %dma_wait3A_876 = arith.constant 0 : i32
    %dma_wait3A_877 = tpu.memref_slice %arg6[%dma_wait3A_874, %dma_wait3A_875, %dma_wait3A_876] : memref<16x32x128xf32, #tpu.memory_space<vmem>> -> memref<1x32x128xf32, #tpu.memory_space<vmem>>
    %dma_wait3A_878 = tpu.memref_squeeze %dma_wait3A_877 : memref<1x32x128xf32, #tpu.memory_space<vmem>> -> memref<32x128xf32, #tpu.memory_space<vmem>>
    %dma_wait3A_879 = arith.constant 0 : i32
    %dma_wait3A_880 = arith.constant 0 : i32
    %dma_wait3A_881 = tpu.memref_slice %arg2[%dma_wait3A_879, %dma_wait3A_880] : memref<32x1000000xf32, #tpu.memory_space<hbm>> -> memref<32x128xf32, #tpu.memory_space<hbm>>
    %dma_wait3A_882 = arith.constant 0 : i32
    %dma_wait3A_883 = arith.constant 0 : i32
    %dma_wait3A_884 = tpu.memref_slice %arg6[%dma_wait3A_874, %dma_wait3A_882, %dma_wait3A_883] : memref<16x32x128xf32, #tpu.memory_space<vmem>> -> memref<1x32x128xf32, #tpu.memory_space<vmem>>
    %dma_wait3A_885 = tpu.memref_squeeze %dma_wait3A_884 : memref<1x32x128xf32, #tpu.memory_space<vmem>> -> memref<32x128xf32, #tpu.memory_space<vmem>>
    %dma_wait3A_886 = arith.constant 0 : i32
    %dma_wait3A_887 = arith.constant 0 : i32
    %dma_wait3A_888 = tpu.memref_slice %arg2[%dma_wait3A_886, %dma_wait3A_887] : memref<32x1000000xf32, #tpu.memory_space<hbm>> -> memref<32x128xf32, #tpu.memory_space<hbm>>
    tpu.wait_dma2 semaphore(%arg8 : memref<!tpu.dma_semaphore, #tpu.memory_space<semaphore_mem>>) src(%dma_wait3A_888 : memref<32x128xf32, #tpu.memory_space<hbm>>) dst(%dma_wait3A_885 : memref<32x128xf32, #tpu.memory_space<vmem>>)
    %dma_wait3A_889 = arith.constant 0 : i32
    %dma_wait3A_890 = arith.constant 0 : i32
    %dma_wait3A_891 = arith.constant 0 : i32
    %dma_wait3A_892 = tpu.memref_slice %arg6[%dma_wait3A_889, %dma_wait3A_890, %dma_wait3A_891] : memref<16x32x128xf32, #tpu.memory_space<vmem>> -> memref<1x32x128xf32, #tpu.memory_space<vmem>>
    %dma_wait3A_893 = tpu.memref_squeeze %dma_wait3A_892 : memref<1x32x128xf32, #tpu.memory_space<vmem>> -> memref<32x128xf32, #tpu.memory_space<vmem>>
    %dma_wait3A_894 = arith.constant 0 : i32
    %dma_wait3A_895 = arith.constant 0 : i32
    %dma_wait3A_896 = tpu.memref_slice %arg2[%dma_wait3A_894, %dma_wait3A_895] : memref<32x1000000xf32, #tpu.memory_space<hbm>> -> memref<32x128xf32, #tpu.memory_space<hbm>>
    %dma_wait3A_897 = arith.constant 0 : i32
    %dma_wait3A_898 = arith.constant 0 : i32
    %dma_wait3A_899 = tpu.memref_slice %arg6[%dma_wait3A_889, %dma_wait3A_897, %dma_wait3A_898] : memref<16x32x128xf32, #tpu.memory_space<vmem>> -> memref<1x32x128xf32, #tpu.memory_space<vmem>>
    %dma_wait3A_900 = tpu.memref_squeeze %dma_wait3A_899 : memref<1x32x128xf32, #tpu.memory_space<vmem>> -> memref<32x128xf32, #tpu.memory_space<vmem>>
    %dma_wait3A_901 = arith.constant 0 : i32
    %dma_wait3A_902 = arith.constant 0 : i32
    %dma_wait3A_903 = tpu.memref_slice %arg2[%dma_wait3A_901, %dma_wait3A_902] : memref<32x1000000xf32, #tpu.memory_space<hbm>> -> memref<32x128xf32, #tpu.memory_space<hbm>>
    tpu.wait_dma2 semaphore(%arg8 : memref<!tpu.dma_semaphore, #tpu.memory_space<semaphore_mem>>) src(%dma_wait3A_903 : memref<32x128xf32, #tpu.memory_space<hbm>>) dst(%dma_wait3A_900 : memref<32x128xf32, #tpu.memory_space<vmem>>)
    %dma_wait3A_904 = arith.constant 0 : i32
    %dma_wait3A_905 = arith.constant 0 : i32
    %dma_wait3A_906 = arith.constant 0 : i32
    %dma_wait3A_907 = tpu.memref_slice %arg6[%dma_wait3A_904, %dma_wait3A_905, %dma_wait3A_906] : memref<16x32x128xf32, #tpu.memory_space<vmem>> -> memref<1x32x128xf32, #tpu.memory_space<vmem>>
    %dma_wait3A_908 = tpu.memref_squeeze %dma_wait3A_907 : memref<1x32x128xf32, #tpu.memory_space<vmem>> -> memref<32x128xf32, #tpu.memory_space<vmem>>
    %dma_wait3A_909 = arith.constant 0 : i32
    %dma_wait3A_910 = arith.constant 0 : i32
    %dma_wait3A_911 = tpu.memref_slice %arg2[%dma_wait3A_909, %dma_wait3A_910] : memref<32x1000000xf32, #tpu.memory_space<hbm>> -> memref<32x128xf32, #tpu.memory_space<hbm>>
    %dma_wait3A_912 = arith.constant 0 : i32
    %dma_wait3A_913 = arith.constant 0 : i32
    %dma_wait3A_914 = tpu.memref_slice %arg6[%dma_wait3A_904, %dma_wait3A_912, %dma_wait3A_913] : memref<16x32x128xf32, #tpu.memory_space<vmem>> -> memref<1x32x128xf32, #tpu.memory_space<vmem>>
    %dma_wait3A_915 = tpu.memref_squeeze %dma_wait3A_914 : memref<1x32x128xf32, #tpu.memory_space<vmem>> -> memref<32x128xf32, #tpu.memory_space<vmem>>
    %dma_wait3A_916 = arith.constant 0 : i32
    %dma_wait3A_917 = arith.constant 0 : i32
    %dma_wait3A_918 = tpu.memref_slice %arg2[%dma_wait3A_916, %dma_wait3A_917] : memref<32x1000000xf32, #tpu.memory_space<hbm>> -> memref<32x128xf32, #tpu.memory_space<hbm>>
    tpu.wait_dma2 semaphore(%arg8 : memref<!tpu.dma_semaphore, #tpu.memory_space<semaphore_mem>>) src(%dma_wait3A_918 : memref<32x128xf32, #tpu.memory_space<hbm>>) dst(%dma_wait3A_915 : memref<32x128xf32, #tpu.memory_space<vmem>>)
    %dma_wait3A_919 = arith.constant 0 : i32
    %dma_wait3A_920 = arith.constant 0 : i32
    %dma_wait3A_921 = arith.constant 0 : i32
    %dma_wait3A_922 = tpu.memref_slice %arg6[%dma_wait3A_919, %dma_wait3A_920, %dma_wait3A_921] : memref<16x32x128xf32, #tpu.memory_space<vmem>> -> memref<1x32x128xf32, #tpu.memory_space<vmem>>
    %dma_wait3A_923 = tpu.memref_squeeze %dma_wait3A_922 : memref<1x32x128xf32, #tpu.memory_space<vmem>> -> memref<32x128xf32, #tpu.memory_space<vmem>>
    %dma_wait3A_924 = arith.constant 0 : i32
    %dma_wait3A_925 = arith.constant 0 : i32
    %dma_wait3A_926 = tpu.memref_slice %arg2[%dma_wait3A_924, %dma_wait3A_925] : memref<32x1000000xf32, #tpu.memory_space<hbm>> -> memref<32x128xf32, #tpu.memory_space<hbm>>
    %dma_wait3A_927 = arith.constant 0 : i32
    %dma_wait3A_928 = arith.constant 0 : i32
    %dma_wait3A_929 = tpu.memref_slice %arg6[%dma_wait3A_919, %dma_wait3A_927, %dma_wait3A_928] : memref<16x32x128xf32, #tpu.memory_space<vmem>> -> memref<1x32x128xf32, #tpu.memory_space<vmem>>
    %dma_wait3A_930 = tpu.memref_squeeze %dma_wait3A_929 : memref<1x32x128xf32, #tpu.memory_space<vmem>> -> memref<32x128xf32, #tpu.memory_space<vmem>>
    %dma_wait3A_931 = arith.constant 0 : i32
    %dma_wait3A_932 = arith.constant 0 : i32
    %dma_wait3A_933 = tpu.memref_slice %arg2[%dma_wait3A_931, %dma_wait3A_932] : memref<32x1000000xf32, #tpu.memory_space<hbm>> -> memref<32x128xf32, #tpu.memory_space<hbm>>
    tpu.wait_dma2 semaphore(%arg8 : memref<!tpu.dma_semaphore, #tpu.memory_space<semaphore_mem>>) src(%dma_wait3A_933 : memref<32x128xf32, #tpu.memory_space<hbm>>) dst(%dma_wait3A_930 : memref<32x128xf32, #tpu.memory_space<vmem>>)
    %slice3A_934 = vector.extract_strided_slice %get3A_502 {offsets = [4], sizes = [1], strides = [1]} : vector<16xi32> to vector<1xi32>
    %squeeze3A_935 = vector.extract %slice3A_934[0] : i32 from vector<1xi32>
    %jit3A_936 = arith.constant 128 : i32
    %eq3A_937 = arith.constant 0 : i32
    %eq3A_938 = arith.cmpi eq, %jit3A_936, %eq3A_937 : i32
    %jit3A_939 = arith.constant 1 : i32
    %select_n3A_940 = arith.select %eq3A_938, %jit3A_939, %jit3A_936 : i32
    %rem3A_941 = arith.remsi %squeeze3A_935, %select_n3A_940 : i32
    %ne3A_942 = arith.constant 0 : i32
    %ne3A_943 = arith.cmpi ne, %rem3A_941, %ne3A_942 : i32
    %lt3A_944 = arith.constant 0 : i32
    %lt3A_945 = arith.cmpi slt, %rem3A_941, %lt3A_944 : i32
    %lt3A_946 = arith.constant 0 : i32
    %lt3A_947 = arith.cmpi slt, %select_n3A_940, %lt3A_946 : i32
    %ne3A_948 = arith.xori %lt3A_945, %lt3A_947 : i1
    %and3A_949 = arith.andi %ne3A_948, %ne3A_943 : i1
    %add3A_950 = arith.addi %rem3A_941, %select_n3A_940 : i32
    %select_n3A_951 = arith.select %and3A_949, %add3A_950, %rem3A_941 : i32
    %broadcast_in_dim3A_952 = vector.broadcast %select_n3A_951 : i32 to vector<16xi32>
    %broadcast_in_dim3A_953 = arith.constant 500 : i32
    %broadcast_in_dim3A_954 = vector.broadcast %broadcast_in_dim3A_953 : i32 to vector<16xi32>
    %broadcast_in_dim3A_955 = arith.constant 4 : i32
    %broadcast_in_dim3A_956 = vector.broadcast %broadcast_in_dim3A_955 : i32 to vector<16xi32>
    %add3A_957 = arith.constant 0 : i32
    %add3A_958 = vector.broadcast %add3A_957 : i32 to vector<16xi32>
    %add3A_959 = arith.addi %iota3A, %add3A_958 : vector<16xi32>
    %gather3A_960 = tpu.vector_load_idx %arg6[%broadcast_in_dim3A_956, %add3A_959, %broadcast_in_dim3A_952] : memref<16x32x128xf32, #tpu.memory_space<vmem>>[vector<16xi32>, vector<16xi32>, vector<16xi32>], vector<16xf32>,
    %add3A_961 = arith.constant 0 : i32
    %add3A_962 = vector.broadcast %add3A_961 : i32 to vector<16xi32>
    %add3A_963 = arith.addi %iota3A, %add3A_962 : vector<16xi32>
    tpu.vector_store_idx %arg7[%add3A_963, %broadcast_in_dim3A_954], %gather3A_960 : memref<32x512xf32, #tpu.memory_space<vmem>>[vector<16xi32>, vector<16xi32>], vector<16xf32>,
    %add3A_964 = arith.constant 16 : i32
    %add3A_965 = vector.broadcast %add3A_964 : i32 to vector<16xi32>
    %add3A_966 = arith.addi %iota3A, %add3A_965 : vector<16xi32>
    %gather3A_967 = tpu.vector_load_idx %arg6[%broadcast_in_dim3A_956, %add3A_966, %broadcast_in_dim3A_952] : memref<16x32x128xf32, #tpu.memory_space<vmem>>[vector<16xi32>, vector<16xi32>, vector<16xi32>], vector<16xf32>,
    %add3A_968 = arith.constant 16 : i32
    %add3A_969 = vector.broadcast %add3A_968 : i32 to vector<16xi32>
    %add3A_970 = arith.addi %iota3A, %add3A_969 : vector<16xi32>
    tpu.vector_store_idx %arg7[%add3A_970, %broadcast_in_dim3A_954], %gather3A_967 : memref<32x512xf32, #tpu.memory_space<vmem>>[vector<16xi32>, vector<16xi32>], vector<16xf32>,
    %slice3A_971 = vector.extract_strided_slice %get3A_502 {offsets = [5], sizes = [1], strides = [1]} : vector<16xi32> to vector<1xi32>
    %squeeze3A_972 = vector.extract %slice3A_971[0] : i32 from vector<1xi32>
    %jit3A_973 = arith.constant 128 : i32
    %eq3A_974 = arith.constant 0 : i32
    %eq3A_975 = arith.cmpi eq, %jit3A_973, %eq3A_974 : i32
    %jit3A_976 = arith.constant 1 : i32
    %select_n3A_977 = arith.select %eq3A_975, %jit3A_976, %jit3A_973 : i32
    %rem3A_978 = arith.remsi %squeeze3A_972, %select_n3A_977 : i32
    %ne3A_979 = arith.constant 0 : i32
    %ne3A_980 = arith.cmpi ne, %rem3A_978, %ne3A_979 : i32
    %lt3A_981 = arith.constant 0 : i32
    %lt3A_982 = arith.cmpi slt, %rem3A_978, %lt3A_981 : i32
    %lt3A_983 = arith.constant 0 : i32
    %lt3A_984 = arith.cmpi slt, %select_n3A_977, %lt3A_983 : i32
    %ne3A_985 = arith.xori %lt3A_982, %lt3A_984 : i1
    %and3A_986 = arith.andi %ne3A_985, %ne3A_980 : i1
    %add3A_987 = arith.addi %rem3A_978, %select_n3A_977 : i32
    %select_n3A_988 = arith.select %and3A_986, %add3A_987, %rem3A_978 : i32
    %broadcast_in_dim3A_989 = vector.broadcast %select_n3A_988 : i32 to vector<16xi32>
    %broadcast_in_dim3A_990 = arith.constant 501 : i32
    %broadcast_in_dim3A_991 = vector.broadcast %broadcast_in_dim3A_990 : i32 to vector<16xi32>
    %broadcast_in_dim3A_992 = arith.constant 5 : i32
    %broadcast_in_dim3A_993 = vector.broadcast %broadcast_in_dim3A_992 : i32 to vector<16xi32>
    %add3A_994 = arith.constant 0 : i32
    %add3A_995 = vector.broadcast %add3A_994 : i32 to vector<16xi32>
    %add3A_996 = arith.addi %iota3A, %add3A_995 : vector<16xi32>
    %gather3A_997 = tpu.vector_load_idx %arg6[%broadcast_in_dim3A_993, %add3A_996, %broadcast_in_dim3A_989] : memref<16x32x128xf32, #tpu.memory_space<vmem>>[vector<16xi32>, vector<16xi32>, vector<16xi32>], vector<16xf32>,
    %add3A_998 = arith.constant 0 : i32
    %add3A_999 = vector.broadcast %add3A_998 : i32 to vector<16xi32>
    %add3A_1000 = arith.addi %iota3A, %add3A_999 : vector<16xi32>
    tpu.vector_store_idx %arg7[%add3A_1000, %broadcast_in_dim3A_991], %gather3A_997 : memref<32x512xf32, #tpu.memory_space<vmem>>[vector<16xi32>, vector<16xi32>], vector<16xf32>,
    %add3A_1001 = arith.constant 16 : i32
    %add3A_1002 = vector.broadcast %add3A_1001 : i32 to vector<16xi32>
    %add3A_1003 = arith.addi %iota3A, %add3A_1002 : vector<16xi32>
    %gather3A_1004 = tpu.vector_load_idx %arg6[%broadcast_in_dim3A_993, %add3A_1003, %broadcast_in_dim3A_989] : memref<16x32x128xf32, #tpu.memory_space<vmem>>[vector<16xi32>, vector<16xi32>, vector<16xi32>], vector<16xf32>,
    %add3A_1005 = arith.constant 16 : i32
    %add3A_1006 = vector.broadcast %add3A_1005 : i32 to vector<16xi32>
    %add3A_1007 = arith.addi %iota3A, %add3A_1006 : vector<16xi32>
    tpu.vector_store_idx %arg7[%add3A_1007, %broadcast_in_dim3A_991], %gather3A_1004 : memref<32x512xf32, #tpu.memory_space<vmem>>[vector<16xi32>, vector<16xi32>], vector<16xf32>,
    %slice3A_1008 = vector.extract_strided_slice %get3A_502 {offsets = [6], sizes = [1], strides = [1]} : vector<16xi32> to vector<1xi32>
    %squeeze3A_1009 = vector.extract %slice3A_1008[0] : i32 from vector<1xi32>
    %jit3A_1010 = arith.constant 128 : i32
    %eq3A_1011 = arith.constant 0 : i32
    %eq3A_1012 = arith.cmpi eq, %jit3A_1010, %eq3A_1011 : i32
    %jit3A_1013 = arith.constant 1 : i32
    %select_n3A_1014 = arith.select %eq3A_1012, %jit3A_1013, %jit3A_1010 : i32
    %rem3A_1015 = arith.remsi %squeeze3A_1009, %select_n3A_1014 : i32
    %ne3A_1016 = arith.constant 0 : i32
    %ne3A_1017 = arith.cmpi ne, %rem3A_1015, %ne3A_1016 : i32
    %lt3A_1018 = arith.constant 0 : i32
    %lt3A_1019 = arith.cmpi slt, %rem3A_1015, %lt3A_1018 : i32
    %lt3A_1020 = arith.constant 0 : i32
    %lt3A_1021 = arith.cmpi slt, %select_n3A_1014, %lt3A_1020 : i32
    %ne3A_1022 = arith.xori %lt3A_1019, %lt3A_1021 : i1
    %and3A_1023 = arith.andi %ne3A_1022, %ne3A_1017 : i1
    %add3A_1024 = arith.addi %rem3A_1015, %select_n3A_1014 : i32
    %select_n3A_1025 = arith.select %and3A_1023, %add3A_1024, %rem3A_1015 : i32
    %broadcast_in_dim3A_1026 = vector.broadcast %select_n3A_1025 : i32 to vector<16xi32>
    %broadcast_in_dim3A_1027 = arith.constant 502 : i32
    %broadcast_in_dim3A_1028 = vector.broadcast %broadcast_in_dim3A_1027 : i32 to vector<16xi32>
    %broadcast_in_dim3A_1029 = arith.constant 6 : i32
    %broadcast_in_dim3A_1030 = vector.broadcast %broadcast_in_dim3A_1029 : i32 to vector<16xi32>
    %add3A_1031 = arith.constant 0 : i32
    %add3A_1032 = vector.broadcast %add3A_1031 : i32 to vector<16xi32>
    %add3A_1033 = arith.addi %iota3A, %add3A_1032 : vector<16xi32>
    %gather3A_1034 = tpu.vector_load_idx %arg6[%broadcast_in_dim3A_1030, %add3A_1033, %broadcast_in_dim3A_1026] : memref<16x32x128xf32, #tpu.memory_space<vmem>>[vector<16xi32>, vector<16xi32>, vector<16xi32>], vector<16xf32>,
    %add3A_1035 = arith.constant 0 : i32
    %add3A_1036 = vector.broadcast %add3A_1035 : i32 to vector<16xi32>
    %add3A_1037 = arith.addi %iota3A, %add3A_1036 : vector<16xi32>
    tpu.vector_store_idx %arg7[%add3A_1037, %broadcast_in_dim3A_1028], %gather3A_1034 : memref<32x512xf32, #tpu.memory_space<vmem>>[vector<16xi32>, vector<16xi32>], vector<16xf32>,
    %add3A_1038 = arith.constant 16 : i32
    %add3A_1039 = vector.broadcast %add3A_1038 : i32 to vector<16xi32>
    %add3A_1040 = arith.addi %iota3A, %add3A_1039 : vector<16xi32>
    %gather3A_1041 = tpu.vector_load_idx %arg6[%broadcast_in_dim3A_1030, %add3A_1040, %broadcast_in_dim3A_1026] : memref<16x32x128xf32, #tpu.memory_space<vmem>>[vector<16xi32>, vector<16xi32>, vector<16xi32>], vector<16xf32>,
    %add3A_1042 = arith.constant 16 : i32
    %add3A_1043 = vector.broadcast %add3A_1042 : i32 to vector<16xi32>
    %add3A_1044 = arith.addi %iota3A, %add3A_1043 : vector<16xi32>
    tpu.vector_store_idx %arg7[%add3A_1044, %broadcast_in_dim3A_1028], %gather3A_1041 : memref<32x512xf32, #tpu.memory_space<vmem>>[vector<16xi32>, vector<16xi32>], vector<16xf32>,
    %slice3A_1045 = vector.extract_strided_slice %get3A_502 {offsets = [7], sizes = [1], strides = [1]} : vector<16xi32> to vector<1xi32>
    %squeeze3A_1046 = vector.extract %slice3A_1045[0] : i32 from vector<1xi32>
    %jit3A_1047 = arith.constant 128 : i32
    %eq3A_1048 = arith.constant 0 : i32
    %eq3A_1049 = arith.cmpi eq, %jit3A_1047, %eq3A_1048 : i32
    %jit3A_1050 = arith.constant 1 : i32
    %select_n3A_1051 = arith.select %eq3A_1049, %jit3A_1050, %jit3A_1047 : i32
    %rem3A_1052 = arith.remsi %squeeze3A_1046, %select_n3A_1051 : i32
    %ne3A_1053 = arith.constant 0 : i32
    %ne3A_1054 = arith.cmpi ne, %rem3A_1052, %ne3A_1053 : i32
    %lt3A_1055 = arith.constant 0 : i32
    %lt3A_1056 = arith.cmpi slt, %rem3A_1052, %lt3A_1055 : i32
    %lt3A_1057 = arith.constant 0 : i32
    %lt3A_1058 = arith.cmpi slt, %select_n3A_1051, %lt3A_1057 : i32
    %ne3A_1059 = arith.xori %lt3A_1056, %lt3A_1058 : i1
    %and3A_1060 = arith.andi %ne3A_1059, %ne3A_1054 : i1
    %add3A_1061 = arith.addi %rem3A_1052, %select_n3A_1051 : i32
    %select_n3A_1062 = arith.select %and3A_1060, %add3A_1061, %rem3A_1052 : i32
    %broadcast_in_dim3A_1063 = vector.broadcast %select_n3A_1062 : i32 to vector<16xi32>
    %broadcast_in_dim3A_1064 = arith.constant 503 : i32
    %broadcast_in_dim3A_1065 = vector.broadcast %broadcast_in_dim3A_1064 : i32 to vector<16xi32>
    %broadcast_in_dim3A_1066 = arith.constant 7 : i32
    %broadcast_in_dim3A_1067 = vector.broadcast %broadcast_in_dim3A_1066 : i32 to vector<16xi32>
    %add3A_1068 = arith.constant 0 : i32
    %add3A_1069 = vector.broadcast %add3A_1068 : i32 to vector<16xi32>
    %add3A_1070 = arith.addi %iota3A, %add3A_1069 : vector<16xi32>
    %gather3A_1071 = tpu.vector_load_idx %arg6[%broadcast_in_dim3A_1067, %add3A_1070, %broadcast_in_dim3A_1063] : memref<16x32x128xf32, #tpu.memory_space<vmem>>[vector<16xi32>, vector<16xi32>, vector<16xi32>], vector<16xf32>,
    %add3A_1072 = arith.constant 0 : i32
    %add3A_1073 = vector.broadcast %add3A_1072 : i32 to vector<16xi32>
    %add3A_1074 = arith.addi %iota3A, %add3A_1073 : vector<16xi32>
    tpu.vector_store_idx %arg7[%add3A_1074, %broadcast_in_dim3A_1065], %gather3A_1071 : memref<32x512xf32, #tpu.memory_space<vmem>>[vector<16xi32>, vector<16xi32>], vector<16xf32>,
    %add3A_1075 = arith.constant 16 : i32
    %add3A_1076 = vector.broadcast %add3A_1075 : i32 to vector<16xi32>
    %add3A_1077 = arith.addi %iota3A, %add3A_1076 : vector<16xi32>
    %gather3A_1078 = tpu.vector_load_idx %arg6[%broadcast_in_dim3A_1067, %add3A_1077, %broadcast_in_dim3A_1063] : memref<16x32x128xf32, #tpu.memory_space<vmem>>[vector<16xi32>, vector<16xi32>, vector<16xi32>], vector<16xf32>,
    %add3A_1079 = arith.constant 16 : i32
    %add3A_1080 = vector.broadcast %add3A_1079 : i32 to vector<16xi32>
    %add3A_1081 = arith.addi %iota3A, %add3A_1080 : vector<16xi32>
    tpu.vector_store_idx %arg7[%add3A_1081, %broadcast_in_dim3A_1065], %gather3A_1078 : memref<32x512xf32, #tpu.memory_space<vmem>>[vector<16xi32>, vector<16xi32>], vector<16xf32>,
    %dma_wait3A_1082 = arith.constant 0 : i32
    %dma_wait3A_1083 = arith.constant 0 : i32
    %dma_wait3A_1084 = arith.constant 0 : i32
    %dma_wait3A_1085 = tpu.memref_slice %arg6[%dma_wait3A_1082, %dma_wait3A_1083, %dma_wait3A_1084] : memref<16x32x128xf32, #tpu.memory_space<vmem>> -> memref<1x32x128xf32, #tpu.memory_space<vmem>>
    %dma_wait3A_1086 = tpu.memref_squeeze %dma_wait3A_1085 : memref<1x32x128xf32, #tpu.memory_space<vmem>> -> memref<32x128xf32, #tpu.memory_space<vmem>>
    %dma_wait3A_1087 = arith.constant 0 : i32
    %dma_wait3A_1088 = arith.constant 0 : i32
    %dma_wait3A_1089 = tpu.memref_slice %arg2[%dma_wait3A_1087, %dma_wait3A_1088] : memref<32x1000000xf32, #tpu.memory_space<hbm>> -> memref<32x128xf32, #tpu.memory_space<hbm>>
    %dma_wait3A_1090 = arith.constant 0 : i32
    %dma_wait3A_1091 = arith.constant 0 : i32
    %dma_wait3A_1092 = tpu.memref_slice %arg6[%dma_wait3A_1082, %dma_wait3A_1090, %dma_wait3A_1091] : memref<16x32x128xf32, #tpu.memory_space<vmem>> -> memref<1x32x128xf32, #tpu.memory_space<vmem>>
    %dma_wait3A_1093 = tpu.memref_squeeze %dma_wait3A_1092 : memref<1x32x128xf32, #tpu.memory_space<vmem>> -> memref<32x128xf32, #tpu.memory_space<vmem>>
    %dma_wait3A_1094 = arith.constant 0 : i32
    %dma_wait3A_1095 = arith.constant 0 : i32
    %dma_wait3A_1096 = tpu.memref_slice %arg2[%dma_wait3A_1094, %dma_wait3A_1095] : memref<32x1000000xf32, #tpu.memory_space<hbm>> -> memref<32x128xf32, #tpu.memory_space<hbm>>
    tpu.wait_dma2 semaphore(%arg8 : memref<!tpu.dma_semaphore, #tpu.memory_space<semaphore_mem>>) src(%dma_wait3A_1096 : memref<32x128xf32, #tpu.memory_space<hbm>>) dst(%dma_wait3A_1093 : memref<32x128xf32, #tpu.memory_space<vmem>>)
    %dma_wait3A_1097 = arith.constant 0 : i32
    %dma_wait3A_1098 = arith.constant 0 : i32
    %dma_wait3A_1099 = arith.constant 0 : i32
    %dma_wait3A_1100 = tpu.memref_slice %arg6[%dma_wait3A_1097, %dma_wait3A_1098, %dma_wait3A_1099] : memref<16x32x128xf32, #tpu.memory_space<vmem>> -> memref<1x32x128xf32, #tpu.memory_space<vmem>>
    %dma_wait3A_1101 = tpu.memref_squeeze %dma_wait3A_1100 : memref<1x32x128xf32, #tpu.memory_space<vmem>> -> memref<32x128xf32, #tpu.memory_space<vmem>>
    %dma_wait3A_1102 = arith.constant 0 : i32
    %dma_wait3A_1103 = arith.constant 0 : i32
    %dma_wait3A_1104 = tpu.memref_slice %arg2[%dma_wait3A_1102, %dma_wait3A_1103] : memref<32x1000000xf32, #tpu.memory_space<hbm>> -> memref<32x128xf32, #tpu.memory_space<hbm>>
    %dma_wait3A_1105 = arith.constant 0 : i32
    %dma_wait3A_1106 = arith.constant 0 : i32
    %dma_wait3A_1107 = tpu.memref_slice %arg6[%dma_wait3A_1097, %dma_wait3A_1105, %dma_wait3A_1106] : memref<16x32x128xf32, #tpu.memory_space<vmem>> -> memref<1x32x128xf32, #tpu.memory_space<vmem>>
    %dma_wait3A_1108 = tpu.memref_squeeze %dma_wait3A_1107 : memref<1x32x128xf32, #tpu.memory_space<vmem>> -> memref<32x128xf32, #tpu.memory_space<vmem>>
    %dma_wait3A_1109 = arith.constant 0 : i32
    %dma_wait3A_1110 = arith.constant 0 : i32
    %dma_wait3A_1111 = tpu.memref_slice %arg2[%dma_wait3A_1109, %dma_wait3A_1110] : memref<32x1000000xf32, #tpu.memory_space<hbm>> -> memref<32x128xf32, #tpu.memory_space<hbm>>
    tpu.wait_dma2 semaphore(%arg8 : memref<!tpu.dma_semaphore, #tpu.memory_space<semaphore_mem>>) src(%dma_wait3A_1111 : memref<32x128xf32, #tpu.memory_space<hbm>>) dst(%dma_wait3A_1108 : memref<32x128xf32, #tpu.memory_space<vmem>>)
    %dma_wait3A_1112 = arith.constant 0 : i32
    %dma_wait3A_1113 = arith.constant 0 : i32
    %dma_wait3A_1114 = arith.constant 0 : i32
    %dma_wait3A_1115 = tpu.memref_slice %arg6[%dma_wait3A_1112, %dma_wait3A_1113, %dma_wait3A_1114] : memref<16x32x128xf32, #tpu.memory_space<vmem>> -> memref<1x32x128xf32, #tpu.memory_space<vmem>>
    %dma_wait3A_1116 = tpu.memref_squeeze %dma_wait3A_1115 : memref<1x32x128xf32, #tpu.memory_space<vmem>> -> memref<32x128xf32, #tpu.memory_space<vmem>>
    %dma_wait3A_1117 = arith.constant 0 : i32
    %dma_wait3A_1118 = arith.constant 0 : i32
    %dma_wait3A_1119 = tpu.memref_slice %arg2[%dma_wait3A_1117, %dma_wait3A_1118] : memref<32x1000000xf32, #tpu.memory_space<hbm>> -> memref<32x128xf32, #tpu.memory_space<hbm>>
    %dma_wait3A_1120 = arith.constant 0 : i32
    %dma_wait3A_1121 = arith.constant 0 : i32
    %dma_wait3A_1122 = tpu.memref_slice %arg6[%dma_wait3A_1112, %dma_wait3A_1120, %dma_wait3A_1121] : memref<16x32x128xf32, #tpu.memory_space<vmem>> -> memref<1x32x128xf32, #tpu.memory_space<vmem>>
    %dma_wait3A_1123 = tpu.memref_squeeze %dma_wait3A_1122 : memref<1x32x128xf32, #tpu.memory_space<vmem>> -> memref<32x128xf32, #tpu.memory_space<vmem>>
    %dma_wait3A_1124 = arith.constant 0 : i32
    %dma_wait3A_1125 = arith.constant 0 : i32
    %dma_wait3A_1126 = tpu.memref_slice %arg2[%dma_wait3A_1124, %dma_wait3A_1125] : memref<32x1000000xf32, #tpu.memory_space<hbm>> -> memref<32x128xf32, #tpu.memory_space<hbm>>
    tpu.wait_dma2 semaphore(%arg8 : memref<!tpu.dma_semaphore, #tpu.memory_space<semaphore_mem>>) src(%dma_wait3A_1126 : memref<32x128xf32, #tpu.memory_space<hbm>>) dst(%dma_wait3A_1123 : memref<32x128xf32, #tpu.memory_space<vmem>>)
    %dma_wait3A_1127 = arith.constant 0 : i32
    %dma_wait3A_1128 = arith.constant 0 : i32
    %dma_wait3A_1129 = arith.constant 0 : i32
    %dma_wait3A_1130 = tpu.memref_slice %arg6[%dma_wait3A_1127, %dma_wait3A_1128, %dma_wait3A_1129] : memref<16x32x128xf32, #tpu.memory_space<vmem>> -> memref<1x32x128xf32, #tpu.memory_space<vmem>>
    %dma_wait3A_1131 = tpu.memref_squeeze %dma_wait3A_1130 : memref<1x32x128xf32, #tpu.memory_space<vmem>> -> memref<32x128xf32, #tpu.memory_space<vmem>>
    %dma_wait3A_1132 = arith.constant 0 : i32
    %dma_wait3A_1133 = arith.constant 0 : i32
    %dma_wait3A_1134 = tpu.memref_slice %arg2[%dma_wait3A_1132, %dma_wait3A_1133] : memref<32x1000000xf32, #tpu.memory_space<hbm>> -> memref<32x128xf32, #tpu.memory_space<hbm>>
    %dma_wait3A_1135 = arith.constant 0 : i32
    %dma_wait3A_1136 = arith.constant 0 : i32
    %dma_wait3A_1137 = tpu.memref_slice %arg6[%dma_wait3A_1127, %dma_wait3A_1135, %dma_wait3A_1136] : memref<16x32x128xf32, #tpu.memory_space<vmem>> -> memref<1x32x128xf32, #tpu.memory_space<vmem>>
    %dma_wait3A_1138 = tpu.memref_squeeze %dma_wait3A_1137 : memref<1x32x128xf32, #tpu.memory_space<vmem>> -> memref<32x128xf32, #tpu.memory_space<vmem>>
    %dma_wait3A_1139 = arith.constant 0 : i32
    %dma_wait3A_1140 = arith.constant 0 : i32
    %dma_wait3A_1141 = tpu.memref_slice %arg2[%dma_wait3A_1139, %dma_wait3A_1140] : memref<32x1000000xf32, #tpu.memory_space<hbm>> -> memref<32x128xf32, #tpu.memory_space<hbm>>
    tpu.wait_dma2 semaphore(%arg8 : memref<!tpu.dma_semaphore, #tpu.memory_space<semaphore_mem>>) src(%dma_wait3A_1141 : memref<32x128xf32, #tpu.memory_space<hbm>>) dst(%dma_wait3A_1138 : memref<32x128xf32, #tpu.memory_space<vmem>>)
    %slice3A_1142 = vector.extract_strided_slice %get3A_502 {offsets = [8], sizes = [1], strides = [1]} : vector<16xi32> to vector<1xi32>
    %squeeze3A_1143 = vector.extract %slice3A_1142[0] : i32 from vector<1xi32>
    %jit3A_1144 = arith.constant 128 : i32
    %eq3A_1145 = arith.constant 0 : i32
    %eq3A_1146 = arith.cmpi eq, %jit3A_1144, %eq3A_1145 : i32
    %jit3A_1147 = arith.constant 1 : i32
    %select_n3A_1148 = arith.select %eq3A_1146, %jit3A_1147, %jit3A_1144 : i32
    %rem3A_1149 = arith.remsi %squeeze3A_1143, %select_n3A_1148 : i32
    %ne3A_1150 = arith.constant 0 : i32
    %ne3A_1151 = arith.cmpi ne, %rem3A_1149, %ne3A_1150 : i32
    %lt3A_1152 = arith.constant 0 : i32
    %lt3A_1153 = arith.cmpi slt, %rem3A_1149, %lt3A_1152 : i32
    %lt3A_1154 = arith.constant 0 : i32
    %lt3A_1155 = arith.cmpi slt, %select_n3A_1148, %lt3A_1154 : i32
    %ne3A_1156 = arith.xori %lt3A_1153, %lt3A_1155 : i1
    %and3A_1157 = arith.andi %ne3A_1156, %ne3A_1151 : i1
    %add3A_1158 = arith.addi %rem3A_1149, %select_n3A_1148 : i32
    %select_n3A_1159 = arith.select %and3A_1157, %add3A_1158, %rem3A_1149 : i32
    %broadcast_in_dim3A_1160 = vector.broadcast %select_n3A_1159 : i32 to vector<16xi32>
    %broadcast_in_dim3A_1161 = arith.constant 504 : i32
    %broadcast_in_dim3A_1162 = vector.broadcast %broadcast_in_dim3A_1161 : i32 to vector<16xi32>
    %broadcast_in_dim3A_1163 = arith.constant 8 : i32
    %broadcast_in_dim3A_1164 = vector.broadcast %broadcast_in_dim3A_1163 : i32 to vector<16xi32>
    %add3A_1165 = arith.constant 0 : i32
    %add3A_1166 = vector.broadcast %add3A_1165 : i32 to vector<16xi32>
    %add3A_1167 = arith.addi %iota3A, %add3A_1166 : vector<16xi32>
    %gather3A_1168 = tpu.vector_load_idx %arg6[%broadcast_in_dim3A_1164, %add3A_1167, %broadcast_in_dim3A_1160] : memref<16x32x128xf32, #tpu.memory_space<vmem>>[vector<16xi32>, vector<16xi32>, vector<16xi32>], vector<16xf32>,
    %add3A_1169 = arith.constant 0 : i32
    %add3A_1170 = vector.broadcast %add3A_1169 : i32 to vector<16xi32>
    %add3A_1171 = arith.addi %iota3A, %add3A_1170 : vector<16xi32>
    tpu.vector_store_idx %arg7[%add3A_1171, %broadcast_in_dim3A_1162], %gather3A_1168 : memref<32x512xf32, #tpu.memory_space<vmem>>[vector<16xi32>, vector<16xi32>], vector<16xf32>,
    %add3A_1172 = arith.constant 16 : i32
    %add3A_1173 = vector.broadcast %add3A_1172 : i32 to vector<16xi32>
    %add3A_1174 = arith.addi %iota3A, %add3A_1173 : vector<16xi32>
    %gather3A_1175 = tpu.vector_load_idx %arg6[%broadcast_in_dim3A_1164, %add3A_1174, %broadcast_in_dim3A_1160] : memref<16x32x128xf32, #tpu.memory_space<vmem>>[vector<16xi32>, vector<16xi32>, vector<16xi32>], vector<16xf32>,
    %add3A_1176 = arith.constant 16 : i32
    %add3A_1177 = vector.broadcast %add3A_1176 : i32 to vector<16xi32>
    %add3A_1178 = arith.addi %iota3A, %add3A_1177 : vector<16xi32>
    tpu.vector_store_idx %arg7[%add3A_1178, %broadcast_in_dim3A_1162], %gather3A_1175 : memref<32x512xf32, #tpu.memory_space<vmem>>[vector<16xi32>, vector<16xi32>], vector<16xf32>,
    %slice3A_1179 = vector.extract_strided_slice %get3A_502 {offsets = [9], sizes = [1], strides = [1]} : vector<16xi32> to vector<1xi32>
    %squeeze3A_1180 = vector.extract %slice3A_1179[0] : i32 from vector<1xi32>
    %jit3A_1181 = arith.constant 128 : i32
    %eq3A_1182 = arith.constant 0 : i32
    %eq3A_1183 = arith.cmpi eq, %jit3A_1181, %eq3A_1182 : i32
    %jit3A_1184 = arith.constant 1 : i32
    %select_n3A_1185 = arith.select %eq3A_1183, %jit3A_1184, %jit3A_1181 : i32
    %rem3A_1186 = arith.remsi %squeeze3A_1180, %select_n3A_1185 : i32
    %ne3A_1187 = arith.constant 0 : i32
    %ne3A_1188 = arith.cmpi ne, %rem3A_1186, %ne3A_1187 : i32
    %lt3A_1189 = arith.constant 0 : i32
    %lt3A_1190 = arith.cmpi slt, %rem3A_1186, %lt3A_1189 : i32
    %lt3A_1191 = arith.constant 0 : i32
    %lt3A_1192 = arith.cmpi slt, %select_n3A_1185, %lt3A_1191 : i32
    %ne3A_1193 = arith.xori %lt3A_1190, %lt3A_1192 : i1
    %and3A_1194 = arith.andi %ne3A_1193, %ne3A_1188 : i1
    %add3A_1195 = arith.addi %rem3A_1186, %select_n3A_1185 : i32
    %select_n3A_1196 = arith.select %and3A_1194, %add3A_1195, %rem3A_1186 : i32
    %broadcast_in_dim3A_1197 = vector.broadcast %select_n3A_1196 : i32 to vector<16xi32>
    %broadcast_in_dim3A_1198 = arith.constant 505 : i32
    %broadcast_in_dim3A_1199 = vector.broadcast %broadcast_in_dim3A_1198 : i32 to vector<16xi32>
    %broadcast_in_dim3A_1200 = arith.constant 9 : i32
    %broadcast_in_dim3A_1201 = vector.broadcast %broadcast_in_dim3A_1200 : i32 to vector<16xi32>
    %add3A_1202 = arith.constant 0 : i32
    %add3A_1203 = vector.broadcast %add3A_1202 : i32 to vector<16xi32>
    %add3A_1204 = arith.addi %iota3A, %add3A_1203 : vector<16xi32>
    %gather3A_1205 = tpu.vector_load_idx %arg6[%broadcast_in_dim3A_1201, %add3A_1204, %broadcast_in_dim3A_1197] : memref<16x32x128xf32, #tpu.memory_space<vmem>>[vector<16xi32>, vector<16xi32>, vector<16xi32>], vector<16xf32>,
    %add3A_1206 = arith.constant 0 : i32
    %add3A_1207 = vector.broadcast %add3A_1206 : i32 to vector<16xi32>
    %add3A_1208 = arith.addi %iota3A, %add3A_1207 : vector<16xi32>
    tpu.vector_store_idx %arg7[%add3A_1208, %broadcast_in_dim3A_1199], %gather3A_1205 : memref<32x512xf32, #tpu.memory_space<vmem>>[vector<16xi32>, vector<16xi32>], vector<16xf32>,
    %add3A_1209 = arith.constant 16 : i32
    %add3A_1210 = vector.broadcast %add3A_1209 : i32 to vector<16xi32>
    %add3A_1211 = arith.addi %iota3A, %add3A_1210 : vector<16xi32>
    %gather3A_1212 = tpu.vector_load_idx %arg6[%broadcast_in_dim3A_1201, %add3A_1211, %broadcast_in_dim3A_1197] : memref<16x32x128xf32, #tpu.memory_space<vmem>>[vector<16xi32>, vector<16xi32>, vector<16xi32>], vector<16xf32>,
    %add3A_1213 = arith.constant 16 : i32
    %add3A_1214 = vector.broadcast %add3A_1213 : i32 to vector<16xi32>
    %add3A_1215 = arith.addi %iota3A, %add3A_1214 : vector<16xi32>
    tpu.vector_store_idx %arg7[%add3A_1215, %broadcast_in_dim3A_1199], %gather3A_1212 : memref<32x512xf32, #tpu.memory_space<vmem>>[vector<16xi32>, vector<16xi32>], vector<16xf32>,
    %slice3A_1216 = vector.extract_strided_slice %get3A_502 {offsets = [10], sizes = [1], strides = [1]} : vector<16xi32> to vector<1xi32>
    %squeeze3A_1217 = vector.extract %slice3A_1216[0] : i32 from vector<1xi32>
    %jit3A_1218 = arith.constant 128 : i32
    %eq3A_1219 = arith.constant 0 : i32
    %eq3A_1220 = arith.cmpi eq, %jit3A_1218, %eq3A_1219 : i32
    %jit3A_1221 = arith.constant 1 : i32
    %select_n3A_1222 = arith.select %eq3A_1220, %jit3A_1221, %jit3A_1218 : i32
    %rem3A_1223 = arith.remsi %squeeze3A_1217, %select_n3A_1222 : i32
    %ne3A_1224 = arith.constant 0 : i32
    %ne3A_1225 = arith.cmpi ne, %rem3A_1223, %ne3A_1224 : i32
    %lt3A_1226 = arith.constant 0 : i32
    %lt3A_1227 = arith.cmpi slt, %rem3A_1223, %lt3A_1226 : i32
    %lt3A_1228 = arith.constant 0 : i32
    %lt3A_1229 = arith.cmpi slt, %select_n3A_1222, %lt3A_1228 : i32
    %ne3A_1230 = arith.xori %lt3A_1227, %lt3A_1229 : i1
    %and3A_1231 = arith.andi %ne3A_1230, %ne3A_1225 : i1
    %add3A_1232 = arith.addi %rem3A_1223, %select_n3A_1222 : i32
    %select_n3A_1233 = arith.select %and3A_1231, %add3A_1232, %rem3A_1223 : i32
    %broadcast_in_dim3A_1234 = vector.broadcast %select_n3A_1233 : i32 to vector<16xi32>
    %broadcast_in_dim3A_1235 = arith.constant 506 : i32
    %broadcast_in_dim3A_1236 = vector.broadcast %broadcast_in_dim3A_1235 : i32 to vector<16xi32>
    %broadcast_in_dim3A_1237 = arith.constant 10 : i32
    %broadcast_in_dim3A_1238 = vector.broadcast %broadcast_in_dim3A_1237 : i32 to vector<16xi32>
    %add3A_1239 = arith.constant 0 : i32
    %add3A_1240 = vector.broadcast %add3A_1239 : i32 to vector<16xi32>
    %add3A_1241 = arith.addi %iota3A, %add3A_1240 : vector<16xi32>
    %gather3A_1242 = tpu.vector_load_idx %arg6[%broadcast_in_dim3A_1238, %add3A_1241, %broadcast_in_dim3A_1234] : memref<16x32x128xf32, #tpu.memory_space<vmem>>[vector<16xi32>, vector<16xi32>, vector<16xi32>], vector<16xf32>,
    %add3A_1243 = arith.constant 0 : i32
    %add3A_1244 = vector.broadcast %add3A_1243 : i32 to vector<16xi32>
    %add3A_1245 = arith.addi %iota3A, %add3A_1244 : vector<16xi32>
    tpu.vector_store_idx %arg7[%add3A_1245, %broadcast_in_dim3A_1236], %gather3A_1242 : memref<32x512xf32, #tpu.memory_space<vmem>>[vector<16xi32>, vector<16xi32>], vector<16xf32>,
    %add3A_1246 = arith.constant 16 : i32
    %add3A_1247 = vector.broadcast %add3A_1246 : i32 to vector<16xi32>
    %add3A_1248 = arith.addi %iota3A, %add3A_1247 : vector<16xi32>
    %gather3A_1249 = tpu.vector_load_idx %arg6[%broadcast_in_dim3A_1238, %add3A_1248, %broadcast_in_dim3A_1234] : memref<16x32x128xf32, #tpu.memory_space<vmem>>[vector<16xi32>, vector<16xi32>, vector<16xi32>], vector<16xf32>,
    %add3A_1250 = arith.constant 16 : i32
    %add3A_1251 = vector.broadcast %add3A_1250 : i32 to vector<16xi32>
    %add3A_1252 = arith.addi %iota3A, %add3A_1251 : vector<16xi32>
    tpu.vector_store_idx %arg7[%add3A_1252, %broadcast_in_dim3A_1236], %gather3A_1249 : memref<32x512xf32, #tpu.memory_space<vmem>>[vector<16xi32>, vector<16xi32>], vector<16xf32>,
    %slice3A_1253 = vector.extract_strided_slice %get3A_502 {offsets = [11], sizes = [1], strides = [1]} : vector<16xi32> to vector<1xi32>
    %squeeze3A_1254 = vector.extract %slice3A_1253[0] : i32 from vector<1xi32>
    %jit3A_1255 = arith.constant 128 : i32
    %eq3A_1256 = arith.constant 0 : i32
    %eq3A_1257 = arith.cmpi eq, %jit3A_1255, %eq3A_1256 : i32
    %jit3A_1258 = arith.constant 1 : i32
    %select_n3A_1259 = arith.select %eq3A_1257, %jit3A_1258, %jit3A_1255 : i32
    %rem3A_1260 = arith.remsi %squeeze3A_1254, %select_n3A_1259 : i32
    %ne3A_1261 = arith.constant 0 : i32
    %ne3A_1262 = arith.cmpi ne, %rem3A_1260, %ne3A_1261 : i32
    %lt3A_1263 = arith.constant 0 : i32
    %lt3A_1264 = arith.cmpi slt, %rem3A_1260, %lt3A_1263 : i32
    %lt3A_1265 = arith.constant 0 : i32
    %lt3A_1266 = arith.cmpi slt, %select_n3A_1259, %lt3A_1265 : i32
    %ne3A_1267 = arith.xori %lt3A_1264, %lt3A_1266 : i1
    %and3A_1268 = arith.andi %ne3A_1267, %ne3A_1262 : i1
    %add3A_1269 = arith.addi %rem3A_1260, %select_n3A_1259 : i32
    %select_n3A_1270 = arith.select %and3A_1268, %add3A_1269, %rem3A_1260 : i32
    %broadcast_in_dim3A_1271 = vector.broadcast %select_n3A_1270 : i32 to vector<16xi32>
    %broadcast_in_dim3A_1272 = arith.constant 507 : i32
    %broadcast_in_dim3A_1273 = vector.broadcast %broadcast_in_dim3A_1272 : i32 to vector<16xi32>
    %broadcast_in_dim3A_1274 = arith.constant 11 : i32
    %broadcast_in_dim3A_1275 = vector.broadcast %broadcast_in_dim3A_1274 : i32 to vector<16xi32>
    %add3A_1276 = arith.constant 0 : i32
    %add3A_1277 = vector.broadcast %add3A_1276 : i32 to vector<16xi32>
    %add3A_1278 = arith.addi %iota3A, %add3A_1277 : vector<16xi32>
    %gather3A_1279 = tpu.vector_load_idx %arg6[%broadcast_in_dim3A_1275, %add3A_1278, %broadcast_in_dim3A_1271] : memref<16x32x128xf32, #tpu.memory_space<vmem>>[vector<16xi32>, vector<16xi32>, vector<16xi32>], vector<16xf32>,
    %add3A_1280 = arith.constant 0 : i32
    %add3A_1281 = vector.broadcast %add3A_1280 : i32 to vector<16xi32>
    %add3A_1282 = arith.addi %iota3A, %add3A_1281 : vector<16xi32>
    tpu.vector_store_idx %arg7[%add3A_1282, %broadcast_in_dim3A_1273], %gather3A_1279 : memref<32x512xf32, #tpu.memory_space<vmem>>[vector<16xi32>, vector<16xi32>], vector<16xf32>,
    %add3A_1283 = arith.constant 16 : i32
    %add3A_1284 = vector.broadcast %add3A_1283 : i32 to vector<16xi32>
    %add3A_1285 = arith.addi %iota3A, %add3A_1284 : vector<16xi32>
    %gather3A_1286 = tpu.vector_load_idx %arg6[%broadcast_in_dim3A_1275, %add3A_1285, %broadcast_in_dim3A_1271] : memref<16x32x128xf32, #tpu.memory_space<vmem>>[vector<16xi32>, vector<16xi32>, vector<16xi32>], vector<16xf32>,
    %add3A_1287 = arith.constant 16 : i32
    %add3A_1288 = vector.broadcast %add3A_1287 : i32 to vector<16xi32>
    %add3A_1289 = arith.addi %iota3A, %add3A_1288 : vector<16xi32>
    tpu.vector_store_idx %arg7[%add3A_1289, %broadcast_in_dim3A_1273], %gather3A_1286 : memref<32x512xf32, #tpu.memory_space<vmem>>[vector<16xi32>, vector<16xi32>], vector<16xf32>,
    %dma_wait3A_1290 = arith.constant 0 : i32
    %dma_wait3A_1291 = arith.constant 0 : i32
    %dma_wait3A_1292 = arith.constant 0 : i32
    %dma_wait3A_1293 = tpu.memref_slice %arg6[%dma_wait3A_1290, %dma_wait3A_1291, %dma_wait3A_1292] : memref<16x32x128xf32, #tpu.memory_space<vmem>> -> memref<1x32x128xf32, #tpu.memory_space<vmem>>
    %dma_wait3A_1294 = tpu.memref_squeeze %dma_wait3A_1293 : memref<1x32x128xf32, #tpu.memory_space<vmem>> -> memref<32x128xf32, #tpu.memory_space<vmem>>
    %dma_wait3A_1295 = arith.constant 0 : i32
    %dma_wait3A_1296 = arith.constant 0 : i32
    %dma_wait3A_1297 = tpu.memref_slice %arg2[%dma_wait3A_1295, %dma_wait3A_1296] : memref<32x1000000xf32, #tpu.memory_space<hbm>> -> memref<32x128xf32, #tpu.memory_space<hbm>>
    %dma_wait3A_1298 = arith.constant 0 : i32
    %dma_wait3A_1299 = arith.constant 0 : i32
    %dma_wait3A_1300 = tpu.memref_slice %arg6[%dma_wait3A_1290, %dma_wait3A_1298, %dma_wait3A_1299] : memref<16x32x128xf32, #tpu.memory_space<vmem>> -> memref<1x32x128xf32, #tpu.memory_space<vmem>>
    %dma_wait3A_1301 = tpu.memref_squeeze %dma_wait3A_1300 : memref<1x32x128xf32, #tpu.memory_space<vmem>> -> memref<32x128xf32, #tpu.memory_space<vmem>>
    %dma_wait3A_1302 = arith.constant 0 : i32
    %dma_wait3A_1303 = arith.constant 0 : i32
    %dma_wait3A_1304 = tpu.memref_slice %arg2[%dma_wait3A_1302, %dma_wait3A_1303] : memref<32x1000000xf32, #tpu.memory_space<hbm>> -> memref<32x128xf32, #tpu.memory_space<hbm>>
    tpu.wait_dma2 semaphore(%arg8 : memref<!tpu.dma_semaphore, #tpu.memory_space<semaphore_mem>>) src(%dma_wait3A_1304 : memref<32x128xf32, #tpu.memory_space<hbm>>) dst(%dma_wait3A_1301 : memref<32x128xf32, #tpu.memory_space<vmem>>)
    %dma_wait3A_1305 = arith.constant 0 : i32
    %dma_wait3A_1306 = arith.constant 0 : i32
    %dma_wait3A_1307 = arith.constant 0 : i32
    %dma_wait3A_1308 = tpu.memref_slice %arg6[%dma_wait3A_1305, %dma_wait3A_1306, %dma_wait3A_1307] : memref<16x32x128xf32, #tpu.memory_space<vmem>> -> memref<1x32x128xf32, #tpu.memory_space<vmem>>
    %dma_wait3A_1309 = tpu.memref_squeeze %dma_wait3A_1308 : memref<1x32x128xf32, #tpu.memory_space<vmem>> -> memref<32x128xf32, #tpu.memory_space<vmem>>
    %dma_wait3A_1310 = arith.constant 0 : i32
    %dma_wait3A_1311 = arith.constant 0 : i32
    %dma_wait3A_1312 = tpu.memref_slice %arg2[%dma_wait3A_1310, %dma_wait3A_1311] : memref<32x1000000xf32, #tpu.memory_space<hbm>> -> memref<32x128xf32, #tpu.memory_space<hbm>>
    %dma_wait3A_1313 = arith.constant 0 : i32
    %dma_wait3A_1314 = arith.constant 0 : i32
    %dma_wait3A_1315 = tpu.memref_slice %arg6[%dma_wait3A_1305, %dma_wait3A_1313, %dma_wait3A_1314] : memref<16x32x128xf32, #tpu.memory_space<vmem>> -> memref<1x32x128xf32, #tpu.memory_space<vmem>>
    %dma_wait3A_1316 = tpu.memref_squeeze %dma_wait3A_1315 : memref<1x32x128xf32, #tpu.memory_space<vmem>> -> memref<32x128xf32, #tpu.memory_space<vmem>>
    %dma_wait3A_1317 = arith.constant 0 : i32
    %dma_wait3A_1318 = arith.constant 0 : i32
    %dma_wait3A_1319 = tpu.memref_slice %arg2[%dma_wait3A_1317, %dma_wait3A_1318] : memref<32x1000000xf32, #tpu.memory_space<hbm>> -> memref<32x128xf32, #tpu.memory_space<hbm>>
    tpu.wait_dma2 semaphore(%arg8 : memref<!tpu.dma_semaphore, #tpu.memory_space<semaphore_mem>>) src(%dma_wait3A_1319 : memref<32x128xf32, #tpu.memory_space<hbm>>) dst(%dma_wait3A_1316 : memref<32x128xf32, #tpu.memory_space<vmem>>)
    %dma_wait3A_1320 = arith.constant 0 : i32
    %dma_wait3A_1321 = arith.constant 0 : i32
    %dma_wait3A_1322 = arith.constant 0 : i32
    %dma_wait3A_1323 = tpu.memref_slice %arg6[%dma_wait3A_1320, %dma_wait3A_1321, %dma_wait3A_1322] : memref<16x32x128xf32, #tpu.memory_space<vmem>> -> memref<1x32x128xf32, #tpu.memory_space<vmem>>
    %dma_wait3A_1324 = tpu.memref_squeeze %dma_wait3A_1323 : memref<1x32x128xf32, #tpu.memory_space<vmem>> -> memref<32x128xf32, #tpu.memory_space<vmem>>
    %dma_wait3A_1325 = arith.constant 0 : i32
    %dma_wait3A_1326 = arith.constant 0 : i32
    %dma_wait3A_1327 = tpu.memref_slice %arg2[%dma_wait3A_1325, %dma_wait3A_1326] : memref<32x1000000xf32, #tpu.memory_space<hbm>> -> memref<32x128xf32, #tpu.memory_space<hbm>>
    %dma_wait3A_1328 = arith.constant 0 : i32
    %dma_wait3A_1329 = arith.constant 0 : i32
    %dma_wait3A_1330 = tpu.memref_slice %arg6[%dma_wait3A_1320, %dma_wait3A_1328, %dma_wait3A_1329] : memref<16x32x128xf32, #tpu.memory_space<vmem>> -> memref<1x32x128xf32, #tpu.memory_space<vmem>>
    %dma_wait3A_1331 = tpu.memref_squeeze %dma_wait3A_1330 : memref<1x32x128xf32, #tpu.memory_space<vmem>> -> memref<32x128xf32, #tpu.memory_space<vmem>>
    %dma_wait3A_1332 = arith.constant 0 : i32
    %dma_wait3A_1333 = arith.constant 0 : i32
    %dma_wait3A_1334 = tpu.memref_slice %arg2[%dma_wait3A_1332, %dma_wait3A_1333] : memref<32x1000000xf32, #tpu.memory_space<hbm>> -> memref<32x128xf32, #tpu.memory_space<hbm>>
    tpu.wait_dma2 semaphore(%arg8 : memref<!tpu.dma_semaphore, #tpu.memory_space<semaphore_mem>>) src(%dma_wait3A_1334 : memref<32x128xf32, #tpu.memory_space<hbm>>) dst(%dma_wait3A_1331 : memref<32x128xf32, #tpu.memory_space<vmem>>)
    %dma_wait3A_1335 = arith.constant 0 : i32
    %dma_wait3A_1336 = arith.constant 0 : i32
    %dma_wait3A_1337 = arith.constant 0 : i32
    %dma_wait3A_1338 = tpu.memref_slice %arg6[%dma_wait3A_1335, %dma_wait3A_1336, %dma_wait3A_1337] : memref<16x32x128xf32, #tpu.memory_space<vmem>> -> memref<1x32x128xf32, #tpu.memory_space<vmem>>
    %dma_wait3A_1339 = tpu.memref_squeeze %dma_wait3A_1338 : memref<1x32x128xf32, #tpu.memory_space<vmem>> -> memref<32x128xf32, #tpu.memory_space<vmem>>
    %dma_wait3A_1340 = arith.constant 0 : i32
    %dma_wait3A_1341 = arith.constant 0 : i32
    %dma_wait3A_1342 = tpu.memref_slice %arg2[%dma_wait3A_1340, %dma_wait3A_1341] : memref<32x1000000xf32, #tpu.memory_space<hbm>> -> memref<32x128xf32, #tpu.memory_space<hbm>>
    %dma_wait3A_1343 = arith.constant 0 : i32
    %dma_wait3A_1344 = arith.constant 0 : i32
    %dma_wait3A_1345 = tpu.memref_slice %arg6[%dma_wait3A_1335, %dma_wait3A_1343, %dma_wait3A_1344] : memref<16x32x128xf32, #tpu.memory_space<vmem>> -> memref<1x32x128xf32, #tpu.memory_space<vmem>>
    %dma_wait3A_1346 = tpu.memref_squeeze %dma_wait3A_1345 : memref<1x32x128xf32, #tpu.memory_space<vmem>> -> memref<32x128xf32, #tpu.memory_space<vmem>>
    %dma_wait3A_1347 = arith.constant 0 : i32
    %dma_wait3A_1348 = arith.constant 0 : i32
    %dma_wait3A_1349 = tpu.memref_slice %arg2[%dma_wait3A_1347, %dma_wait3A_1348] : memref<32x1000000xf32, #tpu.memory_space<hbm>> -> memref<32x128xf32, #tpu.memory_space<hbm>>
    tpu.wait_dma2 semaphore(%arg8 : memref<!tpu.dma_semaphore, #tpu.memory_space<semaphore_mem>>) src(%dma_wait3A_1349 : memref<32x128xf32, #tpu.memory_space<hbm>>) dst(%dma_wait3A_1346 : memref<32x128xf32, #tpu.memory_space<vmem>>)
    %slice3A_1350 = vector.extract_strided_slice %get3A_502 {offsets = [12], sizes = [1], strides = [1]} : vector<16xi32> to vector<1xi32>
    %squeeze3A_1351 = vector.extract %slice3A_1350[0] : i32 from vector<1xi32>
    %jit3A_1352 = arith.constant 128 : i32
    %eq3A_1353 = arith.constant 0 : i32
    %eq3A_1354 = arith.cmpi eq, %jit3A_1352, %eq3A_1353 : i32
    %jit3A_1355 = arith.constant 1 : i32
    %select_n3A_1356 = arith.select %eq3A_1354, %jit3A_1355, %jit3A_1352 : i32
    %rem3A_1357 = arith.remsi %squeeze3A_1351, %select_n3A_1356 : i32
    %ne3A_1358 = arith.constant 0 : i32
    %ne3A_1359 = arith.cmpi ne, %rem3A_1357, %ne3A_1358 : i32
    %lt3A_1360 = arith.constant 0 : i32
    %lt3A_1361 = arith.cmpi slt, %rem3A_1357, %lt3A_1360 : i32
    %lt3A_1362 = arith.constant 0 : i32
    %lt3A_1363 = arith.cmpi slt, %select_n3A_1356, %lt3A_1362 : i32
    %ne3A_1364 = arith.xori %lt3A_1361, %lt3A_1363 : i1
    %and3A_1365 = arith.andi %ne3A_1364, %ne3A_1359 : i1
    %add3A_1366 = arith.addi %rem3A_1357, %select_n3A_1356 : i32
    %select_n3A_1367 = arith.select %and3A_1365, %add3A_1366, %rem3A_1357 : i32
    %broadcast_in_dim3A_1368 = vector.broadcast %select_n3A_1367 : i32 to vector<16xi32>
    %broadcast_in_dim3A_1369 = arith.constant 508 : i32
    %broadcast_in_dim3A_1370 = vector.broadcast %broadcast_in_dim3A_1369 : i32 to vector<16xi32>
    %broadcast_in_dim3A_1371 = arith.constant 12 : i32
    %broadcast_in_dim3A_1372 = vector.broadcast %broadcast_in_dim3A_1371 : i32 to vector<16xi32>
    %add3A_1373 = arith.constant 0 : i32
    %add3A_1374 = vector.broadcast %add3A_1373 : i32 to vector<16xi32>
    %add3A_1375 = arith.addi %iota3A, %add3A_1374 : vector<16xi32>
    %gather3A_1376 = tpu.vector_load_idx %arg6[%broadcast_in_dim3A_1372, %add3A_1375, %broadcast_in_dim3A_1368] : memref<16x32x128xf32, #tpu.memory_space<vmem>>[vector<16xi32>, vector<16xi32>, vector<16xi32>], vector<16xf32>,
    %add3A_1377 = arith.constant 0 : i32
    %add3A_1378 = vector.broadcast %add3A_1377 : i32 to vector<16xi32>
    %add3A_1379 = arith.addi %iota3A, %add3A_1378 : vector<16xi32>
    tpu.vector_store_idx %arg7[%add3A_1379, %broadcast_in_dim3A_1370], %gather3A_1376 : memref<32x512xf32, #tpu.memory_space<vmem>>[vector<16xi32>, vector<16xi32>], vector<16xf32>,
    %add3A_1380 = arith.constant 16 : i32
    %add3A_1381 = vector.broadcast %add3A_1380 : i32 to vector<16xi32>
    %add3A_1382 = arith.addi %iota3A, %add3A_1381 : vector<16xi32>
    %gather3A_1383 = tpu.vector_load_idx %arg6[%broadcast_in_dim3A_1372, %add3A_1382, %broadcast_in_dim3A_1368] : memref<16x32x128xf32, #tpu.memory_space<vmem>>[vector<16xi32>, vector<16xi32>, vector<16xi32>], vector<16xf32>,
    %add3A_1384 = arith.constant 16 : i32
    %add3A_1385 = vector.broadcast %add3A_1384 : i32 to vector<16xi32>
    %add3A_1386 = arith.addi %iota3A, %add3A_1385 : vector<16xi32>
    tpu.vector_store_idx %arg7[%add3A_1386, %broadcast_in_dim3A_1370], %gather3A_1383 : memref<32x512xf32, #tpu.memory_space<vmem>>[vector<16xi32>, vector<16xi32>], vector<16xf32>,
    %slice3A_1387 = vector.extract_strided_slice %get3A_502 {offsets = [13], sizes = [1], strides = [1]} : vector<16xi32> to vector<1xi32>
    %squeeze3A_1388 = vector.extract %slice3A_1387[0] : i32 from vector<1xi32>
    %jit3A_1389 = arith.constant 128 : i32
    %eq3A_1390 = arith.constant 0 : i32
    %eq3A_1391 = arith.cmpi eq, %jit3A_1389, %eq3A_1390 : i32
    %jit3A_1392 = arith.constant 1 : i32
    %select_n3A_1393 = arith.select %eq3A_1391, %jit3A_1392, %jit3A_1389 : i32
    %rem3A_1394 = arith.remsi %squeeze3A_1388, %select_n3A_1393 : i32
    %ne3A_1395 = arith.constant 0 : i32
    %ne3A_1396 = arith.cmpi ne, %rem3A_1394, %ne3A_1395 : i32
    %lt3A_1397 = arith.constant 0 : i32
    %lt3A_1398 = arith.cmpi slt, %rem3A_1394, %lt3A_1397 : i32
    %lt3A_1399 = arith.constant 0 : i32
    %lt3A_1400 = arith.cmpi slt, %select_n3A_1393, %lt3A_1399 : i32
    %ne3A_1401 = arith.xori %lt3A_1398, %lt3A_1400 : i1
    %and3A_1402 = arith.andi %ne3A_1401, %ne3A_1396 : i1
    %add3A_1403 = arith.addi %rem3A_1394, %select_n3A_1393 : i32
    %select_n3A_1404 = arith.select %and3A_1402, %add3A_1403, %rem3A_1394 : i32
    %broadcast_in_dim3A_1405 = vector.broadcast %select_n3A_1404 : i32 to vector<16xi32>
    %broadcast_in_dim3A_1406 = arith.constant 509 : i32
    %broadcast_in_dim3A_1407 = vector.broadcast %broadcast_in_dim3A_1406 : i32 to vector<16xi32>
    %broadcast_in_dim3A_1408 = arith.constant 13 : i32
    %broadcast_in_dim3A_1409 = vector.broadcast %broadcast_in_dim3A_1408 : i32 to vector<16xi32>
    %add3A_1410 = arith.constant 0 : i32
    %add3A_1411 = vector.broadcast %add3A_1410 : i32 to vector<16xi32>
    %add3A_1412 = arith.addi %iota3A, %add3A_1411 : vector<16xi32>
    %gather3A_1413 = tpu.vector_load_idx %arg6[%broadcast_in_dim3A_1409, %add3A_1412, %broadcast_in_dim3A_1405] : memref<16x32x128xf32, #tpu.memory_space<vmem>>[vector<16xi32>, vector<16xi32>, vector<16xi32>], vector<16xf32>,
    %add3A_1414 = arith.constant 0 : i32
    %add3A_1415 = vector.broadcast %add3A_1414 : i32 to vector<16xi32>
    %add3A_1416 = arith.addi %iota3A, %add3A_1415 : vector<16xi32>
    tpu.vector_store_idx %arg7[%add3A_1416, %broadcast_in_dim3A_1407], %gather3A_1413 : memref<32x512xf32, #tpu.memory_space<vmem>>[vector<16xi32>, vector<16xi32>], vector<16xf32>,
    %add3A_1417 = arith.constant 16 : i32
    %add3A_1418 = vector.broadcast %add3A_1417 : i32 to vector<16xi32>
    %add3A_1419 = arith.addi %iota3A, %add3A_1418 : vector<16xi32>
    %gather3A_1420 = tpu.vector_load_idx %arg6[%broadcast_in_dim3A_1409, %add3A_1419, %broadcast_in_dim3A_1405] : memref<16x32x128xf32, #tpu.memory_space<vmem>>[vector<16xi32>, vector<16xi32>, vector<16xi32>], vector<16xf32>,
    %add3A_1421 = arith.constant 16 : i32
    %add3A_1422 = vector.broadcast %add3A_1421 : i32 to vector<16xi32>
    %add3A_1423 = arith.addi %iota3A, %add3A_1422 : vector<16xi32>
    tpu.vector_store_idx %arg7[%add3A_1423, %broadcast_in_dim3A_1407], %gather3A_1420 : memref<32x512xf32, #tpu.memory_space<vmem>>[vector<16xi32>, vector<16xi32>], vector<16xf32>,
    %slice3A_1424 = vector.extract_strided_slice %get3A_502 {offsets = [14], sizes = [1], strides = [1]} : vector<16xi32> to vector<1xi32>
    %squeeze3A_1425 = vector.extract %slice3A_1424[0] : i32 from vector<1xi32>
    %jit3A_1426 = arith.constant 128 : i32
    %eq3A_1427 = arith.constant 0 : i32
    %eq3A_1428 = arith.cmpi eq, %jit3A_1426, %eq3A_1427 : i32
    %jit3A_1429 = arith.constant 1 : i32
    %select_n3A_1430 = arith.select %eq3A_1428, %jit3A_1429, %jit3A_1426 : i32
    %rem3A_1431 = arith.remsi %squeeze3A_1425, %select_n3A_1430 : i32
    %ne3A_1432 = arith.constant 0 : i32
    %ne3A_1433 = arith.cmpi ne, %rem3A_1431, %ne3A_1432 : i32
    %lt3A_1434 = arith.constant 0 : i32
    %lt3A_1435 = arith.cmpi slt, %rem3A_1431, %lt3A_1434 : i32
    %lt3A_1436 = arith.constant 0 : i32
    %lt3A_1437 = arith.cmpi slt, %select_n3A_1430, %lt3A_1436 : i32
    %ne3A_1438 = arith.xori %lt3A_1435, %lt3A_1437 : i1
    %and3A_1439 = arith.andi %ne3A_1438, %ne3A_1433 : i1
    %add3A_1440 = arith.addi %rem3A_1431, %select_n3A_1430 : i32
    %select_n3A_1441 = arith.select %and3A_1439, %add3A_1440, %rem3A_1431 : i32
    %broadcast_in_dim3A_1442 = vector.broadcast %select_n3A_1441 : i32 to vector<16xi32>
    %broadcast_in_dim3A_1443 = arith.constant 510 : i32
    %broadcast_in_dim3A_1444 = vector.broadcast %broadcast_in_dim3A_1443 : i32 to vector<16xi32>
    %broadcast_in_dim3A_1445 = arith.constant 14 : i32
    %broadcast_in_dim3A_1446 = vector.broadcast %broadcast_in_dim3A_1445 : i32 to vector<16xi32>
    %add3A_1447 = arith.constant 0 : i32
    %add3A_1448 = vector.broadcast %add3A_1447 : i32 to vector<16xi32>
    %add3A_1449 = arith.addi %iota3A, %add3A_1448 : vector<16xi32>
    %gather3A_1450 = tpu.vector_load_idx %arg6[%broadcast_in_dim3A_1446, %add3A_1449, %broadcast_in_dim3A_1442] : memref<16x32x128xf32, #tpu.memory_space<vmem>>[vector<16xi32>, vector<16xi32>, vector<16xi32>], vector<16xf32>,
    %add3A_1451 = arith.constant 0 : i32
    %add3A_1452 = vector.broadcast %add3A_1451 : i32 to vector<16xi32>
    %add3A_1453 = arith.addi %iota3A, %add3A_1452 : vector<16xi32>
    tpu.vector_store_idx %arg7[%add3A_1453, %broadcast_in_dim3A_1444], %gather3A_1450 : memref<32x512xf32, #tpu.memory_space<vmem>>[vector<16xi32>, vector<16xi32>], vector<16xf32>,
    %add3A_1454 = arith.constant 16 : i32
    %add3A_1455 = vector.broadcast %add3A_1454 : i32 to vector<16xi32>
    %add3A_1456 = arith.addi %iota3A, %add3A_1455 : vector<16xi32>
    %gather3A_1457 = tpu.vector_load_idx %arg6[%broadcast_in_dim3A_1446, %add3A_1456, %broadcast_in_dim3A_1442] : memref<16x32x128xf32, #tpu.memory_space<vmem>>[vector<16xi32>, vector<16xi32>, vector<16xi32>], vector<16xf32>,
    %add3A_1458 = arith.constant 16 : i32
    %add3A_1459 = vector.broadcast %add3A_1458 : i32 to vector<16xi32>
    %add3A_1460 = arith.addi %iota3A, %add3A_1459 : vector<16xi32>
    tpu.vector_store_idx %arg7[%add3A_1460, %broadcast_in_dim3A_1444], %gather3A_1457 : memref<32x512xf32, #tpu.memory_space<vmem>>[vector<16xi32>, vector<16xi32>], vector<16xf32>,
    %slice3A_1461 = vector.extract_strided_slice %get3A_502 {offsets = [15], sizes = [1], strides = [1]} : vector<16xi32> to vector<1xi32>
    %squeeze3A_1462 = vector.extract %slice3A_1461[0] : i32 from vector<1xi32>
    %jit3A_1463 = arith.constant 128 : i32
    %eq3A_1464 = arith.constant 0 : i32
    %eq3A_1465 = arith.cmpi eq, %jit3A_1463, %eq3A_1464 : i32
    %jit3A_1466 = arith.constant 1 : i32
    %select_n3A_1467 = arith.select %eq3A_1465, %jit3A_1466, %jit3A_1463 : i32
    %rem3A_1468 = arith.remsi %squeeze3A_1462, %select_n3A_1467 : i32
    %ne3A_1469 = arith.constant 0 : i32
    %ne3A_1470 = arith.cmpi ne, %rem3A_1468, %ne3A_1469 : i32
    %lt3A_1471 = arith.constant 0 : i32
    %lt3A_1472 = arith.cmpi slt, %rem3A_1468, %lt3A_1471 : i32
    %lt3A_1473 = arith.constant 0 : i32
    %lt3A_1474 = arith.cmpi slt, %select_n3A_1467, %lt3A_1473 : i32
    %ne3A_1475 = arith.xori %lt3A_1472, %lt3A_1474 : i1
    %and3A_1476 = arith.andi %ne3A_1475, %ne3A_1470 : i1
    %add3A_1477 = arith.addi %rem3A_1468, %select_n3A_1467 : i32
    %select_n3A_1478 = arith.select %and3A_1476, %add3A_1477, %rem3A_1468 : i32
    %broadcast_in_dim3A_1479 = vector.broadcast %select_n3A_1478 : i32 to vector<16xi32>
    %broadcast_in_dim3A_1480 = arith.constant 511 : i32
    %broadcast_in_dim3A_1481 = vector.broadcast %broadcast_in_dim3A_1480 : i32 to vector<16xi32>
    %broadcast_in_dim3A_1482 = arith.constant 15 : i32
    %broadcast_in_dim3A_1483 = vector.broadcast %broadcast_in_dim3A_1482 : i32 to vector<16xi32>
    %add3A_1484 = arith.constant 0 : i32
    %add3A_1485 = vector.broadcast %add3A_1484 : i32 to vector<16xi32>
    %add3A_1486 = arith.addi %iota3A, %add3A_1485 : vector<16xi32>
    %gather3A_1487 = tpu.vector_load_idx %arg6[%broadcast_in_dim3A_1483, %add3A_1486, %broadcast_in_dim3A_1479] : memref<16x32x128xf32, #tpu.memory_space<vmem>>[vector<16xi32>, vector<16xi32>, vector<16xi32>], vector<16xf32>,
    %add3A_1488 = arith.constant 0 : i32
    %add3A_1489 = vector.broadcast %add3A_1488 : i32 to vector<16xi32>
    %add3A_1490 = arith.addi %iota3A, %add3A_1489 : vector<16xi32>
    tpu.vector_store_idx %arg7[%add3A_1490, %broadcast_in_dim3A_1481], %gather3A_1487 : memref<32x512xf32, #tpu.memory_space<vmem>>[vector<16xi32>, vector<16xi32>], vector<16xf32>,
    %add3A_1491 = arith.constant 16 : i32
    %add3A_1492 = vector.broadcast %add3A_1491 : i32 to vector<16xi32>
    %add3A_1493 = arith.addi %iota3A, %add3A_1492 : vector<16xi32>
    %gather3A_1494 = tpu.vector_load_idx %arg6[%broadcast_in_dim3A_1483, %add3A_1493, %broadcast_in_dim3A_1479] : memref<16x32x128xf32, #tpu.memory_space<vmem>>[vector<16xi32>, vector<16xi32>, vector<16xi32>], vector<16xf32>,
    %add3A_1495 = arith.constant 16 : i32
    %add3A_1496 = vector.broadcast %add3A_1495 : i32 to vector<16xi32>
    %add3A_1497 = arith.addi %iota3A, %add3A_1496 : vector<16xi32>
    tpu.vector_store_idx %arg7[%add3A_1497, %broadcast_in_dim3A_1481], %gather3A_1494 : memref<32x512xf32, #tpu.memory_space<vmem>>[vector<16xi32>, vector<16xi32>], vector<16xf32>,
    "tpu.region"() ({
      %run_scoped3A = tpu.sem_alloc : memref<!tpu.dma_semaphore, #tpu.memory_space<semaphore_mem>>
      %dma_start3A_1498 = arith.constant 0 : i32
      %dma_start3A_1499 = tpu.memref_slice %arg4[%dma_start3A_1498, %mul3A_2] : memref<32x16384xf32, #tpu.memory_space<hbm>> -> memref<32x512xf32, #tpu.memory_space<hbm>>
      %dma_start3A_1500 = arith.constant 0 : i32
      %dma_start3A_1501 = tpu.memref_slice %arg4[%dma_start3A_1500, %mul3A_2] : memref<32x16384xf32, #tpu.memory_space<hbm>> -> memref<32x512xf32, #tpu.memory_space<hbm>>
      tpu.enqueue_dma source(%arg7 : memref<32x512xf32, #tpu.memory_space<vmem>>) target(%dma_start3A_1501 : memref<32x512xf32, #tpu.memory_space<hbm>>) target_semaphore(%run_scoped3A : memref<!tpu.dma_semaphore, #tpu.memory_space<semaphore_mem>>)
      %dma_wait3A_1502 = arith.constant 0 : i32
      %dma_wait3A_1503 = tpu.memref_slice %arg4[%dma_wait3A_1502, %mul3A_2] : memref<32x16384xf32, #tpu.memory_space<hbm>> -> memref<32x512xf32, #tpu.memory_space<hbm>>
      %dma_wait3A_1504 = arith.constant 0 : i32
      %dma_wait3A_1505 = tpu.memref_slice %arg4[%dma_wait3A_1504, %mul3A_2] : memref<32x16384xf32, #tpu.memory_space<hbm>> -> memref<32x512xf32, #tpu.memory_space<hbm>>
      tpu.wait_dma2 semaphore(%run_scoped3A : memref<!tpu.dma_semaphore, #tpu.memory_space<semaphore_mem>>) src(%arg7 : memref<32x512xf32, #tpu.memory_space<vmem>>) dst(%dma_wait3A_1505 : memref<32x512xf32, #tpu.memory_space<hbm>>)
      tpu.yield
    }) : () -> ()
    return
  }
}

module attributes {stable_mosaic.version = 14 : i64} {
  func.func @_mlp_body(%arg0: i32, %arg1: memref<26x8192xf32, #tpu.memory_space<vmem>>, %arg2: memref<32x8192xf32, #tpu.memory_space<vmem>>, %arg3: memref<128x26xf32, #tpu.memory_space<vmem>>, %arg4: memref<128x32xf32, #tpu.memory_space<vmem>>, %arg5: memref<128x1xf32, #tpu.memory_space<vmem>>, %arg6: memref<64x128xf32, #tpu.memory_space<vmem>>, %arg7: memref<64x1xf32, #tpu.memory_space<vmem>>, %arg8: memref<64x8192xf32, #tpu.memory_space<vmem>>) attributes {dimension_semantics = [#tpu.dimension_semantics<arbitrary>], iteration_bounds = array<i64: 2>, scalar_prefetch = 0 : i64, scratch_operands = 0 : i64, tpu.core_type = #tpu.core_type<tc>, window_params = [{transform_indices = @transform_0, window_bounds = array<i64: 26, 8192>}, {transform_indices = @transform_1, window_bounds = array<i64: 32, 8192>}, {pipeline_mode = #tpu.pipeline_mode<synchronous>, transform_indices = @transform_2, window_bounds = array<i64: 128, 26>}, {pipeline_mode = #tpu.pipeline_mode<synchronous>, transform_indices = @transform_3, window_bounds = array<i64: 128, 32>}, {pipeline_mode = #tpu.pipeline_mode<synchronous>, transform_indices = @transform_4, window_bounds = array<i64: 128, 1>}, {pipeline_mode = #tpu.pipeline_mode<synchronous>, transform_indices = @transform_5, window_bounds = array<i64: 64, 128>}, {pipeline_mode = #tpu.pipeline_mode<synchronous>, transform_indices = @transform_6, window_bounds = array<i64: 64, 1>}, {transform_indices = @transform_7, window_bounds = array<i64: 64, 8192>}]} {
    %get3A = arith.constant 0 : index
    %get3A_0 = arith.constant 0 : index
    %get3A_1 = vector.load %arg3[%get3A, %get3A_0] : memref<128x26xf32, #tpu.memory_space<vmem>>, vector<128x26xf32>
    %get3A_2 = arith.constant 0 : index
    %get3A_3 = arith.constant 0 : index
    %get3A_4 = vector.load %arg1[%get3A_2, %get3A_3] : memref<26x8192xf32, #tpu.memory_space<vmem>>, vector<26x8192xf32>
    %dot_general3A = arith.constant dense<0.000000e+00> : vector<128x8192xf32>
    %dot_general3A_5 = tpu.matmul %get3A_1, %get3A_4, %dot_general3A {dimension_numbers = #tpu.dot_dimension_numbers<[1], [0], [0], [1], [0, 0, 1, 1], [], []>, transpose_lhs_hint = false} : vector<128x26xf32>, vector<26x8192xf32>, vector<128x8192xf32> -> vector<128x8192xf32>
    %get3A_6 = arith.constant 0 : index
    %get3A_7 = arith.constant 0 : index
    %get3A_8 = vector.load %arg4[%get3A_6, %get3A_7] : memref<128x32xf32, #tpu.memory_space<vmem>>, vector<128x32xf32>
    %get3A_9 = arith.constant 0 : index
    %get3A_10 = arith.constant 0 : index
    %get3A_11 = vector.load %arg2[%get3A_9, %get3A_10] : memref<32x8192xf32, #tpu.memory_space<vmem>>, vector<32x8192xf32>
    %dot_general3A_12 = arith.constant dense<0.000000e+00> : vector<128x8192xf32>
    %dot_general3A_13 = tpu.matmul %get3A_8, %get3A_11, %dot_general3A_12 {dimension_numbers = #tpu.dot_dimension_numbers<[1], [0], [0], [1], [0, 0, 1, 1], [], []>, transpose_lhs_hint = false} : vector<128x32xf32>, vector<32x8192xf32>, vector<128x8192xf32> -> vector<128x8192xf32>
    %add3A = arith.addf %dot_general3A_5, %dot_general3A_13 : vector<128x8192xf32>
    %get3A_14 = arith.constant 0 : index
    %get3A_15 = arith.constant 0 : index
    %get3A_16 = vector.load %arg5[%get3A_14, %get3A_15] : memref<128x1xf32, #tpu.memory_space<vmem>>, vector<128x1xf32>
    %add3A_17 = vector.broadcast %get3A_16 : vector<128x1xf32> to vector<128x8192xf32>
    %add3A_18 = arith.addf %add3A, %add3A_17 : vector<128x8192xf32>
    %max3A = arith.constant 0.000000e+00 : f32
    %max3A_19 = vector.broadcast %max3A : f32 to vector<128x8192xf32>
    %max3A_20 = arith.maximumf %add3A_18, %max3A_19 : vector<128x8192xf32>
    %get3A_21 = arith.constant 0 : index
    %get3A_22 = arith.constant 0 : index
    %get3A_23 = vector.load %arg6[%get3A_21, %get3A_22] : memref<64x128xf32, #tpu.memory_space<vmem>>, vector<64x128xf32>
    %dot_general3A_24 = arith.constant dense<0.000000e+00> : vector<64x8192xf32>
    %dot_general3A_25 = tpu.matmul %get3A_23, %max3A_20, %dot_general3A_24 {dimension_numbers = #tpu.dot_dimension_numbers<[1], [0], [0], [1], [0, 0, 1, 1], [], []>, transpose_lhs_hint = false} : vector<64x128xf32>, vector<128x8192xf32>, vector<64x8192xf32> -> vector<64x8192xf32>
    %get3A_26 = arith.constant 0 : index
    %get3A_27 = arith.constant 0 : index
    %get3A_28 = vector.load %arg7[%get3A_26, %get3A_27] : memref<64x1xf32, #tpu.memory_space<vmem>>, vector<64x1xf32>
    %add3A_29 = vector.broadcast %get3A_28 : vector<64x1xf32> to vector<64x8192xf32>
    %add3A_30 = arith.addf %dot_general3A_25, %add3A_29 : vector<64x8192xf32>
    %max3A_31 = arith.constant 0.000000e+00 : f32
    %max3A_32 = vector.broadcast %max3A_31 : f32 to vector<64x8192xf32>
    %max3A_33 = arith.maximumf %add3A_30, %max3A_32 : vector<64x8192xf32>
    %swap3A = arith.constant 0 : index
    %swap3A_34 = arith.constant 0 : index
    %swap3A_35 = vector.load %arg8[%swap3A, %swap3A_34] : memref<64x8192xf32, #tpu.memory_space<vmem>>, vector<64x8192xf32>
    tpu.vector_store %arg8[%swap3A, %swap3A_34], %max3A_33 {strides = array<i32>} : memref<64x8192xf32, #tpu.memory_space<vmem>>, vector<64x8192xf32>,
    return
  }
  func.func @transform_0(%arg0: i32) -> (i32, i32) {
    %c0_i32 = arith.constant 0 : i32
    %c0_i32_0 = arith.constant 0 : i32
    return %c0_i32, %arg0 : i32, i32
  }
  func.func @transform_1(%arg0: i32) -> (i32, i32) {
    %c0_i32 = arith.constant 0 : i32
    %c0_i32_0 = arith.constant 0 : i32
    return %c0_i32, %arg0 : i32, i32
  }
  func.func @transform_2(%arg0: i32) -> (i32, i32) {
    %c0_i32 = arith.constant 0 : i32
    %c0_i32_0 = arith.constant 0 : i32
    %c0_i32_1 = arith.constant 0 : i32
    return %c0_i32, %c0_i32_0 : i32, i32
  }
  func.func @transform_3(%arg0: i32) -> (i32, i32) {
    %c0_i32 = arith.constant 0 : i32
    %c0_i32_0 = arith.constant 0 : i32
    %c0_i32_1 = arith.constant 0 : i32
    return %c0_i32, %c0_i32_0 : i32, i32
  }
  func.func @transform_4(%arg0: i32) -> (i32, i32) {
    %c0_i32 = arith.constant 0 : i32
    %c0_i32_0 = arith.constant 0 : i32
    %c0_i32_1 = arith.constant 0 : i32
    return %c0_i32, %c0_i32_0 : i32, i32
  }
  func.func @transform_5(%arg0: i32) -> (i32, i32) {
    %c0_i32 = arith.constant 0 : i32
    %c0_i32_0 = arith.constant 0 : i32
    %c0_i32_1 = arith.constant 0 : i32
    return %c0_i32, %c0_i32_0 : i32, i32
  }
  func.func @transform_6(%arg0: i32) -> (i32, i32) {
    %c0_i32 = arith.constant 0 : i32
    %c0_i32_0 = arith.constant 0 : i32
    %c0_i32_1 = arith.constant 0 : i32
    return %c0_i32, %c0_i32_0 : i32, i32
  }
  func.func @transform_7(%arg0: i32) -> (i32, i32) {
    %c0_i32 = arith.constant 0 : i32
    %c0_i32_0 = arith.constant 0 : i32
    return %c0_i32, %arg0 : i32, i32
  }
}

</mosaic_0001>

<sc_bundles>
// kernel: kernel.4.cloned.1.call-start
scs
__scs_entry_jumppad:
0x0: {  	(pc) =	sbr.rel $0x88, $3  }
0x1: {  	(tag) =	ssettag $0x0;
	lr =	simm.s32 $0x1  }
0x2: {  	[smem:$0x3F9B] =	sst lr;
	_ =	strace $0xD0000000  }
0x3: {  	_ = 	snop  }
0x4: {  	_ = 	snop  }
0x5: {  	_ = 	snop  }
0x6: {  	_ = 	snop  }
0x7: {  	_ = 	snop  }
__scs_overlays_trampoline_lowered:
0x8: {  	[smem:$0x3FAA] =	sst s0  }
0x9: {  	[smem:$0x3FAB] =	sst s1  }
0xa: {  	[smem:$0x3FAC] =	sst s2  }
0xb: {  	[smem:$0x3FAD] =	sst s3  }
0xc: {  	[smem:$0x3FAE] =	sst s4  }
0xd: {  	[smem:$0x3FAF] =	sst s5  }
0xe: {  	[smem:$0x3FB0] =	sst s6  }
0xf: {  	[smem:$0x3FB1] =	sst s7  }
0x10: {  	[smem:$0x3FB2] =	sst s8  }
0x11: {  	[smem:$0x3FB3] =	sst s9;
	s0 =	simm.s32 @!p0 $0x0  }
0x12: {  	s1 =	sld [smem:$0x3F99];
	s0 =	simm.s32 @p0 $0x1  }
0x13: {  	[smem:$0x3FB4] =	sst s0;
	s0 =	simm.s32 @!p1 $0x0  }
0x14: {  	s2 =	sld [smem:$0x3F98];
	s0 =	simm.s32 @p1 $0x1  }
0x15: {  	[smem:$0x3FB5] =	sst s0;
	s0 =	simm.s32 @!p2 $0x0  }
0x16: {  	s3 =	sld [smem:$0x3FDB];
	s0 =	simm.s32 @p2 $0x1  }
0x17: {  	s4 =	simm.s32 $0x1BF5;
	[smem:$0x3FB7] =	sst s0  }
0x18: {  	s0 =	sld [smem:$0x3F9A];
	_ =	swait.ge [sflag:s4], $0x0  }
0x19: {  	s7 =	sld [smem:$0x3F9B]  }
0x1a: {  	s8 =	sadd.s32 $0xFFFFE003, lr  }
0x1b: {  	s9 =	sadd.s32 $0xFFFFFEF7, lr;
	s5 =	simm.s32 $0xFFFFFFFF;
	p2 =	slt.u32 s8, $0xFFFFF086  }
0x1c: {  	p1 =	slt.u32 s9, $0xF7A;
	s5 =	simm.s32 @!p2 $0x0  }
0x1d: {  	s5 =	simm.s32 @p1 $0x1;
	p0 =	seq.s32 s7, s2  }
0x1e: {  	s7 =	smul.u32 @!p0 $0xF7A, s2;
	p2 =	seq.s32 @!p0 s5, $0x0  }
0x1f: {  	s9 =	smul.u32 $0xF7A, s1;
	s8 =	simm.s32 @!p0 $0x1BF5;
	p2 =	por !p2, p0  }
0x20: {  	[sflag:s8] =	ssyncset.s32 @!p0 $0xFFFFF086;
	s6 =	sadd.s32 @!p0 s3, s7;
	s7 =	simm.s32 @!p0 $0x108  }
0x21: {  	s3 =	sadd.s32 s3, s9;
	s6 =	sadd.s32 @!p0 $0x88, s6;
	s7 =	simm.s32 @p2 $0x1082  }
0x22: {  	[simem:s7], [sflag:s8] =	dma.local @!p0 [hbm:s6], $0xF7A  }
0x23: {  	s9 =	sor.u32 $0xD0000000, s2;
	s6 =	simm.s32 $0x108;
	_ =	swait.ge @!p0 [sflag:s8], $0x0  }
0x24: {  	s3 =	sadd.s32 $0x88, s3;
	s6 =	simm.s32 @!p1 $0x1082;
	[sflag:s4] =	ssyncset.s32 $0xFFFFF086  }
0x25: {  	[simem:s6], [sflag:s4] =	dma.local [hbm:s3], $0xF7A  }
0x26: {  	[smem:$0x3F9B] =	sst s1;
	(tag) =	ssettag s2;
	_ =	strace s9  }
0x27: {  	s1 =	sld [smem:$0x3FAB]  }
0x28: {  	s2 =	sld [smem:$0x3FAC]  }
0x29: {  	s4 =	sld [smem:$0x3FAE]  }
0x2a: {  	p0 =	seq.s32 s5, $0x0;
	s5 =	sld [smem:$0x3FAF]  }
0x2b: {  	s6 =	sld [smem:$0x3FB0]  }
0x2c: {  	s7 =	sld [smem:$0x3FB1]  }
0x2d: {  	s3 =	simm.s32 $0x108;
	s8 =	sld [smem:$0x3FB2]  }
0x2e: {  	s3 =	simm.s32 @!p0 $0x1082;
	s9 =	sld [smem:$0x3FB3]  }
0x2f: {  	lr =	sadd.s32 s0, s3;
	s0 =	sld [smem:$0x3FAA]  }
0x30: {  	s3 =	sld [smem:$0x3FAD]  }
0x31: {  	[smem:$0x3FB6] =	sst s10  }
0x32: {  	s10 =	sld [smem:$0x3FB4];
	_ =	sdelay $0x3  }
0x33: {  	p0 =	seq.s32 s10, $0x1;
	s10 =	sld [smem:$0x3FB6];
	_ =	sdelay $0x3  }
0x34: {  	[smem:$0x3FB6] =	sst s10  }
0x35: {  	s10 =	sld [smem:$0x3FB5];
	_ =	sdelay $0x3  }
0x36: {  	p1 =	seq.s32 s10, $0x1;
	s10 =	sld [smem:$0x3FB6];
	_ =	sdelay $0x3  }
0x37: {  	[smem:$0x3FB6] =	sst s10  }
0x38: {  	s10 =	sld [smem:$0x3FB7]  }
0x39: {  	_ = 	snop;
	(pc) =	sbr.ind lr, $3  }
0x3a: {  	_ = 	snop  }
0x3b: {  	_ = 	snop  }
0x3c: {  	p2 =	seq.s32 s10, $0x1;
	s10 =	sld [smem:$0x3FB6]  }
0x3d: {  	_ =	shalt  }
0x3e: {  	_ =	shalt  }
0x3f: {  	_ =	shalt  }
0x40: {  	_ =	shalt  }
0x41: {  	_ =	shalt  }
0x42: {  	_ =	shalt  }
0x43: {  	_ =	shalt  }
0x44: {  	_ =	shalt  }
0x45: {  	_ =	shalt  }
0x46: {  	_ =	shalt  }
0x47: {  	_ =	shalt  }
0x48: {  	_ =	shalt  }
0x49: {  	_ =	shalt  }
0x4a: {  	_ =	shalt  }
0x4b: {  	_ =	shalt  }
0x4c: {  	_ =	shalt  }
0x4d: {  	_ =	shalt  }
0x4e: {  	_ =	shalt  }
0x4f: {  	_ =	shalt  }
0x50: {  	_ =	shalt  }
0x51: {  	_ =	shalt  }
0x52: {  	_ =	shalt  }
0x53: {  	_ =	shalt  }
0x54: {  	_ =	shalt  }
0x55: {  	_ =	shalt  }
0x56: {  	_ =	shalt  }
0x57: {  	_ =	shalt  }
0x58: {  	_ =	shalt  }
0x59: {  	_ =	shalt  }
0x5a: {  	_ =	shalt  }
0x5b: {  	_ =	shalt  }
0x5c: {  	_ =	shalt  }
0x5d: {  	_ =	shalt  }
0x5e: {  	_ =	shalt  }
0x5f: {  	_ =	shalt  }
0x60: {  	_ =	shalt  }
0x61: {  	_ =	shalt  }
0x62: {  	_ =	shalt  }
0x63: {  	_ =	shalt  }
0x64: {  	_ =	shalt  }
0x65: {  	_ =	shalt  }
0x66: {  	_ =	shalt  }
0x67: {  	_ =	shalt  }
0x68: {  	_ =	shalt  }
0x69: {  	_ =	shalt  }
0x6a: {  	_ =	shalt  }
0x6b: {  	_ =	shalt  }
0x6c: {  	_ =	shalt  }
0x6d: {  	_ =	shalt  }
0x6e: {  	_ =	shalt  }
0x6f: {  	_ =	shalt  }
0x70: {  	_ =	shalt  }
0x71: {  	_ =	shalt  }
0x72: {  	_ =	shalt  }
0x73: {  	_ =	shalt  }
0x74: {  	_ =	shalt  }
0x75: {  	_ =	shalt  }
0x76: {  	_ =	shalt  }
0x77: {  	_ =	shalt  }
0x78: {  	_ =	shalt  }
0x79: {  	_ =	shalt  }
0x7a: {  	_ =	shalt  }
0x7b: {  	_ =	shalt  }
0x7c: {  	_ =	shalt  }
0x7d: {  	_ =	shalt  }
0x7e: {  	_ =	shalt  }
0x7f: {  	_ =	shalt  }
0x80: {  	_ =	shalt  }
0x81: {  	_ =	shalt  }
0x82: {  	_ =	shalt  }
0x83: {  	_ =	shalt  }
0x84: {  	_ =	shalt  }
0x85: {  	_ =	shalt  }
0x86: {  	_ =	shalt  }
0x87: {  	_ =	shalt  }
.Lfunc_end0:
.L_simem_size_0:
called_computation_lowered:
.L_overlay_start_0:
0x88: {  	s2 =	sld [smem:$0x3FD9]  }
0x89: {  	s3 =	sld [smem:$0x3FFE];
	_ =	sdelay $0x1  }
0x8a: {  	s1 =	srdreg.scid  }
0x8b: {  	s0 =	sand.u32 $0x1, s1  }
0x8c: {  	s17 =	sshll.u32 s0, $0xA;
	s2 =	sadd.s32 s3, s2  }
0x8d: {  	s2 =	sadd.s32 s2, s17  }
0x8e: {  	[smem:$0x3FC2] =	sst s2  }
0x8f: {  	_ = 	snop  }
0x90: {  	s2 =	sld [smem:$0x3FC8]  }
0x91: {  	s18 =	sld [smem:$0x3FD0];
	(tm) =	ssettm $0x1  }
0x92: {  	s4 =	sld [smem:$0x3FFB];
	_ =	sdelay $0x3  }
0x93: {  	_ =	strace s4  }
0x94: {  	s4 =	sld [smem:$0x3FFC];
	_ =	sdelay $0x3  }
0x95: {  	_ =	strace s4  }
0x96: {  	s4 =	sld [smem:$0x3FFD];
	_ =	sdelay $0x3  }
0x97: {  	_ =	strace s4  }
0x98: {  	_ =	strace $0x8FFFFFFF  }
0x99: {  	s19 =	sld [smem:$0x3FDB];
	_ =	sdelay $0x1  }
0x9a: {  	s5 =	simm.s32 $_scs_section_size  }
0x9b: {  	s6 =	simm.s32 $_size__tile_overlayer_lowered;
	s7 =	simm.s32 $_tile_overlayer_lowered  }
0x9c: {  	s22 =	simm.s32 $0x1BFF;
	s21 =	sshll.u32 s7, $0x1;
	s4 =	sadd.s32 s5, s19  }
0x9d: {  	s8 =	simm.s32 $0x0;
	s20 =	sshll.u32 s6, $0x1;
	s6 =	sadd.s32 s21, s4  }
0x9e: {  	[timem:s8], [sflag:s22] =	dma.local [hbm:s6], s20  }
0x9f: {  	_ =	swait.ge [sflag:s22], s20  }
0xa0: {  	s5 =	ssub.s32 $0x0, s20;
	[sflag:s22] =	ssyncset.done $0x0  }
0xa1: {  	[sflag:s22] =	ssyncadd.s32 s5;
	_ =	sdelay $0x1  }
0xa2: {  	s23 =	simm.s32 $0x1B8B  }
0xa3: {  	_ =	swait.ge [sflag:s23], $0x1  }
0xa4: {  	[sflag:s23] =	ssyncset.done $0x0  }
0xa5: {  	s25 =	simm.s32 $0x1B8E;
	s24 =	sld [smem:$0x3FFE];
	[sflag:s23] =	ssyncadd.s32 $0xFFFFFFFF  }
0xa6: {  	s26 =	simm.s32 $execute0_lowered;
	[smem:$0x3FD2] =	sst s25  }
0xa7: {  	s6 =	sshll.u32 s26, $0x1;
	_ =	strace $0x80000046;
	[dreg:$0x1] =	wrdreg $0xFFFFFFFF  }
0xa8: {  	s28 =	simm.s32 $_size_execute0_lowered;
	s4 =	sadd.s32 s4, s6;
	[dreg:$0x0] =	wrdreg $0x0  }
0xa9: {  	s6 =	sshll.u32 s28, $0x1;
	[dreg:$0x2] =	wrdreg s4  }
0xaa: {  	[dreg:$0x3] =	wrdreg s6  }
0xab: {  	[dreg:$0x4] =	wrdreg $0xC0  }
0xac: {  	_ =	task [dreg:s8], $0x5FFFF  }
0xad: {  	[dreg:$0x1] =	wrdreg $0xFFFFFFFF  }
0xae: {  	[dreg:$0x0] =	wrdreg $0x60  }
0xaf: {  	[dreg:$0x2] =	wrdreg s2  }
0xb0: {  	[dreg:$0x3] =	wrdreg s24  }
0xb1: {  	[dreg:$0x4] =	wrdreg s18  }
0xb2: {  	[dreg:$0x5] =	wrdreg $0x9  }
0xb3: {  	_ =	task.clear_ibuf [dreg:s8], $0x6FFFF;
	_ =	strace $0x90000046  }
0xb4: {  	s29 =	simm.s32 $0x9;
	_ =	strace $0x80000048  }
0xb5: {  	_ =	swait.ge [sflag:s29], $0x1  }
0xb6: {  	[sflag:s29] =	ssyncadd.s32 $0xFFFFFFFF  }
0xb7: {  	_ =	strace $0x90000048  }
0xb8: {  	_ =	sfence  }
0xb9: {  	s30 =	sld [smem:$0x0];
	_ =	sdelay $0x2  }
0xba: {  	s31 =	sshll.u32 s1, $0xD;
	s1 =	sshrl.u32 s1, $0x2  }
0xbb: {  	s3 =	sand.u32 $0x4000, s31;
	s1 =	sadd.s32 s1, s30  }
0xbc: {  	s0 =	sor.u32 s3, s0;
	s1 =	sshll.u32 s1, $0x11  }
0xbd: {  	s0 =	sor.u32 s1, s0  }
0xbe: {  	s0 =	sadd.s32 $0x8F2B, s0  }
0xbf: {  	[sflag:s0] =	ssyncadd.remote.s32 $0x1  }
0xc0: {  	_ =	sfence.sel $0xFFFF  }
0xc1: {  	[dreg:$0x0] =	wrdreg $0xFFFFFFFF;
	(pc) =	sbr.abs _section_cstart, $3  }
0xc2: {  	[dreg:$0x1] =	wrdreg $0xFFFFFFFF  }
0xc3: {  	_ =	task.clear_ibuf [dreg:s8], $0x2FFFF;
	_ =	strace $0x9FFFFFFF  }
0xc4: {  	(tm) =	ssettm $0x7FFFFFFF  }
0xc5: {  	_ =	shalt  }
tec
execute0_lowered:
.L_overlay_start_1:
0x0: {  	(tag) =	ssettag $0x1  }
0x1: {  	v0 =	vlaneseq.u32  }
0x2: {  	v1 =	vimm.s32 $0x1380;
	vm14 =	vcmask $0x300;
	vm13 =	vcmask $0x704  }
0x3: {  	v2 =	vimm.s32 $0x3380;
	vm12 =	vcmask $0xB08;
	vm11 =	vcmask $0xF0C  }
0x4: {  	vm10 =	vcmask $0x1310;
	vm9 =	vcmask $0x1714;
	vm8 =	vcmask $0x1B18  }
0x5: {  	vm7 =	vcmask $0x1F1C;
	vm6 =	vcmask $0x2320;
	vm5 =	vcmask $0x2724  }
0x6: {  	vm4 =	vcmask $0x2B28;
	vm3 =	vcmask $0x2F2C;
	vm2 =	vcmask $0x3330  }
0x7: {  	vm0 =	vcmask $0x3734;
	vm1 =	vcmask $0x3B38;
	v18 =	vimm.s32 $0x1FF0  }
0x8: {  	v20 =	vimm.s32 $0x3FF0;
	v59 =	vimm.s32 $0x1FF1;
	v60 =	vimm.s32 $0x3FF1  }
0x9: {  	v34 =	vimm.s32 $0x1FF2;
	v63 =	vimm.s32 $0x3FF2;
	v36 =	vimm.s32 $0x1FF3  }
0xa: {  	v37 =	vimm.s32 $0x3FF3;
	v40 =	vimm.s32 $0x1FF4;
	v41 =	vimm.s32 $0x3FF4  }
0xb: {  	v42 =	vimm.s32 $0x1FF5;
	v44 =	vimm.s32 $0x3FF5;
	v45 =	vimm.s32 $0x1FF6  }
0xc: {  	v46 =	vimm.s32 $0x3FF6;
	v48 =	vimm.s32 $0x1FF7;
	v49 =	vimm.s32 $0x3FF7  }
0xd: {  	v50 =	vimm.s32 $0x1FF8;
	v52 =	vimm.s32 $0x3FF8;
	v53 =	vimm.s32 $0x1FF9  }
0xe: {  	v54 =	vimm.s32 $0x3FF9;
	v56 =	vimm.s32 $0x1FFA;
	v57 =	vimm.s32 $0x3FFA  }
0xf: {  	v58 =	vimm.s32 $0x1FFB;
	v0 =	vmul.u32 $0x80, v0;
	v1 =	vsel vm14, $0x0, v1  }
0x10: {  	v2 =	vsel vm14, $0x2000, v2;
	v19 =	vsel vm14, $0xC70, v18;
	v20 =	vsel vm14, $0x2C70, v20  }
0x11: {  	v34 =	vsel vm14, $0xC72, v34;
	v1 =	vsel vm13, $0x80, v1;
	v2 =	vsel vm13, $0x2080, v2  }
0x12: {  	v21 =	vsel vm13, $0xCF0, v19;
	v22 =	vsel vm13, $0x2CF0, v20;
	v34 =	vsel vm13, $0xCF2, v34  }
0x13: {  	v1 =	vsel vm12, $0x100, v1;
	v2 =	vsel vm12, $0x2100, v2;
	v4 =	vor.u32 $0x1000, v0  }
0x14: {  	v5 =	vor.u32 $0x1800, v0;
	v6 =	vor.u32 $0x2000, v0;
	v7 =	vor.u32 $0x2800, v0  }
0x15: {  	v8 =	vor.u32 $0x3000, v0;
	v9 =	vor.u32 $0x3800, v0;
	v10 =	vor.u32 $0x4000, v0  }
0x16: {  	v11 =	vor.u32 $0x4800, v0;
	v12 =	vor.u32 $0x5000, v0;
	v13 =	vor.u32 $0x5800, v0  }
0x17: {  	v14 =	vor.u32 $0x6000, v0;
	v15 =	vor.u32 $0x6800, v0;
	v16 =	vor.u32 $0x7000, v0  }
0x18: {  	v17 =	vor.u32 $0x7800, v0;
	v18 =	vor.u32 $0x8000, v0;
	v19 =	vor.u32 $0x8800, v0  }
0x19: {  	v21 =	vsel vm12, $0xD70, v21;
	v20 =	vor.u32 $0x9000, v0;
	v22 =	vsel vm12, $0x2D70, v22  }
0x1a: {  	v34 =	vsel vm12, $0xD72, v34;
	v1 =	vsel vm11, $0x180, v1;
	v2 =	vsel vm11, $0x2180, v2  }
0x1b: {  	v23 =	vsel vm11, $0xDF0, v21;
	v21 =	vor.u32 $0x9800, v0;
	v24 =	vsel vm11, $0x2DF0, v22  }
0x1c: {  	v22 =	vor.u32 $0xA000, v0;
	v34 =	vsel vm11, $0xDF2, v34;
	v1 =	vsel vm10, $0x200, v1  }
0x1d: {  	v2 =	vsel vm10, $0x2200, v2;
	v23 =	vsel vm10, $0xE70, v23;
	v24 =	vsel vm10, $0x2E70, v24  }
0x1e: {  	v34 =	vsel vm10, $0xE72, v34;
	v1 =	vsel vm9, $0x280, v1;
	v2 =	vsel vm9, $0x2280, v2  }
0x1f: {  	v25 =	vsel vm9, $0xEF0, v23;
	v23 =	vor.u32 $0xA800, v0;
	v26 =	vsel vm9, $0x2EF0, v24  }
0x20: {  	v24 =	vor.u32 $0xB000, v0;
	v34 =	vsel vm9, $0xEF2, v34;
	v1 =	vsel vm8, $0x300, v1  }
0x21: {  	v2 =	vsel vm8, $0x2300, v2;
	v25 =	vsel vm8, $0xF70, v25;
	v26 =	vsel vm8, $0x2F70, v26  }
0x22: {  	v34 =	vsel vm8, $0xF72, v34;
	v1 =	vsel vm7, $0x380, v1;
	v2 =	vsel vm7, $0x2380, v2  }
0x23: {  	v27 =	vsel vm7, $0xFF0, v25;
	v25 =	vor.u32 $0xB800, v0;
	v28 =	vsel vm7, $0x2FF0, v26  }
0x24: {  	v26 =	vor.u32 $0xC000, v0;
	v34 =	vsel vm7, $0xFF2, v34;
	v1 =	vsel vm6, $0x1000, v1  }
0x25: {  	v2 =	vsel vm6, $0x3000, v2;
	v27 =	vsel vm6, $0x1C70, v27;
	v28 =	vsel vm6, $0x3C70, v28  }
0x26: {  	v34 =	vsel vm6, $0x1C72, v34;
	v1 =	vsel vm5, $0x1080, v1;
	v2 =	vsel vm5, $0x3080, v2  }
0x27: {  	v29 =	vsel vm5, $0x1CF0, v27;
	v27 =	vor.u32 $0xC800, v0;
	v30 =	vsel vm5, $0x3CF0, v28  }
0x28: {  	v28 =	vor.u32 $0xD000, v0;
	v34 =	vsel vm5, $0x1CF2, v34;
	v1 =	vsel vm4, $0x1100, v1  }
0x29: {  	v2 =	vsel vm4, $0x3100, v2;
	v29 =	vsel vm4, $0x1D70, v29;
	v30 =	vsel vm4, $0x3D70, v30  }
0x2a: {  	v34 =	vsel vm4, $0x1D72, v34;
	v1 =	vsel vm3, $0x1180, v1;
	v2 =	vsel vm3, $0x3180, v2  }
0x2b: {  	v31 =	vsel vm3, $0x1DF0, v29;
	v29 =	vor.u32 $0xD800, v0;
	v32 =	vsel vm3, $0x3DF0, v30  }
0x2c: {  	v30 =	vor.u32 $0xE000, v0;
	v34 =	vsel vm3, $0x1DF2, v34;
	v1 =	vsel vm2, $0x1200, v1  }
0x2d: {  	v3 =	vsel vm2, $0x3200, v2;
	v2 =	vor.u32 $0x800, v0;
	v31 =	vsel vm2, $0x1E70, v31  }
0x2e: {  	v32 =	vsel vm2, $0x3E70, v32;
	v34 =	vsel vm2, $0x1E72, v34;
	v1 =	vsel vm0, $0x1280, v1  }
0x2f: {  	v3 =	vsel vm0, $0x3280, v3;
	v33 =	vsel vm0, $0x1EF0, v31;
	v31 =	vor.u32 $0xE800, v0  }
0x30: {  	v32 =	vsel vm0, $0x3EF0, v32;
	v62 =	vsel vm0, $0x1EF2, v34;
	v34 =	vsel vm14, $0x2C73, v37  }
0x31: {  	v37 =	vimm.s32 $0x3FFD;
	v1 =	vsel vm1, $0x1300, v1;
	v33 =	vsel vm1, $0x1F70, v33  }
0x32: {  	v3 =	vsel vm1, $0x3300, v3;
	v32 =	vsel vm1, $0x3F70, v32;
	v34 =	vsel vm13, $0x2CF3, v34;
	[tilespmem:$0x1FF70] =	vst v33  }
0x33: {  	[tilespmem:$0x1FF80] =	vst v32;
	v32 =	vsel vm14, $0xC71, v59;
	v33 =	vsel vm14, $0x2C71, v60;
	v34 =	vsel vm12, $0x2D73, v34  }
0x34: {  	v60 =	vimm.s32 $0x3FFB;
	v32 =	vsel vm13, $0xCF1, v32;
	v33 =	vsel vm13, $0x2CF1, v33  }
0x35: {  	v34 =	vsel vm11, $0x2DF3, v34;
	v32 =	vsel vm12, $0xD71, v32;
	v33 =	vsel vm12, $0x2D71, v33  }
0x36: {  	v34 =	vsel vm10, $0x2E73, v34;
	v32 =	vsel vm11, $0xDF1, v32;
	v33 =	vsel vm11, $0x2DF1, v33  }
0x37: {  	v34 =	vsel vm9, $0x2EF3, v34;
	v32 =	vsel vm10, $0xE71, v32;
	v33 =	vsel vm10, $0x2E71, v33  }
0x38: {  	v34 =	vsel vm8, $0x2F73, v34;
	v32 =	vsel vm9, $0xEF1, v32;
	v33 =	vsel vm9, $0x2EF1, v33  }
0x39: {  	v34 =	vsel vm7, $0x2FF3, v34;
	v32 =	vsel vm8, $0xF71, v32;
	v33 =	vsel vm8, $0x2F71, v33  }
0x3a: {  	v34 =	vsel vm6, $0x3C73, v34;
	v32 =	vsel vm7, $0xFF1, v32;
	v33 =	vsel vm7, $0x2FF1, v33  }
0x3b: {  	v34 =	vsel vm5, $0x3CF3, v34;
	v32 =	vsel vm6, $0x1C71, v32;
	v33 =	vsel vm6, $0x3C71, v33  }
0x3c: {  	v34 =	vsel vm4, $0x3D73, v34;
	v32 =	vsel vm5, $0x1CF1, v32;
	v33 =	vsel vm5, $0x3CF1, v33  }
0x3d: {  	v34 =	vsel vm3, $0x3DF3, v34;
	v32 =	vsel vm4, $0x1D71, v32;
	v33 =	vsel vm4, $0x3D71, v33  }
0x3e: {  	v34 =	vsel vm2, $0x3E73, v34;
	v32 =	vsel vm3, $0x1DF1, v32;
	v33 =	vsel vm3, $0x3DF1, v33  }
0x3f: {  	v39 =	vsel vm0, $0x3EF3, v34;
	v34 =	vsel vm14, $0xC75, v42;
	v32 =	vsel vm2, $0x1E71, v32  }
0x40: {  	v33 =	vsel vm2, $0x3E71, v33;
	v34 =	vsel vm13, $0xCF5, v34;
	v32 =	vsel vm0, $0x1EF1, v32  }
0x41: {  	v33 =	vsel vm0, $0x3EF1, v33;
	v34 =	vsel vm12, $0xD75, v34;
	v32 =	vsel vm1, $0x1F71, v32  }
0x42: {  	v61 =	vsel vm1, $0x3F71, v33;
	v33 =	vsel vm14, $0xC73, v36;
	v34 =	vsel vm11, $0xDF5, v34  }
0x43: {  	v36 =	vimm.s32 $0x1FFD;
	[tilespmem:$0x1FF90] =	vst v32;
	v32 =	vsel vm1, $0x1F72, v62;
	v33 =	vsel vm13, $0xCF3, v33  }
0x44: {  	[tilespmem:$0x1FFA0] =	vst v61;
	v34 =	vsel vm10, $0xE75, v34;
	v61 =	vimm.s32 $0x1FFC;
	v62 =	vimm.s32 $0x3FFC  }
0x45: {  	[tilespmem:$0x1FFB0] =	vst v32;
	v32 =	vsel vm14, $0x2C72, v63;
	v33 =	vsel vm12, $0xD73, v33;
	v34 =	vsel vm9, $0xEF5, v34  }
0x46: {  	v32 =	vsel vm13, $0x2CF2, v32;
	v33 =	vsel vm11, $0xDF3, v33;
	v34 =	vsel vm8, $0xF75, v34  }
0x47: {  	v32 =	vsel vm12, $0x2D72, v32;
	v33 =	vsel vm10, $0xE73, v33;
	v34 =	vsel vm7, $0xFF5, v34  }
0x48: {  	v32 =	vsel vm11, $0x2DF2, v32;
	v33 =	vsel vm9, $0xEF3, v33;
	v34 =	vsel vm6, $0x1C75, v34  }
0x49: {  	v32 =	vsel vm10, $0x2E72, v32;
	v33 =	vsel vm8, $0xF73, v33;
	v34 =	vsel vm5, $0x1CF5, v34  }
0x4a: {  	v32 =	vsel vm9, $0x2EF2, v32;
	v33 =	vsel vm7, $0xFF3, v33;
	v34 =	vsel vm4, $0x1D75, v34  }
0x4b: {  	v32 =	vsel vm8, $0x2F72, v32;
	v33 =	vsel vm6, $0x1C73, v33;
	v34 =	vsel vm3, $0x1DF5, v34  }
0x4c: {  	v32 =	vsel vm7, $0x2FF2, v32;
	v33 =	vsel vm5, $0x1CF3, v33;
	v34 =	vsel vm2, $0x1E75, v34  }
0x4d: {  	v32 =	vsel vm6, $0x3C72, v32;
	v33 =	vsel vm4, $0x1D73, v33;
	v43 =	vsel vm0, $0x1EF5, v34  }
0x4e: {  	v34 =	vsel vm14, $0x2C76, v46;
	v32 =	vsel vm5, $0x3CF2, v32;
	v33 =	vsel vm3, $0x1DF3, v33  }
0x4f: {  	v42 =	vsel vm1, $0x1F75, v43;
	v34 =	vsel vm13, $0x2CF6, v34;
	v32 =	vsel vm4, $0x3D72, v32  }
0x50: {  	v33 =	vsel vm2, $0x1E73, v33;
	v34 =	vsel vm12, $0x2D76, v34;
	v32 =	vsel vm3, $0x3DF2, v32  }
0x51: {  	v33 =	vsel vm0, $0x1EF3, v33;
	v34 =	vsel vm11, $0x2DF6, v34;
	v32 =	vsel vm2, $0x3E72, v32  }
0x52: {  	v38 =	vsel vm1, $0x1F73, v33;
	v33 =	vsel vm14, $0x2C74, v41;
	v32 =	vsel vm0, $0x3EF2, v32  }
0x53: {  	v34 =	vsel vm10, $0x2E76, v34;
	[tilespmem:$0x1FFD0] =	vst v38;
	v33 =	vsel vm13, $0x2CF4, v33;
	v32 =	vsel vm1, $0x3F72, v32  }
0x54: {  	v34 =	vsel vm9, $0x2EF6, v34;
	v38 =	vimm.s32 $0x1FFE;
	[tilespmem:$0x1FFC0] =	vst v32;
	v32 =	vsel vm1, $0x3F73, v39  }
0x55: {  	v33 =	vsel vm12, $0x2D74, v33;
	v34 =	vsel vm8, $0x2F76, v34;
	[tilespmem:$0x1FFE0] =	vst v32;
	v32 =	vsel vm14, $0xC74, v40  }
0x56: {  	v33 =	vsel vm11, $0x2DF4, v33;
	v34 =	vsel vm7, $0x2FF6, v34;
	v32 =	vsel vm13, $0xCF4, v32  }
0x57: {  	v33 =	vsel vm10, $0x2E74, v33;
	v34 =	vsel vm6, $0x3C76, v34;
	v32 =	vsel vm12, $0xD74, v32  }
0x58: {  	v40 =	vimm.s32 $0x3FFE;
	v33 =	vsel vm9, $0x2EF4, v33;
	v32 =	vsel vm11, $0xDF4, v32  }
0x59: {  	v34 =	vsel vm5, $0x3CF6, v34;
	v33 =	vsel vm8, $0x2F74, v33;
	v32 =	vsel vm10, $0xE74, v32  }
0x5a: {  	v34 =	vsel vm4, $0x3D76, v34;
	v33 =	vsel vm7, $0x2FF4, v33;
	v32 =	vsel vm9, $0xEF4, v32  }
0x5b: {  	v34 =	vsel vm3, $0x3DF6, v34;
	v33 =	vsel vm6, $0x3C74, v33;
	v32 =	vsel vm8, $0xF74, v32  }
0x5c: {  	v34 =	vsel vm2, $0x3E76, v34;
	v33 =	vsel vm5, $0x3CF4, v33;
	v32 =	vsel vm7, $0xFF4, v32  }
0x5d: {  	v47 =	vsel vm0, $0x3EF6, v34;
	v34 =	vsel vm14, $0xC78, v50;
	v32 =	vsel vm6, $0x1C74, v32  }
0x5e: {  	v33 =	vsel vm4, $0x3D74, v33;
	v34 =	vsel vm13, $0xCF8, v34;
	v32 =	vsel vm5, $0x1CF4, v32  }
0x5f: {  	v33 =	vsel vm3, $0x3DF4, v33;
	v34 =	vsel vm12, $0xD78, v34;
	v32 =	vsel vm4, $0x1D74, v32  }
0x60: {  	v33 =	vsel vm2, $0x3E74, v33;
	v34 =	vsel vm11, $0xDF8, v34;
	v32 =	vsel vm3, $0x1DF4, v32  }
0x61: {  	v33 =	vsel vm0, $0x3EF4, v33;
	v34 =	vsel vm10, $0xE78, v34;
	v32 =	vsel vm2, $0x1E74, v32  }
0x62: {  	v41 =	vsel vm1, $0x3F74, v33;
	v33 =	vsel vm14, $0xC76, v45;
	v32 =	vsel vm0, $0x1EF4, v32  }
0x63: {  	v45 =	vsel vm1, $0x3F76, v47;
	v34 =	vsel vm9, $0xEF8, v34;
	v32 =	vsel vm1, $0x1F74, v32  }
0x64: {  	v33 =	vsel vm13, $0xCF6, v33;
	v34 =	vsel vm8, $0xF78, v34;
	[tilespmem:$0x1FFF0] =	vst v32;
	v32 =	vsel vm14, $0x2C75, v44  }
0x65: {  	v33 =	vsel vm12, $0xD76, v33;
	v34 =	vsel vm7, $0xFF8, v34;
	v32 =	vsel vm13, $0x2CF5, v32  }
0x66: {  	v33 =	vsel vm11, $0xDF6, v33;
	v34 =	vsel vm6, $0x1C78, v34;
	v32 =	vsel vm12, $0x2D75, v32  }
0x67: {  	v33 =	vsel vm10, $0xE76, v33;
	v34 =	vsel vm5, $0x1CF8, v34;
	v32 =	vsel vm11, $0x2DF5, v32  }
0x68: {  	v33 =	vsel vm9, $0xEF6, v33;
	v34 =	vsel vm4, $0x1D78, v34;
	v32 =	vsel vm10, $0x2E75, v32  }
0x69: {  	v33 =	vsel vm8, $0xF76, v33;
	v34 =	vsel vm3, $0x1DF8, v34;
	v32 =	vsel vm9, $0x2EF5, v32  }
0x6a: {  	v33 =	vsel vm7, $0xFF6, v33;
	v34 =	vsel vm2, $0x1E78, v34;
	v32 =	vsel vm8, $0x2F75, v32  }
0x6b: {  	v33 =	vsel vm6, $0x1C76, v33;
	v51 =	vsel vm0, $0x1EF8, v34;
	v32 =	vsel vm7, $0x2FF5, v32  }
0x6c: {  	v34 =	vsel vm14, $0x2C79, v54;
	v33 =	vsel vm5, $0x1CF6, v33;
	v32 =	vsel vm6, $0x3C75, v32  }
0x6d: {  	v34 =	vsel vm13, $0x2CF9, v34;
	v33 =	vsel vm4, $0x1D76, v33;
	v32 =	vsel vm5, $0x3CF5, v32  }
0x6e: {  	v34 =	vsel vm12, $0x2D79, v34;
	v33 =	vsel vm3, $0x1DF6, v33;
	v32 =	vsel vm4, $0x3D75, v32  }
0x6f: {  	v34 =	vsel vm11, $0x2DF9, v34;
	v33 =	vsel vm2, $0x1E76, v33;
	v32 =	vsel vm3, $0x3DF5, v32  }
0x70: {  	v34 =	vsel vm10, $0x2E79, v34;
	v33 =	vsel vm0, $0x1EF6, v33;
	v32 =	vsel vm2, $0x3E75, v32  }
0x71: {  	v44 =	vsel vm1, $0x1F76, v33;
	v33 =	vsel vm14, $0x2C77, v49;
	v32 =	vsel vm0, $0x3EF5, v32  }
0x72: {  	v33 =	vsel vm13, $0x2CF7, v33;
	v43 =	vsel vm1, $0x3F75, v32;
	v32 =	vsel vm14, $0xC77, v48  }
0x73: {  	v34 =	vsel vm9, $0x2EF9, v34;
	v33 =	vsel vm12, $0x2D77, v33;
	v32 =	vsel vm13, $0xCF7, v32  }
0x74: {  	v34 =	vsel vm8, $0x2F79, v34;
	v33 =	vsel vm11, $0x2DF7, v33;
	v32 =	vsel vm12, $0xD77, v32  }
0x75: {  	v34 =	vsel vm7, $0x2FF9, v34;
	v33 =	vsel vm10, $0x2E77, v33;
	v32 =	vsel vm11, $0xDF7, v32  }
0x76: {  	v34 =	vsel vm6, $0x3C79, v34;
	v33 =	vsel vm9, $0x2EF7, v33;
	v32 =	vsel vm10, $0xE77, v32  }
0x77: {  	v34 =	vsel vm5, $0x3CF9, v34;
	v33 =	vsel vm8, $0x2F77, v33;
	v32 =	vsel vm9, $0xEF7, v32  }
0x78: {  	v34 =	vsel vm4, $0x3D79, v34;
	v33 =	vsel vm7, $0x2FF7, v33;
	v32 =	vsel vm8, $0xF77, v32  }
0x79: {  	v48 =	vsel vm1, $0x1F78, v51;
	v33 =	vsel vm6, $0x3C77, v33;
	v32 =	vsel vm7, $0xFF7, v32  }
0x7a: {  	v34 =	vsel vm3, $0x3DF9, v34;
	v33 =	vsel vm5, $0x3CF7, v33;
	v32 =	vsel vm6, $0x1C77, v32  }
0x7b: {  	v34 =	vsel vm2, $0x3E79, v34;
	v33 =	vsel vm4, $0x3D77, v33;
	v32 =	vsel vm5, $0x1CF7, v32  }
0x7c: {  	v55 =	vsel vm0, $0x3EF9, v34;
	v33 =	vsel vm3, $0x3DF7, v33;
	v32 =	vsel vm4, $0x1D77, v32  }
0x7d: {  	v34 =	vsel vm14, $0xC7B, v58;
	v33 =	vsel vm2, $0x3E77, v33;
	v32 =	vsel vm3, $0x1DF7, v32  }
0x7e: {  	v51 =	vsel vm1, $0x3F79, v55;
	v33 =	vsel vm0, $0x3EF7, v33;
	v32 =	vsel vm2, $0x1E77, v32  }
0x7f: {  	v47 =	vsel vm1, $0x3F77, v33;
	v33 =	vsel vm14, $0xC79, v53;
	v32 =	vsel vm0, $0x1EF7, v32  }
0x80: {  	v33 =	vsel vm13, $0xCF9, v33;
	v46 =	vsel vm1, $0x1F77, v32;
	v32 =	vsel vm14, $0x2C78, v52  }
0x81: {  	v34 =	vsel vm13, $0xCFB, v34;
	v33 =	vsel vm12, $0xD79, v33;
	v32 =	vsel vm13, $0x2CF8, v32  }
0x82: {  	v34 =	vsel vm12, $0xD7B, v34;
	v33 =	vsel vm11, $0xDF9, v33;
	v32 =	vsel vm12, $0x2D78, v32  }
0x83: {  	v34 =	vsel vm11, $0xDFB, v34;
	v33 =	vsel vm10, $0xE79, v33;
	v32 =	vsel vm11, $0x2DF8, v32  }
0x84: {  	v34 =	vsel vm10, $0xE7B, v34;
	v33 =	vsel vm9, $0xEF9, v33;
	v32 =	vsel vm10, $0x2E78, v32  }
0x85: {  	v34 =	vsel vm9, $0xEFB, v34;
	v33 =	vsel vm8, $0xF79, v33;
	v32 =	vsel vm9, $0x2EF8, v32  }
0x86: {  	v34 =	vsel vm8, $0xF7B, v34;
	v33 =	vsel vm7, $0xFF9, v33;
	v32 =	vsel vm8, $0x2F78, v32  }
0x87: {  	v34 =	vsel vm7, $0xFFB, v34;
	v33 =	vsel vm6, $0x1C79, v33;
	v32 =	vsel vm7, $0x2FF8, v32  }
0x88: {  	v34 =	vsel vm6, $0x1C7B, v34;
	v33 =	vsel vm5, $0x1CF9, v33;
	v32 =	vsel vm6, $0x3C78, v32  }
0x89: {  	v34 =	vsel vm5, $0x1CFB, v34;
	v33 =	vsel vm4, $0x1D79, v33;
	v32 =	vsel vm5, $0x3CF8, v32  }
0x8a: {  	v34 =	vsel vm4, $0x1D7B, v34;
	v33 =	vsel vm3, $0x1DF9, v33;
	v32 =	vsel vm4, $0x3D78, v32  }
0x8b: {  	v34 =	vsel vm3, $0x1DFB, v34;
	v33 =	vsel vm2, $0x1E79, v33;
	v32 =	vsel vm3, $0x3DF8, v32  }
0x8c: {  	v34 =	vsel vm2, $0x1E7B, v34;
	v33 =	vsel vm0, $0x1EF9, v33;
	v32 =	vsel vm2, $0x3E78, v32  }
0x8d: {  	v50 =	vsel vm1, $0x1F79, v33;
	v33 =	vsel vm14, $0x2C7A, v57;
	v32 =	vsel vm0, $0x3EF8, v32  }
0x8e: {  	v33 =	vsel vm13, $0x2CFA, v33;
	v49 =	vsel vm1, $0x3F78, v32;
	v32 =	vsel vm14, $0xC7A, v56  }
0x8f: {  	v59 =	vsel vm0, $0x1EFB, v34;
	v33 =	vsel vm12, $0x2D7A, v33;
	v32 =	vsel vm13, $0xCFA, v32  }
0x90: {  	v34 =	vsel vm14, $0x2C7C, v62;
	v33 =	vsel vm11, $0x2DFA, v33;
	v32 =	vsel vm12, $0xD7A, v32  }
0x91: {  	v62 =	vimm.s32 $0x3FFF;
	v33 =	vsel vm10, $0x2E7A, v33;
	v32 =	vsel vm11, $0xDFA, v32  }
0x92: {  	v54 =	vsel vm1, $0x1F7B, v59;
	v33 =	vsel vm9, $0x2EFA, v33;
	v32 =	vsel vm10, $0xE7A, v32  }
0x93: {  	v34 =	vsel vm13, $0x2CFC, v34;
	v33 =	vsel vm8, $0x2F7A, v33;
	v32 =	vsel vm9, $0xEFA, v32  }
0x94: {  	v34 =	vsel vm12, $0x2D7C, v34;
	v33 =	vsel vm7, $0x2FFA, v33;
	v32 =	vsel vm8, $0xF7A, v32  }
0x95: {  	v34 =	vsel vm11, $0x2DFC, v34;
	v33 =	vsel vm6, $0x3C7A, v33;
	v32 =	vsel vm7, $0xFFA, v32  }
0x96: {  	v34 =	vsel vm10, $0x2E7C, v34;
	v33 =	vsel vm5, $0x3CFA, v33;
	v32 =	vsel vm6, $0x1C7A, v32  }
0x97: {  	v34 =	vsel vm9, $0x2EFC, v34;
	v33 =	vsel vm4, $0x3D7A, v33;
	v32 =	vsel vm5, $0x1CFA, v32  }
0x98: {  	v34 =	vsel vm8, $0x2F7C, v34;
	v33 =	vsel vm3, $0x3DFA, v33;
	v32 =	vsel vm4, $0x1D7A, v32  }
0x99: {  	v34 =	vsel vm7, $0x2FFC, v34;
	v33 =	vsel vm2, $0x3E7A, v33;
	v32 =	vsel vm3, $0x1DFA, v32  }
0x9a: {  	v34 =	vsel vm6, $0x3C7C, v34;
	v33 =	vsel vm0, $0x3EFA, v33;
	v32 =	vsel vm2, $0x1E7A, v32  }
0x9b: {  	v53 =	vsel vm1, $0x3F7A, v33;
	v33 =	vsel vm14, $0xC7C, v61;
	v32 =	vsel vm0, $0x1EFA, v32  }
0x9c: {  	v33 =	vsel vm13, $0xCFC, v33;
	v52 =	vsel vm1, $0x1F7A, v32;
	v32 =	vsel vm14, $0x2C7B, v60  }
0x9d: {  	v34 =	vsel vm5, $0x3CFC, v34;
	v33 =	vsel vm12, $0xD7C, v33;
	v32 =	vsel vm13, $0x2CFB, v32  }
0x9e: {  	v34 =	vsel vm4, $0x3D7C, v34;
	v33 =	vsel vm11, $0xDFC, v33;
	v32 =	vsel vm12, $0x2D7B, v32  }
0x9f: {  	v34 =	vsel vm3, $0x3DFC, v34;
	v33 =	vsel vm10, $0xE7C, v33;
	v32 =	vsel vm11, $0x2DFB, v32  }
0xa0: {  	v34 =	vsel vm2, $0x3E7C, v34;
	v33 =	vsel vm9, $0xEFC, v33;
	v32 =	vsel vm10, $0x2E7B, v32  }
0xa1: {  	v63 =	vsel vm0, $0x3EFC, v34;
	v33 =	vsel vm8, $0xF7C, v33;
	v32 =	vsel vm9, $0x2EFB, v32  }
0xa2: {  	v34 =	vsel vm14, $0xC7E, v38;
	v33 =	vsel vm7, $0xFFC, v33;
	v32 =	vsel vm8, $0x2F7B, v32  }
0xa3: {  	v57 =	vsel vm1, $0x3F7C, v63;
	v33 =	vsel vm6, $0x1C7C, v33;
	v32 =	vsel vm7, $0x2FFB, v32  }
0xa4: {  	v34 =	vsel vm13, $0xCFE, v34;
	v33 =	vsel vm5, $0x1CFC, v33;
	v32 =	vsel vm6, $0x3C7B, v32  }
0xa5: {  	v34 =	vsel vm12, $0xD7E, v34;
	v33 =	vsel vm4, $0x1D7C, v33;
	v32 =	vsel vm5, $0x3CFB, v32  }
0xa6: {  	v34 =	vsel vm11, $0xDFE, v34;
	v33 =	vsel vm3, $0x1DFC, v33;
	v32 =	vsel vm4, $0x3D7B, v32  }
0xa7: {  	v34 =	vsel vm10, $0xE7E, v34;
	v33 =	vsel vm2, $0x1E7C, v33;
	v32 =	vsel vm3, $0x3DFB, v32  }
0xa8: {  	v34 =	vsel vm9, $0xEFE, v34;
	v33 =	vsel vm0, $0x1EFC, v33;
	v32 =	vsel vm2, $0x3E7B, v32  }
0xa9: {  	v56 =	vsel vm1, $0x1F7C, v33;
	v33 =	vsel vm14, $0x2C7D, v37;
	v32 =	vsel vm0, $0x3EFB, v32  }
0xaa: {  	v33 =	vsel vm13, $0x2CFD, v33;
	v55 =	vsel vm1, $0x3F7B, v32;
	v32 =	vsel vm14, $0xC7D, v36  }
0xab: {  	v34 =	vsel vm8, $0xF7E, v34;
	v33 =	vsel vm12, $0x2D7D, v33;
	v32 =	vsel vm13, $0xCFD, v32  }
0xac: {  	v34 =	vsel vm7, $0xFFE, v34;
	v33 =	vsel vm11, $0x2DFD, v33;
	v32 =	vsel vm12, $0xD7D, v32  }
0xad: {  	v34 =	vsel vm6, $0x1C7E, v34;
	v33 =	vsel vm10, $0x2E7D, v33;
	v32 =	vsel vm11, $0xDFD, v32  }
0xae: {  	v34 =	vsel vm5, $0x1CFE, v34;
	v33 =	vsel vm9, $0x2EFD, v33;
	v32 =	vsel vm10, $0xE7D, v32  }
0xaf: {  	v61 =	vimm.s32 $0x1FFF;
	v33 =	vsel vm8, $0x2F7D, v33;
	v32 =	vsel vm9, $0xEFD, v32  }
0xb0: {  	v34 =	vsel vm4, $0x1D7E, v34;
	v33 =	vsel vm7, $0x2FFD, v33;
	v32 =	vsel vm8, $0xF7D, v32  }
0xb1: {  	v34 =	vsel vm3, $0x1DFE, v34;
	v33 =	vsel vm6, $0x3C7D, v33;
	v32 =	vsel vm7, $0xFFD, v32  }
0xb2: {  	v34 =	vsel vm2, $0x1E7E, v34;
	v33 =	vsel vm5, $0x3CFD, v33;
	v32 =	vsel vm6, $0x1C7D, v32  }
0xb3: {  	v39 =	vsel vm0, $0x1EFE, v34;
	v33 =	vsel vm4, $0x3D7D, v33;
	v32 =	vsel vm5, $0x1CFD, v32  }
0xb4: {  	v34 =	vsel vm14, $0x2C7F, v62;
	v33 =	vsel vm3, $0x3DFD, v33;
	v32 =	vsel vm4, $0x1D7D, v32  }
0xb5: {  	v60 =	vsel vm1, $0x1F7E, v39;
	v33 =	vsel vm2, $0x3E7D, v33;
	v32 =	vsel vm3, $0x1DFD, v32  }
0xb6: {  	v34 =	vsel vm13, $0x2CFF, v34;
	v33 =	vsel vm0, $0x3EFD, v33;
	v32 =	vsel vm2, $0x1E7D, v32  }
0xb7: {  	s0 =	rddreg [dreg:$0x0];
	v59 =	vsel vm1, $0x3F7D, v33;
	v33 =	vsel vm14, $0xC7F, v61;
	v32 =	vsel vm0, $0x1EFD, v32  }
0xb8: {  	s1 =	rddreg [dreg:$0x1];
	s2 =	srdreg.scid;
	v33 =	vsel vm13, $0xCFF, v33;
	v58 =	vsel vm1, $0x1F7D, v32;
	v32 =	vsel vm14, $0x2C7E, v40  }
0xb9: {  	s3 =	rddreg [dreg:$0x2];
	s4 =	stileid.u32;
	s6 =	simm.s32 $0x0;
	v34 =	vsel vm12, $0x2D7F, v34;
	v33 =	vsel vm12, $0xD7F, v33;
	v32 =	vsel vm13, $0x2CFE, v32  }
0xba: {  	s7 =	simm.s32 $0x2;
	s8 =	simm.s32 $0x1;
	s9 =	simm.s32 $0x7A1400;
	v34 =	vsel vm11, $0x2DFF, v34;
	v33 =	vsel vm11, $0xDFF, v33;
	v32 =	vsel vm12, $0x2D7E, v32  }
0xbb: {  	s10 =	simm.s32 $0x400;
	s11 =	simm.s32 $0x200;
	s12 =	simm.s32 $0x1200;
	v34 =	vsel vm10, $0x2E7F, v34;
	v33 =	vsel vm10, $0xE7F, v33;
	v32 =	vsel vm11, $0x2DFE, v32  }
0xbc: {  	s13 =	simm.s32 $0x2200;
	s14 =	simm.s32 $0x3200;
	s15 =	simm.s32 $0x4200;
	v34 =	vsel vm9, $0x2EFF, v34;
	v33 =	vsel vm9, $0xEFF, v33;
	v32 =	vsel vm10, $0x2E7E, v32  }
0xbd: {  	s16 =	simm.s32 $0x5200;
	s17 =	simm.s32 $0x6200;
	s18 =	simm.s32 $0x7200;
	v34 =	vsel vm8, $0x2F7F, v34;
	v33 =	vsel vm8, $0xF7F, v33;
	v32 =	vsel vm9, $0x2EFE, v32  }
0xbe: {  	s19 =	simm.s32 $0x8200;
	s20 =	simm.s32 $0x9200;
	s2 =	sand.u32 $0x1, s2;
	v34 =	vsel vm7, $0x2FFF, v34;
	v33 =	vsel vm7, $0xFFF, v33;
	v32 =	vsel vm8, $0x2F7E, v32  }
0xbf: {  	s21 =	simm.s32 $0xA200;
	s4 =	sshll.u32 s4, $0xA;
	s5 =	sshll.u32 s2, $0x9;
	v34 =	vsel vm6, $0x3C7F, v34;
	v33 =	vsel vm6, $0x1C7F, v33;
	v32 =	vsel vm7, $0x2FFE, v32  }
0xc0: {  	s22 =	simm.s32 $0xB200;
	s23 =	simm.s32 $0xC200;
	s4 =	sor.u32 s5, s4;
	v34 =	vsel vm5, $0x3CFF, v34;
	v33 =	vsel vm5, $0x1CFF, v33;
	v32 =	vsel vm6, $0x3C7E, v32  }
0xc1: {  	s24 =	simm.s32 $0xD200;
	s2 =	ssub.s32 $0x2, s2;
	s5 =	sshrl.u32 s4, $0x3;
	v34 =	vsel vm4, $0x3D7F, v34;
	v33 =	vsel vm4, $0x1D7F, v33;
	v32 =	vsel vm5, $0x3CFE, v32  }
0xc2: {  	s25 =	simm.s32 $0xE200;
	s26 =	sshrl.u32 s2, $0x1;
	s1 =	sadd.s32 s5, s1;
	v34 =	vsel vm3, $0x3DFF, v34;
	v33 =	vsel vm3, $0x1DFF, v33;
	v32 =	vsel vm4, $0x3D7E, v32  }
0xc3: {  	[smem:$0x7FF] =	sst s6;
	s2 =	ssub.s32 s2, s26;
	s1 =	sadd.s32 $0x1000, s1;
	v34 =	vsel vm2, $0x3E7F, v34;
	v33 =	vsel vm2, $0x1E7F, v33;
	v32 =	vsel vm3, $0x3DFE, v32  }
0xc4: {  	s29 =	sadd.s32 s3, s4;
	_ =	strace $0x80000047;
	[dreg:$0x4] =	wrdreg s1;
	v63 =	vsel vm0, $0x3EFF, v34;
	v33 =	vsel vm0, $0x1EFF, v33;
	v32 =	vsel vm2, $0x3E7E, v32  }
0xc5: {  	s28 =	simm.s32 $0x10200;
	s30 =	smax.u32 s2, $0x1;
	[dreg:$0x5] =	wrdreg s29;
	v63 =	vsel vm1, $0x3F7F, v63;
	v62 =	vsel vm1, $0x1F7F, v33;
	v32 =	vsel vm0, $0x3EFE, v32  }
0xc6: {  	s31 =	simm.s32 $0x0;
	s26 =	simm.s32 $0xF200;
	[dreg:$0x6] =	wrdreg s30;
	v33 =	vor.u32 $0xF800, v0;
	v61 =	vsel vm1, $0x3F7E, v32;
	v32 =	vor.u32 $0xF000, v0  }
.LBB2_1:
0xc7: {  	s1 =	simm.s32 $0x0;
	s2 =	rddreg [dreg:$0x4]  }
0xc8: {  	[tilespmem:s1], [sflag:$0x2] =	stream.linear.gather [hbm4b:s2+s1], $0x200, $0x38;
	[tilespmem:$0x14200] =	vst v63  }
0xc9: {  	_ =	swait.ge [sflag:s7], $0x200  }
0xca: {  	[sflag:s7] =	ssyncset.done $0x0  }
0xcb: {  	[sflag:s7] =	ssyncadd.s32 $0xFFFFFE00  }
0xcc: {  	v34 =	vld [tilespmem:$0x0];
	_ =	sdelay $0x4  }
0xcd: {  	(v2sf) =	vpush v34, $0x0;
	_ =	sdelay $0x5  }
0xce: {  	(v2sf) =	vpush v34, $0x1;
	_ =	sdelay $0x8  }
0xcf: {  	s3 =	spop (v2sf)  }
0xd0: {  	(v2sf) =	vpush v34, $0x2;
	s4 =	sand.u32 $0x7F, s3  }
0xd1: {  	s5 =	sshra.s32 s3, $0x1F;
	p1 =	slt.s32 s3, $0x1;
	p0 =	sne.s32 s4, $0x0  }
0xd2: {  	s2 =	sshrl.u32 s5, $0x19;
	p0 =	por !p1, !p0  }
0xd3: {  	s1 =	sadd.s32 s2, s3;
	s2 =	simm.s32 $0x1;
	p0 =	por !p0, !p0  }
0xd4: {  	s1 =	sshrl.u32 s1, $0x7;
	s2 =	simm.s32 @!p0 $0x0  }
0xd5: {  	s6 =	spop (v2sf);
	s1 =	ssub.s32 s1, s2  }
0xd6: {  	s29 =	sand.u32 $0x7F, s6;
	s30 =	sshra.s32 s6, $0x1F;
	s1 =	sshll.u32 s1, $0x7  }
0xd7: {  	(v2sf) =	vpush v34, $0x3;
	p4 =	slt.s32 s6, $0x1;
	p3 =	sne.s32 s29, $0x0;
	s1 =	sand.u32 $0x1FFFFF80, s1  }
0xd8: {  	p0 =	por !p4, !p3;
	s2 =	sshrl.u32 s30, $0x19;
	s1 =	sadd.s32 s0, s1  }
0xd9: {  	[tilespmem:s11], [sflag:$0x1] =	stream.strided.gather [hbm4b:s1+s10], $0x1000, s9, s10, $0x38;
	[tilespmem:$0x14200] =	vst v63  }
0xda: {  	p0 =	por !p0, !p0;
	s1 =	sadd.s32 s2, s6;
	s2 =	simm.s32 $0x1  }
0xdb: {  	s1 =	sshrl.u32 s1, $0x7;
	s2 =	simm.s32 @!p0 $0x0  }
0xdc: {  	s1 =	ssub.s32 s1, s2  }
0xdd: {  	s1 =	sshll.u32 s1, $0x7  }
0xde: {  	s1 =	sand.u32 $0x1FFFFF80, s1  }
0xdf: {  	s1 =	sadd.s32 s0, s1;
	s3 =	spop (v2sf)  }
0xe0: {  	[tilespmem:s12], [sflag:$0x1] =	stream.strided.gather [hbm4b:s1+s10], $0x1000, s9, s10, $0x38;
	[tilespmem:$0x14200] =	vst v63  }
0xe1: {  	(v2sf) =	vpush v34, $0x4;
	s4 =	sand.u32 $0x7F, s3  }
0xe2: {  	s5 =	sshra.s32 s3, $0x1F;
	p6 =	slt.s32 s3, $0x1;
	p5 =	sne.s32 s4, $0x0  }
0xe3: {  	s2 =	sshrl.u32 s5, $0x19;
	p0 =	por !p6, !p5  }
0xe4: {  	s1 =	sadd.s32 s2, s3;
	s2 =	simm.s32 $0x1;
	p0 =	por !p0, !p0  }
0xe5: {  	s1 =	sshrl.u32 s1, $0x7;
	s2 =	simm.s32 @!p0 $0x0  }
0xe6: {  	s6 =	spop (v2sf);
	s1 =	ssub.s32 s1, s2  }
0xe7: {  	s29 =	sand.u32 $0x7F, s6;
	s30 =	sshra.s32 s6, $0x1F;
	s1 =	sshll.u32 s1, $0x7  }
0xe8: {  	(v2sf) =	vpush v34, $0x5;
	p2 =	slt.s32 s6, $0x1;
	p1 =	sne.s32 s29, $0x0;
	s1 =	sand.u32 $0x1FFFFF80, s1  }
0xe9: {  	p0 =	por !p2, !p1;
	s2 =	sshrl.u32 s30, $0x19;
	s1 =	sadd.s32 s0, s1  }
0xea: {  	[tilespmem:s13], [sflag:$0x1] =	stream.strided.gather [hbm4b:s1+s10], $0x1000, s9, s10, $0x38;
	[tilespmem:$0x14200] =	vst v63  }
0xeb: {  	p0 =	por !p0, !p0;
	s1 =	sadd.s32 s2, s6;
	s2 =	simm.s32 $0x1  }
0xec: {  	s1 =	sshrl.u32 s1, $0x7;
	s2 =	simm.s32 @!p0 $0x0  }
0xed: {  	s1 =	ssub.s32 s1, s2  }
0xee: {  	s1 =	sshll.u32 s1, $0x7  }
0xef: {  	s1 =	sand.u32 $0x1FFFFF80, s1  }
0xf0: {  	s1 =	sadd.s32 s0, s1;
	s3 =	spop (v2sf)  }
0xf1: {  	[tilespmem:s14], [sflag:$0x1] =	stream.strided.gather [hbm4b:s1+s10], $0x1000, s9, s10, $0x38;
	[tilespmem:$0x14200] =	vst v63  }
0xf2: {  	(v2sf) =	vpush v34, $0x6;
	s4 =	sand.u32 $0x7F, s3  }
0xf3: {  	s5 =	sshra.s32 s3, $0x1F;
	p4 =	slt.s32 s3, $0x1;
	p3 =	sne.s32 s4, $0x0  }
0xf4: {  	s2 =	sshrl.u32 s5, $0x19;
	p0 =	por !p4, !p3  }
0xf5: {  	s1 =	sadd.s32 s2, s3;
	s2 =	simm.s32 $0x1;
	p0 =	por !p0, !p0  }
0xf6: {  	s1 =	sshrl.u32 s1, $0x7;
	s2 =	simm.s32 @!p0 $0x0  }
0xf7: {  	s6 =	spop (v2sf);
	s1 =	ssub.s32 s1, s2  }
0xf8: {  	s29 =	sand.u32 $0x7F, s6;
	s30 =	sshra.s32 s6, $0x1F;
	s1 =	sshll.u32 s1, $0x7  }
0xf9: {  	(v2sf) =	vpush v34, $0x7;
	p6 =	slt.s32 s6, $0x1;
	p5 =	sne.s32 s29, $0x0;
	s1 =	sand.u32 $0x1FFFFF80, s1  }
0xfa: {  	p0 =	por !p6, !p5;
	s2 =	sshrl.u32 s30, $0x19;
	s1 =	sadd.s32 s0, s1  }
0xfb: {  	[tilespmem:s15], [sflag:$0x1] =	stream.strided.gather [hbm4b:s1+s10], $0x1000, s9, s10, $0x38;
	[tilespmem:$0x14200] =	vst v63  }
0xfc: {  	p0 =	por !p0, !p0;
	s1 =	sadd.s32 s2, s6;
	s2 =	simm.s32 $0x1  }
0xfd: {  	s1 =	sshrl.u32 s1, $0x7;
	s2 =	simm.s32 @!p0 $0x0  }
0xfe: {  	s1 =	ssub.s32 s1, s2  }
0xff: {  	s1 =	sshll.u32 s1, $0x7  }
0x100: {  	s1 =	sand.u32 $0x1FFFFF80, s1  }
0x101: {  	s1 =	sadd.s32 s0, s1;
	s3 =	spop (v2sf)  }
0x102: {  	[tilespmem:s16], [sflag:$0x1] =	stream.strided.gather [hbm4b:s1+s10], $0x1000, s9, s10, $0x38;
	[tilespmem:$0x14200] =	vst v63  }
0x103: {  	(v2sf) =	vpush v34, $0x8;
	s4 =	sand.u32 $0x7F, s3  }
0x104: {  	s5 =	sshra.s32 s3, $0x1F;
	p2 =	slt.s32 s3, $0x1;
	p1 =	sne.s32 s4, $0x0  }
0x105: {  	s2 =	sshrl.u32 s5, $0x19;
	p0 =	por !p2, !p1  }
0x106: {  	s1 =	sadd.s32 s2, s3;
	s2 =	simm.s32 $0x1;
	p0 =	por !p0, !p0  }
0x107: {  	s1 =	sshrl.u32 s1, $0x7;
	s2 =	simm.s32 @!p0 $0x0  }
0x108: {  	s6 =	spop (v2sf);
	s1 =	ssub.s32 s1, s2  }
0x109: {  	s29 =	sand.u32 $0x7F, s6;
	s30 =	sshra.s32 s6, $0x1F;
	s1 =	sshll.u32 s1, $0x7  }
0x10a: {  	(v2sf) =	vpush v34, $0x9;
	p4 =	slt.s32 s6, $0x1;
	p3 =	sne.s32 s29, $0x0;
	s1 =	sand.u32 $0x1FFFFF80, s1  }
0x10b: {  	p0 =	por !p4, !p3;
	s2 =	sshrl.u32 s30, $0x19;
	s1 =	sadd.s32 s0, s1  }
0x10c: {  	[tilespmem:s17], [sflag:$0x1] =	stream.strided.gather [hbm4b:s1+s10], $0x1000, s9, s10, $0x38;
	[tilespmem:$0x14200] =	vst v63  }
0x10d: {  	p0 =	por !p0, !p0;
	s1 =	sadd.s32 s2, s6;
	s2 =	simm.s32 $0x1  }
0x10e: {  	s1 =	sshrl.u32 s1, $0x7;
	s2 =	simm.s32 @!p0 $0x0  }
0x10f: {  	s1 =	ssub.s32 s1, s2  }
0x110: {  	s1 =	sshll.u32 s1, $0x7  }
0x111: {  	s1 =	sand.u32 $0x1FFFFF80, s1  }
0x112: {  	s1 =	sadd.s32 s0, s1;
	s3 =	spop (v2sf)  }
0x113: {  	[tilespmem:s18], [sflag:$0x1] =	stream.strided.gather [hbm4b:s1+s10], $0x1000, s9, s10, $0x38;
	[tilespmem:$0x14200] =	vst v63  }
0x114: {  	(v2sf) =	vpush v34, $0xA;
	s4 =	sand.u32 $0x7F, s3  }
0x115: {  	s5 =	sshra.s32 s3, $0x1F;
	p6 =	slt.s32 s3, $0x1;
	p5 =	sne.s32 s4, $0x0  }
0x116: {  	s2 =	sshrl.u32 s5, $0x19;
	p0 =	por !p6, !p5  }
0x117: {  	s1 =	sadd.s32 s2, s3;
	s2 =	simm.s32 $0x1;
	p0 =	por !p0, !p0  }
0x118: {  	s1 =	sshrl.u32 s1, $0x7;
	s2 =	simm.s32 @!p0 $0x0  }
0x119: {  	s6 =	spop (v2sf);
	s1 =	ssub.s32 s1, s2  }
0x11a: {  	s29 =	sand.u32 $0x7F, s6;
	s30 =	sshra.s32 s6, $0x1F;
	s1 =	sshll.u32 s1, $0x7  }
0x11b: {  	(v2sf) =	vpush v34, $0xB;
	p2 =	slt.s32 s6, $0x1;
	p1 =	sne.s32 s29, $0x0;
	s1 =	sand.u32 $0x1FFFFF80, s1  }
0x11c: {  	p0 =	por !p2, !p1;
	s2 =	sshrl.u32 s30, $0x19;
	s1 =	sadd.s32 s0, s1  }
0x11d: {  	[tilespmem:s19], [sflag:$0x1] =	stream.strided.gather [hbm4b:s1+s10], $0x1000, s9, s10, $0x38;
	[tilespmem:$0x14200] =	vst v63  }
0x11e: {  	p0 =	por !p0, !p0;
	s1 =	sadd.s32 s2, s6;
	s2 =	simm.s32 $0x1  }
0x11f: {  	s1 =	sshrl.u32 s1, $0x7;
	s2 =	simm.s32 @!p0 $0x0  }
0x120: {  	s1 =	ssub.s32 s1, s2  }
0x121: {  	s1 =	sshll.u32 s1, $0x7  }
0x122: {  	s1 =	sand.u32 $0x1FFFFF80, s1  }
0x123: {  	s3 =	spop (v2sf);
	s1 =	sadd.s32 s0, s1  }
0x124: {  	[tilespmem:s20], [sflag:$0x1] =	stream.strided.gather [hbm4b:s1+s10], $0x1000, s9, s10, $0x38;
	[tilespmem:$0x14200] =	vst v63  }
0x125: {  	s4 =	sand.u32 $0x7F, s3  }
0x126: {  	s5 =	sshra.s32 s3, $0x1F;
	p4 =	slt.s32 s3, $0x1;
	p3 =	sne.s32 s4, $0x0  }
0x127: {  	s1 =	sshrl.u32 s5, $0x19;
	p0 =	por !p4, !p3  }
0x128: {  	s2 =	simm.s32 $0x1;
	s1 =	sadd.s32 s1, s3;
	p0 =	por !p0, !p0  }
0x129: {  	s1 =	sshrl.u32 s1, $0x7;
	s2 =	simm.s32 @!p0 $0x0  }
0x12a: {  	s6 =	spop (v2sf);
	s1 =	ssub.s32 s1, s2  }
0x12b: {  	s29 =	sand.u32 $0x7F, s6;
	s30 =	sshra.s32 s6, $0x1F;
	s1 =	sshll.u32 s1, $0x7  }
0x12c: {  	p6 =	slt.s32 s6, $0x1;
	p5 =	sne.s32 s29, $0x0;
	s1 =	sand.u32 $0x1FFFFF80, s1  }
0x12d: {  	p0 =	por !p6, !p5;
	s2 =	sshrl.u32 s30, $0x19;
	s1 =	sadd.s32 s0, s1  }
0x12e: {  	[tilespmem:s21], [sflag:$0x1] =	stream.strided.gather [hbm4b:s1+s10], $0x1000, s9, s10, $0x38;
	[tilespmem:$0x14200] =	vst v63  }
0x12f: {  	p0 =	por !p0, !p0;
	s1 =	sadd.s32 s2, s6;
	s2 =	simm.s32 $0x1  }
0x130: {  	s1 =	sshrl.u32 s1, $0x7;
	s2 =	simm.s32 @!p0 $0x0  }
0x131: {  	s1 =	ssub.s32 s1, s2  }
0x132: {  	s1 =	sshll.u32 s1, $0x7  }
0x133: {  	s1 =	sand.u32 $0x1FFFFF80, s1  }
0x134: {  	s1 =	sadd.s32 s0, s1  }
0x135: {  	[tilespmem:s22], [sflag:$0x1] =	stream.strided.gather [hbm4b:s1+s10], $0x1000, s9, s10, $0x38;
	[tilespmem:$0x14200] =	vst v63  }
0x136: {  	s2 =	simm.s32 $0xF;
	s1 =	simm.s32 $0x10  }
.LBB2_2:
0x137: {  	v35 =	vld [tilespmem:s1+$0xFFFFFFF0];
	_ =	sdelay $0x4  }
0x138: {  	(v2sf) =	vpush v35, $0xC;
	_ =	sdelay $0xa  }
0x139: {  	(v2sf) =	vpush v35, $0xD;
	_ =	sdelay $0x3  }
0x13a: {  	s3 =	spop (v2sf)  }
0x13b: {  	s4 =	sshra.s32 s3, $0x1F  }
0x13c: {  	s4 =	sshrl.u32 s4, $0x19  }
0x13d: {  	s4 =	sadd.s32 s4, s3  }
0x13e: {  	s29 =	sand.u32 $0xFFFFFF80, s4  }
0x13f: {  	p0 =	slt.s32 s3, $0x1;
	p1 =	sne.s32 s3, s29  }
0x140: {  	p0 =	por !p0, !p1  }
0x141: {  	s29 =	simm.s32 $0x1;
	p0 =	por !p0, !p0  }
0x142: {  	(v2sf) =	vpush v35, $0xE;
	s4 =	sshrl.u32 s4, $0x7;
	s29 =	simm.s32 @!p0 $0x0  }
0x143: {  	s4 =	ssub.s32 s4, s29  }
0x144: {  	s4 =	sshll.u32 s4, $0x7  }
0x145: {  	s29 =	spop (v2sf);
	s4 =	sand.u32 $0x1FFFFF80, s4  }
0x146: {  	s30 =	sshra.s32 s29, $0x1F;
	s4 =	sadd.s32 s0, s4  }
0x147: {  	v34 =	vld [tilespmem:s1+$0x0];
	[tilespmem:s23], [sflag:$0x1] =	stream.strided.gather [hbm4b:s4+s10], $0x1000, s9, s10, $0x38  }
0x148: {  	s4 =	sshrl.u32 s30, $0x19  }
0x149: {  	s4 =	sadd.s32 s4, s29  }
0x14a: {  	s30 =	sand.u32 $0xFFFFFF80, s4  }
0x14b: {  	p1 =	slt.s32 s29, $0x1;
	p2 =	sne.s32 s29, s30  }
0x14c: {  	p0 =	por !p1, !p2  }
0x14d: {  	s30 =	simm.s32 $0x1;
	p0 =	por !p0, !p0  }
0x14e: {  	s4 =	sshrl.u32 s4, $0x7;
	s30 =	simm.s32 @!p0 $0x0  }
0x14f: {  	s4 =	ssub.s32 s4, s30  }
0x150: {  	s4 =	sshll.u32 s4, $0x7  }
0x151: {  	(v2sf) =	vpush v35, $0xF;
	s30 =	spop (v2sf);
	s4 =	sand.u32 $0x1FFFFF80, s4  }
0x152: {  	s5 =	sshra.s32 s30, $0x1F;
	s4 =	sadd.s32 s0, s4  }
0x153: {  	[tilespmem:s24], [sflag:$0x1] =	stream.strided.gather [hbm4b:s4+s10], $0x1000, s9, s10, $0x38;
	[tilespmem:$0x14200] =	vst v63  }
0x154: {  	s4 =	sshrl.u32 s5, $0x19  }
0x155: {  	s4 =	sadd.s32 s4, s30  }
0x156: {  	s5 =	sand.u32 $0xFFFFFF80, s4  }
0x157: {  	p3 =	slt.s32 s30, $0x1;
	p4 =	sne.s32 s30, s5  }
0x158: {  	p0 =	por !p3, !p4  }
0x159: {  	s5 =	simm.s32 $0x1;
	p0 =	por !p0, !p0  }
0x15a: {  	s4 =	sshrl.u32 s4, $0x7;
	s5 =	simm.s32 @!p0 $0x0  }
0x15b: {  	s4 =	ssub.s32 s4, s5  }
0x15c: {  	s4 =	sshll.u32 s4, $0x7  }
0x15d: {  	s4 =	sand.u32 $0x1FFFFF80, s4  }
0x15e: {  	s4 =	sadd.s32 s0, s4  }
0x15f: {  	[tilespmem:s25], [sflag:$0x1] =	stream.strided.gather [hbm4b:s4+s10], $0x1000, s9, s10, $0x38;
	[tilespmem:$0x14200] =	vst v63  }
0x160: {  	s4 =	spop (v2sf)  }
0x161: {  	s6 =	sshra.s32 s4, $0x1F  }
0x162: {  	s5 =	sshrl.u32 s6, $0x19  }
0x163: {  	s5 =	sadd.s32 s5, s4  }
0x164: {  	s6 =	sand.u32 $0xFFFFFF80, s5  }
0x165: {  	p5 =	slt.s32 s4, $0x1;
	p6 =	sne.s32 s4, s6  }
0x166: {  	p0 =	por !p5, !p6  }
0x167: {  	s6 =	simm.s32 $0x1;
	p0 =	por !p0, !p0  }
0x168: {  	s5 =	sshrl.u32 s5, $0x7;
	s6 =	simm.s32 @!p0 $0x0  }
0x169: {  	s5 =	ssub.s32 s5, s6  }
0x16a: {  	s5 =	sshll.u32 s5, $0x7  }
0x16b: {  	s5 =	sand.u32 $0x1FFFFF80, s5  }
0x16c: {  	s5 =	sadd.s32 s0, s5  }
0x16d: {  	[tilespmem:s26], [sflag:$0x1] =	stream.strided.gather [hbm4b:s5+s10], $0x1000, s9, s10, $0x38;
	[tilespmem:$0x14200] =	vst v63  }
0x16e: {  	_ =	swait.ge [sflag:s8], $0x1000  }
0x16f: {  	[sflag:s8] =	ssyncset.done $0x0  }
0x170: {  	[sflag:s8] =	ssyncadd.s32 $0xFFFFF000  }
0x171: {  	_ =	swait.ge [sflag:s8], $0x1000  }
0x172: {  	[sflag:s8] =	ssyncset.done $0x0  }
0x173: {  	[sflag:s8] =	ssyncadd.s32 $0xFFFFF000  }
0x174: {  	_ =	swait.ge [sflag:s8], $0x1000  }
0x175: {  	[sflag:s8] =	ssyncset.done $0x0  }
0x176: {  	[sflag:s8] =	ssyncadd.s32 $0xFFFFF000  }
0x177: {  	_ =	swait.ge [sflag:s8], $0x1000  }
0x178: {  	(v2sf) =	vpush v35, $0x0;
	_ =	sdelay $0xb  }
0x179: {  	(v2sf) =	vpush v35, $0x1;
	_ =	sdelay $0x2  }
0x17a: {  	s6 =	spop (v2sf)  }
0x17b: {  	s5 =	sand.u32 $0x7F, s6  }
0x17c: {  	s6 =	sadd.s32 $0xFFFFFFF1, s2;
	v36 =	vor.u32 s5, v0  }
0x17d: {  	v37 =	vmov s6  }
0x17e: {  	v38 =	vshll.u32 v37, $0x3  }
0x17f: {  	[sflag:s8] =	ssyncset.done $0x0;
	v37 =	vand.u32 $0x70, v37;
	v38 =	vand.u32 $0xC00, v38  }
0x180: {  	[sflag:s8] =	ssyncadd.s32 $0xFFFFF000;
	v37 =	vor.u32 v37, v38  }
0x181: {  	v38 =	vor.u32 v1, v37;
	v36 =	vld.idx.msk [tilespmem:v36+s11+$0x0], $0xffff  }
0x182: {  	v39 =	vor.u32 s5, v2  }
0x183: {  	(v2sf) =	vpush v35, $0x2;
	_ =	sdelay $0x2  }
0x184: {  	s6 =	spop (v2sf);
	[tilespmem:v38+s28+$0x0] =	vst.idx.msk $0xffff, v36  }
0x185: {  	s5 =	sand.u32 $0x7F, s6;
	v37 =	vor.u32 v3, v37;
	v36 =	vld.idx.msk [tilespmem:v39+s11+$0x0], $0xffff  }
0x186: {  	s6 =	sadd.s32 $0xFFFFFFF2, s2;
	v38 =	vor.u32 s5, v4  }
0x187: {  	v39 =	vmov s6  }
0x188: {  	v40 =	vshll.u32 v39, $0x3  }
0x189: {  	v39 =	vand.u32 $0x71, v39;
	v40 =	vand.u32 $0xC00, v40  }
0x18a: {  	[tilespmem:v37+s28+$0x0] =	vst.idx.msk $0xffff, v36;
	v36 =	vor.u32 v39, v40  }
0x18b: {  	v37 =	vld.idx.msk [tilespmem:v38+s11+$0x0], $0xffff;
	v38 =	vor.u32 v1, v36  }
0x18c: {  	v39 =	vor.u32 s5, v5  }
0x18d: {  	(v2sf) =	vpush v35, $0x3;
	_ =	sdelay $0x2  }
0x18e: {  	s6 =	spop (v2sf);
	[tilespmem:v38+s28+$0x0] =	vst.idx.msk $0xffff, v37  }
0x18f: {  	s5 =	sand.u32 $0x7F, s6;
	v36 =	vor.u32 v3, v36;
	v37 =	vld.idx.msk [tilespmem:v39+s11+$0x0], $0xffff  }
0x190: {  	s6 =	sadd.s32 $0xFFFFFFF3, s2;
	v38 =	vor.u32 s5, v6  }
0x191: {  	v39 =	vmov s6  }
0x192: {  	v40 =	vshll.u32 v39, $0x3  }
0x193: {  	v39 =	vand.u32 $0x72, v39;
	v40 =	vand.u32 $0xC00, v40  }
0x194: {  	(v2sf) =	vpush v34, $0x0;
	[tilespmem:v36+s28+$0x0] =	vst.idx.msk $0xffff, v37;
	v36 =	vor.u32 v39, v40  }
0x195: {  	v37 =	vld.idx.msk [tilespmem:v38+s11+$0x0], $0xffff;
	v38 =	vor.u32 v1, v36  }
0x196: {  	v39 =	vor.u32 s5, v7;
	_ =	sdelay $0x3  }
0x197: {  	s6 =	spop (v2sf);
	[tilespmem:v38+s28+$0x0] =	vst.idx.msk $0xffff, v37  }
0x198: {  	s5 =	sand.u32 $0x7F, s6;
	v36 =	vor.u32 v3, v36;
	v37 =	vld.idx.msk [tilespmem:v39+s11+$0x0], $0xffff  }
0x199: {  	s6 =	sadd.s32 $0xFFFFFFF4, s2;
	v38 =	vor.u32 s5, v8  }
0x19a: {  	v39 =	vmov s6  }
0x19b: {  	v40 =	vshll.u32 v39, $0x3  }
0x19c: {  	(v2sf) =	vpush v34, $0x1;
	v39 =	vand.u32 $0x73, v39;
	v40 =	vand.u32 $0xC00, v40  }
0x19d: {  	[tilespmem:v36+s28+$0x0] =	vst.idx.msk $0xffff, v37;
	v36 =	vor.u32 v39, v40  }
0x19e: {  	v37 =	vld.idx.msk [tilespmem:v38+s11+$0x0], $0xffff;
	v38 =	vor.u32 v1, v36  }
0x19f: {  	v39 =	vor.u32 s5, v9  }
0x1a0: {  	s5 =	spop (v2sf)  }
0x1a1: {  	s6 =	sand.u32 $0x7F, s5  }
0x1a2: {  	p2 =	slt.s32 s5, $0x1;
	p1 =	sne.s32 s6, $0x0;
	s6 =	sshra.s32 s5, $0x1F  }
0x1a3: {  	s6 =	sshrl.u32 s6, $0x19;
	p0 =	por !p2, !p1;
	[tilespmem:v38+s28+$0x0] =	vst.idx.msk $0xffff, v37  }
0x1a4: {  	v36 =	vor.u32 v3, v36;
	s5 =	sadd.s32 s6, s5;
	p0 =	por !p0, !p0;
	s6 =	simm.s32 $0x1;
	v37 =	vld.idx.msk [tilespmem:v39+s11+$0x0], $0xffff  }
0x1a5: {  	s5 =	sshrl.u32 s5, $0x7;
	s6 =	simm.s32 @!p0 $0x0  }
0x1a6: {  	s5 =	ssub.s32 s5, s6  }
0x1a7: {  	(v2sf) =	vpush v34, $0x2;
	s5 =	sshll.u32 s5, $0x7  }
0x1a8: {  	s5 =	sand.u32 $0x1FFFFF80, s5  }
0x1a9: {  	s5 =	sadd.s32 s0, s5;
	[tilespmem:v36+s28+$0x0] =	vst.idx.msk $0xffff, v37  }
0x1aa: {  	[tilespmem:s11], [sflag:$0x1] =	stream.strided.gather [hbm4b:s5+s10], $0x1000, s9, s10, $0x38;
	[tilespmem:$0x14200] =	vst v63  }
0x1ab: {  	s5 =	spop (v2sf)  }
0x1ac: {  	s6 =	sand.u32 $0x7F, s5  }
0x1ad: {  	p4 =	slt.s32 s5, $0x1;
	p3 =	sne.s32 s6, $0x0;
	s6 =	sshra.s32 s5, $0x1F  }
0x1ae: {  	s6 =	sshrl.u32 s6, $0x19;
	p0 =	por !p4, !p3  }
0x1af: {  	s5 =	sadd.s32 s6, s5;
	p0 =	por !p0, !p0;
	s6 =	simm.s32 $0x1  }
0x1b0: {  	s5 =	sshrl.u32 s5, $0x7;
	s6 =	simm.s32 @!p0 $0x0  }
0x1b1: {  	s5 =	ssub.s32 s5, s6  }
0x1b2: {  	(v2sf) =	vpush v34, $0x3;
	s5 =	sshll.u32 s5, $0x7  }
0x1b3: {  	s5 =	sand.u32 $0x1FFFFF80, s5  }
0x1b4: {  	s5 =	sadd.s32 s0, s5  }
0x1b5: {  	[tilespmem:s12], [sflag:$0x1] =	stream.strided.gather [hbm4b:s5+s10], $0x1000, s9, s10, $0x38;
	[tilespmem:$0x14200] =	vst v63  }
0x1b6: {  	s5 =	spop (v2sf)  }
0x1b7: {  	s6 =	sand.u32 $0x7F, s5  }
0x1b8: {  	p6 =	slt.s32 s5, $0x1;
	p5 =	sne.s32 s6, $0x0;
	s6 =	sshra.s32 s5, $0x1F  }
0x1b9: {  	s6 =	sshrl.u32 s6, $0x19;
	p0 =	por !p6, !p5  }
0x1ba: {  	s5 =	sadd.s32 s6, s5;
	p0 =	por !p0, !p0;
	s6 =	simm.s32 $0x1  }
0x1bb: {  	s5 =	sshrl.u32 s5, $0x7;
	s6 =	simm.s32 @!p0 $0x0  }
0x1bc: {  	s5 =	ssub.s32 s5, s6  }
0x1bd: {  	s5 =	sshll.u32 s5, $0x7  }
0x1be: {  	s5 =	sand.u32 $0x1FFFFF80, s5  }
0x1bf: {  	s5 =	sadd.s32 s0, s5  }
0x1c0: {  	[tilespmem:s13], [sflag:$0x1] =	stream.strided.gather [hbm4b:s5+s10], $0x1000, s9, s10, $0x38;
	[tilespmem:$0x14200] =	vst v63  }
0x1c1: {  	s5 =	spop (v2sf)  }
0x1c2: {  	s6 =	sand.u32 $0x7F, s5  }
0x1c3: {  	p2 =	slt.s32 s5, $0x1;
	p1 =	sne.s32 s6, $0x0;
	s6 =	sshra.s32 s5, $0x1F  }
0x1c4: {  	s6 =	sshrl.u32 s6, $0x19;
	p0 =	por !p2, !p1  }
0x1c5: {  	s5 =	sadd.s32 s6, s5;
	p0 =	por !p0, !p0;
	s6 =	simm.s32 $0x1  }
0x1c6: {  	s5 =	sshrl.u32 s5, $0x7;
	s6 =	simm.s32 @!p0 $0x0  }
0x1c7: {  	s5 =	ssub.s32 s5, s6  }
0x1c8: {  	s5 =	sshll.u32 s5, $0x7  }
0x1c9: {  	s5 =	sand.u32 $0x1FFFFF80, s5  }
0x1ca: {  	s5 =	sadd.s32 s0, s5  }
0x1cb: {  	[tilespmem:s14], [sflag:$0x1] =	stream.strided.gather [hbm4b:s5+s10], $0x1000, s9, s10, $0x38;
	[tilespmem:$0x14200] =	vst v63  }
0x1cc: {  	_ =	swait.ge [sflag:s8], $0x1000  }
0x1cd: {  	[sflag:s8] =	ssyncset.done $0x0  }
0x1ce: {  	[sflag:s8] =	ssyncadd.s32 $0xFFFFF000  }
0x1cf: {  	_ =	swait.ge [sflag:s8], $0x1000  }
0x1d0: {  	[sflag:s8] =	ssyncset.done $0x0  }
0x1d1: {  	[sflag:s8] =	ssyncadd.s32 $0xFFFFF000  }
0x1d2: {  	_ =	swait.ge [sflag:s8], $0x1000  }
0x1d3: {  	[sflag:s8] =	ssyncset.done $0x0  }
0x1d4: {  	[sflag:s8] =	ssyncadd.s32 $0xFFFFF000  }
0x1d5: {  	_ =	swait.ge [sflag:s8], $0x1000  }
0x1d6: {  	(v2sf) =	vpush v35, $0x4;
	_ =	sdelay $0xb  }
0x1d7: {  	(v2sf) =	vpush v35, $0x5;
	_ =	sdelay $0x2  }
0x1d8: {  	s6 =	spop (v2sf)  }
0x1d9: {  	s5 =	sand.u32 $0x7F, s6  }
0x1da: {  	s6 =	sadd.s32 $0xFFFFFFF5, s2;
	v36 =	vor.u32 s5, v10  }
0x1db: {  	v37 =	vmov s6  }
0x1dc: {  	v40 =	vshll.u32 v37, $0x3  }
0x1dd: {  	[sflag:s8] =	ssyncset.done $0x0;
	v37 =	vand.u32 $0x74, v37;
	v38 =	vand.u32 $0xC00, v40  }
0x1de: {  	[sflag:s8] =	ssyncadd.s32 $0xFFFFF000;
	v37 =	vor.u32 v37, v38  }
0x1df: {  	v38 =	vor.u32 v1, v37;
	v36 =	vld.idx.msk [tilespmem:v36+s11+$0x0], $0xffff  }
0x1e0: {  	v39 =	vor.u32 s5, v11  }
0x1e1: {  	(v2sf) =	vpush v35, $0x6;
	_ =	sdelay $0x2  }
0x1e2: {  	s6 =	spop (v2sf);
	[tilespmem:v38+s28+$0x0] =	vst.idx.msk $0xffff, v36  }
0x1e3: {  	s5 =	sand.u32 $0x7F, s6;
	v37 =	vor.u32 v3, v37;
	v36 =	vld.idx.msk [tilespmem:v39+s11+$0x0], $0xffff  }
0x1e4: {  	s6 =	sadd.s32 $0xFFFFFFF6, s2;
	v38 =	vor.u32 s5, v12  }
0x1e5: {  	v39 =	vmov s6  }
0x1e6: {  	v40 =	vshll.u32 v39, $0x3  }
0x1e7: {  	v39 =	vand.u32 $0x75, v39;
	v40 =	vand.u32 $0xC00, v40  }
0x1e8: {  	[tilespmem:v37+s28+$0x0] =	vst.idx.msk $0xffff, v36;
	v36 =	vor.u32 v39, v40  }
0x1e9: {  	v37 =	vld.idx.msk [tilespmem:v38+s11+$0x0], $0xffff;
	v38 =	vor.u32 v1, v36  }
0x1ea: {  	v39 =	vor.u32 s5, v13  }
0x1eb: {  	(v2sf) =	vpush v35, $0x7;
	_ =	sdelay $0x2  }
0x1ec: {  	s6 =	spop (v2sf);
	[tilespmem:v38+s28+$0x0] =	vst.idx.msk $0xffff, v37  }
0x1ed: {  	s5 =	sand.u32 $0x7F, s6;
	v36 =	vor.u32 v3, v36;
	v37 =	vld.idx.msk [tilespmem:v39+s11+$0x0], $0xffff  }
0x1ee: {  	s6 =	sadd.s32 $0xFFFFFFF7, s2;
	v38 =	vor.u32 s5, v14  }
0x1ef: {  	v39 =	vmov s6  }
0x1f0: {  	v40 =	vshll.u32 v39, $0x3  }
0x1f1: {  	v39 =	vand.u32 $0x76, v39;
	v40 =	vand.u32 $0xC00, v40  }
0x1f2: {  	(v2sf) =	vpush v34, $0x4;
	[tilespmem:v36+s28+$0x0] =	vst.idx.msk $0xffff, v37;
	v36 =	vor.u32 v39, v40  }
0x1f3: {  	v37 =	vld.idx.msk [tilespmem:v38+s11+$0x0], $0xffff;
	v38 =	vor.u32 v1, v36  }
0x1f4: {  	v39 =	vor.u32 s5, v15;
	_ =	sdelay $0x3  }
0x1f5: {  	s6 =	spop (v2sf);
	[tilespmem:v38+s28+$0x0] =	vst.idx.msk $0xffff, v37  }
0x1f6: {  	s5 =	sand.u32 $0x7F, s6;
	v36 =	vor.u32 v3, v36;
	v37 =	vld.idx.msk [tilespmem:v39+s11+$0x0], $0xffff  }
0x1f7: {  	s6 =	sadd.s32 $0xFFFFFFF8, s2;
	v38 =	vor.u32 s5, v16  }
0x1f8: {  	v39 =	vmov s6  }
0x1f9: {  	v40 =	vshll.u32 v39, $0x3  }
0x1fa: {  	(v2sf) =	vpush v34, $0x5;
	v39 =	vand.u32 $0x77, v39;
	v40 =	vand.u32 $0xC00, v40  }
0x1fb: {  	[tilespmem:v36+s28+$0x0] =	vst.idx.msk $0xffff, v37;
	v36 =	vor.u32 v39, v40  }
0x1fc: {  	v37 =	vld.idx.msk [tilespmem:v38+s11+$0x0], $0xffff;
	v38 =	vor.u32 v1, v36  }
0x1fd: {  	v39 =	vor.u32 s5, v17  }
0x1fe: {  	s5 =	spop (v2sf)  }
0x1ff: {  	s6 =	sand.u32 $0x7F, s5  }
0x200: {  	p4 =	slt.s32 s5, $0x1;
	p3 =	sne.s32 s6, $0x0;
	s6 =	sshra.s32 s5, $0x1F  }
0x201: {  	s6 =	sshrl.u32 s6, $0x19;
	p0 =	por !p4, !p3;
	[tilespmem:v38+s28+$0x0] =	vst.idx.msk $0xffff, v37  }
0x202: {  	v36 =	vor.u32 v3, v36;
	s5 =	sadd.s32 s6, s5;
	p0 =	por !p0, !p0;
	s6 =	simm.s32 $0x1;
	v37 =	vld.idx.msk [tilespmem:v39+s11+$0x0], $0xffff  }
0x203: {  	s5 =	sshrl.u32 s5, $0x7;
	s6 =	simm.s32 @!p0 $0x0  }
0x204: {  	s5 =	ssub.s32 s5, s6  }
0x205: {  	(v2sf) =	vpush v34, $0x6;
	s5 =	sshll.u32 s5, $0x7  }
0x206: {  	s5 =	sand.u32 $0x1FFFFF80, s5  }
0x207: {  	s5 =	sadd.s32 s0, s5;
	[tilespmem:v36+s28+$0x0] =	vst.idx.msk $0xffff, v37  }
0x208: {  	[tilespmem:s15], [sflag:$0x1] =	stream.strided.gather [hbm4b:s5+s10], $0x1000, s9, s10, $0x38;
	[tilespmem:$0x14200] =	vst v63  }
0x209: {  	s5 =	spop (v2sf)  }
0x20a: {  	s6 =	sand.u32 $0x7F, s5  }
0x20b: {  	p6 =	slt.s32 s5, $0x1;
	p5 =	sne.s32 s6, $0x0;
	s6 =	sshra.s32 s5, $0x1F  }
0x20c: {  	s6 =	sshrl.u32 s6, $0x19;
	p0 =	por !p6, !p5  }
0x20d: {  	s5 =	sadd.s32 s6, s5;
	p0 =	por !p0, !p0;
	s6 =	simm.s32 $0x1  }
0x20e: {  	s5 =	sshrl.u32 s5, $0x7;
	s6 =	simm.s32 @!p0 $0x0  }
0x20f: {  	s5 =	ssub.s32 s5, s6  }
0x210: {  	(v2sf) =	vpush v34, $0x7;
	s5 =	sshll.u32 s5, $0x7  }
0x211: {  	s5 =	sand.u32 $0x1FFFFF80, s5  }
0x212: {  	s5 =	sadd.s32 s0, s5  }
0x213: {  	[tilespmem:s16], [sflag:$0x1] =	stream.strided.gather [hbm4b:s5+s10], $0x1000, s9, s10, $0x38;
	[tilespmem:$0x14200] =	vst v63  }
0x214: {  	s5 =	spop (v2sf)  }
0x215: {  	s6 =	sand.u32 $0x7F, s5  }
0x216: {  	p2 =	slt.s32 s5, $0x1;
	p1 =	sne.s32 s6, $0x0;
	s6 =	sshra.s32 s5, $0x1F  }
0x217: {  	s6 =	sshrl.u32 s6, $0x19;
	p0 =	por !p2, !p1  }
0x218: {  	s5 =	sadd.s32 s6, s5;
	p0 =	por !p0, !p0;
	s6 =	simm.s32 $0x1  }
0x219: {  	s5 =	sshrl.u32 s5, $0x7;
	s6 =	simm.s32 @!p0 $0x0  }
0x21a: {  	s5 =	ssub.s32 s5, s6  }
0x21b: {  	s5 =	sshll.u32 s5, $0x7  }
0x21c: {  	s5 =	sand.u32 $0x1FFFFF80, s5  }
0x21d: {  	s5 =	sadd.s32 s0, s5  }
0x21e: {  	[tilespmem:s17], [sflag:$0x1] =	stream.strided.gather [hbm4b:s5+s10], $0x1000, s9, s10, $0x38;
	[tilespmem:$0x14200] =	vst v63  }
0x21f: {  	s5 =	spop (v2sf)  }
0x220: {  	s6 =	sand.u32 $0x7F, s5  }
0x221: {  	p4 =	slt.s32 s5, $0x1;
	p3 =	sne.s32 s6, $0x0;
	s6 =	sshra.s32 s5, $0x1F  }
0x222: {  	s6 =	sshrl.u32 s6, $0x19;
	p0 =	por !p4, !p3  }
0x223: {  	s5 =	sadd.s32 s6, s5;
	p0 =	por !p0, !p0;
	s6 =	simm.s32 $0x1  }
0x224: {  	s5 =	sshrl.u32 s5, $0x7;
	s6 =	simm.s32 @!p0 $0x0  }
0x225: {  	s5 =	ssub.s32 s5, s6  }
0x226: {  	s5 =	sshll.u32 s5, $0x7  }
0x227: {  	s5 =	sand.u32 $0x1FFFFF80, s5  }
0x228: {  	s5 =	sadd.s32 s0, s5  }
0x229: {  	[tilespmem:s18], [sflag:$0x1] =	stream.strided.gather [hbm4b:s5+s10], $0x1000, s9, s10, $0x38;
	[tilespmem:$0x14200] =	vst v63  }
0x22a: {  	_ =	swait.ge [sflag:s8], $0x1000  }
0x22b: {  	[sflag:s8] =	ssyncset.done $0x0  }
0x22c: {  	[sflag:s8] =	ssyncadd.s32 $0xFFFFF000  }
0x22d: {  	_ =	swait.ge [sflag:s8], $0x1000  }
0x22e: {  	[sflag:s8] =	ssyncset.done $0x0  }
0x22f: {  	[sflag:s8] =	ssyncadd.s32 $0xFFFFF000  }
0x230: {  	_ =	swait.ge [sflag:s8], $0x1000  }
0x231: {  	[sflag:s8] =	ssyncset.done $0x0  }
0x232: {  	[sflag:s8] =	ssyncadd.s32 $0xFFFFF000  }
0x233: {  	_ =	swait.ge [sflag:s8], $0x1000  }
0x234: {  	(v2sf) =	vpush v35, $0x8;
	_ =	sdelay $0xb  }
0x235: {  	(v2sf) =	vpush v35, $0x9;
	_ =	sdelay $0x2  }
0x236: {  	s6 =	spop (v2sf)  }
0x237: {  	s5 =	sand.u32 $0x7F, s6  }
0x238: {  	s6 =	sadd.s32 $0xFFFFFFF9, s2;
	v36 =	vor.u32 s5, v18  }
0x239: {  	v37 =	vmov s6  }
0x23a: {  	v40 =	vshll.u32 v37, $0x3  }
0x23b: {  	[sflag:s8] =	ssyncset.done $0x0;
	v37 =	vand.u32 $0x78, v37;
	v38 =	vand.u32 $0xC00, v40  }
0x23c: {  	[sflag:s8] =	ssyncadd.s32 $0xFFFFF000;
	v37 =	vor.u32 v37, v38  }
0x23d: {  	v38 =	vor.u32 v1, v37;
	v36 =	vld.idx.msk [tilespmem:v36+s11+$0x0], $0xffff  }
0x23e: {  	v39 =	vor.u32 s5, v19  }
0x23f: {  	(v2sf) =	vpush v35, $0xA;
	_ =	sdelay $0x2  }
0x240: {  	s6 =	spop (v2sf);
	[tilespmem:v38+s28+$0x0] =	vst.idx.msk $0xffff, v36  }
0x241: {  	s5 =	sand.u32 $0x7F, s6;
	v37 =	vor.u32 v3, v37;
	v36 =	vld.idx.msk [tilespmem:v39+s11+$0x0], $0xffff  }
0x242: {  	s6 =	sadd.s32 $0xFFFFFFFA, s2;
	v38 =	vor.u32 s5, v20  }
0x243: {  	v39 =	vmov s6  }
0x244: {  	v40 =	vshll.u32 v39, $0x3  }
0x245: {  	v39 =	vand.u32 $0x79, v39;
	v40 =	vand.u32 $0xC00, v40  }
0x246: {  	[tilespmem:v37+s28+$0x0] =	vst.idx.msk $0xffff, v36;
	v36 =	vor.u32 v39, v40  }
0x247: {  	v37 =	vld.idx.msk [tilespmem:v38+s11+$0x0], $0xffff;
	v38 =	vor.u32 v1, v36  }
0x248: {  	v39 =	vor.u32 s5, v21  }
0x249: {  	(v2sf) =	vpush v35, $0xB;
	_ =	sdelay $0x2  }
0x24a: {  	s6 =	spop (v2sf);
	[tilespmem:v38+s28+$0x0] =	vst.idx.msk $0xffff, v37  }
0x24b: {  	s5 =	sand.u32 $0x7F, s6;
	v36 =	vor.u32 v3, v36;
	v35 =	vld.idx.msk [tilespmem:v39+s11+$0x0], $0xffff  }
0x24c: {  	s6 =	sadd.s32 $0xFFFFFFFB, s2;
	v37 =	vor.u32 s5, v22  }
0x24d: {  	v38 =	vmov s6  }
0x24e: {  	v39 =	vshll.u32 v38, $0x3  }
0x24f: {  	v38 =	vand.u32 $0x7A, v38;
	v39 =	vand.u32 $0xC00, v39  }
0x250: {  	(v2sf) =	vpush v34, $0x8;
	[tilespmem:v36+s28+$0x0] =	vst.idx.msk $0xffff, v35;
	v35 =	vor.u32 v38, v39  }
0x251: {  	v36 =	vld.idx.msk [tilespmem:v37+s11+$0x0], $0xffff;
	v37 =	vor.u32 v1, v35  }
0x252: {  	v40 =	vor.u32 s5, v23;
	_ =	sdelay $0x3  }
0x253: {  	s6 =	spop (v2sf);
	[tilespmem:v37+s28+$0x0] =	vst.idx.msk $0xffff, v36  }
0x254: {  	s5 =	sand.u32 $0x7F, s6;
	v35 =	vor.u32 v3, v35;
	v36 =	vld.idx.msk [tilespmem:v40+s11+$0x0], $0xffff  }
0x255: {  	s6 =	sadd.s32 $0xFFFFFFFC, s2;
	v37 =	vor.u32 s5, v24  }
0x256: {  	v38 =	vmov s6  }
0x257: {  	v39 =	vshll.u32 v38, $0x3  }
0x258: {  	(v2sf) =	vpush v34, $0x9;
	v38 =	vand.u32 $0x7B, v38;
	v39 =	vand.u32 $0xC00, v39  }
0x259: {  	[tilespmem:v35+s28+$0x0] =	vst.idx.msk $0xffff, v36;
	v35 =	vor.u32 v38, v39  }
0x25a: {  	v36 =	vld.idx.msk [tilespmem:v37+s11+$0x0], $0xffff;
	v37 =	vor.u32 v1, v35  }
0x25b: {  	v40 =	vor.u32 s5, v25  }
0x25c: {  	s5 =	spop (v2sf)  }
0x25d: {  	s6 =	sand.u32 $0x7F, s5  }
0x25e: {  	p6 =	slt.s32 s5, $0x1;
	p5 =	sne.s32 s6, $0x0;
	s6 =	sshra.s32 s5, $0x1F  }
0x25f: {  	s6 =	sshrl.u32 s6, $0x19;
	p0 =	por !p6, !p5;
	[tilespmem:v37+s28+$0x0] =	vst.idx.msk $0xffff, v36  }
0x260: {  	s5 =	sadd.s32 s6, s5;
	p0 =	por !p0, !p0;
	s6 =	simm.s32 $0x1;
	v35 =	vor.u32 v3, v35;
	v36 =	vld.idx.msk [tilespmem:v40+s11+$0x0], $0xffff  }
0x261: {  	(v2sf) =	vpush v34, $0xA;
	s5 =	sshrl.u32 s5, $0x7;
	s6 =	simm.s32 @!p0 $0x0  }
0x262: {  	s5 =	ssub.s32 s5, s6  }
0x263: {  	s5 =	sshll.u32 s5, $0x7  }
0x264: {  	s5 =	sand.u32 $0x1FFFFF80, s5  }
0x265: {  	s5 =	sadd.s32 s0, s5;
	[tilespmem:v35+s28+$0x0] =	vst.idx.msk $0xffff, v36  }
0x266: {  	[tilespmem:s19], [sflag:$0x1] =	stream.strided.gather [hbm4b:s5+s10], $0x1000, s9, s10, $0x38;
	[tilespmem:$0x14200] =	vst v63  }
0x267: {  	s5 =	spop (v2sf)  }
0x268: {  	s6 =	sand.u32 $0x7F, s5  }
0x269: {  	p2 =	slt.s32 s5, $0x1;
	p1 =	sne.s32 s6, $0x0;
	s6 =	sshra.s32 s5, $0x1F  }
0x26a: {  	s6 =	sshrl.u32 s6, $0x19;
	p0 =	por !p2, !p1  }
0x26b: {  	s5 =	sadd.s32 s6, s5;
	p0 =	por !p0, !p0;
	s6 =	simm.s32 $0x1  }
0x26c: {  	s5 =	sshrl.u32 s5, $0x7;
	s6 =	simm.s32 @!p0 $0x0  }
0x26d: {  	(v2sf) =	vpush v34, $0xB;
	s5 =	ssub.s32 s5, s6  }
0x26e: {  	s5 =	sshll.u32 s5, $0x7  }
0x26f: {  	s5 =	sand.u32 $0x1FFFFF80, s5  }
0x270: {  	s6 =	spop (v2sf);
	s5 =	sadd.s32 s0, s5  }
0x271: {  	[tilespmem:s20], [sflag:$0x1] =	stream.strided.gather [hbm4b:s5+s10], $0x1000, s9, s10, $0x38;
	[tilespmem:$0x14200] =	vst v63  }
0x272: {  	s5 =	sand.u32 $0x7F, s6  }
0x273: {  	p4 =	slt.s32 s6, $0x1;
	p3 =	sne.s32 s5, $0x0;
	s5 =	sshra.s32 s6, $0x1F  }
0x274: {  	s5 =	sshrl.u32 s5, $0x19;
	p0 =	por !p4, !p3  }
0x275: {  	s5 =	sadd.s32 s5, s6;
	p0 =	por !p0, !p0;
	s6 =	simm.s32 $0x1  }
0x276: {  	s5 =	sshrl.u32 s5, $0x7;
	s6 =	simm.s32 @!p0 $0x0  }
0x277: {  	s5 =	ssub.s32 s5, s6  }
0x278: {  	s5 =	sshll.u32 s5, $0x7  }
0x279: {  	s5 =	sand.u32 $0x1FFFFF80, s5  }
0x27a: {  	s5 =	sadd.s32 s0, s5  }
0x27b: {  	[tilespmem:s21], [sflag:$0x1] =	stream.strided.gather [hbm4b:s5+s10], $0x1000, s9, s10, $0x38;
	[tilespmem:$0x14200] =	vst v63  }
0x27c: {  	s5 =	spop (v2sf)  }
0x27d: {  	s6 =	sand.u32 $0x7F, s5  }
0x27e: {  	p6 =	slt.s32 s5, $0x1;
	p5 =	sne.s32 s6, $0x0;
	s6 =	sshra.s32 s5, $0x1F  }
0x27f: {  	s6 =	sshrl.u32 s6, $0x19;
	p0 =	por !p6, !p5  }
0x280: {  	s5 =	sadd.s32 s6, s5;
	p0 =	por !p0, !p0;
	s6 =	simm.s32 $0x1  }
0x281: {  	s5 =	sshrl.u32 s5, $0x7;
	s6 =	simm.s32 @!p0 $0x0  }
0x282: {  	s5 =	ssub.s32 s5, s6  }
0x283: {  	s5 =	sshll.u32 s5, $0x7  }
0x284: {  	s5 =	sand.u32 $0x1FFFFF80, s5  }
0x285: {  	s5 =	sadd.s32 s0, s5  }
0x286: {  	[tilespmem:s22], [sflag:$0x1] =	stream.strided.gather [hbm4b:s5+s10], $0x1000, s9, s10, $0x38;
	[tilespmem:$0x14200] =	vst v63  }
0x287: {  	_ =	swait.ge [sflag:s8], $0x1000  }
0x288: {  	[sflag:s8] =	ssyncset.done $0x0  }
0x289: {  	[sflag:s8] =	ssyncadd.s32 $0xFFFFF000  }
0x28a: {  	_ =	swait.ge [sflag:s8], $0x1000  }
0x28b: {  	[sflag:s8] =	ssyncset.done $0x0  }
0x28c: {  	[sflag:s8] =	ssyncadd.s32 $0xFFFFF000  }
0x28d: {  	s3 =	sand.u32 $0x7F, s3;
	_ =	swait.ge [sflag:s8], $0x1000  }
0x28e: {  	v34 =	vor.u32 s3, v26;
	s6 =	sadd.s32 $0xFFFFFFFD, s2;
	[sflag:s8] =	ssyncset.done $0x0  }
0x28f: {  	v35 =	vmov s6;
	[sflag:s8] =	ssyncadd.s32 $0xFFFFF000  }
0x290: {  	v40 =	vshll.u32 v35, $0x3;
	_ =	swait.ge [sflag:s8], $0x1000  }
0x291: {  	v35 =	vand.u32 $0x7C, v35;
	v36 =	vand.u32 $0xC00, v40;
	[sflag:s8] =	ssyncset.done $0x0  }
0x292: {  	v35 =	vor.u32 v35, v36;
	[sflag:s8] =	ssyncadd.s32 $0xFFFFF000  }
0x293: {  	v36 =	vor.u32 v1, v35;
	v34 =	vld.idx.msk [tilespmem:v34+s11+$0x0], $0xffff  }
0x294: {  	v40 =	vor.u32 s3, v27;
	_ =	sdelay $0x3  }
0x295: {  	[tilespmem:v36+s28+$0x0] =	vst.idx.msk $0xffff, v34  }
0x296: {  	s6 =	sand.u32 $0x7F, s29;
	v35 =	vor.u32 v3, v35;
	v34 =	vld.idx.msk [tilespmem:v40+s11+$0x0], $0xffff  }
0x297: {  	s29 =	sadd.s32 $0xFFFFFFFE, s2;
	v36 =	vor.u32 s6, v28  }
0x298: {  	v37 =	vmov s29  }
0x299: {  	v40 =	vshll.u32 v37, $0x3  }
0x29a: {  	v37 =	vand.u32 $0x7D, v37;
	v38 =	vand.u32 $0xC00, v40  }
0x29b: {  	[tilespmem:v35+s28+$0x0] =	vst.idx.msk $0xffff, v34;
	v34 =	vor.u32 v37, v38  }
0x29c: {  	v35 =	vld.idx.msk [tilespmem:v36+s11+$0x0], $0xffff;
	v36 =	vor.u32 v1, v34  }
0x29d: {  	v40 =	vor.u32 s6, v29;
	_ =	sdelay $0x3  }
0x29e: {  	[tilespmem:v36+s28+$0x0] =	vst.idx.msk $0xffff, v35  }
0x29f: {  	s6 =	sand.u32 $0x7F, s30;
	v34 =	vor.u32 v3, v34;
	v35 =	vld.idx.msk [tilespmem:v40+s11+$0x0], $0xffff  }
0x2a0: {  	s29 =	sadd.s32 $0xFFFFFFFF, s2;
	v36 =	vor.u32 s6, v30  }
0x2a1: {  	v37 =	vmov s29  }
0x2a2: {  	v40 =	vshll.u32 v37, $0x3  }
0x2a3: {  	v37 =	vand.u32 $0x7E, v37;
	v38 =	vand.u32 $0xC00, v40  }
0x2a4: {  	[tilespmem:v34+s28+$0x0] =	vst.idx.msk $0xffff, v35;
	v34 =	vor.u32 v37, v38  }
0x2a5: {  	v35 =	vld.idx.msk [tilespmem:v36+s11+$0x0], $0xffff;
	v36 =	vor.u32 v1, v34  }
0x2a6: {  	v40 =	vor.u32 s6, v31;
	_ =	sdelay $0x3  }
0x2a7: {  	[tilespmem:v36+s28+$0x0] =	vst.idx.msk $0xffff, v35  }
0x2a8: {  	s30 =	sand.u32 $0x7F, s4;
	v34 =	vor.u32 v3, v34;
	v35 =	vld.idx.msk [tilespmem:v40+s11+$0x0], $0xffff  }
0x2a9: {  	v36 =	vor.u32 s30, v32  }
0x2aa: {  	v37 =	vmov s2  }
0x2ab: {  	v40 =	vshll.u32 v37, $0x3  }
0x2ac: {  	v37 =	vand.u32 $0x7F, v37;
	v38 =	vand.u32 $0xC00, v40  }
0x2ad: {  	[tilespmem:v34+s28+$0x0] =	vst.idx.msk $0xffff, v35;
	v34 =	vor.u32 v37, v38  }
0x2ae: {  	v35 =	vld.idx.msk [tilespmem:v36+s11+$0x0], $0xffff;
	v36 =	vor.u32 v1, v34  }
0x2af: {  	v40 =	vor.u32 s30, v33;
	_ =	sdelay $0x3  }
0x2b0: {  	[tilespmem:v36+s28+$0x0] =	vst.idx.msk $0xffff, v35  }
0x2b1: {  	p0 =	sne.s32 s2, $0x1EF;
	v34 =	vor.u32 v3, v34;
	v35 =	vld.idx.msk [tilespmem:v40+s11+$0x0], $0xffff  }
.Ltmp0:
0x2b2: {  	_ = 	snop;
	(pc) =	sbr.rel @p0 .LBB2_2-.Ltmp0, $2  }
0x2b3: {  	_ =	sdelay $0x2  }
0x2b4: {  	s1 =	sadd.s32 $0x10, s1;
	s2 =	sadd.s32 $0x10, s2;
	[tilespmem:v34+s28+$0x0] =	vst.idx.msk $0xffff, v35  }
0x2b5: {  	v34 =	vld [tilespmem:$0x1F0];
	_ =	sdelay $0x4  }
0x2b6: {  	(v2sf) =	vpush v34, $0xC;
	_ =	sdelay $0xd  }
0x2b7: {  	(v2sf) =	vpush v34, $0xD  }
0x2b8: {  	s1 =	spop (v2sf)  }
0x2b9: {  	s2 =	sshra.s32 s1, $0x1F  }
0x2ba: {  	s2 =	sshrl.u32 s2, $0x19  }
0x2bb: {  	s2 =	sadd.s32 s2, s1  }
0x2bc: {  	s3 =	sand.u32 $0xFFFFFF80, s2  }
0x2bd: {  	p0 =	slt.s32 s1, $0x1;
	p1 =	sne.s32 s1, s3  }
0x2be: {  	p0 =	por !p0, !p1  }
0x2bf: {  	s3 =	simm.s32 $0x1;
	p0 =	por !p0, !p0  }
0x2c0: {  	s2 =	sshrl.u32 s2, $0x7;
	s3 =	simm.s32 @!p0 $0x0  }
0x2c1: {  	s2 =	ssub.s32 s2, s3  }
0x2c2: {  	s2 =	sshll.u32 s2, $0x7  }
0x2c3: {  	s2 =	sand.u32 $0x1FFFFF80, s2  }
0x2c4: {  	s2 =	sadd.s32 s0, s2  }
0x2c5: {  	(v2sf) =	vpush v34, $0xE;
	[tilespmem:s23], [sflag:$0x1] =	stream.strided.gather [hbm4b:s2+s10], $0x1000, s9, s10, $0x38;
	[tilespmem:$0x14200] =	vst v63  }
0x2c6: {  	s2 =	spop (v2sf)  }
0x2c7: {  	s6 =	sshra.s32 s2, $0x1F  }
0x2c8: {  	s3 =	sshrl.u32 s6, $0x19  }
0x2c9: {  	s3 =	sadd.s32 s3, s2  }
0x2ca: {  	s4 =	sand.u32 $0xFFFFFF80, s3  }
0x2cb: {  	p1 =	slt.s32 s2, $0x1;
	p2 =	sne.s32 s2, s4  }
0x2cc: {  	p0 =	por !p1, !p2  }
0x2cd: {  	s4 =	simm.s32 $0x1;
	p0 =	por !p0, !p0  }
0x2ce: {  	s3 =	sshrl.u32 s3, $0x7;
	s4 =	simm.s32 @!p0 $0x0  }
0x2cf: {  	s3 =	ssub.s32 s3, s4  }
0x2d0: {  	s3 =	sshll.u32 s3, $0x7  }
0x2d1: {  	s3 =	sand.u32 $0x1FFFFF80, s3  }
0x2d2: {  	s3 =	sadd.s32 s0, s3  }
0x2d3: {  	(v2sf) =	vpush v34, $0xF;
	[tilespmem:s24], [sflag:$0x1] =	stream.strided.gather [hbm4b:s3+s10], $0x1000, s9, s10, $0x38;
	[tilespmem:$0x14200] =	vst v63  }
0x2d4: {  	s3 =	spop (v2sf)  }
0x2d5: {  	s29 =	sshra.s32 s3, $0x1F  }
0x2d6: {  	s4 =	sshrl.u32 s29, $0x19  }
0x2d7: {  	s4 =	sadd.s32 s4, s3  }
0x2d8: {  	s5 =	sand.u32 $0xFFFFFF80, s4  }
0x2d9: {  	p3 =	slt.s32 s3, $0x1;
	p4 =	sne.s32 s3, s5  }
0x2da: {  	p0 =	por !p3, !p4  }
0x2db: {  	s5 =	simm.s32 $0x1;
	p0 =	por !p0, !p0  }
0x2dc: {  	s4 =	sshrl.u32 s4, $0x7;
	s5 =	simm.s32 @!p0 $0x0  }
0x2dd: {  	s4 =	ssub.s32 s4, s5  }
0x2de: {  	s4 =	sshll.u32 s4, $0x7  }
0x2df: {  	s4 =	sand.u32 $0x1FFFFF80, s4  }
0x2e0: {  	s4 =	sadd.s32 s0, s4  }
0x2e1: {  	[tilespmem:s25], [sflag:$0x1] =	stream.strided.gather [hbm4b:s4+s10], $0x1000, s9, s10, $0x38;
	[tilespmem:$0x14200] =	vst v63  }
0x2e2: {  	s4 =	spop (v2sf)  }
0x2e3: {  	s30 =	sshra.s32 s4, $0x1F  }
0x2e4: {  	s5 =	sshrl.u32 s30, $0x19  }
0x2e5: {  	s5 =	sadd.s32 s5, s4  }
0x2e6: {  	s6 =	sand.u32 $0xFFFFFF80, s5  }
0x2e7: {  	p5 =	slt.s32 s4, $0x1;
	p6 =	sne.s32 s4, s6  }
0x2e8: {  	p0 =	por !p5, !p6  }
0x2e9: {  	s6 =	simm.s32 $0x1;
	p0 =	por !p0, !p0  }
0x2ea: {  	s5 =	sshrl.u32 s5, $0x7;
	s6 =	simm.s32 @!p0 $0x0  }
0x2eb: {  	s5 =	ssub.s32 s5, s6  }
0x2ec: {  	s5 =	sshll.u32 s5, $0x7  }
0x2ed: {  	s5 =	sand.u32 $0x1FFFFF80, s5  }
0x2ee: {  	s5 =	sadd.s32 s0, s5  }
0x2ef: {  	[tilespmem:s26], [sflag:$0x1] =	stream.strided.gather [hbm4b:s5+s10], $0x1000, s9, s10, $0x38;
	[tilespmem:$0x14200] =	vst v63  }
0x2f0: {  	_ =	swait.ge [sflag:s8], $0x1000  }
0x2f1: {  	[sflag:s8] =	ssyncset.done $0x0  }
0x2f2: {  	[sflag:s8] =	ssyncadd.s32 $0xFFFFF000  }
0x2f3: {  	_ =	swait.ge [sflag:s8], $0x1000  }
0x2f4: {  	[sflag:s8] =	ssyncset.done $0x0  }
0x2f5: {  	[sflag:s8] =	ssyncadd.s32 $0xFFFFF000  }
0x2f6: {  	_ =	swait.ge [sflag:s8], $0x1000  }
0x2f7: {  	[sflag:s8] =	ssyncset.done $0x0  }
0x2f8: {  	[sflag:s8] =	ssyncadd.s32 $0xFFFFF000  }
0x2f9: {  	_ =	swait.ge [sflag:s8], $0x1000  }
0x2fa: {  	(v2sf) =	vpush v34, $0x0;
	_ =	sdelay $0xd  }
0x2fb: {  	(v2sf) =	vpush v34, $0x1  }
0x2fc: {  	s6 =	spop (v2sf)  }
0x2fd: {  	s5 =	sand.u32 $0x7F, s6  }
0x2fe: {  	v35 =	vor.u32 s5, v0;
	_ =	sdelay $0x1  }
0x2ff: {  	v37 =	vld [tilespmem:$0x1FF70]  }
0x300: {  	[sflag:s8] =	ssyncset.done $0x0  }
0x301: {  	[sflag:s8] =	ssyncadd.s32 $0xFFFFF000  }
0x302: {  	v35 =	vld.idx.msk [tilespmem:v35+s11+$0x0], $0xffff  }
0x303: {  	v36 =	vor.u32 s5, v2;
	_ =	sdelay $0x1  }
0x304: {  	v40 =	vld [tilespmem:$0x1FF80];
	_ =	sdelay $0x1  }
0x305: {  	[tilespmem:v37+s28+$0x0] =	vst.idx.msk $0xffff, v35  }
0x306: {  	v35 =	vld.idx.msk [tilespmem:v36+s11+$0x0], $0xffff  }
0x307: {  	s29 =	spop (v2sf)  }
0x308: {  	(v2sf) =	vpush v34, $0x2;
	s5 =	sand.u32 $0x7F, s29  }
0x309: {  	v36 =	vor.u32 s5, v4;
	_ =	sdelay $0x1  }
0x30a: {  	[tilespmem:v40+s28+$0x0] =	vst.idx.msk $0xffff, v35;
	v40 =	vld [tilespmem:$0x1FF90];
	_ =	sdelay $0x2  }
0x30b: {  	v35 =	vld.idx.msk [tilespmem:v36+s11+$0x0], $0xffff;
	_ =	sdelay $0x2  }
0x30c: {  	v36 =	vor.u32 s5, v5;
	_ =	sdelay $0x1  }
0x30d: {  	[tilespmem:v40+s28+$0x0] =	vst.idx.msk $0xffff, v35;
	v40 =	vld [tilespmem:$0x1FFA0];
	_ =	sdelay $0x2  }
0x30e: {  	v35 =	vld.idx.msk [tilespmem:v36+s11+$0x0], $0xffff  }
0x30f: {  	s30 =	spop (v2sf)  }
0x310: {  	(v2sf) =	vpush v34, $0x3;
	s5 =	sand.u32 $0x7F, s30  }
0x311: {  	v36 =	vor.u32 s5, v6;
	_ =	sdelay $0x1  }
0x312: {  	[tilespmem:v40+s28+$0x0] =	vst.idx.msk $0xffff, v35;
	v40 =	vld [tilespmem:$0x1FFB0];
	_ =	sdelay $0x2  }
0x313: {  	v35 =	vld.idx.msk [tilespmem:v36+s11+$0x0], $0xffff;
	_ =	sdelay $0x2  }
0x314: {  	v36 =	vor.u32 s5, v7;
	_ =	sdelay $0x1  }
0x315: {  	[tilespmem:v40+s28+$0x0] =	vst.idx.msk $0xffff, v35;
	v40 =	vld [tilespmem:$0x1FFC0];
	_ =	sdelay $0x2  }
0x316: {  	v35 =	vld.idx.msk [tilespmem:v36+s11+$0x0], $0xffff  }
0x317: {  	s6 =	spop (v2sf)  }
0x318: {  	s5 =	sand.u32 $0x7F, s6  }
0x319: {  	v36 =	vor.u32 s5, v8;
	_ =	sdelay $0x1  }
0x31a: {  	[tilespmem:v40+s28+$0x0] =	vst.idx.msk $0xffff, v35;
	v40 =	vld [tilespmem:$0x1FFD0];
	_ =	sdelay $0x2  }
0x31b: {  	v35 =	vld.idx.msk [tilespmem:v36+s11+$0x0], $0xffff;
	_ =	sdelay $0x2  }
0x31c: {  	v36 =	vor.u32 s5, v9;
	_ =	sdelay $0x1  }
0x31d: {  	[tilespmem:v40+s28+$0x0] =	vst.idx.msk $0xffff, v35;
	v40 =	vld [tilespmem:$0x1FFE0];
	_ =	sdelay $0x2  }
0x31e: {  	v35 =	vld.idx.msk [tilespmem:v36+s11+$0x0], $0xffff;
	_ =	sdelay $0x4  }
0x31f: {  	[tilespmem:v40+s28+$0x0] =	vst.idx.msk $0xffff, v35  }
0x320: {  	_ =	swait.ge [sflag:s8], $0x1000  }
0x321: {  	[sflag:s8] =	ssyncset.done $0x0  }
0x322: {  	[sflag:s8] =	ssyncadd.s32 $0xFFFFF000  }
0x323: {  	_ =	swait.ge [sflag:s8], $0x1000  }
0x324: {  	[sflag:s8] =	ssyncset.done $0x0  }
0x325: {  	[sflag:s8] =	ssyncadd.s32 $0xFFFFF000  }
0x326: {  	_ =	swait.ge [sflag:s8], $0x1000  }
0x327: {  	[sflag:s8] =	ssyncset.done $0x0  }
0x328: {  	[sflag:s8] =	ssyncadd.s32 $0xFFFFF000  }
0x329: {  	_ =	swait.ge [sflag:s8], $0x1000  }
0x32a: {  	(v2sf) =	vpush v34, $0x4;
	_ =	sdelay $0xb  }
0x32b: {  	(v2sf) =	vpush v34, $0x5;
	_ =	sdelay $0x2  }
0x32c: {  	s29 =	spop (v2sf)  }
0x32d: {  	s5 =	sand.u32 $0x7F, s29  }
0x32e: {  	v39 =	vor.u32 s5, v10;
	_ =	sdelay $0x1  }
0x32f: {  	v40 =	vld [tilespmem:$0x1FFF0]  }
0x330: {  	[sflag:s8] =	ssyncset.done $0x0  }
0x331: {  	[sflag:s8] =	ssyncadd.s32 $0xFFFFF000  }
0x332: {  	v35 =	vld.idx.msk [tilespmem:v39+s11+$0x0], $0xffff  }
0x333: {  	v36 =	vor.u32 s5, v11  }
0x334: {  	(v2sf) =	vpush v34, $0x6;
	_ =	sdelay $0x2  }
0x335: {  	s30 =	spop (v2sf);
	[tilespmem:v40+s28+$0x0] =	vst.idx.msk $0xffff, v35  }
0x336: {  	s5 =	sand.u32 $0x7F, s30;
	v35 =	vld.idx.msk [tilespmem:v36+s11+$0x0], $0xffff  }
0x337: {  	v40 =	vor.u32 s5, v12;
	_ =	sdelay $0x3  }
0x338: {  	[tilespmem:v41+s28+$0x0] =	vst.idx.msk $0xffff, v35  }
0x339: {  	v35 =	vld.idx.msk [tilespmem:v40+s11+$0x0], $0xffff  }
0x33a: {  	v40 =	vor.u32 s5, v13  }
0x33b: {  	(v2sf) =	vpush v34, $0x7;
	_ =	sdelay $0x2  }
0x33c: {  	s6 =	spop (v2sf);
	[tilespmem:v42+s28+$0x0] =	vst.idx.msk $0xffff, v35  }
0x33d: {  	s5 =	sand.u32 $0x7F, s6;
	v35 =	vld.idx.msk [tilespmem:v40+s11+$0x0], $0xffff  }
0x33e: {  	v40 =	vor.u32 s5, v14;
	_ =	sdelay $0x3  }
0x33f: {  	[tilespmem:v43+s28+$0x0] =	vst.idx.msk $0xffff, v35  }
0x340: {  	v35 =	vld.idx.msk [tilespmem:v40+s11+$0x0], $0xffff  }
0x341: {  	v40 =	vor.u32 s5, v15;
	_ =	sdelay $0x3  }
0x342: {  	s29 =	spop (v2sf);
	[tilespmem:v44+s28+$0x0] =	vst.idx.msk $0xffff, v35  }
0x343: {  	s5 =	sand.u32 $0x7F, s29;
	v35 =	vld.idx.msk [tilespmem:v40+s11+$0x0], $0xffff  }
0x344: {  	v40 =	vor.u32 s5, v16;
	_ =	sdelay $0x3  }
0x345: {  	[tilespmem:v45+s28+$0x0] =	vst.idx.msk $0xffff, v35  }
0x346: {  	v35 =	vld.idx.msk [tilespmem:v40+s11+$0x0], $0xffff  }
0x347: {  	v40 =	vor.u32 s5, v17;
	_ =	sdelay $0x3  }
0x348: {  	[tilespmem:v46+s28+$0x0] =	vst.idx.msk $0xffff, v35  }
0x349: {  	v35 =	vld.idx.msk [tilespmem:v40+s11+$0x0], $0xffff;
	_ =	sdelay $0x4  }
0x34a: {  	[tilespmem:v47+s28+$0x0] =	vst.idx.msk $0xffff, v35  }
0x34b: {  	_ =	swait.ge [sflag:s8], $0x1000  }
0x34c: {  	[sflag:s8] =	ssyncset.done $0x0  }
0x34d: {  	[sflag:s8] =	ssyncadd.s32 $0xFFFFF000  }
0x34e: {  	_ =	swait.ge [sflag:s8], $0x1000  }
0x34f: {  	[sflag:s8] =	ssyncset.done $0x0  }
0x350: {  	[sflag:s8] =	ssyncadd.s32 $0xFFFFF000  }
0x351: {  	_ =	swait.ge [sflag:s8], $0x1000  }
0x352: {  	[sflag:s8] =	ssyncset.done $0x0  }
0x353: {  	[sflag:s8] =	ssyncadd.s32 $0xFFFFF000  }
0x354: {  	_ =	swait.ge [sflag:s8], $0x1000  }
0x355: {  	(v2sf) =	vpush v34, $0x8;
	_ =	sdelay $0xb  }
0x356: {  	(v2sf) =	vpush v34, $0x9;
	_ =	sdelay $0x2  }
0x357: {  	s30 =	spop (v2sf)  }
0x358: {  	s5 =	sand.u32 $0x7F, s30  }
0x359: {  	v39 =	vor.u32 s5, v18;
	_ =	sdelay $0x2  }
0x35a: {  	[sflag:s8] =	ssyncset.done $0x0  }
0x35b: {  	[sflag:s8] =	ssyncadd.s32 $0xFFFFF000  }
0x35c: {  	v35 =	vld.idx.msk [tilespmem:v39+s11+$0x0], $0xffff  }
0x35d: {  	v40 =	vor.u32 s5, v19  }
0x35e: {  	(v2sf) =	vpush v34, $0xA;
	_ =	sdelay $0x2  }
0x35f: {  	s6 =	spop (v2sf);
	[tilespmem:v48+s28+$0x0] =	vst.idx.msk $0xffff, v35  }
0x360: {  	s5 =	sand.u32 $0x7F, s6;
	v35 =	vld.idx.msk [tilespmem:v40+s11+$0x0], $0xffff  }
0x361: {  	v40 =	vor.u32 s5, v20;
	_ =	sdelay $0x3  }
0x362: {  	[tilespmem:v49+s28+$0x0] =	vst.idx.msk $0xffff, v35  }
0x363: {  	v35 =	vld.idx.msk [tilespmem:v40+s11+$0x0], $0xffff  }
0x364: {  	v40 =	vor.u32 s5, v21  }
0x365: {  	(v2sf) =	vpush v34, $0xB;
	_ =	sdelay $0x2  }
0x366: {  	s29 =	spop (v2sf);
	[tilespmem:v50+s28+$0x0] =	vst.idx.msk $0xffff, v35  }
0x367: {  	s5 =	sand.u32 $0x7F, s29;
	v38 =	vld.idx.msk [tilespmem:v40+s11+$0x0], $0xffff  }
0x368: {  	v39 =	vor.u32 s5, v22;
	_ =	sdelay $0x3  }
0x369: {  	[tilespmem:v51+s28+$0x0] =	vst.idx.msk $0xffff, v38  }
0x36a: {  	v34 =	vld.idx.msk [tilespmem:v39+s11+$0x0], $0xffff  }
0x36b: {  	v40 =	vor.u32 s5, v23;
	_ =	sdelay $0x3  }
0x36c: {  	s30 =	spop (v2sf);
	[tilespmem:v52+s28+$0x0] =	vst.idx.msk $0xffff, v34  }
0x36d: {  	s5 =	sand.u32 $0x7F, s30;
	v34 =	vld.idx.msk [tilespmem:v40+s11+$0x0], $0xffff  }
0x36e: {  	v36 =	vor.u32 s5, v24;
	_ =	sdelay $0x3  }
0x36f: {  	[tilespmem:v53+s28+$0x0] =	vst.idx.msk $0xffff, v34  }
0x370: {  	v34 =	vld.idx.msk [tilespmem:v36+s11+$0x0], $0xffff  }
0x371: {  	v37 =	vor.u32 s5, v25;
	_ =	sdelay $0x3  }
0x372: {  	[tilespmem:v54+s28+$0x0] =	vst.idx.msk $0xffff, v34  }
0x373: {  	v34 =	vld.idx.msk [tilespmem:v37+s11+$0x0], $0xffff;
	_ =	sdelay $0x4  }
0x374: {  	[tilespmem:v55+s28+$0x0] =	vst.idx.msk $0xffff, v34  }
0x375: {  	_ =	swait.ge [sflag:s8], $0x1000  }
0x376: {  	[sflag:s8] =	ssyncset.done $0x0  }
0x377: {  	[sflag:s8] =	ssyncadd.s32 $0xFFFFF000  }
0x378: {  	_ =	swait.ge [sflag:s8], $0x1000  }
0x379: {  	[sflag:s8] =	ssyncset.done $0x0  }
0x37a: {  	[sflag:s8] =	ssyncadd.s32 $0xFFFFF000  }
0x37b: {  	s1 =	sand.u32 $0x7F, s1;
	_ =	swait.ge [sflag:s8], $0x1000  }
0x37c: {  	v38 =	vor.u32 s1, v26;
	[sflag:s8] =	ssyncset.done $0x0  }
0x37d: {  	[sflag:s8] =	ssyncadd.s32 $0xFFFFF000  }
0x37e: {  	_ =	swait.ge [sflag:s8], $0x1000  }
0x37f: {  	[sflag:s8] =	ssyncset.done $0x0  }
0x380: {  	[sflag:s8] =	ssyncadd.s32 $0xFFFFF000  }
0x381: {  	v34 =	vld.idx.msk [tilespmem:v38+s11+$0x0], $0xffff  }
0x382: {  	v39 =	vor.u32 s1, v27;
	_ =	sdelay $0x3  }
0x383: {  	[tilespmem:v56+s28+$0x0] =	vst.idx.msk $0xffff, v34  }
0x384: {  	s2 =	sand.u32 $0x7F, s2;
	v34 =	vld.idx.msk [tilespmem:v39+s11+$0x0], $0xffff  }
0x385: {  	v40 =	vor.u32 s2, v28;
	_ =	sdelay $0x3  }
0x386: {  	[tilespmem:v57+s28+$0x0] =	vst.idx.msk $0xffff, v34  }
0x387: {  	v34 =	vld.idx.msk [tilespmem:v40+s11+$0x0], $0xffff  }
0x388: {  	v36 =	vor.u32 s2, v29;
	_ =	sdelay $0x3  }
0x389: {  	[tilespmem:v58+s28+$0x0] =	vst.idx.msk $0xffff, v34  }
0x38a: {  	s3 =	sand.u32 $0x7F, s3;
	v34 =	vld.idx.msk [tilespmem:v36+s11+$0x0], $0xffff  }
0x38b: {  	v37 =	vor.u32 s3, v30;
	_ =	sdelay $0x3  }
0x38c: {  	[tilespmem:v59+s28+$0x0] =	vst.idx.msk $0xffff, v34  }
0x38d: {  	v34 =	vld.idx.msk [tilespmem:v37+s11+$0x0], $0xffff  }
0x38e: {  	v38 =	vor.u32 s3, v31;
	_ =	sdelay $0x3  }
0x38f: {  	[tilespmem:v60+s28+$0x0] =	vst.idx.msk $0xffff, v34  }
0x390: {  	s4 =	sand.u32 $0x7F, s4;
	v34 =	vld.idx.msk [tilespmem:v38+s11+$0x0], $0xffff  }
0x391: {  	v39 =	vor.u32 s4, v32;
	_ =	sdelay $0x3  }
0x392: {  	[tilespmem:v61+s28+$0x0] =	vst.idx.msk $0xffff, v34  }
0x393: {  	v34 =	vld.idx.msk [tilespmem:v39+s11+$0x0], $0xffff  }
0x394: {  	v40 =	vor.u32 s4, v33;
	_ =	sdelay $0x3  }
0x395: {  	[tilespmem:v62+s28+$0x0] =	vst.idx.msk $0xffff, v34  }
0x396: {  	v34 =	vld.idx.msk [tilespmem:v40+s11+$0x0], $0xffff;
	_ =	sdelay $0x4  }
0x397: {  	s6 =	simm.s32 $0x1000;
	s29 =	simm.s32 $0x20000;
	s5 =	rddreg [dreg:$0x5];
	[tilespmem:v63+s28+$0x0] =	vst.idx.msk $0xffff, v34  }
0x398: {  	[hbm4b:s5+s6] =	stream.strided.scatter [tilespmem:s28], [sflag:$0x2], $0x4000, s29, s6, $0x38;
	[tilespmem:$0x14200] =	vst v63  }
0x399: {  	_ =	swait.ge [sflag:s7], $0x4000  }
0x39a: {  	s31 =	sadd.s32 $0x1, s31;
	s30 =	rddreg [dreg:$0x6]  }
0x39b: {  	p0 =	sne.s32 s31, s30  }
.Ltmp1:
0x39c: {  	_ = 	snop;
	(pc) =	sbr.rel @p0 .LBB2_1-.Ltmp1, $3  }
0x39d: {  	_ =	sdelay $0x1  }
0x39e: {  	[sflag:s7] =	ssyncset.done $0x0  }
0x39f: {  	[sflag:s7] =	ssyncadd.s32 $0xFFFFC000  }
0x3a0: {  	_ =	sfence.sel $0x180000  }
0x3a1: {  	[bflag:$0x0] =	sbarrier.arrive $0xFFFF  }
0x3a2: {  	_ =	strace $0x90000047  }
0x3a3: {  	s0 =	stileid.u32;
	[bflag:$0x2] =	sbarrier.arrive $0xFFFF  }
0x3a4: {  	p0 =	sne.s32 s0, $0x0;
	s0 =	rddreg [dreg:$0x3]  }
0x3a5: {  	s0 =	sadd.s32 @!p0 $0x100000, s0  }
0x3a6: {  	[sflag:s0] =	ssyncadd.tile.s32 @!p0 $0x1;
	_ =	shalt  }
.Lfunc_end2:
_tile_overlayer_lowered:
.L_overlay_start_2:
0x3a7: {  	(tag) =	ssettag $0x2  }
0x3a8: {  	s0 =	rddreg [dreg:$0x0];
	s2 =	stileid.u32  }
0x3a9: {  	s1 =	rddreg [dreg:$0x1];
	p0 =	sne.s32 s2, $0x0  }
0x3aa: {  	s3 =	rddreg [dreg:$0x2];
	[bflag:$0x3] =	sbarrier.arrive $0xFFFF;
	s2 =	simm.s32 @!p0 $0x1C02  }
0x3ab: {  	[timem:s3], [sflag:s2] =	dma.local @!p0 [hbm:s0], s1  }
0x3ac: {  	s0 =	simm.s32 @!p0 $0x2  }
0x3ad: {  	_ =	swait.ge @!p0 [sflag:s0], s1  }
0x3ae: {  	s1 =	ssub.s32 @!p0 $0x0, s1;
	[sflag:s0] =	ssyncset.done @!p0 $0x0  }
0x3af: {  	[sflag:s0] =	ssyncadd.s32 @!p0 s1  }
0x3b0: {  	[bflag:$0x3] =	sbarrier.arrive $0xFFFF  }
0x3b1: {  	_ =	shalt  }

</sc_bundles>
